<compile_context>
chip_gen: v7x
topology: tpu7x:2x2x1
jax: 0.10.2.dev20260603
libtpu: 0.0.44.dev20260713+nightly
codegen_flags: <defaults>
</compile_context>

<pallas_src>
import functools

import jax
import jax.numpy as jnp
from jax import lax
from jax.experimental import pallas as pl
from jax.experimental.pallas import tpu as pltpu
from jax.experimental.pallas import tpu_sc as plsc

N = 10000
E = 320000
D = 128
EA = 16
R = 4
H = 4
C = 128
REL = 8
ED = EA + REL
HC = H * C
FFN = 256

TE, ET = 160, 2000
TN, NT = 10, 1000
NC, NS = 2, 16
NW = NC * NS
CH = 40
HALVES = ((0, 192000, 96), (192000, 128000, 64))


def _chs(ne):
    return 120 if ne == 192000 else 80
NP = 10240
NPS = NP // NS

f32 = jnp.float32
bf16 = jnp.bfloat16
i32 = jnp.int32

_mesh = plsc.VectorSubcoreMesh(core_axis_name="c", subcore_axis_name="s")



def _tables_body(h_ref, wl_ref, bl_ref, wr_ref, br_ref, we_ref, re_ref,
                 xl_ref, xr_ref):
    h = h_ref[...]
    xl_ref[0] = h @ wl_ref[0] + bl_ref[0]
    crel = re_ref[0] @ we_ref[0, EA:, :]
    xr_ref[0] = h @ wr_ref[0] + br_ref[0] + crel


def _make_tables(h, W_l, b_l, W_r, b_r, W_e, rel_emb):
    return pl.pallas_call(
        _tables_body,
        grid=(R, TN),
        in_specs=[
            pl.BlockSpec((NT, D), lambda r, t: (t, 0)),
            pl.BlockSpec((1, D, HC), lambda r, t: (r, 0, 0)),
            pl.BlockSpec((1, 1, HC), lambda r, t: (r, 0, 0)),
            pl.BlockSpec((1, D, HC), lambda r, t: (r, 0, 0)),
            pl.BlockSpec((1, 1, HC), lambda r, t: (r, 0, 0)),
            pl.BlockSpec((1, ED, HC), lambda r, t: (r, 0, 0)),
            pl.BlockSpec((1, 1, REL), lambda r, t: (r, 0, 0)),
        ],
        out_specs=[
            pl.BlockSpec((1, NT, HC), lambda r, t: (r, t, 0)),
            pl.BlockSpec((1, NT, HC), lambda r, t: (r, t, 0)),
        ],
        out_shape=[jax.ShapeDtypeStruct((R, N, HC), f32),
                   jax.ShapeDtypeStruct((R, N, HC), f32)],
    )(h, W_l, b_l.reshape(R, 1, HC), W_r, b_r.reshape(R, 1, HC), W_e,
      rel_emb.reshape(R, 1, REL))



def _onehot(et_ref):
    etrow = et_ref[0]
    ohT = (jnp.broadcast_to(etrow, (R, ET))
           == lax.broadcasted_iota(i32, (R, ET), 0))
    return jnp.transpose(ohT).astype(f32)


def _ee_body(ea_ref, et_ref, we_ref, ee_ref):
    ea = ea_ref[0]
    oh = _onehot(et_ref)
    blk = jnp.concatenate([ea * oh[:, r:r + 1] for r in range(R)], axis=1)
    wcat = jnp.concatenate([we_ref[r, :EA, :] for r in range(R)], axis=0)
    ee_ref[0] = (blk @ wcat).astype(bf16)


def _make_ee(ea3, et3, W_e, te):
    return pl.pallas_call(
        _ee_body,
        grid=(te,),
        in_specs=[
            pl.BlockSpec((1, ET, EA), lambda i: (i, 0, 0)),
            pl.BlockSpec((1, 1, ET), lambda i: (i, 0, 0)),
            pl.BlockSpec((R, ED, HC), lambda i: (0, 0, 0)),
        ],
        out_specs=pl.BlockSpec((1, ET, HC), lambda i: (i, 0, 0)),
        out_shape=jax.ShapeDtypeStruct((te, ET, HC), bf16),
    )(ea3, et3, W_e)



def _idx_body(src_ref, dst_ref, et_ref, il_ref, ir_ref):
    base = et_ref[0] * N
    il_ref[0] = base + src_ref[0]
    ir_ref[0] = base + dst_ref[0]


def _make_idx(src3, dst3, et3, te):
    return pl.pallas_call(
        _idx_body,
        grid=(te,),
        in_specs=[pl.BlockSpec((1, 1, ET), lambda i: (i, 0, 0))] * 3,
        out_specs=[pl.BlockSpec((1, 1, ET), lambda i: (i, 0, 0))] * 2,
        out_shape=[jax.ShapeDtypeStruct((te, 1, ET), i32)] * 2,
    )(src3, dst3, et3)



def _sc_gather2(xlf, xrf, idxl, idxr, ne, ew, nit):
    @functools.partial(
        pl.kernel,
        out_type=[jax.ShapeDtypeStruct((ne, HC), f32),
                  jax.ShapeDtypeStruct((ne, HC), f32)],
        mesh=_mesh,
        scratch_types=(
            [pltpu.VMEM((CH,), i32)] * 4 + [pltpu.VMEM((CH, HC), f32)] * 4
            + [pltpu.SemaphoreType.DMA] * 8
        ),
    )
    def k(xlf_h, xrf_h, il_h, ir_h, xj_h, xi_h,
          ia0, ia1, ib0, ib1, ra0, ra1, rb0, rb1,
          sa0, sa1, sb0, sb1, wa0, wa1, wb0, wb1):
        ias, ibs = [ia0, ia1], [ib0, ib1]
        ras, rbs = [ra0, ra1], [rb0, rb1]
        sas, sbs = [sa0, sa1], [sb0, sb1]
        was, wbs = [wa0, wa1], [wb0, wb1]
        wid = lax.axis_index("s") * NC + lax.axis_index("c")
        base = wid * ew
        pltpu.sync_copy(il_h.at[pl.ds(base, CH)], ia0)
        pltpu.sync_copy(ir_h.at[pl.ds(base, CH)], ib0)
        pltpu.sync_copy(il_h.at[pl.ds(base + CH, CH)], ia1)
        pltpu.sync_copy(ir_h.at[pl.ds(base + CH, CH)], ib1)
        pltpu.async_copy(xlf_h.at[ia0], ra0, sa0)
        pltpu.async_copy(xrf_h.at[ib0], rb0, sb0)

        def outer(i0, carry):
            for b in range(2):
                i = i0 * 2 + b
                off = base + i * CH
                pltpu.make_async_copy(xlf_h.at[ias[b]], ras[b], sas[b]).wait()
                pltpu.make_async_copy(xrf_h.at[ibs[b]], rbs[b], sbs[b]).wait()
                pltpu.async_copy(ras[b], xj_h.at[pl.ds(off, CH)], was[b])
                pltpu.async_copy(rbs[b], xi_h.at[pl.ds(off, CH)], wbs[b])

                @pl.when(i < nit - 1)
                def _():
                    @pl.when(i >= 1)
                    def _():
                        pltpu.make_async_copy(
                            ras[1 - b], xj_h.at[pl.ds(off, CH)], was[1 - b]).wait()
                        pltpu.make_async_copy(
                            rbs[1 - b], xi_h.at[pl.ds(off, CH)], wbs[1 - b]).wait()
                    pltpu.async_copy(xlf_h.at[ias[1 - b]], ras[1 - b], sas[1 - b])
                    pltpu.async_copy(xrf_h.at[ibs[1 - b]], rbs[1 - b], sbs[1 - b])

                @pl.when(i < nit - 2)
                def _():
                    pltpu.sync_copy(il_h.at[pl.ds(off + 2 * CH, CH)], ias[b])
                    pltpu.sync_copy(ir_h.at[pl.ds(off + 2 * CH, CH)], ibs[b])
            return carry

        lax.fori_loop(0, nit // 2, outer, 0)
        for b in range(2):
            pltpu.make_async_copy(ras[b], xj_h.at[pl.ds(base, CH)], was[b]).wait()
            pltpu.make_async_copy(rbs[b], xi_h.at[pl.ds(base, CH)], wbs[b]).wait()

    return k(xlf, xrf, idxl, idxr)



def _sc_gather1(table, idx, width, ne, ew, nit, ch):
    @functools.partial(
        pl.kernel,
        out_type=jax.ShapeDtypeStruct((ne, width), f32),
        mesh=_mesh,
        scratch_types=(
            [pltpu.VMEM((ch,), i32)] * 2 + [pltpu.VMEM((ch, width), f32)] * 2
            + [pltpu.SemaphoreType.DMA] * 4
        ),
    )
    def k(t_h, i_h, o_h, ix0, ix1, r0, r1, sg0, sg1, sw0, sw1):
        ixs, rs = [ix0, ix1], [r0, r1]
        sgs, sws = [sg0, sg1], [sw0, sw1]
        wid = lax.axis_index("s") * NC + lax.axis_index("c")
        base = wid * ew
        pltpu.sync_copy(i_h.at[pl.ds(base, ch)], ix0)
        pltpu.sync_copy(i_h.at[pl.ds(base + ch, ch)], ix1)
        pltpu.async_copy(t_h.at[ix0], r0, sg0)

        def outer(i0, carry):
            for b in range(2):
                i = i0 * 2 + b
                off = base + i * ch
                pltpu.make_async_copy(t_h.at[ixs[b]], rs[b], sgs[b]).wait()
                pltpu.async_copy(rs[b], o_h.at[pl.ds(off, ch)], sws[b])

                @pl.when(i < nit - 1)
                def _():
                    @pl.when(i >= 1)
                    def _():
                        pltpu.make_async_copy(
                            rs[1 - b], o_h.at[pl.ds(off, ch)], sws[1 - b]).wait()
                    pltpu.async_copy(t_h.at[ixs[1 - b]], rs[1 - b], sgs[1 - b])

                @pl.when(i < nit - 2)
                def _():
                    pltpu.sync_copy(i_h.at[pl.ds(off + 2 * ch, ch)], ixs[b])
            return carry

        lax.fori_loop(0, nit // 2, outer, 0)
        for b in range(2):
            pltpu.make_async_copy(rs[b], o_h.at[pl.ds(base, ch)], sws[b]).wait()

    return k(table, idx)



def _sc_scatter_add(vals, dst, zeros, width, ne, ew, nit, ch):
    @functools.partial(
        pl.kernel,
        out_type=jax.ShapeDtypeStruct((NC, NP, width), f32),
        mesh=_mesh,
        scratch_types=(
            [pltpu.VMEM((ch,), i32)] * 2 + [pltpu.VMEM((ch, width), f32)] * 2
            + [pltpu.SemaphoreType.DMA] * 4
            + [pltpu.VMEM_SHARED((NP, width), f32)]
        ),
    )
    def k(vals_h, dst_h, z_h, out_h, ix0, ix1, v0, v1,
          sl0, sl1, sc0, sc1, acc_sh):
        ixs, vs = [ix0, ix1], [v0, v1]
        sls, scs = [sl0, sl1], [sc0, sc1]
        cid = lax.axis_index("c")
        sid = lax.axis_index("s")
        wid = sid * NC + cid
        base = wid * ew
        pltpu.sync_copy(z_h.at[pl.ds(sid * NPS, NPS)],
                        acc_sh.at[pl.ds(sid * NPS, NPS)])
        plsc.subcore_barrier()
        pltpu.sync_copy(dst_h.at[pl.ds(base, ch)], ix0)
        pltpu.async_copy(vals_h.at[pl.ds(base, ch)], v0, sl0)

        def outer(i0, carry):
            for b in range(2):
                i = i0 * 2 + b
                off = base + i * ch
                pltpu.make_async_copy(
                    vals_h.at[pl.ds(off, ch)], vs[b], sls[b]).wait()

                @pl.when(i >= 1)
                def _():
                    pltpu.make_async_copy(
                        vs[1 - b], acc_sh.at[ixs[1 - b]], scs[1 - b]).wait()

                pltpu.async_copy(vs[b], acc_sh.at[ixs[b]], scs[b], add=True)

                @pl.when(i < nit - 1)
                def _():
                    pltpu.sync_copy(dst_h.at[pl.ds(off + ch, ch)], ixs[1 - b])
                    pltpu.async_copy(
                        vals_h.at[pl.ds(off + ch, ch)], vs[1 - b], sls[1 - b])
            return carry

        lax.fori_loop(0, nit // 2, outer, 0)
        pltpu.make_async_copy(vs[1], acc_sh.at[ixs[1]], scs[1]).wait()
        plsc.subcore_barrier()
        pltpu.sync_copy(acc_sh.at[pl.ds(sid * NPS, NPS)],
                        out_h.at[cid, pl.ds(sid * NPS, NPS)])

    return k(vals, dst, zeros)



def _logits_body(xj_ref, xi_ref, ee_ref, et_ref, att_ref, p_ref):
    s = xj_ref[0] + xi_ref[0] + ee_ref[0].astype(f32)
    s = jnp.maximum(s, 0.2 * s)
    onehot = _onehot(et_ref)
    l16 = s @ att_ref[...]
    p16 = jnp.repeat(onehot, H, axis=1) * jnp.exp(l16)
    p_ref[0] = jnp.concatenate([p16, jnp.zeros((ET, C - R * H), f32)], axis=1)


def _make_logits(xj3, xi3, ee3, etc3, attm, te):
    return pl.pallas_call(
        _logits_body,
        grid=(te,),
        in_specs=[
            pl.BlockSpec((1, ET, HC), lambda i: (i, 0, 0)),
            pl.BlockSpec((1, ET, HC), lambda i: (i, 0, 0)),
            pl.BlockSpec((1, ET, HC), lambda i: (i, 0, 0)),
            pl.BlockSpec((1, 1, ET), lambda i: (i, 0, 0)),
            pl.BlockSpec((HC, R * H), lambda i: (0, 0)),
        ],
        out_specs=pl.BlockSpec((1, ET, C), lambda i: (i, 0, 0)),
        out_shape=jax.ShapeDtypeStruct((te, ET, C), f32),
    )(xj3, xi3, ee3, etc3, attm)



def _deninv_body(denp_ref, denq_ref, gate_ref, di_ref):
    den = (denp_ref[0] + denp_ref[1]
           + denq_ref[0] + denq_ref[1])[:, :R * H]
    g = jax.nn.softmax(gate_ref[...], axis=-1)
    gf = jnp.repeat(g, H, axis=1) / H
    di = gf / (den + 1e-16)
    di_ref[...] = jnp.concatenate([di, jnp.zeros((NPS, C - R * H), f32)], axis=1)


def _make_deninv(denp, denq, gate2):
    return pl.pallas_call(
        _deninv_body,
        grid=(NS,),
        in_specs=[
            pl.BlockSpec((NC, NPS, C), lambda t: (0, t, 0)),
            pl.BlockSpec((NC, NPS, C), lambda t: (0, t, 0)),
            pl.BlockSpec((1, R), lambda t: (0, 0)),
        ],
        out_specs=pl.BlockSpec((NPS, C), lambda t: (t, 0)),
        out_shape=jax.ShapeDtypeStruct((NP, C), f32),
    )(denp, denq, gate2)



def _msg_body(p_ref, di_ref, xj_ref, v_ref):
    w16 = p_ref[0][:, :R * H] * di_ref[0][:, :R * H]
    ii = lax.broadcasted_iota(i32, (R * H, H), 0)
    jj = lax.broadcasted_iota(i32, (R * H, H), 1)
    sel = (ii % H == jj).astype(f32)
    w4 = w16 @ sel
    xj = xj_ref[0]
    acc = w4[:, 0:1] * xj[:, 0:C]
    for hh in range(1, H):
        acc = acc + w4[:, hh:hh + 1] * xj[:, hh * C:(hh + 1) * C]
    v_ref[0] = acc


def _make_msgs(p3, di3, xj3, te):
    return pl.pallas_call(
        _msg_body,
        grid=(te,),
        in_specs=[
            pl.BlockSpec((1, ET, C), lambda i: (i, 0, 0)),
            pl.BlockSpec((1, ET, C), lambda i: (i, 0, 0)),
            pl.BlockSpec((1, ET, HC), lambda i: (i, 0, 0)),
        ],
        out_specs=pl.BlockSpec((1, ET, C), lambda i: (i, 0, 0)),
        out_shape=jax.ShapeDtypeStruct((te, ET, C), f32),
    )(p3, di3, xj3)



def _final_body(h_ref, op_ref, oq_ref, gate_ref, cb_ref, l1w_ref, l1b_ref,
                l2w_ref, l2b_ref, w1_ref, b1_ref, w2_ref, b2_ref, o_ref):
    g = jax.nn.softmax(gate_ref[...], axis=-1)
    const = g @ cb_ref[...]
    x = (h_ref[...] + op_ref[0] + op_ref[1]
         + oq_ref[0] + oq_ref[1] + const)
    mu = jnp.mean(x, axis=-1, keepdims=True)
    var = jnp.mean((x - mu) ** 2, axis=-1, keepdims=True)
    h1 = (x - mu) / jnp.sqrt(var + 1e-5) * l1w_ref[...] + l1b_ref[...]
    t = h1 @ w1_ref[...] + b1_ref[...]
    t = t * jax.nn.sigmoid(t)
    y = t @ w2_ref[...] + b2_ref[...]
    x2 = h1 + y
    mu2 = jnp.mean(x2, axis=-1, keepdims=True)
    var2 = jnp.mean((x2 - mu2) ** 2, axis=-1, keepdims=True)
    o_ref[...] = (x2 - mu2) / jnp.sqrt(var2 + 1e-5) * l2w_ref[...] + l2b_ref[...]


def _make_final(h, outp, outq, gate2, conv_bias, ln1w2, ln1b2, ln2w2, ln2b2,
                ffn_w1, ffn_b12, ffn_w2, ffn_b22):
    return pl.pallas_call(
        _final_body,
        grid=(TN,),
        in_specs=[
            pl.BlockSpec((NT, D), lambda t: (t, 0)),
            pl.BlockSpec((NC, NT, C), lambda t: (0, t, 0)),
            pl.BlockSpec((NC, NT, C), lambda t: (0, t, 0)),
            pl.BlockSpec((1, R), lambda t: (0, 0)),
            pl.BlockSpec((R, C), lambda t: (0, 0)),
            pl.BlockSpec((1, D), lambda t: (0, 0)),
            pl.BlockSpec((1, D), lambda t: (0, 0)),
            pl.BlockSpec((1, D), lambda t: (0, 0)),
            pl.BlockSpec((1, D), lambda t: (0, 0)),
            pl.BlockSpec((D, FFN), lambda t: (0, 0)),
            pl.BlockSpec((1, FFN), lambda t: (0, 0)),
            pl.BlockSpec((FFN, D), lambda t: (0, 0)),
            pl.BlockSpec((1, D), lambda t: (0, 0)),
        ],
        out_specs=pl.BlockSpec((NT, D), lambda t: (t, 0)),
        out_shape=jax.ShapeDtypeStruct((N, D), f32),
    )(h, outp, outq, gate2, conv_bias, ln1w2, ln1b2, ln2w2, ln2b2,
      ffn_w1, ffn_b12, ffn_w2, ffn_b22)



def kernel(h, edge_index, edge_attr, edge_type, rel_emb, rel_gate, W_l, b_l,
           W_r, b_r, W_e, att, conv_bias, ln1_w, ln1_b, ln2_w, ln2_b,
           ffn_w1, ffn_b1, ffn_w2, ffn_b2):
    src = edge_index[0]
    dst = edge_index[1]
    gate2 = rel_gate.reshape(1, R)
    attm = jnp.einsum('rhc,hg->hcrg', att, jnp.eye(H, dtype=f32))
    attm = attm.reshape(HC, R * H)

    XL, XR = _make_tables(h, W_l, b_l, W_r, b_r, W_e, rel_emb)
    xlf = XL.reshape(R * N, HC)
    xrf = XR.reshape(R * N, HC)

    et3s, dsts, ee3s, xjs, p3s = [], [], [], [], []
    for (hb, ne, te) in HALVES:
        ew = ne // NW
        et3 = lax.dynamic_slice_in_dim(edge_type, hb, ne).reshape(te, 1, ET)
        src3 = lax.dynamic_slice_in_dim(src, hb, ne).reshape(te, 1, ET)
        dst3 = lax.dynamic_slice_in_dim(dst, hb, ne).reshape(te, 1, ET)
        dsth = lax.dynamic_slice_in_dim(dst, hb, ne)
        ea3 = lax.dynamic_slice_in_dim(edge_attr, hb, ne).reshape(te, ET, EA)
        idxl3, idxr3 = _make_idx(src3, dst3, et3, te)
        XJ, XI = _sc_gather2(xlf, xrf, idxl3.reshape(ne), idxr3.reshape(ne),
                             ne, ew, ew // CH)
        EE3 = _make_ee(ea3, et3, W_e, te)
        P3 = _make_logits(XJ.reshape(te, ET, HC), XI.reshape(te, ET, HC),
                          EE3, et3, attm, te)
        et3s.append(et3)
        dsts.append(dsth)
        xjs.append(XJ)
        p3s.append(P3)

    denps = [
        _sc_scatter_add(p3s[k].reshape(ne, C), dsts[k],
                        jnp.zeros((NP, C), f32), C, ne, ne // NW,
                        ne // NW // _chs(ne), _chs(ne))
        for k, (hb, ne, te) in enumerate(HALVES)
    ]
    DENINV = _make_deninv(denps[0], denps[1], gate2)

    outps = []
    for k, (hb, ne, te) in enumerate(HALVES):
        ew = ne // NW
        DI = _sc_gather1(DENINV, dsts[k], C, ne, ew, ew // _chs(ne), _chs(ne))
        V3 = _make_msgs(p3s[k], DI.reshape(te, ET, C),
                        xjs[k].reshape(te, ET, HC), te)
        outps.append(_sc_scatter_add(V3.reshape(ne, C), dsts[k],
                                     jnp.zeros((NP, C), f32), C,
                                     ne, ew, ew // _chs(ne), _chs(ne)))

    return _make_final(h, outps[0][:, :N, :], outps[1][:, :N, :], gate2,
                       conv_bias,
                       ln1_w.reshape(1, D), ln1_b.reshape(1, D),
                       ln2_w.reshape(1, D), ln2_b.reshape(1, D),
                       ffn_w1, ffn_b1.reshape(1, FFN),
                       ffn_w2, ffn_b2.reshape(1, D))

# --- scband reference (transcript-rebuilt; emitter-appended) ---
"""Pipeline reference for scband-multi-relation-gatblock-1211180778452 (READ-ONLY COPY).

The authoritative reference and input builder live on the scoring server;
editing this copy changes nothing except your own understanding.
"""

import jax, jax.numpy as jnp
import numpy as np

N = 10000
E = 320000
D = 128
EA = 16
R = 4
H = 4
C = 128
REL = 8
FFN = 256
ED = EA + REL
HC = H * C


def setup_inputs(seed: int = 0):
    key = jax.random.key(seed)
    ks = jax.random.split(key, 16)
    s = 0.05
    inp = {}
    inp["h"] = jax.random.normal(ks[0], (N, D), dtype=jnp.float32)
    inp["edge_index"] = jax.random.randint(ks[1], (2, E), 0, N, dtype=jnp.int32)
    inp["edge_attr"] = jax.random.normal(ks[2], (E, EA), dtype=jnp.float32)
    inp["edge_type"] = jax.random.randint(ks[3], (E,), 0, R, dtype=jnp.int32)
    inp["rel_emb"] = jax.random.normal(ks[4], (R, REL), dtype=jnp.float32) * s
    inp["rel_gate"] = jnp.zeros((R,), jnp.float32)
    inp["W_l"] = jax.random.normal(ks[5], (R, D, HC), dtype=jnp.float32) * s
    inp["b_l"] = jnp.zeros((R, HC), jnp.float32)
    inp["W_r"] = jax.random.normal(ks[6], (R, D, HC), dtype=jnp.float32) * s
    inp["b_r"] = jnp.zeros((R, HC), jnp.float32)
    inp["W_e"] = jax.random.normal(ks[7], (R, ED, HC), dtype=jnp.float32) * s
    inp["att"] = jax.random.normal(ks[8], (R, H, C), dtype=jnp.float32) * s
    inp["conv_bias"] = jnp.zeros((R, C), jnp.float32)
    inp["ln1_w"] = jnp.ones((D,), jnp.float32)
    inp["ln1_b"] = jnp.zeros((D,), jnp.float32)
    inp["ln2_w"] = jnp.ones((D,), jnp.float32)
    inp["ln2_b"] = jnp.zeros((D,), jnp.float32)
    inp["ffn_w1"] = jax.random.normal(ks[9], (D, FFN), dtype=jnp.float32) * s
    inp["ffn_b1"] = jnp.zeros((FFN,), jnp.float32)
    inp["ffn_w2"] = jax.random.normal(ks[10], (FFN, D), dtype=jnp.float32) * s
    inp["ffn_b2"] = jnp.zeros((D,), jnp.float32)
    return inp


def _ln(x, w, b):
    mu = jnp.mean(x, axis=-1, keepdims=True)
    var = jnp.mean((x - mu) ** 2, axis=-1, keepdims=True)
    return (x - mu) / jnp.sqrt(var + 1e-5) * w + b


def _gatv2(h, src, dst, ea, mask, Wl, bl, Wr, br, We, att, bias):
    # GATv2Conv: heads=H, out_channels=C, concat=False, add_self_loops=False, eval (no dropout)
    xl = h @ Wl + bl  # [N, H*C]
    xr = h @ Wr + br  # [N, H*C]
    xj = xl[src].reshape(-1, H, C)  # transformed source (messages)
    xi = xr[dst].reshape(-1, H, C)  # transformed target
    ee = (ea @ We).reshape(-1, H, C)  # lin_edge (bias=False in PyG)
    sfeat = xj + xi + ee
    sfeat = jnp.where(sfeat > 0, sfeat, 0.2 * sfeat)  # leaky_relu(0.2)
    alpha = jnp.sum(sfeat * att[None, :, :], axis=-1)  # [E, H]
    neg_inf = jnp.asarray(-jnp.inf, alpha.dtype)
    alpha_m = jnp.where(mask[:, None], alpha, neg_inf)
    amax = jax.lax.stop_gradient(jax.ops.segment_max(alpha_m, dst, num_segments=N))
    alpha = jnp.where(mask[:, None], jnp.exp(alpha - amax[dst]), 0.0)
    denom = jax.ops.segment_sum(alpha, dst, num_segments=N)
    alpha = alpha / (denom[dst] + 1e-16)
    msg = (xj * alpha[:, :, None]).reshape(-1, HC)
    out = jax.ops.segment_sum(msg, dst, num_segments=N).reshape(N, H, C)
    return jnp.mean(out, axis=1) + bias  # concat=False -> head mean, + bias


def reference(h, edge_index, edge_attr, edge_type, rel_emb, rel_gate, W_l, b_l, W_r, b_r,
              W_e, att, conv_bias, ln1_w, ln1_b, ln2_w, ln2_b, ffn_w1, ffn_b1, ffn_w2, ffn_b2):
    # with randint edge_type in [0,R) all relations are active -> softmax over all gates
    gate = jax.nn.softmax(rel_gate)
    h_msg = jnp.zeros_like(h)
    src = edge_index[0]
    dst = edge_index[1]
    for r in range(R):
        mask = edge_type == r
        rel_vec = jnp.broadcast_to(rel_emb[r][None, :], (E, REL))
        ea_full = jnp.concatenate([edge_attr, rel_vec], axis=-1)
        h_r = _gatv2(h, src, dst, ea_full, mask, W_l[r], b_l[r], W_r[r], b_r[r], W_e[r], att[r], conv_bias[r])
        h_msg = h_msg + gate[r] * h_r
    h1 = _ln(h + h_msg, ln1_w, ln1_b)
    ffn_out = jax.nn.silu(h1 @ ffn_w1 + ffn_b1) @ ffn_w2 + ffn_b2
    return _ln(h1 + ffn_out, ln2_w, ln2_b)

if __name__ == "__main__":
    import jax
    _d = setup_inputs()
    print(jax.jit(kernel)(*tuple(_d.values())))

</pallas_src>

<mosaic_0001>
#map = affine_map<(d0, d1) -> (0, 0)>
#map1 = affine_map<(d0, d1) -> (0)>
module attributes {stable_mosaic.version = 14 : i64} {
  func.func @k(%arg0: i32, %arg1: i32, %arg2: memref<40000x512xf32, #tpu.memory_space<hbm>>, %arg3: memref<40000x512xf32, #tpu.memory_space<hbm>>, %arg4: memref<128000xi32, #tpu.memory_space<hbm>>, %arg5: memref<128000xi32, #tpu.memory_space<hbm>>, %arg6: memref<128000x512xf32, #tpu.memory_space<hbm>>, %arg7: memref<128000x512xf32, #tpu.memory_space<hbm>>, %arg8: memref<40xi32, #tpu.memory_space<vmem>>, %arg9: memref<40xi32, #tpu.memory_space<vmem>>, %arg10: memref<40xi32, #tpu.memory_space<vmem>>, %arg11: memref<40xi32, #tpu.memory_space<vmem>>, %arg12: memref<40x512xf32, #tpu.memory_space<vmem>>, %arg13: memref<40x512xf32, #tpu.memory_space<vmem>>, %arg14: memref<40x512xf32, #tpu.memory_space<vmem>>, %arg15: memref<40x512xf32, #tpu.memory_space<vmem>>, %arg16: memref<!tpu.dma_semaphore, #tpu.memory_space<semaphore_mem>>, %arg17: memref<!tpu.dma_semaphore, #tpu.memory_space<semaphore_mem>>, %arg18: memref<!tpu.dma_semaphore, #tpu.memory_space<semaphore_mem>>, %arg19: memref<!tpu.dma_semaphore, #tpu.memory_space<semaphore_mem>>, %arg20: memref<!tpu.dma_semaphore, #tpu.memory_space<semaphore_mem>>, %arg21: memref<!tpu.dma_semaphore, #tpu.memory_space<semaphore_mem>>, %arg22: memref<!tpu.dma_semaphore, #tpu.memory_space<semaphore_mem>>, %arg23: memref<!tpu.dma_semaphore, #tpu.memory_space<semaphore_mem>>) attributes {dimension_semantics = [#tpu.dimension_semantics<core_parallel>, #tpu.dimension_semantics<subcore_parallel>], iteration_bounds = array<i64: 2, 16>, scalar_prefetch = 0 : i64, scratch_operands = 16 : i64, tpu.core_type = #tpu.core_type<sc_vector_subcore>, window_params = [{transform_indices = #map}, {transform_indices = #map}, {transform_indices = #map1}, {transform_indices = #map1}, {transform_indices = #map}, {transform_indices = #map}]} {
    %mul3A = arith.constant 2 : i32
    %mul3A_0 = arith.muli %arg1, %mul3A : i32
    %add3A = arith.addi %mul3A_0, %arg0 : i32
    %mul3A_1 = arith.constant 4000 : i32
    %mul3A_2 = arith.muli %add3A, %mul3A_1 : i32
    "tpu.region"() ({
      %run_scoped3A = tpu.sem_alloc : memref<!tpu.dma_semaphore, #tpu.memory_space<semaphore_mem>>
      %dma_start3A_32 = tpu.memref_slice %arg4[%mul3A_2] : memref<128000xi32, #tpu.memory_space<hbm>> -> memref<40xi32, #tpu.memory_space<hbm>>
      %dma_start3A_33 = tpu.memref_slice %arg4[%mul3A_2] : memref<128000xi32, #tpu.memory_space<hbm>> -> memref<40xi32, #tpu.memory_space<hbm>>
      tpu.enqueue_dma source(%dma_start3A_33 : memref<40xi32, #tpu.memory_space<hbm>>) target(%arg8 : memref<40xi32, #tpu.memory_space<vmem>>) target_semaphore(%run_scoped3A : memref<!tpu.dma_semaphore, #tpu.memory_space<semaphore_mem>>)
      %dma_wait3A_34 = tpu.memref_slice %arg4[%mul3A_2] : memref<128000xi32, #tpu.memory_space<hbm>> -> memref<40xi32, #tpu.memory_space<hbm>>
      %dma_wait3A_35 = tpu.memref_slice %arg4[%mul3A_2] : memref<128000xi32, #tpu.memory_space<hbm>> -> memref<40xi32, #tpu.memory_space<hbm>>
      tpu.wait_dma2 semaphore(%run_scoped3A : memref<!tpu.dma_semaphore, #tpu.memory_space<semaphore_mem>>) src(%dma_wait3A_35 : memref<40xi32, #tpu.memory_space<hbm>>) dst(%arg8 : memref<40xi32, #tpu.memory_space<vmem>>)
      tpu.yield
    }) : () -> ()
    "tpu.region"() ({
      %run_scoped3A = tpu.sem_alloc : memref<!tpu.dma_semaphore, #tpu.memory_space<semaphore_mem>>
      %dma_start3A_32 = tpu.memref_slice %arg5[%mul3A_2] : memref<128000xi32, #tpu.memory_space<hbm>> -> memref<40xi32, #tpu.memory_space<hbm>>
      %dma_start3A_33 = tpu.memref_slice %arg5[%mul3A_2] : memref<128000xi32, #tpu.memory_space<hbm>> -> memref<40xi32, #tpu.memory_space<hbm>>
      tpu.enqueue_dma source(%dma_start3A_33 : memref<40xi32, #tpu.memory_space<hbm>>) target(%arg10 : memref<40xi32, #tpu.memory_space<vmem>>) target_semaphore(%run_scoped3A : memref<!tpu.dma_semaphore, #tpu.memory_space<semaphore_mem>>)
      %dma_wait3A_34 = tpu.memref_slice %arg5[%mul3A_2] : memref<128000xi32, #tpu.memory_space<hbm>> -> memref<40xi32, #tpu.memory_space<hbm>>
      %dma_wait3A_35 = tpu.memref_slice %arg5[%mul3A_2] : memref<128000xi32, #tpu.memory_space<hbm>> -> memref<40xi32, #tpu.memory_space<hbm>>
      tpu.wait_dma2 semaphore(%run_scoped3A : memref<!tpu.dma_semaphore, #tpu.memory_space<semaphore_mem>>) src(%dma_wait3A_35 : memref<40xi32, #tpu.memory_space<hbm>>) dst(%arg10 : memref<40xi32, #tpu.memory_space<vmem>>)
      tpu.yield
    }) : () -> ()
    %add3A_3 = arith.constant 40 : i32
    %add3A_4 = arith.addi %mul3A_2, %add3A_3 : i32
    "tpu.region"() ({
      %run_scoped3A = tpu.sem_alloc : memref<!tpu.dma_semaphore, #tpu.memory_space<semaphore_mem>>
      %dma_start3A_32 = tpu.memref_slice %arg4[%add3A_4] : memref<128000xi32, #tpu.memory_space<hbm>> -> memref<40xi32, #tpu.memory_space<hbm>>
      %dma_start3A_33 = tpu.memref_slice %arg4[%add3A_4] : memref<128000xi32, #tpu.memory_space<hbm>> -> memref<40xi32, #tpu.memory_space<hbm>>
      tpu.enqueue_dma source(%dma_start3A_33 : memref<40xi32, #tpu.memory_space<hbm>>) target(%arg9 : memref<40xi32, #tpu.memory_space<vmem>>) target_semaphore(%run_scoped3A : memref<!tpu.dma_semaphore, #tpu.memory_space<semaphore_mem>>)
      %dma_wait3A_34 = tpu.memref_slice %arg4[%add3A_4] : memref<128000xi32, #tpu.memory_space<hbm>> -> memref<40xi32, #tpu.memory_space<hbm>>
      %dma_wait3A_35 = tpu.memref_slice %arg4[%add3A_4] : memref<128000xi32, #tpu.memory_space<hbm>> -> memref<40xi32, #tpu.memory_space<hbm>>
      tpu.wait_dma2 semaphore(%run_scoped3A : memref<!tpu.dma_semaphore, #tpu.memory_space<semaphore_mem>>) src(%dma_wait3A_35 : memref<40xi32, #tpu.memory_space<hbm>>) dst(%arg9 : memref<40xi32, #tpu.memory_space<vmem>>)
      tpu.yield
    }) : () -> ()
    %add3A_5 = arith.constant 40 : i32
    %add3A_6 = arith.addi %mul3A_2, %add3A_5 : i32
    "tpu.region"() ({
      %run_scoped3A = tpu.sem_alloc : memref<!tpu.dma_semaphore, #tpu.memory_space<semaphore_mem>>
      %dma_start3A_32 = tpu.memref_slice %arg5[%add3A_6] : memref<128000xi32, #tpu.memory_space<hbm>> -> memref<40xi32, #tpu.memory_space<hbm>>
      %dma_start3A_33 = tpu.memref_slice %arg5[%add3A_6] : memref<128000xi32, #tpu.memory_space<hbm>> -> memref<40xi32, #tpu.memory_space<hbm>>
      tpu.enqueue_dma source(%dma_start3A_33 : memref<40xi32, #tpu.memory_space<hbm>>) target(%arg11 : memref<40xi32, #tpu.memory_space<vmem>>) target_semaphore(%run_scoped3A : memref<!tpu.dma_semaphore, #tpu.memory_space<semaphore_mem>>)
      %dma_wait3A_34 = tpu.memref_slice %arg5[%add3A_6] : memref<128000xi32, #tpu.memory_space<hbm>> -> memref<40xi32, #tpu.memory_space<hbm>>
      %dma_wait3A_35 = tpu.memref_slice %arg5[%add3A_6] : memref<128000xi32, #tpu.memory_space<hbm>> -> memref<40xi32, #tpu.memory_space<hbm>>
      tpu.wait_dma2 semaphore(%run_scoped3A : memref<!tpu.dma_semaphore, #tpu.memory_space<semaphore_mem>>) src(%dma_wait3A_35 : memref<40xi32, #tpu.memory_space<hbm>>) dst(%arg11 : memref<40xi32, #tpu.memory_space<vmem>>)
      tpu.yield
    }) : () -> ()
    %dma_start3A = arith.constant 0 : i32
    %dma_start3A_7 = arith.constant 0 : i32
    %dma_start3A_8 = tpu.memref_slice %arg2[%dma_start3A, %dma_start3A_7] : memref<40000x512xf32, #tpu.memory_space<hbm>> -> memref<40000x512xf32, #tpu.memory_space<hbm>>
    tpu.enqueue_indirect_dma source(%dma_start3A_8 : memref<40000x512xf32, #tpu.memory_space<hbm>>) target(%arg12 : memref<40x512xf32, #tpu.memory_space<vmem>>) offsets(%arg8 : memref<40xi32, #tpu.memory_space<vmem>>) semaphore(%arg16 : memref<!tpu.dma_semaphore, #tpu.memory_space<semaphore_mem>>)
    %dma_start3A_9 = arith.constant 0 : i32
    %dma_start3A_10 = arith.constant 0 : i32
    %dma_start3A_11 = tpu.memref_slice %arg3[%dma_start3A_9, %dma_start3A_10] : memref<40000x512xf32, #tpu.memory_space<hbm>> -> memref<40000x512xf32, #tpu.memory_space<hbm>>
    tpu.enqueue_indirect_dma source(%dma_start3A_11 : memref<40000x512xf32, #tpu.memory_space<hbm>>) target(%arg14 : memref<40x512xf32, #tpu.memory_space<vmem>>) offsets(%arg10 : memref<40xi32, #tpu.memory_space<vmem>>) semaphore(%arg18 : memref<!tpu.dma_semaphore, #tpu.memory_space<semaphore_mem>>)
    %scan3A = arith.constant 0 : i32
    %scan3A_12 = arith.constant 0 : i32
    %scan3A_13 = arith.constant 50 : i32
    %scan3A_14 = arith.addi %scan3A_12, %scan3A_13 : i32
    %scan3A_15 = arith.constant 1 : i32
    scf.for %scan3A_32 = %scan3A_12 to %scan3A_14 step %scan3A_15  : i32 {
      %mul3A_33 = arith.constant 2 : i32
      %mul3A_34 = arith.muli %scan3A_32, %mul3A_33 : i32
      %add3A_35 = arith.constant 0 : i32
      %add3A_36 = arith.addi %mul3A_34, %add3A_35 : i32
      %mul3A_37 = arith.constant 40 : i32
      %mul3A_38 = arith.muli %add3A_36, %mul3A_37 : i32
      %add3A_39 = arith.addi %mul3A_2, %mul3A_38 : i32
      %dma_wait3A_40 = arith.constant 0 : i32
      %dma_wait3A_41 = arith.constant 0 : i32
      %dma_wait3A_42 = tpu.memref_slice %arg2[%dma_wait3A_40, %dma_wait3A_41] : memref<40000x512xf32, #tpu.memory_space<hbm>> -> memref<40000x512xf32, #tpu.memory_space<hbm>>
      tpu.wait_indirect_dma semaphore(%arg16 : memref<!tpu.dma_semaphore, #tpu.memory_space<semaphore_mem>>) src(%dma_wait3A_42 : memref<40000x512xf32, #tpu.memory_space<hbm>>) dst(%arg12 : memref<40x512xf32, #tpu.memory_space<vmem>>)
      %dma_wait3A_43 = arith.constant 0 : i32
      %dma_wait3A_44 = arith.constant 0 : i32
      %dma_wait3A_45 = tpu.memref_slice %arg3[%dma_wait3A_43, %dma_wait3A_44] : memref<40000x512xf32, #tpu.memory_space<hbm>> -> memref<40000x512xf32, #tpu.memory_space<hbm>>
      tpu.wait_indirect_dma semaphore(%arg18 : memref<!tpu.dma_semaphore, #tpu.memory_space<semaphore_mem>>) src(%dma_wait3A_45 : memref<40000x512xf32, #tpu.memory_space<hbm>>) dst(%arg14 : memref<40x512xf32, #tpu.memory_space<vmem>>)
      %dma_start3A_46 = arith.constant 0 : i32
      %dma_start3A_47 = tpu.memref_slice %arg6[%add3A_39, %dma_start3A_46] : memref<128000x512xf32, #tpu.memory_space<hbm>> -> memref<40x512xf32, #tpu.memory_space<hbm>>
      %dma_start3A_48 = arith.constant 0 : i32
      %dma_start3A_49 = tpu.memref_slice %arg6[%add3A_39, %dma_start3A_48] : memref<128000x512xf32, #tpu.memory_space<hbm>> -> memref<40x512xf32, #tpu.memory_space<hbm>>
      tpu.enqueue_dma source(%arg12 : memref<40x512xf32, #tpu.memory_space<vmem>>) target(%dma_start3A_49 : memref<40x512xf32, #tpu.memory_space<hbm>>) target_semaphore(%arg20 : memref<!tpu.dma_semaphore, #tpu.memory_space<semaphore_mem>>)
      %dma_start3A_50 = arith.constant 0 : i32
      %dma_start3A_51 = tpu.memref_slice %arg7[%add3A_39, %dma_start3A_50] : memref<128000x512xf32, #tpu.memory_space<hbm>> -> memref<40x512xf32, #tpu.memory_space<hbm>>
      %dma_start3A_52 = arith.constant 0 : i32
      %dma_start3A_53 = tpu.memref_slice %arg7[%add3A_39, %dma_start3A_52] : memref<128000x512xf32, #tpu.memory_space<hbm>> -> memref<40x512xf32, #tpu.memory_space<hbm>>
      tpu.enqueue_dma source(%arg14 : memref<40x512xf32, #tpu.memory_space<vmem>>) target(%dma_start3A_53 : memref<40x512xf32, #tpu.memory_space<hbm>>) target_semaphore(%arg22 : memref<!tpu.dma_semaphore, #tpu.memory_space<semaphore_mem>>)
      %lt3A = arith.constant 99 : i32
      %lt3A_54 = arith.cmpi slt, %add3A_36, %lt3A : i32
      %convert_element_type3A = arith.extui %lt3A_54 : i1 to i32
      %cond3A = arith.constant 0 : i32
      %cond3A_55 = arith.cmpi ne, %convert_element_type3A, %cond3A : i32
      scf.if %cond3A_55 {
        %ge3A = arith.constant 1 : i32
        %ge3A_92 = arith.cmpi sge, %add3A_36, %ge3A : i32
        %convert_element_type3A_93 = arith.extui %ge3A_92 : i1 to i32
        %cond3A_94 = arith.constant 0 : i32
        %cond3A_95 = arith.cmpi ne, %convert_element_type3A_93, %cond3A_94 : i32
        scf.if %cond3A_95 {
          %dma_wait3A_102 = arith.constant 0 : i32
          %dma_wait3A_103 = tpu.memref_slice %arg6[%add3A_39, %dma_wait3A_102] : memref<128000x512xf32, #tpu.memory_space<hbm>> -> memref<40x512xf32, #tpu.memory_space<hbm>>
          %dma_wait3A_104 = arith.constant 0 : i32
          %dma_wait3A_105 = tpu.memref_slice %arg6[%add3A_39, %dma_wait3A_104] : memref<128000x512xf32, #tpu.memory_space<hbm>> -> memref<40x512xf32, #tpu.memory_space<hbm>>
          tpu.wait_dma2 semaphore(%arg21 : memref<!tpu.dma_semaphore, #tpu.memory_space<semaphore_mem>>) src(%arg13 : memref<40x512xf32, #tpu.memory_space<vmem>>) dst(%dma_wait3A_105 : memref<40x512xf32, #tpu.memory_space<hbm>>)
          %dma_wait3A_106 = arith.constant 0 : i32
          %dma_wait3A_107 = tpu.memref_slice %arg7[%add3A_39, %dma_wait3A_106] : memref<128000x512xf32, #tpu.memory_space<hbm>> -> memref<40x512xf32, #tpu.memory_space<hbm>>
          %dma_wait3A_108 = arith.constant 0 : i32
          %dma_wait3A_109 = tpu.memref_slice %arg7[%add3A_39, %dma_wait3A_108] : memref<128000x512xf32, #tpu.memory_space<hbm>> -> memref<40x512xf32, #tpu.memory_space<hbm>>
          tpu.wait_dma2 semaphore(%arg23 : memref<!tpu.dma_semaphore, #tpu.memory_space<semaphore_mem>>) src(%arg15 : memref<40x512xf32, #tpu.memory_space<vmem>>) dst(%dma_wait3A_109 : memref<40x512xf32, #tpu.memory_space<hbm>>)
        } else {
        }
        %dma_start3A_96 = arith.constant 0 : i32
        %dma_start3A_97 = arith.constant 0 : i32
        %dma_start3A_98 = tpu.memref_slice %arg2[%dma_start3A_96, %dma_start3A_97] : memref<40000x512xf32, #tpu.memory_space<hbm>> -> memref<40000x512xf32, #tpu.memory_space<hbm>>
        tpu.enqueue_indirect_dma source(%dma_start3A_98 : memref<40000x512xf32, #tpu.memory_space<hbm>>) target(%arg13 : memref<40x512xf32, #tpu.memory_space<vmem>>) offsets(%arg9 : memref<40xi32, #tpu.memory_space<vmem>>) semaphore(%arg17 : memref<!tpu.dma_semaphore, #tpu.memory_space<semaphore_mem>>)
        %dma_start3A_99 = arith.constant 0 : i32
        %dma_start3A_100 = arith.constant 0 : i32
        %dma_start3A_101 = tpu.memref_slice %arg3[%dma_start3A_99, %dma_start3A_100] : memref<40000x512xf32, #tpu.memory_space<hbm>> -> memref<40000x512xf32, #tpu.memory_space<hbm>>
        tpu.enqueue_indirect_dma source(%dma_start3A_101 : memref<40000x512xf32, #tpu.memory_space<hbm>>) target(%arg15 : memref<40x512xf32, #tpu.memory_space<vmem>>) offsets(%arg11 : memref<40xi32, #tpu.memory_space<vmem>>) semaphore(%arg19 : memref<!tpu.dma_semaphore, #tpu.memory_space<semaphore_mem>>)
      } else {
      }
      %lt3A_56 = arith.constant 98 : i32
      %lt3A_57 = arith.cmpi slt, %add3A_36, %lt3A_56 : i32
      %convert_element_type3A_58 = arith.extui %lt3A_57 : i1 to i32
      %cond3A_59 = arith.constant 0 : i32
      %cond3A_60 = arith.cmpi ne, %convert_element_type3A_58, %cond3A_59 : i32
      scf.if %cond3A_60 {
        %add3A_92 = arith.constant 80 : i32
        %add3A_93 = arith.addi %add3A_39, %add3A_92 : i32
        "tpu.region"() ({
          %run_scoped3A = tpu.sem_alloc : memref<!tpu.dma_semaphore, #tpu.memory_space<semaphore_mem>>
          %dma_start3A_96 = tpu.memref_slice %arg4[%add3A_93] : memref<128000xi32, #tpu.memory_space<hbm>> -> memref<40xi32, #tpu.memory_space<hbm>>
          %dma_start3A_97 = tpu.memref_slice %arg4[%add3A_93] : memref<128000xi32, #tpu.memory_space<hbm>> -> memref<40xi32, #tpu.memory_space<hbm>>
          tpu.enqueue_dma source(%dma_start3A_97 : memref<40xi32, #tpu.memory_space<hbm>>) target(%arg8 : memref<40xi32, #tpu.memory_space<vmem>>) target_semaphore(%run_scoped3A : memref<!tpu.dma_semaphore, #tpu.memory_space<semaphore_mem>>)
          %dma_wait3A_98 = tpu.memref_slice %arg4[%add3A_93] : memref<128000xi32, #tpu.memory_space<hbm>> -> memref<40xi32, #tpu.memory_space<hbm>>
          %dma_wait3A_99 = tpu.memref_slice %arg4[%add3A_93] : memref<128000xi32, #tpu.memory_space<hbm>> -> memref<40xi32, #tpu.memory_space<hbm>>
          tpu.wait_dma2 semaphore(%run_scoped3A : memref<!tpu.dma_semaphore, #tpu.memory_space<semaphore_mem>>) src(%dma_wait3A_99 : memref<40xi32, #tpu.memory_space<hbm>>) dst(%arg8 : memref<40xi32, #tpu.memory_space<vmem>>)
          tpu.yield
        }) : () -> ()
        %add3A_94 = arith.constant 80 : i32
        %add3A_95 = arith.addi %add3A_39, %add3A_94 : i32
        "tpu.region"() ({
          %run_scoped3A = tpu.sem_alloc : memref<!tpu.dma_semaphore, #tpu.memory_space<semaphore_mem>>
          %dma_start3A_96 = tpu.memref_slice %arg5[%add3A_95] : memref<128000xi32, #tpu.memory_space<hbm>> -> memref<40xi32, #tpu.memory_space<hbm>>
          %dma_start3A_97 = tpu.memref_slice %arg5[%add3A_95] : memref<128000xi32, #tpu.memory_space<hbm>> -> memref<40xi32, #tpu.memory_space<hbm>>
          tpu.enqueue_dma source(%dma_start3A_97 : memref<40xi32, #tpu.memory_space<hbm>>) target(%arg10 : memref<40xi32, #tpu.memory_space<vmem>>) target_semaphore(%run_scoped3A : memref<!tpu.dma_semaphore, #tpu.memory_space<semaphore_mem>>)
          %dma_wait3A_98 = tpu.memref_slice %arg5[%add3A_95] : memref<128000xi32, #tpu.memory_space<hbm>> -> memref<40xi32, #tpu.memory_space<hbm>>
          %dma_wait3A_99 = tpu.memref_slice %arg5[%add3A_95] : memref<128000xi32, #tpu.memory_space<hbm>> -> memref<40xi32, #tpu.memory_space<hbm>>
          tpu.wait_dma2 semaphore(%run_scoped3A : memref<!tpu.dma_semaphore, #tpu.memory_space<semaphore_mem>>) src(%dma_wait3A_99 : memref<40xi32, #tpu.memory_space<hbm>>) dst(%arg10 : memref<40xi32, #tpu.memory_space<vmem>>)
          tpu.yield
        }) : () -> ()
      } else {
      }
      %mul3A_61 = arith.constant 2 : i32
      %mul3A_62 = arith.muli %scan3A_32, %mul3A_61 : i32
      %add3A_63 = arith.constant 1 : i32
      %add3A_64 = arith.addi %mul3A_62, %add3A_63 : i32
      %mul3A_65 = arith.constant 40 : i32
      %mul3A_66 = arith.muli %add3A_64, %mul3A_65 : i32
      %add3A_67 = arith.addi %mul3A_2, %mul3A_66 : i32
      %dma_wait3A_68 = arith.constant 0 : i32
      %dma_wait3A_69 = arith.constant 0 : i32
      %dma_wait3A_70 = tpu.memref_slice %arg2[%dma_wait3A_68, %dma_wait3A_69] : memref<40000x512xf32, #tpu.memory_space<hbm>> -> memref<40000x512xf32, #tpu.memory_space<hbm>>
      tpu.wait_indirect_dma semaphore(%arg17 : memref<!tpu.dma_semaphore, #tpu.memory_space<semaphore_mem>>) src(%dma_wait3A_70 : memref<40000x512xf32, #tpu.memory_space<hbm>>) dst(%arg13 : memref<40x512xf32, #tpu.memory_space<vmem>>)
      %dma_wait3A_71 = arith.constant 0 : i32
      %dma_wait3A_72 = arith.constant 0 : i32
      %dma_wait3A_73 = tpu.memref_slice %arg3[%dma_wait3A_71, %dma_wait3A_72] : memref<40000x512xf32, #tpu.memory_space<hbm>> -> memref<40000x512xf32, #tpu.memory_space<hbm>>
      tpu.wait_indirect_dma semaphore(%arg19 : memref<!tpu.dma_semaphore, #tpu.memory_space<semaphore_mem>>) src(%dma_wait3A_73 : memref<40000x512xf32, #tpu.memory_space<hbm>>) dst(%arg15 : memref<40x512xf32, #tpu.memory_space<vmem>>)
      %dma_start3A_74 = arith.constant 0 : i32
      %dma_start3A_75 = tpu.memref_slice %arg6[%add3A_67, %dma_start3A_74] : memref<128000x512xf32, #tpu.memory_space<hbm>> -> memref<40x512xf32, #tpu.memory_space<hbm>>
      %dma_start3A_76 = arith.constant 0 : i32
      %dma_start3A_77 = tpu.memref_slice %arg6[%add3A_67, %dma_start3A_76] : memref<128000x512xf32, #tpu.memory_space<hbm>> -> memref<40x512xf32, #tpu.memory_space<hbm>>
      tpu.enqueue_dma source(%arg13 : memref<40x512xf32, #tpu.memory_space<vmem>>) target(%dma_start3A_77 : memref<40x512xf32, #tpu.memory_space<hbm>>) target_semaphore(%arg21 : memref<!tpu.dma_semaphore, #tpu.memory_space<semaphore_mem>>)
      %dma_start3A_78 = arith.constant 0 : i32
      %dma_start3A_79 = tpu.memref_slice %arg7[%add3A_67, %dma_start3A_78] : memref<128000x512xf32, #tpu.memory_space<hbm>> -> memref<40x512xf32, #tpu.memory_space<hbm>>
      %dma_start3A_80 = arith.constant 0 : i32
      %dma_start3A_81 = tpu.memref_slice %arg7[%add3A_67, %dma_start3A_80] : memref<128000x512xf32, #tpu.memory_space<hbm>> -> memref<40x512xf32, #tpu.memory_space<hbm>>
      tpu.enqueue_dma source(%arg15 : memref<40x512xf32, #tpu.memory_space<vmem>>) target(%dma_start3A_81 : memref<40x512xf32, #tpu.memory_space<hbm>>) target_semaphore(%arg23 : memref<!tpu.dma_semaphore, #tpu.memory_space<semaphore_mem>>)
      %lt3A_82 = arith.constant 99 : i32
      %lt3A_83 = arith.cmpi slt, %add3A_64, %lt3A_82 : i32
      %convert_element_type3A_84 = arith.extui %lt3A_83 : i1 to i32
      %cond3A_85 = arith.constant 0 : i32
      %cond3A_86 = arith.cmpi ne, %convert_element_type3A_84, %cond3A_85 : i32
      scf.if %cond3A_86 {
        %ge3A = arith.constant 1 : i32
        %ge3A_92 = arith.cmpi sge, %add3A_64, %ge3A : i32
        %convert_element_type3A_93 = arith.extui %ge3A_92 : i1 to i32
        %cond3A_94 = arith.constant 0 : i32
        %cond3A_95 = arith.cmpi ne, %convert_element_type3A_93, %cond3A_94 : i32
        scf.if %cond3A_95 {
          %dma_wait3A_102 = arith.constant 0 : i32
          %dma_wait3A_103 = tpu.memref_slice %arg6[%add3A_67, %dma_wait3A_102] : memref<128000x512xf32, #tpu.memory_space<hbm>> -> memref<40x512xf32, #tpu.memory_space<hbm>>
          %dma_wait3A_104 = arith.constant 0 : i32
          %dma_wait3A_105 = tpu.memref_slice %arg6[%add3A_67, %dma_wait3A_104] : memref<128000x512xf32, #tpu.memory_space<hbm>> -> memref<40x512xf32, #tpu.memory_space<hbm>>
          tpu.wait_dma2 semaphore(%arg20 : memref<!tpu.dma_semaphore, #tpu.memory_space<semaphore_mem>>) src(%arg12 : memref<40x512xf32, #tpu.memory_space<vmem>>) dst(%dma_wait3A_105 : memref<40x512xf32, #tpu.memory_space<hbm>>)
          %dma_wait3A_106 = arith.constant 0 : i32
          %dma_wait3A_107 = tpu.memref_slice %arg7[%add3A_67, %dma_wait3A_106] : memref<128000x512xf32, #tpu.memory_space<hbm>> -> memref<40x512xf32, #tpu.memory_space<hbm>>
          %dma_wait3A_108 = arith.constant 0 : i32
          %dma_wait3A_109 = tpu.memref_slice %arg7[%add3A_67, %dma_wait3A_108] : memref<128000x512xf32, #tpu.memory_space<hbm>> -> memref<40x512xf32, #tpu.memory_space<hbm>>
          tpu.wait_dma2 semaphore(%arg22 : memref<!tpu.dma_semaphore, #tpu.memory_space<semaphore_mem>>) src(%arg14 : memref<40x512xf32, #tpu.memory_space<vmem>>) dst(%dma_wait3A_109 : memref<40x512xf32, #tpu.memory_space<hbm>>)
        } else {
        }
        %dma_start3A_96 = arith.constant 0 : i32
        %dma_start3A_97 = arith.constant 0 : i32
        %dma_start3A_98 = tpu.memref_slice %arg2[%dma_start3A_96, %dma_start3A_97] : memref<40000x512xf32, #tpu.memory_space<hbm>> -> memref<40000x512xf32, #tpu.memory_space<hbm>>
        tpu.enqueue_indirect_dma source(%dma_start3A_98 : memref<40000x512xf32, #tpu.memory_space<hbm>>) target(%arg12 : memref<40x512xf32, #tpu.memory_space<vmem>>) offsets(%arg8 : memref<40xi32, #tpu.memory_space<vmem>>) semaphore(%arg16 : memref<!tpu.dma_semaphore, #tpu.memory_space<semaphore_mem>>)
        %dma_start3A_99 = arith.constant 0 : i32
        %dma_start3A_100 = arith.constant 0 : i32
        %dma_start3A_101 = tpu.memref_slice %arg3[%dma_start3A_99, %dma_start3A_100] : memref<40000x512xf32, #tpu.memory_space<hbm>> -> memref<40000x512xf32, #tpu.memory_space<hbm>>
        tpu.enqueue_indirect_dma source(%dma_start3A_101 : memref<40000x512xf32, #tpu.memory_space<hbm>>) target(%arg14 : memref<40x512xf32, #tpu.memory_space<vmem>>) offsets(%arg10 : memref<40xi32, #tpu.memory_space<vmem>>) semaphore(%arg18 : memref<!tpu.dma_semaphore, #tpu.memory_space<semaphore_mem>>)
      } else {
      }
      %lt3A_87 = arith.constant 98 : i32
      %lt3A_88 = arith.cmpi slt, %add3A_64, %lt3A_87 : i32
      %convert_element_type3A_89 = arith.extui %lt3A_88 : i1 to i32
      %cond3A_90 = arith.constant 0 : i32
      %cond3A_91 = arith.cmpi ne, %convert_element_type3A_89, %cond3A_90 : i32
      scf.if %cond3A_91 {
        %add3A_92 = arith.constant 80 : i32
        %add3A_93 = arith.addi %add3A_67, %add3A_92 : i32
        "tpu.region"() ({
          %run_scoped3A = tpu.sem_alloc : memref<!tpu.dma_semaphore, #tpu.memory_space<semaphore_mem>>
          %dma_start3A_96 = tpu.memref_slice %arg4[%add3A_93] : memref<128000xi32, #tpu.memory_space<hbm>> -> memref<40xi32, #tpu.memory_space<hbm>>
          %dma_start3A_97 = tpu.memref_slice %arg4[%add3A_93] : memref<128000xi32, #tpu.memory_space<hbm>> -> memref<40xi32, #tpu.memory_space<hbm>>
          tpu.enqueue_dma source(%dma_start3A_97 : memref<40xi32, #tpu.memory_space<hbm>>) target(%arg9 : memref<40xi32, #tpu.memory_space<vmem>>) target_semaphore(%run_scoped3A : memref<!tpu.dma_semaphore, #tpu.memory_space<semaphore_mem>>)
          %dma_wait3A_98 = tpu.memref_slice %arg4[%add3A_93] : memref<128000xi32, #tpu.memory_space<hbm>> -> memref<40xi32, #tpu.memory_space<hbm>>
          %dma_wait3A_99 = tpu.memref_slice %arg4[%add3A_93] : memref<128000xi32, #tpu.memory_space<hbm>> -> memref<40xi32, #tpu.memory_space<hbm>>
          tpu.wait_dma2 semaphore(%run_scoped3A : memref<!tpu.dma_semaphore, #tpu.memory_space<semaphore_mem>>) src(%dma_wait3A_99 : memref<40xi32, #tpu.memory_space<hbm>>) dst(%arg9 : memref<40xi32, #tpu.memory_space<vmem>>)
          tpu.yield
        }) : () -> ()
        %add3A_94 = arith.constant 80 : i32
        %add3A_95 = arith.addi %add3A_67, %add3A_94 : i32
        "tpu.region"() ({
          %run_scoped3A = tpu.sem_alloc : memref<!tpu.dma_semaphore, #tpu.memory_space<semaphore_mem>>
          %dma_start3A_96 = tpu.memref_slice %arg5[%add3A_95] : memref<128000xi32, #tpu.memory_space<hbm>> -> memref<40xi32, #tpu.memory_space<hbm>>
          %dma_start3A_97 = tpu.memref_slice %arg5[%add3A_95] : memref<128000xi32, #tpu.memory_space<hbm>> -> memref<40xi32, #tpu.memory_space<hbm>>
          tpu.enqueue_dma source(%dma_start3A_97 : memref<40xi32, #tpu.memory_space<hbm>>) target(%arg11 : memref<40xi32, #tpu.memory_space<vmem>>) target_semaphore(%run_scoped3A : memref<!tpu.dma_semaphore, #tpu.memory_space<semaphore_mem>>)
          %dma_wait3A_98 = tpu.memref_slice %arg5[%add3A_95] : memref<128000xi32, #tpu.memory_space<hbm>> -> memref<40xi32, #tpu.memory_space<hbm>>
          %dma_wait3A_99 = tpu.memref_slice %arg5[%add3A_95] : memref<128000xi32, #tpu.memory_space<hbm>> -> memref<40xi32, #tpu.memory_space<hbm>>
          tpu.wait_dma2 semaphore(%run_scoped3A : memref<!tpu.dma_semaphore, #tpu.memory_space<semaphore_mem>>) src(%dma_wait3A_99 : memref<40xi32, #tpu.memory_space<hbm>>) dst(%arg11 : memref<40xi32, #tpu.memory_space<vmem>>)
          tpu.yield
        }) : () -> ()
      } else {
      }
    }
    %scan3A_16 = arith.constant 50 : i32
    %dma_wait3A = arith.constant 0 : i32
    %dma_wait3A_17 = tpu.memref_slice %arg6[%mul3A_2, %dma_wait3A] : memref<128000x512xf32, #tpu.memory_space<hbm>> -> memref<40x512xf32, #tpu.memory_space<hbm>>
    %dma_wait3A_18 = arith.constant 0 : i32
    %dma_wait3A_19 = tpu.memref_slice %arg6[%mul3A_2, %dma_wait3A_18] : memref<128000x512xf32, #tpu.memory_space<hbm>> -> memref<40x512xf32, #tpu.memory_space<hbm>>
    tpu.wait_dma2 semaphore(%arg20 : memref<!tpu.dma_semaphore, #tpu.memory_space<semaphore_mem>>) src(%arg12 : memref<40x512xf32, #tpu.memory_space<vmem>>) dst(%dma_wait3A_19 : memref<40x512xf32, #tpu.memory_space<hbm>>)
    %dma_wait3A_20 = arith.constant 0 : i32
    %dma_wait3A_21 = tpu.memref_slice %arg7[%mul3A_2, %dma_wait3A_20] : memref<128000x512xf32, #tpu.memory_space<hbm>> -> memref<40x512xf32, #tpu.memory_space<hbm>>
    %dma_wait3A_22 = arith.constant 0 : i32
    %dma_wait3A_23 = tpu.memref_slice %arg7[%mul3A_2, %dma_wait3A_22] : memref<128000x512xf32, #tpu.memory_space<hbm>> -> memref<40x512xf32, #tpu.memory_space<hbm>>
    tpu.wait_dma2 semaphore(%arg22 : memref<!tpu.dma_semaphore, #tpu.memory_space<semaphore_mem>>) src(%arg14 : memref<40x512xf32, #tpu.memory_space<vmem>>) dst(%dma_wait3A_23 : memref<40x512xf32, #tpu.memory_space<hbm>>)
    %dma_wait3A_24 = arith.constant 0 : i32
    %dma_wait3A_25 = tpu.memref_slice %arg6[%mul3A_2, %dma_wait3A_24] : memref<128000x512xf32, #tpu.memory_space<hbm>> -> memref<40x512xf32, #tpu.memory_space<hbm>>
    %dma_wait3A_26 = arith.constant 0 : i32
    %dma_wait3A_27 = tpu.memref_slice %arg6[%mul3A_2, %dma_wait3A_26] : memref<128000x512xf32, #tpu.memory_space<hbm>> -> memref<40x512xf32, #tpu.memory_space<hbm>>
    tpu.wait_dma2 semaphore(%arg21 : memref<!tpu.dma_semaphore, #tpu.memory_space<semaphore_mem>>) src(%arg13 : memref<40x512xf32, #tpu.memory_space<vmem>>) dst(%dma_wait3A_27 : memref<40x512xf32, #tpu.memory_space<hbm>>)
    %dma_wait3A_28 = arith.constant 0 : i32
    %dma_wait3A_29 = tpu.memref_slice %arg7[%mul3A_2, %dma_wait3A_28] : memref<128000x512xf32, #tpu.memory_space<hbm>> -> memref<40x512xf32, #tpu.memory_space<hbm>>
    %dma_wait3A_30 = arith.constant 0 : i32
    %dma_wait3A_31 = tpu.memref_slice %arg7[%mul3A_2, %dma_wait3A_30] : memref<128000x512xf32, #tpu.memory_space<hbm>> -> memref<40x512xf32, #tpu.memory_space<hbm>>
    tpu.wait_dma2 semaphore(%arg23 : memref<!tpu.dma_semaphore, #tpu.memory_space<semaphore_mem>>) src(%arg15 : memref<40x512xf32, #tpu.memory_space<vmem>>) dst(%dma_wait3A_31 : memref<40x512xf32, #tpu.memory_space<hbm>>)
    return
  }
}

#map = affine_map<(d0, d1) -> (0, 0)>
#map1 = affine_map<(d0, d1) -> (0)>
module attributes {stable_mosaic.version = 14 : i64} {
  func.func @k(%arg0: i32, %arg1: i32, %arg2: memref<40000x512xf32, #tpu.memory_space<hbm>>, %arg3: memref<40000x512xf32, #tpu.memory_space<hbm>>, %arg4: memref<192000xi32, #tpu.memory_space<hbm>>, %arg5: memref<192000xi32, #tpu.memory_space<hbm>>, %arg6: memref<192000x512xf32, #tpu.memory_space<hbm>>, %arg7: memref<192000x512xf32, #tpu.memory_space<hbm>>, %arg8: memref<40xi32, #tpu.memory_space<vmem>>, %arg9: memref<40xi32, #tpu.memory_space<vmem>>, %arg10: memref<40xi32, #tpu.memory_space<vmem>>, %arg11: memref<40xi32, #tpu.memory_space<vmem>>, %arg12: memref<40x512xf32, #tpu.memory_space<vmem>>, %arg13: memref<40x512xf32, #tpu.memory_space<vmem>>, %arg14: memref<40x512xf32, #tpu.memory_space<vmem>>, %arg15: memref<40x512xf32, #tpu.memory_space<vmem>>, %arg16: memref<!tpu.dma_semaphore, #tpu.memory_space<semaphore_mem>>, %arg17: memref<!tpu.dma_semaphore, #tpu.memory_space<semaphore_mem>>, %arg18: memref<!tpu.dma_semaphore, #tpu.memory_space<semaphore_mem>>, %arg19: memref<!tpu.dma_semaphore, #tpu.memory_space<semaphore_mem>>, %arg20: memref<!tpu.dma_semaphore, #tpu.memory_space<semaphore_mem>>, %arg21: memref<!tpu.dma_semaphore, #tpu.memory_space<semaphore_mem>>, %arg22: memref<!tpu.dma_semaphore, #tpu.memory_space<semaphore_mem>>, %arg23: memref<!tpu.dma_semaphore, #tpu.memory_space<semaphore_mem>>) attributes {dimension_semantics = [#tpu.dimension_semantics<core_parallel>, #tpu.dimension_semantics<subcore_parallel>], iteration_bounds = array<i64: 2, 16>, scalar_prefetch = 0 : i64, scratch_operands = 16 : i64, tpu.core_type = #tpu.core_type<sc_vector_subcore>, window_params = [{transform_indices = #map}, {transform_indices = #map}, {transform_indices = #map1}, {transform_indices = #map1}, {transform_indices = #map}, {transform_indices = #map}]} {
    %mul3A = arith.constant 2 : i32
    %mul3A_0 = arith.muli %arg1, %mul3A : i32
    %add3A = arith.addi %mul3A_0, %arg0 : i32
    %mul3A_1 = arith.constant 6000 : i32
    %mul3A_2 = arith.muli %add3A, %mul3A_1 : i32
    "tpu.region"() ({
      %run_scoped3A = tpu.sem_alloc : memref<!tpu.dma_semaphore, #tpu.memory_space<semaphore_mem>>
      %dma_start3A_32 = tpu.memref_slice %arg4[%mul3A_2] : memref<192000xi32, #tpu.memory_space<hbm>> -> memref<40xi32, #tpu.memory_space<hbm>>
      %dma_start3A_33 = tpu.memref_slice %arg4[%mul3A_2] : memref<192000xi32, #tpu.memory_space<hbm>> -> memref<40xi32, #tpu.memory_space<hbm>>
      tpu.enqueue_dma source(%dma_start3A_33 : memref<40xi32, #tpu.memory_space<hbm>>) target(%arg8 : memref<40xi32, #tpu.memory_space<vmem>>) target_semaphore(%run_scoped3A : memref<!tpu.dma_semaphore, #tpu.memory_space<semaphore_mem>>)
      %dma_wait3A_34 = tpu.memref_slice %arg4[%mul3A_2] : memref<192000xi32, #tpu.memory_space<hbm>> -> memref<40xi32, #tpu.memory_space<hbm>>
      %dma_wait3A_35 = tpu.memref_slice %arg4[%mul3A_2] : memref<192000xi32, #tpu.memory_space<hbm>> -> memref<40xi32, #tpu.memory_space<hbm>>
      tpu.wait_dma2 semaphore(%run_scoped3A : memref<!tpu.dma_semaphore, #tpu.memory_space<semaphore_mem>>) src(%dma_wait3A_35 : memref<40xi32, #tpu.memory_space<hbm>>) dst(%arg8 : memref<40xi32, #tpu.memory_space<vmem>>)
      tpu.yield
    }) : () -> ()
    "tpu.region"() ({
      %run_scoped3A = tpu.sem_alloc : memref<!tpu.dma_semaphore, #tpu.memory_space<semaphore_mem>>
      %dma_start3A_32 = tpu.memref_slice %arg5[%mul3A_2] : memref<192000xi32, #tpu.memory_space<hbm>> -> memref<40xi32, #tpu.memory_space<hbm>>
      %dma_start3A_33 = tpu.memref_slice %arg5[%mul3A_2] : memref<192000xi32, #tpu.memory_space<hbm>> -> memref<40xi32, #tpu.memory_space<hbm>>
      tpu.enqueue_dma source(%dma_start3A_33 : memref<40xi32, #tpu.memory_space<hbm>>) target(%arg10 : memref<40xi32, #tpu.memory_space<vmem>>) target_semaphore(%run_scoped3A : memref<!tpu.dma_semaphore, #tpu.memory_space<semaphore_mem>>)
      %dma_wait3A_34 = tpu.memref_slice %arg5[%mul3A_2] : memref<192000xi32, #tpu.memory_space<hbm>> -> memref<40xi32, #tpu.memory_space<hbm>>
      %dma_wait3A_35 = tpu.memref_slice %arg5[%mul3A_2] : memref<192000xi32, #tpu.memory_space<hbm>> -> memref<40xi32, #tpu.memory_space<hbm>>
      tpu.wait_dma2 semaphore(%run_scoped3A : memref<!tpu.dma_semaphore, #tpu.memory_space<semaphore_mem>>) src(%dma_wait3A_35 : memref<40xi32, #tpu.memory_space<hbm>>) dst(%arg10 : memref<40xi32, #tpu.memory_space<vmem>>)
      tpu.yield
    }) : () -> ()
    %add3A_3 = arith.constant 40 : i32
    %add3A_4 = arith.addi %mul3A_2, %add3A_3 : i32
    "tpu.region"() ({
      %run_scoped3A = tpu.sem_alloc : memref<!tpu.dma_semaphore, #tpu.memory_space<semaphore_mem>>
      %dma_start3A_32 = tpu.memref_slice %arg4[%add3A_4] : memref<192000xi32, #tpu.memory_space<hbm>> -> memref<40xi32, #tpu.memory_space<hbm>>
      %dma_start3A_33 = tpu.memref_slice %arg4[%add3A_4] : memref<192000xi32, #tpu.memory_space<hbm>> -> memref<40xi32, #tpu.memory_space<hbm>>
      tpu.enqueue_dma source(%dma_start3A_33 : memref<40xi32, #tpu.memory_space<hbm>>) target(%arg9 : memref<40xi32, #tpu.memory_space<vmem>>) target_semaphore(%run_scoped3A : memref<!tpu.dma_semaphore, #tpu.memory_space<semaphore_mem>>)
      %dma_wait3A_34 = tpu.memref_slice %arg4[%add3A_4] : memref<192000xi32, #tpu.memory_space<hbm>> -> memref<40xi32, #tpu.memory_space<hbm>>
      %dma_wait3A_35 = tpu.memref_slice %arg4[%add3A_4] : memref<192000xi32, #tpu.memory_space<hbm>> -> memref<40xi32, #tpu.memory_space<hbm>>
      tpu.wait_dma2 semaphore(%run_scoped3A : memref<!tpu.dma_semaphore, #tpu.memory_space<semaphore_mem>>) src(%dma_wait3A_35 : memref<40xi32, #tpu.memory_space<hbm>>) dst(%arg9 : memref<40xi32, #tpu.memory_space<vmem>>)
      tpu.yield
    }) : () -> ()
    %add3A_5 = arith.constant 40 : i32
    %add3A_6 = arith.addi %mul3A_2, %add3A_5 : i32
    "tpu.region"() ({
      %run_scoped3A = tpu.sem_alloc : memref<!tpu.dma_semaphore, #tpu.memory_space<semaphore_mem>>
      %dma_start3A_32 = tpu.memref_slice %arg5[%add3A_6] : memref<192000xi32, #tpu.memory_space<hbm>> -> memref<40xi32, #tpu.memory_space<hbm>>
      %dma_start3A_33 = tpu.memref_slice %arg5[%add3A_6] : memref<192000xi32, #tpu.memory_space<hbm>> -> memref<40xi32, #tpu.memory_space<hbm>>
      tpu.enqueue_dma source(%dma_start3A_33 : memref<40xi32, #tpu.memory_space<hbm>>) target(%arg11 : memref<40xi32, #tpu.memory_space<vmem>>) target_semaphore(%run_scoped3A : memref<!tpu.dma_semaphore, #tpu.memory_space<semaphore_mem>>)
      %dma_wait3A_34 = tpu.memref_slice %arg5[%add3A_6] : memref<192000xi32, #tpu.memory_space<hbm>> -> memref<40xi32, #tpu.memory_space<hbm>>
      %dma_wait3A_35 = tpu.memref_slice %arg5[%add3A_6] : memref<192000xi32, #tpu.memory_space<hbm>> -> memref<40xi32, #tpu.memory_space<hbm>>
      tpu.wait_dma2 semaphore(%run_scoped3A : memref<!tpu.dma_semaphore, #tpu.memory_space<semaphore_mem>>) src(%dma_wait3A_35 : memref<40xi32, #tpu.memory_space<hbm>>) dst(%arg11 : memref<40xi32, #tpu.memory_space<vmem>>)
      tpu.yield
    }) : () -> ()
    %dma_start3A = arith.constant 0 : i32
    %dma_start3A_7 = arith.constant 0 : i32
    %dma_start3A_8 = tpu.memref_slice %arg2[%dma_start3A, %dma_start3A_7] : memref<40000x512xf32, #tpu.memory_space<hbm>> -> memref<40000x512xf32, #tpu.memory_space<hbm>>
    tpu.enqueue_indirect_dma source(%dma_start3A_8 : memref<40000x512xf32, #tpu.memory_space<hbm>>) target(%arg12 : memref<40x512xf32, #tpu.memory_space<vmem>>) offsets(%arg8 : memref<40xi32, #tpu.memory_space<vmem>>) semaphore(%arg16 : memref<!tpu.dma_semaphore, #tpu.memory_space<semaphore_mem>>)
    %dma_start3A_9 = arith.constant 0 : i32
    %dma_start3A_10 = arith.constant 0 : i32
    %dma_start3A_11 = tpu.memref_slice %arg3[%dma_start3A_9, %dma_start3A_10] : memref<40000x512xf32, #tpu.memory_space<hbm>> -> memref<40000x512xf32, #tpu.memory_space<hbm>>
    tpu.enqueue_indirect_dma source(%dma_start3A_11 : memref<40000x512xf32, #tpu.memory_space<hbm>>) target(%arg14 : memref<40x512xf32, #tpu.memory_space<vmem>>) offsets(%arg10 : memref<40xi32, #tpu.memory_space<vmem>>) semaphore(%arg18 : memref<!tpu.dma_semaphore, #tpu.memory_space<semaphore_mem>>)
    %scan3A = arith.constant 0 : i32
    %scan3A_12 = arith.constant 0 : i32
    %scan3A_13 = arith.constant 75 : i32
    %scan3A_14 = arith.addi %scan3A_12, %scan3A_13 : i32
    %scan3A_15 = arith.constant 1 : i32
    scf.for %scan3A_32 = %scan3A_12 to %scan3A_14 step %scan3A_15  : i32 {
      %mul3A_33 = arith.constant 2 : i32
      %mul3A_34 = arith.muli %scan3A_32, %mul3A_33 : i32
      %add3A_35 = arith.constant 0 : i32
      %add3A_36 = arith.addi %mul3A_34, %add3A_35 : i32
      %mul3A_37 = arith.constant 40 : i32
      %mul3A_38 = arith.muli %add3A_36, %mul3A_37 : i32
      %add3A_39 = arith.addi %mul3A_2, %mul3A_38 : i32
      %dma_wait3A_40 = arith.constant 0 : i32
      %dma_wait3A_41 = arith.constant 0 : i32
      %dma_wait3A_42 = tpu.memref_slice %arg2[%dma_wait3A_40, %dma_wait3A_41] : memref<40000x512xf32, #tpu.memory_space<hbm>> -> memref<40000x512xf32, #tpu.memory_space<hbm>>
      tpu.wait_indirect_dma semaphore(%arg16 : memref<!tpu.dma_semaphore, #tpu.memory_space<semaphore_mem>>) src(%dma_wait3A_42 : memref<40000x512xf32, #tpu.memory_space<hbm>>) dst(%arg12 : memref<40x512xf32, #tpu.memory_space<vmem>>)
      %dma_wait3A_43 = arith.constant 0 : i32
      %dma_wait3A_44 = arith.constant 0 : i32
      %dma_wait3A_45 = tpu.memref_slice %arg3[%dma_wait3A_43, %dma_wait3A_44] : memref<40000x512xf32, #tpu.memory_space<hbm>> -> memref<40000x512xf32, #tpu.memory_space<hbm>>
      tpu.wait_indirect_dma semaphore(%arg18 : memref<!tpu.dma_semaphore, #tpu.memory_space<semaphore_mem>>) src(%dma_wait3A_45 : memref<40000x512xf32, #tpu.memory_space<hbm>>) dst(%arg14 : memref<40x512xf32, #tpu.memory_space<vmem>>)
      %dma_start3A_46 = arith.constant 0 : i32
      %dma_start3A_47 = tpu.memref_slice %arg6[%add3A_39, %dma_start3A_46] : memref<192000x512xf32, #tpu.memory_space<hbm>> -> memref<40x512xf32, #tpu.memory_space<hbm>>
      %dma_start3A_48 = arith.constant 0 : i32
      %dma_start3A_49 = tpu.memref_slice %arg6[%add3A_39, %dma_start3A_48] : memref<192000x512xf32, #tpu.memory_space<hbm>> -> memref<40x512xf32, #tpu.memory_space<hbm>>
      tpu.enqueue_dma source(%arg12 : memref<40x512xf32, #tpu.memory_space<vmem>>) target(%dma_start3A_49 : memref<40x512xf32, #tpu.memory_space<hbm>>) target_semaphore(%arg20 : memref<!tpu.dma_semaphore, #tpu.memory_space<semaphore_mem>>)
      %dma_start3A_50 = arith.constant 0 : i32
      %dma_start3A_51 = tpu.memref_slice %arg7[%add3A_39, %dma_start3A_50] : memref<192000x512xf32, #tpu.memory_space<hbm>> -> memref<40x512xf32, #tpu.memory_space<hbm>>
      %dma_start3A_52 = arith.constant 0 : i32
      %dma_start3A_53 = tpu.memref_slice %arg7[%add3A_39, %dma_start3A_52] : memref<192000x512xf32, #tpu.memory_space<hbm>> -> memref<40x512xf32, #tpu.memory_space<hbm>>
      tpu.enqueue_dma source(%arg14 : memref<40x512xf32, #tpu.memory_space<vmem>>) target(%dma_start3A_53 : memref<40x512xf32, #tpu.memory_space<hbm>>) target_semaphore(%arg22 : memref<!tpu.dma_semaphore, #tpu.memory_space<semaphore_mem>>)
      %lt3A = arith.constant 149 : i32
      %lt3A_54 = arith.cmpi slt, %add3A_36, %lt3A : i32
      %convert_element_type3A = arith.extui %lt3A_54 : i1 to i32
      %cond3A = arith.constant 0 : i32
      %cond3A_55 = arith.cmpi ne, %convert_element_type3A, %cond3A : i32
      scf.if %cond3A_55 {
        %ge3A = arith.constant 1 : i32
        %ge3A_92 = arith.cmpi sge, %add3A_36, %ge3A : i32
        %convert_element_type3A_93 = arith.extui %ge3A_92 : i1 to i32
        %cond3A_94 = arith.constant 0 : i32
        %cond3A_95 = arith.cmpi ne, %convert_element_type3A_93, %cond3A_94 : i32
        scf.if %cond3A_95 {
          %dma_wait3A_102 = arith.constant 0 : i32
          %dma_wait3A_103 = tpu.memref_slice %arg6[%add3A_39, %dma_wait3A_102] : memref<192000x512xf32, #tpu.memory_space<hbm>> -> memref<40x512xf32, #tpu.memory_space<hbm>>
          %dma_wait3A_104 = arith.constant 0 : i32
          %dma_wait3A_105 = tpu.memref_slice %arg6[%add3A_39, %dma_wait3A_104] : memref<192000x512xf32, #tpu.memory_space<hbm>> -> memref<40x512xf32, #tpu.memory_space<hbm>>
          tpu.wait_dma2 semaphore(%arg21 : memref<!tpu.dma_semaphore, #tpu.memory_space<semaphore_mem>>) src(%arg13 : memref<40x512xf32, #tpu.memory_space<vmem>>) dst(%dma_wait3A_105 : memref<40x512xf32, #tpu.memory_space<hbm>>)
          %dma_wait3A_106 = arith.constant 0 : i32
          %dma_wait3A_107 = tpu.memref_slice %arg7[%add3A_39, %dma_wait3A_106] : memref<192000x512xf32, #tpu.memory_space<hbm>> -> memref<40x512xf32, #tpu.memory_space<hbm>>
          %dma_wait3A_108 = arith.constant 0 : i32
          %dma_wait3A_109 = tpu.memref_slice %arg7[%add3A_39, %dma_wait3A_108] : memref<192000x512xf32, #tpu.memory_space<hbm>> -> memref<40x512xf32, #tpu.memory_space<hbm>>
          tpu.wait_dma2 semaphore(%arg23 : memref<!tpu.dma_semaphore, #tpu.memory_space<semaphore_mem>>) src(%arg15 : memref<40x512xf32, #tpu.memory_space<vmem>>) dst(%dma_wait3A_109 : memref<40x512xf32, #tpu.memory_space<hbm>>)
        } else {
        }
        %dma_start3A_96 = arith.constant 0 : i32
        %dma_start3A_97 = arith.constant 0 : i32
        %dma_start3A_98 = tpu.memref_slice %arg2[%dma_start3A_96, %dma_start3A_97] : memref<40000x512xf32, #tpu.memory_space<hbm>> -> memref<40000x512xf32, #tpu.memory_space<hbm>>
        tpu.enqueue_indirect_dma source(%dma_start3A_98 : memref<40000x512xf32, #tpu.memory_space<hbm>>) target(%arg13 : memref<40x512xf32, #tpu.memory_space<vmem>>) offsets(%arg9 : memref<40xi32, #tpu.memory_space<vmem>>) semaphore(%arg17 : memref<!tpu.dma_semaphore, #tpu.memory_space<semaphore_mem>>)
        %dma_start3A_99 = arith.constant 0 : i32
        %dma_start3A_100 = arith.constant 0 : i32
        %dma_start3A_101 = tpu.memref_slice %arg3[%dma_start3A_99, %dma_start3A_100] : memref<40000x512xf32, #tpu.memory_space<hbm>> -> memref<40000x512xf32, #tpu.memory_space<hbm>>
        tpu.enqueue_indirect_dma source(%dma_start3A_101 : memref<40000x512xf32, #tpu.memory_space<hbm>>) target(%arg15 : memref<40x512xf32, #tpu.memory_space<vmem>>) offsets(%arg11 : memref<40xi32, #tpu.memory_space<vmem>>) semaphore(%arg19 : memref<!tpu.dma_semaphore, #tpu.memory_space<semaphore_mem>>)
      } else {
      }
      %lt3A_56 = arith.constant 148 : i32
      %lt3A_57 = arith.cmpi slt, %add3A_36, %lt3A_56 : i32
      %convert_element_type3A_58 = arith.extui %lt3A_57 : i1 to i32
      %cond3A_59 = arith.constant 0 : i32
      %cond3A_60 = arith.cmpi ne, %convert_element_type3A_58, %cond3A_59 : i32
      scf.if %cond3A_60 {
        %add3A_92 = arith.constant 80 : i32
        %add3A_93 = arith.addi %add3A_39, %add3A_92 : i32
        "tpu.region"() ({
          %run_scoped3A = tpu.sem_alloc : memref<!tpu.dma_semaphore, #tpu.memory_space<semaphore_mem>>
          %dma_start3A_96 = tpu.memref_slice %arg4[%add3A_93] : memref<192000xi32, #tpu.memory_space<hbm>> -> memref<40xi32, #tpu.memory_space<hbm>>
          %dma_start3A_97 = tpu.memref_slice %arg4[%add3A_93] : memref<192000xi32, #tpu.memory_space<hbm>> -> memref<40xi32, #tpu.memory_space<hbm>>
          tpu.enqueue_dma source(%dma_start3A_97 : memref<40xi32, #tpu.memory_space<hbm>>) target(%arg8 : memref<40xi32, #tpu.memory_space<vmem>>) target_semaphore(%run_scoped3A : memref<!tpu.dma_semaphore, #tpu.memory_space<semaphore_mem>>)
          %dma_wait3A_98 = tpu.memref_slice %arg4[%add3A_93] : memref<192000xi32, #tpu.memory_space<hbm>> -> memref<40xi32, #tpu.memory_space<hbm>>
          %dma_wait3A_99 = tpu.memref_slice %arg4[%add3A_93] : memref<192000xi32, #tpu.memory_space<hbm>> -> memref<40xi32, #tpu.memory_space<hbm>>
          tpu.wait_dma2 semaphore(%run_scoped3A : memref<!tpu.dma_semaphore, #tpu.memory_space<semaphore_mem>>) src(%dma_wait3A_99 : memref<40xi32, #tpu.memory_space<hbm>>) dst(%arg8 : memref<40xi32, #tpu.memory_space<vmem>>)
          tpu.yield
        }) : () -> ()
        %add3A_94 = arith.constant 80 : i32
        %add3A_95 = arith.addi %add3A_39, %add3A_94 : i32
        "tpu.region"() ({
          %run_scoped3A = tpu.sem_alloc : memref<!tpu.dma_semaphore, #tpu.memory_space<semaphore_mem>>
          %dma_start3A_96 = tpu.memref_slice %arg5[%add3A_95] : memref<192000xi32, #tpu.memory_space<hbm>> -> memref<40xi32, #tpu.memory_space<hbm>>
          %dma_start3A_97 = tpu.memref_slice %arg5[%add3A_95] : memref<192000xi32, #tpu.memory_space<hbm>> -> memref<40xi32, #tpu.memory_space<hbm>>
          tpu.enqueue_dma source(%dma_start3A_97 : memref<40xi32, #tpu.memory_space<hbm>>) target(%arg10 : memref<40xi32, #tpu.memory_space<vmem>>) target_semaphore(%run_scoped3A : memref<!tpu.dma_semaphore, #tpu.memory_space<semaphore_mem>>)
          %dma_wait3A_98 = tpu.memref_slice %arg5[%add3A_95] : memref<192000xi32, #tpu.memory_space<hbm>> -> memref<40xi32, #tpu.memory_space<hbm>>
          %dma_wait3A_99 = tpu.memref_slice %arg5[%add3A_95] : memref<192000xi32, #tpu.memory_space<hbm>> -> memref<40xi32, #tpu.memory_space<hbm>>
          tpu.wait_dma2 semaphore(%run_scoped3A : memref<!tpu.dma_semaphore, #tpu.memory_space<semaphore_mem>>) src(%dma_wait3A_99 : memref<40xi32, #tpu.memory_space<hbm>>) dst(%arg10 : memref<40xi32, #tpu.memory_space<vmem>>)
          tpu.yield
        }) : () -> ()
      } else {
      }
      %mul3A_61 = arith.constant 2 : i32
      %mul3A_62 = arith.muli %scan3A_32, %mul3A_61 : i32
      %add3A_63 = arith.constant 1 : i32
      %add3A_64 = arith.addi %mul3A_62, %add3A_63 : i32
      %mul3A_65 = arith.constant 40 : i32
      %mul3A_66 = arith.muli %add3A_64, %mul3A_65 : i32
      %add3A_67 = arith.addi %mul3A_2, %mul3A_66 : i32
      %dma_wait3A_68 = arith.constant 0 : i32
      %dma_wait3A_69 = arith.constant 0 : i32
      %dma_wait3A_70 = tpu.memref_slice %arg2[%dma_wait3A_68, %dma_wait3A_69] : memref<40000x512xf32, #tpu.memory_space<hbm>> -> memref<40000x512xf32, #tpu.memory_space<hbm>>
      tpu.wait_indirect_dma semaphore(%arg17 : memref<!tpu.dma_semaphore, #tpu.memory_space<semaphore_mem>>) src(%dma_wait3A_70 : memref<40000x512xf32, #tpu.memory_space<hbm>>) dst(%arg13 : memref<40x512xf32, #tpu.memory_space<vmem>>)
      %dma_wait3A_71 = arith.constant 0 : i32
      %dma_wait3A_72 = arith.constant 0 : i32
      %dma_wait3A_73 = tpu.memref_slice %arg3[%dma_wait3A_71, %dma_wait3A_72] : memref<40000x512xf32, #tpu.memory_space<hbm>> -> memref<40000x512xf32, #tpu.memory_space<hbm>>
      tpu.wait_indirect_dma semaphore(%arg19 : memref<!tpu.dma_semaphore, #tpu.memory_space<semaphore_mem>>) src(%dma_wait3A_73 : memref<40000x512xf32, #tpu.memory_space<hbm>>) dst(%arg15 : memref<40x512xf32, #tpu.memory_space<vmem>>)
      %dma_start3A_74 = arith.constant 0 : i32
      %dma_start3A_75 = tpu.memref_slice %arg6[%add3A_67, %dma_start3A_74] : memref<192000x512xf32, #tpu.memory_space<hbm>> -> memref<40x512xf32, #tpu.memory_space<hbm>>
      %dma_start3A_76 = arith.constant 0 : i32
      %dma_start3A_77 = tpu.memref_slice %arg6[%add3A_67, %dma_start3A_76] : memref<192000x512xf32, #tpu.memory_space<hbm>> -> memref<40x512xf32, #tpu.memory_space<hbm>>
      tpu.enqueue_dma source(%arg13 : memref<40x512xf32, #tpu.memory_space<vmem>>) target(%dma_start3A_77 : memref<40x512xf32, #tpu.memory_space<hbm>>) target_semaphore(%arg21 : memref<!tpu.dma_semaphore, #tpu.memory_space<semaphore_mem>>)
      %dma_start3A_78 = arith.constant 0 : i32
      %dma_start3A_79 = tpu.memref_slice %arg7[%add3A_67, %dma_start3A_78] : memref<192000x512xf32, #tpu.memory_space<hbm>> -> memref<40x512xf32, #tpu.memory_space<hbm>>
      %dma_start3A_80 = arith.constant 0 : i32
      %dma_start3A_81 = tpu.memref_slice %arg7[%add3A_67, %dma_start3A_80] : memref<192000x512xf32, #tpu.memory_space<hbm>> -> memref<40x512xf32, #tpu.memory_space<hbm>>
      tpu.enqueue_dma source(%arg15 : memref<40x512xf32, #tpu.memory_space<vmem>>) target(%dma_start3A_81 : memref<40x512xf32, #tpu.memory_space<hbm>>) target_semaphore(%arg23 : memref<!tpu.dma_semaphore, #tpu.memory_space<semaphore_mem>>)
      %lt3A_82 = arith.constant 149 : i32
      %lt3A_83 = arith.cmpi slt, %add3A_64, %lt3A_82 : i32
      %convert_element_type3A_84 = arith.extui %lt3A_83 : i1 to i32
      %cond3A_85 = arith.constant 0 : i32
      %cond3A_86 = arith.cmpi ne, %convert_element_type3A_84, %cond3A_85 : i32
      scf.if %cond3A_86 {
        %ge3A = arith.constant 1 : i32
        %ge3A_92 = arith.cmpi sge, %add3A_64, %ge3A : i32
        %convert_element_type3A_93 = arith.extui %ge3A_92 : i1 to i32
        %cond3A_94 = arith.constant 0 : i32
        %cond3A_95 = arith.cmpi ne, %convert_element_type3A_93, %cond3A_94 : i32
        scf.if %cond3A_95 {
          %dma_wait3A_102 = arith.constant 0 : i32
          %dma_wait3A_103 = tpu.memref_slice %arg6[%add3A_67, %dma_wait3A_102] : memref<192000x512xf32, #tpu.memory_space<hbm>> -> memref<40x512xf32, #tpu.memory_space<hbm>>
          %dma_wait3A_104 = arith.constant 0 : i32
          %dma_wait3A_105 = tpu.memref_slice %arg6[%add3A_67, %dma_wait3A_104] : memref<192000x512xf32, #tpu.memory_space<hbm>> -> memref<40x512xf32, #tpu.memory_space<hbm>>
          tpu.wait_dma2 semaphore(%arg20 : memref<!tpu.dma_semaphore, #tpu.memory_space<semaphore_mem>>) src(%arg12 : memref<40x512xf32, #tpu.memory_space<vmem>>) dst(%dma_wait3A_105 : memref<40x512xf32, #tpu.memory_space<hbm>>)
          %dma_wait3A_106 = arith.constant 0 : i32
          %dma_wait3A_107 = tpu.memref_slice %arg7[%add3A_67, %dma_wait3A_106] : memref<192000x512xf32, #tpu.memory_space<hbm>> -> memref<40x512xf32, #tpu.memory_space<hbm>>
          %dma_wait3A_108 = arith.constant 0 : i32
          %dma_wait3A_109 = tpu.memref_slice %arg7[%add3A_67, %dma_wait3A_108] : memref<192000x512xf32, #tpu.memory_space<hbm>> -> memref<40x512xf32, #tpu.memory_space<hbm>>
          tpu.wait_dma2 semaphore(%arg22 : memref<!tpu.dma_semaphore, #tpu.memory_space<semaphore_mem>>) src(%arg14 : memref<40x512xf32, #tpu.memory_space<vmem>>) dst(%dma_wait3A_109 : memref<40x512xf32, #tpu.memory_space<hbm>>)
        } else {
        }
        %dma_start3A_96 = arith.constant 0 : i32
        %dma_start3A_97 = arith.constant 0 : i32
        %dma_start3A_98 = tpu.memref_slice %arg2[%dma_start3A_96, %dma_start3A_97] : memref<40000x512xf32, #tpu.memory_space<hbm>> -> memref<40000x512xf32, #tpu.memory_space<hbm>>
        tpu.enqueue_indirect_dma source(%dma_start3A_98 : memref<40000x512xf32, #tpu.memory_space<hbm>>) target(%arg12 : memref<40x512xf32, #tpu.memory_space<vmem>>) offsets(%arg8 : memref<40xi32, #tpu.memory_space<vmem>>) semaphore(%arg16 : memref<!tpu.dma_semaphore, #tpu.memory_space<semaphore_mem>>)
        %dma_start3A_99 = arith.constant 0 : i32
        %dma_start3A_100 = arith.constant 0 : i32
        %dma_start3A_101 = tpu.memref_slice %arg3[%dma_start3A_99, %dma_start3A_100] : memref<40000x512xf32, #tpu.memory_space<hbm>> -> memref<40000x512xf32, #tpu.memory_space<hbm>>
        tpu.enqueue_indirect_dma source(%dma_start3A_101 : memref<40000x512xf32, #tpu.memory_space<hbm>>) target(%arg14 : memref<40x512xf32, #tpu.memory_space<vmem>>) offsets(%arg10 : memref<40xi32, #tpu.memory_space<vmem>>) semaphore(%arg18 : memref<!tpu.dma_semaphore, #tpu.memory_space<semaphore_mem>>)
      } else {
      }
      %lt3A_87 = arith.constant 148 : i32
      %lt3A_88 = arith.cmpi slt, %add3A_64, %lt3A_87 : i32
      %convert_element_type3A_89 = arith.extui %lt3A_88 : i1 to i32
      %cond3A_90 = arith.constant 0 : i32
      %cond3A_91 = arith.cmpi ne, %convert_element_type3A_89, %cond3A_90 : i32
      scf.if %cond3A_91 {
        %add3A_92 = arith.constant 80 : i32
        %add3A_93 = arith.addi %add3A_67, %add3A_92 : i32
        "tpu.region"() ({
          %run_scoped3A = tpu.sem_alloc : memref<!tpu.dma_semaphore, #tpu.memory_space<semaphore_mem>>
          %dma_start3A_96 = tpu.memref_slice %arg4[%add3A_93] : memref<192000xi32, #tpu.memory_space<hbm>> -> memref<40xi32, #tpu.memory_space<hbm>>
          %dma_start3A_97 = tpu.memref_slice %arg4[%add3A_93] : memref<192000xi32, #tpu.memory_space<hbm>> -> memref<40xi32, #tpu.memory_space<hbm>>
          tpu.enqueue_dma source(%dma_start3A_97 : memref<40xi32, #tpu.memory_space<hbm>>) target(%arg9 : memref<40xi32, #tpu.memory_space<vmem>>) target_semaphore(%run_scoped3A : memref<!tpu.dma_semaphore, #tpu.memory_space<semaphore_mem>>)
          %dma_wait3A_98 = tpu.memref_slice %arg4[%add3A_93] : memref<192000xi32, #tpu.memory_space<hbm>> -> memref<40xi32, #tpu.memory_space<hbm>>
          %dma_wait3A_99 = tpu.memref_slice %arg4[%add3A_93] : memref<192000xi32, #tpu.memory_space<hbm>> -> memref<40xi32, #tpu.memory_space<hbm>>
          tpu.wait_dma2 semaphore(%run_scoped3A : memref<!tpu.dma_semaphore, #tpu.memory_space<semaphore_mem>>) src(%dma_wait3A_99 : memref<40xi32, #tpu.memory_space<hbm>>) dst(%arg9 : memref<40xi32, #tpu.memory_space<vmem>>)
          tpu.yield
        }) : () -> ()
        %add3A_94 = arith.constant 80 : i32
        %add3A_95 = arith.addi %add3A_67, %add3A_94 : i32
        "tpu.region"() ({
          %run_scoped3A = tpu.sem_alloc : memref<!tpu.dma_semaphore, #tpu.memory_space<semaphore_mem>>
          %dma_start3A_96 = tpu.memref_slice %arg5[%add3A_95] : memref<192000xi32, #tpu.memory_space<hbm>> -> memref<40xi32, #tpu.memory_space<hbm>>
          %dma_start3A_97 = tpu.memref_slice %arg5[%add3A_95] : memref<192000xi32, #tpu.memory_space<hbm>> -> memref<40xi32, #tpu.memory_space<hbm>>
          tpu.enqueue_dma source(%dma_start3A_97 : memref<40xi32, #tpu.memory_space<hbm>>) target(%arg11 : memref<40xi32, #tpu.memory_space<vmem>>) target_semaphore(%run_scoped3A : memref<!tpu.dma_semaphore, #tpu.memory_space<semaphore_mem>>)
          %dma_wait3A_98 = tpu.memref_slice %arg5[%add3A_95] : memref<192000xi32, #tpu.memory_space<hbm>> -> memref<40xi32, #tpu.memory_space<hbm>>
          %dma_wait3A_99 = tpu.memref_slice %arg5[%add3A_95] : memref<192000xi32, #tpu.memory_space<hbm>> -> memref<40xi32, #tpu.memory_space<hbm>>
          tpu.wait_dma2 semaphore(%run_scoped3A : memref<!tpu.dma_semaphore, #tpu.memory_space<semaphore_mem>>) src(%dma_wait3A_99 : memref<40xi32, #tpu.memory_space<hbm>>) dst(%arg11 : memref<40xi32, #tpu.memory_space<vmem>>)
          tpu.yield
        }) : () -> ()
      } else {
      }
    }
    %scan3A_16 = arith.constant 75 : i32
    %dma_wait3A = arith.constant 0 : i32
    %dma_wait3A_17 = tpu.memref_slice %arg6[%mul3A_2, %dma_wait3A] : memref<192000x512xf32, #tpu.memory_space<hbm>> -> memref<40x512xf32, #tpu.memory_space<hbm>>
    %dma_wait3A_18 = arith.constant 0 : i32
    %dma_wait3A_19 = tpu.memref_slice %arg6[%mul3A_2, %dma_wait3A_18] : memref<192000x512xf32, #tpu.memory_space<hbm>> -> memref<40x512xf32, #tpu.memory_space<hbm>>
    tpu.wait_dma2 semaphore(%arg20 : memref<!tpu.dma_semaphore, #tpu.memory_space<semaphore_mem>>) src(%arg12 : memref<40x512xf32, #tpu.memory_space<vmem>>) dst(%dma_wait3A_19 : memref<40x512xf32, #tpu.memory_space<hbm>>)
    %dma_wait3A_20 = arith.constant 0 : i32
    %dma_wait3A_21 = tpu.memref_slice %arg7[%mul3A_2, %dma_wait3A_20] : memref<192000x512xf32, #tpu.memory_space<hbm>> -> memref<40x512xf32, #tpu.memory_space<hbm>>
    %dma_wait3A_22 = arith.constant 0 : i32
    %dma_wait3A_23 = tpu.memref_slice %arg7[%mul3A_2, %dma_wait3A_22] : memref<192000x512xf32, #tpu.memory_space<hbm>> -> memref<40x512xf32, #tpu.memory_space<hbm>>
    tpu.wait_dma2 semaphore(%arg22 : memref<!tpu.dma_semaphore, #tpu.memory_space<semaphore_mem>>) src(%arg14 : memref<40x512xf32, #tpu.memory_space<vmem>>) dst(%dma_wait3A_23 : memref<40x512xf32, #tpu.memory_space<hbm>>)
    %dma_wait3A_24 = arith.constant 0 : i32
    %dma_wait3A_25 = tpu.memref_slice %arg6[%mul3A_2, %dma_wait3A_24] : memref<192000x512xf32, #tpu.memory_space<hbm>> -> memref<40x512xf32, #tpu.memory_space<hbm>>
    %dma_wait3A_26 = arith.constant 0 : i32
    %dma_wait3A_27 = tpu.memref_slice %arg6[%mul3A_2, %dma_wait3A_26] : memref<192000x512xf32, #tpu.memory_space<hbm>> -> memref<40x512xf32, #tpu.memory_space<hbm>>
    tpu.wait_dma2 semaphore(%arg21 : memref<!tpu.dma_semaphore, #tpu.memory_space<semaphore_mem>>) src(%arg13 : memref<40x512xf32, #tpu.memory_space<vmem>>) dst(%dma_wait3A_27 : memref<40x512xf32, #tpu.memory_space<hbm>>)
    %dma_wait3A_28 = arith.constant 0 : i32
    %dma_wait3A_29 = tpu.memref_slice %arg7[%mul3A_2, %dma_wait3A_28] : memref<192000x512xf32, #tpu.memory_space<hbm>> -> memref<40x512xf32, #tpu.memory_space<hbm>>
    %dma_wait3A_30 = arith.constant 0 : i32
    %dma_wait3A_31 = tpu.memref_slice %arg7[%mul3A_2, %dma_wait3A_30] : memref<192000x512xf32, #tpu.memory_space<hbm>> -> memref<40x512xf32, #tpu.memory_space<hbm>>
    tpu.wait_dma2 semaphore(%arg23 : memref<!tpu.dma_semaphore, #tpu.memory_space<semaphore_mem>>) src(%arg15 : memref<40x512xf32, #tpu.memory_space<vmem>>) dst(%dma_wait3A_31 : memref<40x512xf32, #tpu.memory_space<hbm>>)
    return
  }
}

#map = affine_map<(d0, d1) -> (0, 0)>
#map1 = affine_map<(d0, d1) -> (0)>
#map2 = affine_map<(d0, d1) -> (0, 0, 0)>
module attributes {stable_mosaic.version = 14 : i64} {
  func.func @k(%arg0: i32, %arg1: i32, %arg2: memref<192000x128xf32, #tpu.memory_space<hbm>>, %arg3: memref<192000xi32, #tpu.memory_space<hbm>>, %arg4: memref<10240x128xf32, #tpu.memory_space<hbm>>, %arg5: memref<2x10240x128xf32, #tpu.memory_space<hbm>>, %arg6: memref<120xi32, #tpu.memory_space<vmem>>, %arg7: memref<120xi32, #tpu.memory_space<vmem>>, %arg8: memref<120x128xf32, #tpu.memory_space<vmem>>, %arg9: memref<120x128xf32, #tpu.memory_space<vmem>>, %arg10: memref<!tpu.dma_semaphore, #tpu.memory_space<semaphore_mem>>, %arg11: memref<!tpu.dma_semaphore, #tpu.memory_space<semaphore_mem>>, %arg12: memref<!tpu.dma_semaphore, #tpu.memory_space<semaphore_mem>>, %arg13: memref<!tpu.dma_semaphore, #tpu.memory_space<semaphore_mem>>, %arg14: memref<10240x128xf32, #tpu.memory_space<vmem_shared>>) attributes {dimension_semantics = [#tpu.dimension_semantics<core_parallel>, #tpu.dimension_semantics<subcore_parallel>], iteration_bounds = array<i64: 2, 16>, scalar_prefetch = 0 : i64, scratch_operands = 9 : i64, tpu.core_type = #tpu.core_type<sc_vector_subcore>, window_params = [{transform_indices = #map}, {transform_indices = #map1}, {transform_indices = #map}, {transform_indices = #map2}]} {
    %mul3A = arith.constant 2 : i32
    %mul3A_0 = arith.muli %arg1, %mul3A : i32
    %add3A = arith.addi %mul3A_0, %arg0 : i32
    %mul3A_1 = arith.constant 6000 : i32
    %mul3A_2 = arith.muli %add3A, %mul3A_1 : i32
    %mul3A_3 = arith.constant 640 : i32
    %mul3A_4 = arith.muli %arg1, %mul3A_3 : i32
    %mul3A_5 = arith.constant 640 : i32
    %mul3A_6 = arith.muli %arg1, %mul3A_5 : i32
    "tpu.region"() ({
      %run_scoped3A = tpu.sem_alloc : memref<!tpu.dma_semaphore, #tpu.memory_space<semaphore_mem>>
      %dma_start3A_22 = arith.constant 0 : i32
      %dma_start3A_23 = tpu.memref_slice %arg14[%mul3A_6, %dma_start3A_22] : memref<10240x128xf32, #tpu.memory_space<vmem_shared>> -> memref<640x128xf32, #tpu.memory_space<vmem_shared>>
      %dma_start3A_24 = arith.constant 0 : i32
      %dma_start3A_25 = tpu.memref_slice %arg4[%mul3A_4, %dma_start3A_24] : memref<10240x128xf32, #tpu.memory_space<hbm>> -> memref<640x128xf32, #tpu.memory_space<hbm>>
      tpu.enqueue_dma source(%dma_start3A_25 : memref<640x128xf32, #tpu.memory_space<hbm>>) target(%dma_start3A_23 : memref<640x128xf32, #tpu.memory_space<vmem_shared>>) target_semaphore(%run_scoped3A : memref<!tpu.dma_semaphore, #tpu.memory_space<semaphore_mem>>)
      %dma_wait3A_26 = arith.constant 0 : i32
      %dma_wait3A_27 = tpu.memref_slice %arg14[%mul3A_6, %dma_wait3A_26] : memref<10240x128xf32, #tpu.memory_space<vmem_shared>> -> memref<640x128xf32, #tpu.memory_space<vmem_shared>>
      %dma_wait3A_28 = arith.constant 0 : i32
      %dma_wait3A_29 = tpu.memref_slice %arg4[%mul3A_4, %dma_wait3A_28] : memref<10240x128xf32, #tpu.memory_space<hbm>> -> memref<640x128xf32, #tpu.memory_space<hbm>>
      tpu.wait_dma2 semaphore(%run_scoped3A : memref<!tpu.dma_semaphore, #tpu.memory_space<semaphore_mem>>) src(%dma_wait3A_29 : memref<640x128xf32, #tpu.memory_space<hbm>>) dst(%dma_wait3A_27 : memref<640x128xf32, #tpu.memory_space<vmem_shared>>)
      tpu.yield
    }) : () -> ()
    %barrier3A = arith.constant 0 : index
    tpu.barrier barrier_id(%barrier3A)
    "tpu.region"() ({
      %run_scoped3A = tpu.sem_alloc : memref<!tpu.dma_semaphore, #tpu.memory_space<semaphore_mem>>
      %dma_start3A_22 = tpu.memref_slice %arg3[%mul3A_2] : memref<192000xi32, #tpu.memory_space<hbm>> -> memref<120xi32, #tpu.memory_space<hbm>>
      %dma_start3A_23 = tpu.memref_slice %arg3[%mul3A_2] : memref<192000xi32, #tpu.memory_space<hbm>> -> memref<120xi32, #tpu.memory_space<hbm>>
      tpu.enqueue_dma source(%dma_start3A_23 : memref<120xi32, #tpu.memory_space<hbm>>) target(%arg6 : memref<120xi32, #tpu.memory_space<vmem>>) target_semaphore(%run_scoped3A : memref<!tpu.dma_semaphore, #tpu.memory_space<semaphore_mem>>)
      %dma_wait3A_24 = tpu.memref_slice %arg3[%mul3A_2] : memref<192000xi32, #tpu.memory_space<hbm>> -> memref<120xi32, #tpu.memory_space<hbm>>
      %dma_wait3A_25 = tpu.memref_slice %arg3[%mul3A_2] : memref<192000xi32, #tpu.memory_space<hbm>> -> memref<120xi32, #tpu.memory_space<hbm>>
      tpu.wait_dma2 semaphore(%run_scoped3A : memref<!tpu.dma_semaphore, #tpu.memory_space<semaphore_mem>>) src(%dma_wait3A_25 : memref<120xi32, #tpu.memory_space<hbm>>) dst(%arg6 : memref<120xi32, #tpu.memory_space<vmem>>)
      tpu.yield
    }) : () -> ()
    %dma_start3A = arith.constant 0 : i32
    %dma_start3A_7 = tpu.memref_slice %arg2[%mul3A_2, %dma_start3A] : memref<192000x128xf32, #tpu.memory_space<hbm>> -> memref<120x128xf32, #tpu.memory_space<hbm>>
    %dma_start3A_8 = arith.constant 0 : i32
    %dma_start3A_9 = tpu.memref_slice %arg2[%mul3A_2, %dma_start3A_8] : memref<192000x128xf32, #tpu.memory_space<hbm>> -> memref<120x128xf32, #tpu.memory_space<hbm>>
    tpu.enqueue_dma source(%dma_start3A_9 : memref<120x128xf32, #tpu.memory_space<hbm>>) target(%arg8 : memref<120x128xf32, #tpu.memory_space<vmem>>) target_semaphore(%arg10 : memref<!tpu.dma_semaphore, #tpu.memory_space<semaphore_mem>>)
    %scan3A = arith.constant 0 : i32
    %scan3A_10 = arith.constant 0 : i32
    %scan3A_11 = arith.constant 25 : i32
    %scan3A_12 = arith.addi %scan3A_10, %scan3A_11 : i32
    %scan3A_13 = arith.constant 1 : i32
    scf.for %scan3A_22 = %scan3A_10 to %scan3A_12 step %scan3A_13  : i32 {
      %mul3A_23 = arith.constant 2 : i32
      %mul3A_24 = arith.muli %scan3A_22, %mul3A_23 : i32
      %add3A_25 = arith.constant 0 : i32
      %add3A_26 = arith.addi %mul3A_24, %add3A_25 : i32
      %mul3A_27 = arith.constant 120 : i32
      %mul3A_28 = arith.muli %add3A_26, %mul3A_27 : i32
      %add3A_29 = arith.addi %mul3A_2, %mul3A_28 : i32
      %dma_wait3A_30 = arith.constant 0 : i32
      %dma_wait3A_31 = tpu.memref_slice %arg2[%add3A_29, %dma_wait3A_30] : memref<192000x128xf32, #tpu.memory_space<hbm>> -> memref<120x128xf32, #tpu.memory_space<hbm>>
      %dma_wait3A_32 = arith.constant 0 : i32
      %dma_wait3A_33 = tpu.memref_slice %arg2[%add3A_29, %dma_wait3A_32] : memref<192000x128xf32, #tpu.memory_space<hbm>> -> memref<120x128xf32, #tpu.memory_space<hbm>>
      tpu.wait_dma2 semaphore(%arg10 : memref<!tpu.dma_semaphore, #tpu.memory_space<semaphore_mem>>) src(%dma_wait3A_33 : memref<120x128xf32, #tpu.memory_space<hbm>>) dst(%arg8 : memref<120x128xf32, #tpu.memory_space<vmem>>)
      %ge3A = arith.constant 1 : i32
      %ge3A_34 = arith.cmpi sge, %add3A_26, %ge3A : i32
      %convert_element_type3A = arith.extui %ge3A_34 : i1 to i32
      %cond3A = arith.constant 0 : i32
      %cond3A_35 = arith.cmpi ne, %convert_element_type3A, %cond3A : i32
      scf.if %cond3A_35 {
        %dma_wait3A_67 = arith.constant 0 : i32
        %dma_wait3A_68 = arith.constant 0 : i32
        %dma_wait3A_69 = tpu.memref_slice %arg14[%dma_wait3A_67, %dma_wait3A_68] : memref<10240x128xf32, #tpu.memory_space<vmem_shared>> -> memref<10240x128xf32, #tpu.memory_space<vmem_shared>>
        tpu.wait_indirect_dma semaphore(%arg13 : memref<!tpu.dma_semaphore, #tpu.memory_space<semaphore_mem>>) src(%arg9 : memref<120x128xf32, #tpu.memory_space<vmem>>) dst(%dma_wait3A_69 : memref<10240x128xf32, #tpu.memory_space<vmem_shared>>)
      } else {
      }
      %dma_start3A_36 = arith.constant 0 : i32
      %dma_start3A_37 = arith.constant 0 : i32
      %dma_start3A_38 = tpu.memref_slice %arg14[%dma_start3A_36, %dma_start3A_37] : memref<10240x128xf32, #tpu.memory_space<vmem_shared>> -> memref<10240x128xf32, #tpu.memory_space<vmem_shared>>
      tpu.enqueue_indirect_dma source(%arg8 : memref<120x128xf32, #tpu.memory_space<vmem>>) target(%dma_start3A_38 : memref<10240x128xf32, #tpu.memory_space<vmem_shared>>) offsets(%arg6 : memref<120xi32, #tpu.memory_space<vmem>>) semaphore(%arg12 : memref<!tpu.dma_semaphore, #tpu.memory_space<semaphore_mem>>) {add = true}
      %lt3A = arith.constant 49 : i32
      %lt3A_39 = arith.cmpi slt, %add3A_26, %lt3A : i32
      %convert_element_type3A_40 = arith.extui %lt3A_39 : i1 to i32
      %cond3A_41 = arith.constant 0 : i32
      %cond3A_42 = arith.cmpi ne, %convert_element_type3A_40, %cond3A_41 : i32
      scf.if %cond3A_42 {
        %add3A_67 = arith.constant 120 : i32
        %add3A_68 = arith.addi %add3A_29, %add3A_67 : i32
        "tpu.region"() ({
          %run_scoped3A = tpu.sem_alloc : memref<!tpu.dma_semaphore, #tpu.memory_space<semaphore_mem>>
          %dma_start3A_75 = tpu.memref_slice %arg3[%add3A_68] : memref<192000xi32, #tpu.memory_space<hbm>> -> memref<120xi32, #tpu.memory_space<hbm>>
          %dma_start3A_76 = tpu.memref_slice %arg3[%add3A_68] : memref<192000xi32, #tpu.memory_space<hbm>> -> memref<120xi32, #tpu.memory_space<hbm>>
          tpu.enqueue_dma source(%dma_start3A_76 : memref<120xi32, #tpu.memory_space<hbm>>) target(%arg7 : memref<120xi32, #tpu.memory_space<vmem>>) target_semaphore(%run_scoped3A : memref<!tpu.dma_semaphore, #tpu.memory_space<semaphore_mem>>)
          %dma_wait3A_77 = tpu.memref_slice %arg3[%add3A_68] : memref<192000xi32, #tpu.memory_space<hbm>> -> memref<120xi32, #tpu.memory_space<hbm>>
          %dma_wait3A_78 = tpu.memref_slice %arg3[%add3A_68] : memref<192000xi32, #tpu.memory_space<hbm>> -> memref<120xi32, #tpu.memory_space<hbm>>
          tpu.wait_dma2 semaphore(%run_scoped3A : memref<!tpu.dma_semaphore, #tpu.memory_space<semaphore_mem>>) src(%dma_wait3A_78 : memref<120xi32, #tpu.memory_space<hbm>>) dst(%arg7 : memref<120xi32, #tpu.memory_space<vmem>>)
          tpu.yield
        }) : () -> ()
        %add3A_69 = arith.constant 120 : i32
        %add3A_70 = arith.addi %add3A_29, %add3A_69 : i32
        %dma_start3A_71 = arith.constant 0 : i32
        %dma_start3A_72 = tpu.memref_slice %arg2[%add3A_70, %dma_start3A_71] : memref<192000x128xf32, #tpu.memory_space<hbm>> -> memref<120x128xf32, #tpu.memory_space<hbm>>
        %dma_start3A_73 = arith.constant 0 : i32
        %dma_start3A_74 = tpu.memref_slice %arg2[%add3A_70, %dma_start3A_73] : memref<192000x128xf32, #tpu.memory_space<hbm>> -> memref<120x128xf32, #tpu.memory_space<hbm>>
        tpu.enqueue_dma source(%dma_start3A_74 : memref<120x128xf32, #tpu.memory_space<hbm>>) target(%arg9 : memref<120x128xf32, #tpu.memory_space<vmem>>) target_semaphore(%arg11 : memref<!tpu.dma_semaphore, #tpu.memory_space<semaphore_mem>>)
      } else {
      }
      %mul3A_43 = arith.constant 2 : i32
      %mul3A_44 = arith.muli %scan3A_22, %mul3A_43 : i32
      %add3A_45 = arith.constant 1 : i32
      %add3A_46 = arith.addi %mul3A_44, %add3A_45 : i32
      %mul3A_47 = arith.constant 120 : i32
      %mul3A_48 = arith.muli %add3A_46, %mul3A_47 : i32
      %add3A_49 = arith.addi %mul3A_2, %mul3A_48 : i32
      %dma_wait3A_50 = arith.constant 0 : i32
      %dma_wait3A_51 = tpu.memref_slice %arg2[%add3A_49, %dma_wait3A_50] : memref<192000x128xf32, #tpu.memory_space<hbm>> -> memref<120x128xf32, #tpu.memory_space<hbm>>
      %dma_wait3A_52 = arith.constant 0 : i32
      %dma_wait3A_53 = tpu.memref_slice %arg2[%add3A_49, %dma_wait3A_52] : memref<192000x128xf32, #tpu.memory_space<hbm>> -> memref<120x128xf32, #tpu.memory_space<hbm>>
      tpu.wait_dma2 semaphore(%arg11 : memref<!tpu.dma_semaphore, #tpu.memory_space<semaphore_mem>>) src(%dma_wait3A_53 : memref<120x128xf32, #tpu.memory_space<hbm>>) dst(%arg9 : memref<120x128xf32, #tpu.memory_space<vmem>>)
      %ge3A_54 = arith.constant 1 : i32
      %ge3A_55 = arith.cmpi sge, %add3A_46, %ge3A_54 : i32
      %convert_element_type3A_56 = arith.extui %ge3A_55 : i1 to i32
      %cond3A_57 = arith.constant 0 : i32
      %cond3A_58 = arith.cmpi ne, %convert_element_type3A_56, %cond3A_57 : i32
      scf.if %cond3A_58 {
        %dma_wait3A_67 = arith.constant 0 : i32
        %dma_wait3A_68 = arith.constant 0 : i32
        %dma_wait3A_69 = tpu.memref_slice %arg14[%dma_wait3A_67, %dma_wait3A_68] : memref<10240x128xf32, #tpu.memory_space<vmem_shared>> -> memref<10240x128xf32, #tpu.memory_space<vmem_shared>>
        tpu.wait_indirect_dma semaphore(%arg12 : memref<!tpu.dma_semaphore, #tpu.memory_space<semaphore_mem>>) src(%arg8 : memref<120x128xf32, #tpu.memory_space<vmem>>) dst(%dma_wait3A_69 : memref<10240x128xf32, #tpu.memory_space<vmem_shared>>)
      } else {
      }
      %dma_start3A_59 = arith.constant 0 : i32
      %dma_start3A_60 = arith.constant 0 : i32
      %dma_start3A_61 = tpu.memref_slice %arg14[%dma_start3A_59, %dma_start3A_60] : memref<10240x128xf32, #tpu.memory_space<vmem_shared>> -> memref<10240x128xf32, #tpu.memory_space<vmem_shared>>
      tpu.enqueue_indirect_dma source(%arg9 : memref<120x128xf32, #tpu.memory_space<vmem>>) target(%dma_start3A_61 : memref<10240x128xf32, #tpu.memory_space<vmem_shared>>) offsets(%arg7 : memref<120xi32, #tpu.memory_space<vmem>>) semaphore(%arg13 : memref<!tpu.dma_semaphore, #tpu.memory_space<semaphore_mem>>) {add = true}
      %lt3A_62 = arith.constant 49 : i32
      %lt3A_63 = arith.cmpi slt, %add3A_46, %lt3A_62 : i32
      %convert_element_type3A_64 = arith.extui %lt3A_63 : i1 to i32
      %cond3A_65 = arith.constant 0 : i32
      %cond3A_66 = arith.cmpi ne, %convert_element_type3A_64, %cond3A_65 : i32
      scf.if %cond3A_66 {
        %add3A_67 = arith.constant 120 : i32
        %add3A_68 = arith.addi %add3A_49, %add3A_67 : i32
        "tpu.region"() ({
          %run_scoped3A = tpu.sem_alloc : memref<!tpu.dma_semaphore, #tpu.memory_space<semaphore_mem>>
          %dma_start3A_75 = tpu.memref_slice %arg3[%add3A_68] : memref<192000xi32, #tpu.memory_space<hbm>> -> memref<120xi32, #tpu.memory_space<hbm>>
          %dma_start3A_76 = tpu.memref_slice %arg3[%add3A_68] : memref<192000xi32, #tpu.memory_space<hbm>> -> memref<120xi32, #tpu.memory_space<hbm>>
          tpu.enqueue_dma source(%dma_start3A_76 : memref<120xi32, #tpu.memory_space<hbm>>) target(%arg6 : memref<120xi32, #tpu.memory_space<vmem>>) target_semaphore(%run_scoped3A : memref<!tpu.dma_semaphore, #tpu.memory_space<semaphore_mem>>)
          %dma_wait3A_77 = tpu.memref_slice %arg3[%add3A_68] : memref<192000xi32, #tpu.memory_space<hbm>> -> memref<120xi32, #tpu.memory_space<hbm>>
          %dma_wait3A_78 = tpu.memref_slice %arg3[%add3A_68] : memref<192000xi32, #tpu.memory_space<hbm>> -> memref<120xi32, #tpu.memory_space<hbm>>
          tpu.wait_dma2 semaphore(%run_scoped3A : memref<!tpu.dma_semaphore, #tpu.memory_space<semaphore_mem>>) src(%dma_wait3A_78 : memref<120xi32, #tpu.memory_space<hbm>>) dst(%arg6 : memref<120xi32, #tpu.memory_space<vmem>>)
          tpu.yield
        }) : () -> ()
        %add3A_69 = arith.constant 120 : i32
        %add3A_70 = arith.addi %add3A_49, %add3A_69 : i32
        %dma_start3A_71 = arith.constant 0 : i32
        %dma_start3A_72 = tpu.memref_slice %arg2[%add3A_70, %dma_start3A_71] : memref<192000x128xf32, #tpu.memory_space<hbm>> -> memref<120x128xf32, #tpu.memory_space<hbm>>
        %dma_start3A_73 = arith.constant 0 : i32
        %dma_start3A_74 = tpu.memref_slice %arg2[%add3A_70, %dma_start3A_73] : memref<192000x128xf32, #tpu.memory_space<hbm>> -> memref<120x128xf32, #tpu.memory_space<hbm>>
        tpu.enqueue_dma source(%dma_start3A_74 : memref<120x128xf32, #tpu.memory_space<hbm>>) target(%arg8 : memref<120x128xf32, #tpu.memory_space<vmem>>) target_semaphore(%arg10 : memref<!tpu.dma_semaphore, #tpu.memory_space<semaphore_mem>>)
      } else {
      }
    }
    %scan3A_14 = arith.constant 25 : i32
    %dma_wait3A = arith.constant 0 : i32
    %dma_wait3A_15 = arith.constant 0 : i32
    %dma_wait3A_16 = tpu.memref_slice %arg14[%dma_wait3A, %dma_wait3A_15] : memref<10240x128xf32, #tpu.memory_space<vmem_shared>> -> memref<10240x128xf32, #tpu.memory_space<vmem_shared>>
    tpu.wait_indirect_dma semaphore(%arg13 : memref<!tpu.dma_semaphore, #tpu.memory_space<semaphore_mem>>) src(%arg9 : memref<120x128xf32, #tpu.memory_space<vmem>>) dst(%dma_wait3A_16 : memref<10240x128xf32, #tpu.memory_space<vmem_shared>>)
    %barrier3A_17 = arith.constant 0 : index
    tpu.barrier barrier_id(%barrier3A_17)
    %mul3A_18 = arith.constant 640 : i32
    %mul3A_19 = arith.muli %arg1, %mul3A_18 : i32
    %mul3A_20 = arith.constant 640 : i32
    %mul3A_21 = arith.muli %arg1, %mul3A_20 : i32
    "tpu.region"() ({
      %run_scoped3A = tpu.sem_alloc : memref<!tpu.dma_semaphore, #tpu.memory_space<semaphore_mem>>
      %dma_start3A_22 = arith.constant 0 : i32
      %dma_start3A_23 = tpu.memref_slice %arg5[%arg0, %mul3A_21, %dma_start3A_22] : memref<2x10240x128xf32, #tpu.memory_space<hbm>> -> memref<1x640x128xf32, #tpu.memory_space<hbm>>
      %dma_start3A_24 = tpu.memref_squeeze %dma_start3A_23 : memref<1x640x128xf32, #tpu.memory_space<hbm>> -> memref<640x128xf32, #tpu.memory_space<hbm>>
      %dma_start3A_25 = arith.constant 0 : i32
      %dma_start3A_26 = tpu.memref_slice %arg14[%mul3A_19, %dma_start3A_25] : memref<10240x128xf32, #tpu.memory_space<vmem_shared>> -> memref<640x128xf32, #tpu.memory_space<vmem_shared>>
      tpu.enqueue_dma source(%dma_start3A_26 : memref<640x128xf32, #tpu.memory_space<vmem_shared>>) target(%dma_start3A_24 : memref<640x128xf32, #tpu.memory_space<hbm>>) target_semaphore(%run_scoped3A : memref<!tpu.dma_semaphore, #tpu.memory_space<semaphore_mem>>)
      %dma_wait3A_27 = arith.constant 0 : i32
      %dma_wait3A_28 = tpu.memref_slice %arg5[%arg0, %mul3A_21, %dma_wait3A_27] : memref<2x10240x128xf32, #tpu.memory_space<hbm>> -> memref<1x640x128xf32, #tpu.memory_space<hbm>>
      %dma_wait3A_29 = tpu.memref_squeeze %dma_wait3A_28 : memref<1x640x128xf32, #tpu.memory_space<hbm>> -> memref<640x128xf32, #tpu.memory_space<hbm>>
      %dma_wait3A_30 = arith.constant 0 : i32
      %dma_wait3A_31 = tpu.memref_slice %arg14[%mul3A_19, %dma_wait3A_30] : memref<10240x128xf32, #tpu.memory_space<vmem_shared>> -> memref<640x128xf32, #tpu.memory_space<vmem_shared>>
      tpu.wait_dma2 semaphore(%run_scoped3A : memref<!tpu.dma_semaphore, #tpu.memory_space<semaphore_mem>>) src(%dma_wait3A_31 : memref<640x128xf32, #tpu.memory_space<vmem_shared>>) dst(%dma_wait3A_29 : memref<640x128xf32, #tpu.memory_space<hbm>>)
      tpu.yield
    }) : () -> ()
    return
  }
}

#map = affine_map<(d0, d1) -> (0, 0)>
#map1 = affine_map<(d0, d1) -> (0)>
#map2 = affine_map<(d0, d1) -> (0, 0, 0)>
module attributes {stable_mosaic.version = 14 : i64} {
  func.func @k(%arg0: i32, %arg1: i32, %arg2: memref<128000x128xf32, #tpu.memory_space<hbm>>, %arg3: memref<128000xi32, #tpu.memory_space<hbm>>, %arg4: memref<10240x128xf32, #tpu.memory_space<hbm>>, %arg5: memref<2x10240x128xf32, #tpu.memory_space<hbm>>, %arg6: memref<80xi32, #tpu.memory_space<vmem>>, %arg7: memref<80xi32, #tpu.memory_space<vmem>>, %arg8: memref<80x128xf32, #tpu.memory_space<vmem>>, %arg9: memref<80x128xf32, #tpu.memory_space<vmem>>, %arg10: memref<!tpu.dma_semaphore, #tpu.memory_space<semaphore_mem>>, %arg11: memref<!tpu.dma_semaphore, #tpu.memory_space<semaphore_mem>>, %arg12: memref<!tpu.dma_semaphore, #tpu.memory_space<semaphore_mem>>, %arg13: memref<!tpu.dma_semaphore, #tpu.memory_space<semaphore_mem>>, %arg14: memref<10240x128xf32, #tpu.memory_space<vmem_shared>>) attributes {dimension_semantics = [#tpu.dimension_semantics<core_parallel>, #tpu.dimension_semantics<subcore_parallel>], iteration_bounds = array<i64: 2, 16>, scalar_prefetch = 0 : i64, scratch_operands = 9 : i64, tpu.core_type = #tpu.core_type<sc_vector_subcore>, window_params = [{transform_indices = #map}, {transform_indices = #map1}, {transform_indices = #map}, {transform_indices = #map2}]} {
    %mul3A = arith.constant 2 : i32
    %mul3A_0 = arith.muli %arg1, %mul3A : i32
    %add3A = arith.addi %mul3A_0, %arg0 : i32
    %mul3A_1 = arith.constant 4000 : i32
    %mul3A_2 = arith.muli %add3A, %mul3A_1 : i32
    %mul3A_3 = arith.constant 640 : i32
    %mul3A_4 = arith.muli %arg1, %mul3A_3 : i32
    %mul3A_5 = arith.constant 640 : i32
    %mul3A_6 = arith.muli %arg1, %mul3A_5 : i32
    "tpu.region"() ({
      %run_scoped3A = tpu.sem_alloc : memref<!tpu.dma_semaphore, #tpu.memory_space<semaphore_mem>>
      %dma_start3A_22 = arith.constant 0 : i32
      %dma_start3A_23 = tpu.memref_slice %arg14[%mul3A_6, %dma_start3A_22] : memref<10240x128xf32, #tpu.memory_space<vmem_shared>> -> memref<640x128xf32, #tpu.memory_space<vmem_shared>>
      %dma_start3A_24 = arith.constant 0 : i32
      %dma_start3A_25 = tpu.memref_slice %arg4[%mul3A_4, %dma_start3A_24] : memref<10240x128xf32, #tpu.memory_space<hbm>> -> memref<640x128xf32, #tpu.memory_space<hbm>>
      tpu.enqueue_dma source(%dma_start3A_25 : memref<640x128xf32, #tpu.memory_space<hbm>>) target(%dma_start3A_23 : memref<640x128xf32, #tpu.memory_space<vmem_shared>>) target_semaphore(%run_scoped3A : memref<!tpu.dma_semaphore, #tpu.memory_space<semaphore_mem>>)
      %dma_wait3A_26 = arith.constant 0 : i32
      %dma_wait3A_27 = tpu.memref_slice %arg14[%mul3A_6, %dma_wait3A_26] : memref<10240x128xf32, #tpu.memory_space<vmem_shared>> -> memref<640x128xf32, #tpu.memory_space<vmem_shared>>
      %dma_wait3A_28 = arith.constant 0 : i32
      %dma_wait3A_29 = tpu.memref_slice %arg4[%mul3A_4, %dma_wait3A_28] : memref<10240x128xf32, #tpu.memory_space<hbm>> -> memref<640x128xf32, #tpu.memory_space<hbm>>
      tpu.wait_dma2 semaphore(%run_scoped3A : memref<!tpu.dma_semaphore, #tpu.memory_space<semaphore_mem>>) src(%dma_wait3A_29 : memref<640x128xf32, #tpu.memory_space<hbm>>) dst(%dma_wait3A_27 : memref<640x128xf32, #tpu.memory_space<vmem_shared>>)
      tpu.yield
    }) : () -> ()
    %barrier3A = arith.constant 0 : index
    tpu.barrier barrier_id(%barrier3A)
    "tpu.region"() ({
      %run_scoped3A = tpu.sem_alloc : memref<!tpu.dma_semaphore, #tpu.memory_space<semaphore_mem>>
      %dma_start3A_22 = tpu.memref_slice %arg3[%mul3A_2] : memref<128000xi32, #tpu.memory_space<hbm>> -> memref<80xi32, #tpu.memory_space<hbm>>
      %dma_start3A_23 = tpu.memref_slice %arg3[%mul3A_2] : memref<128000xi32, #tpu.memory_space<hbm>> -> memref<80xi32, #tpu.memory_space<hbm>>
      tpu.enqueue_dma source(%dma_start3A_23 : memref<80xi32, #tpu.memory_space<hbm>>) target(%arg6 : memref<80xi32, #tpu.memory_space<vmem>>) target_semaphore(%run_scoped3A : memref<!tpu.dma_semaphore, #tpu.memory_space<semaphore_mem>>)
      %dma_wait3A_24 = tpu.memref_slice %arg3[%mul3A_2] : memref<128000xi32, #tpu.memory_space<hbm>> -> memref<80xi32, #tpu.memory_space<hbm>>
      %dma_wait3A_25 = tpu.memref_slice %arg3[%mul3A_2] : memref<128000xi32, #tpu.memory_space<hbm>> -> memref<80xi32, #tpu.memory_space<hbm>>
      tpu.wait_dma2 semaphore(%run_scoped3A : memref<!tpu.dma_semaphore, #tpu.memory_space<semaphore_mem>>) src(%dma_wait3A_25 : memref<80xi32, #tpu.memory_space<hbm>>) dst(%arg6 : memref<80xi32, #tpu.memory_space<vmem>>)
      tpu.yield
    }) : () -> ()
    %dma_start3A = arith.constant 0 : i32
    %dma_start3A_7 = tpu.memref_slice %arg2[%mul3A_2, %dma_start3A] : memref<128000x128xf32, #tpu.memory_space<hbm>> -> memref<80x128xf32, #tpu.memory_space<hbm>>
    %dma_start3A_8 = arith.constant 0 : i32
    %dma_start3A_9 = tpu.memref_slice %arg2[%mul3A_2, %dma_start3A_8] : memref<128000x128xf32, #tpu.memory_space<hbm>> -> memref<80x128xf32, #tpu.memory_space<hbm>>
    tpu.enqueue_dma source(%dma_start3A_9 : memref<80x128xf32, #tpu.memory_space<hbm>>) target(%arg8 : memref<80x128xf32, #tpu.memory_space<vmem>>) target_semaphore(%arg10 : memref<!tpu.dma_semaphore, #tpu.memory_space<semaphore_mem>>)
    %scan3A = arith.constant 0 : i32
    %scan3A_10 = arith.constant 0 : i32
    %scan3A_11 = arith.constant 25 : i32
    %scan3A_12 = arith.addi %scan3A_10, %scan3A_11 : i32
    %scan3A_13 = arith.constant 1 : i32
    scf.for %scan3A_22 = %scan3A_10 to %scan3A_12 step %scan3A_13  : i32 {
      %mul3A_23 = arith.constant 2 : i32
      %mul3A_24 = arith.muli %scan3A_22, %mul3A_23 : i32
      %add3A_25 = arith.constant 0 : i32
      %add3A_26 = arith.addi %mul3A_24, %add3A_25 : i32
      %mul3A_27 = arith.constant 80 : i32
      %mul3A_28 = arith.muli %add3A_26, %mul3A_27 : i32
      %add3A_29 = arith.addi %mul3A_2, %mul3A_28 : i32
      %dma_wait3A_30 = arith.constant 0 : i32
      %dma_wait3A_31 = tpu.memref_slice %arg2[%add3A_29, %dma_wait3A_30] : memref<128000x128xf32, #tpu.memory_space<hbm>> -> memref<80x128xf32, #tpu.memory_space<hbm>>
      %dma_wait3A_32 = arith.constant 0 : i32
      %dma_wait3A_33 = tpu.memref_slice %arg2[%add3A_29, %dma_wait3A_32] : memref<128000x128xf32, #tpu.memory_space<hbm>> -> memref<80x128xf32, #tpu.memory_space<hbm>>
      tpu.wait_dma2 semaphore(%arg10 : memref<!tpu.dma_semaphore, #tpu.memory_space<semaphore_mem>>) src(%dma_wait3A_33 : memref<80x128xf32, #tpu.memory_space<hbm>>) dst(%arg8 : memref<80x128xf32, #tpu.memory_space<vmem>>)
      %ge3A = arith.constant 1 : i32
      %ge3A_34 = arith.cmpi sge, %add3A_26, %ge3A : i32
      %convert_element_type3A = arith.extui %ge3A_34 : i1 to i32
      %cond3A = arith.constant 0 : i32
      %cond3A_35 = arith.cmpi ne, %convert_element_type3A, %cond3A : i32
      scf.if %cond3A_35 {
        %dma_wait3A_67 = arith.constant 0 : i32
        %dma_wait3A_68 = arith.constant 0 : i32
        %dma_wait3A_69 = tpu.memref_slice %arg14[%dma_wait3A_67, %dma_wait3A_68] : memref<10240x128xf32, #tpu.memory_space<vmem_shared>> -> memref<10240x128xf32, #tpu.memory_space<vmem_shared>>
        tpu.wait_indirect_dma semaphore(%arg13 : memref<!tpu.dma_semaphore, #tpu.memory_space<semaphore_mem>>) src(%arg9 : memref<80x128xf32, #tpu.memory_space<vmem>>) dst(%dma_wait3A_69 : memref<10240x128xf32, #tpu.memory_space<vmem_shared>>)
      } else {
      }
      %dma_start3A_36 = arith.constant 0 : i32
      %dma_start3A_37 = arith.constant 0 : i32
      %dma_start3A_38 = tpu.memref_slice %arg14[%dma_start3A_36, %dma_start3A_37] : memref<10240x128xf32, #tpu.memory_space<vmem_shared>> -> memref<10240x128xf32, #tpu.memory_space<vmem_shared>>
      tpu.enqueue_indirect_dma source(%arg8 : memref<80x128xf32, #tpu.memory_space<vmem>>) target(%dma_start3A_38 : memref<10240x128xf32, #tpu.memory_space<vmem_shared>>) offsets(%arg6 : memref<80xi32, #tpu.memory_space<vmem>>) semaphore(%arg12 : memref<!tpu.dma_semaphore, #tpu.memory_space<semaphore_mem>>) {add = true}
      %lt3A = arith.constant 49 : i32
      %lt3A_39 = arith.cmpi slt, %add3A_26, %lt3A : i32
      %convert_element_type3A_40 = arith.extui %lt3A_39 : i1 to i32
      %cond3A_41 = arith.constant 0 : i32
      %cond3A_42 = arith.cmpi ne, %convert_element_type3A_40, %cond3A_41 : i32
      scf.if %cond3A_42 {
        %add3A_67 = arith.constant 80 : i32
        %add3A_68 = arith.addi %add3A_29, %add3A_67 : i32
        "tpu.region"() ({
          %run_scoped3A = tpu.sem_alloc : memref<!tpu.dma_semaphore, #tpu.memory_space<semaphore_mem>>
          %dma_start3A_75 = tpu.memref_slice %arg3[%add3A_68] : memref<128000xi32, #tpu.memory_space<hbm>> -> memref<80xi32, #tpu.memory_space<hbm>>
          %dma_start3A_76 = tpu.memref_slice %arg3[%add3A_68] : memref<128000xi32, #tpu.memory_space<hbm>> -> memref<80xi32, #tpu.memory_space<hbm>>
          tpu.enqueue_dma source(%dma_start3A_76 : memref<80xi32, #tpu.memory_space<hbm>>) target(%arg7 : memref<80xi32, #tpu.memory_space<vmem>>) target_semaphore(%run_scoped3A : memref<!tpu.dma_semaphore, #tpu.memory_space<semaphore_mem>>)
          %dma_wait3A_77 = tpu.memref_slice %arg3[%add3A_68] : memref<128000xi32, #tpu.memory_space<hbm>> -> memref<80xi32, #tpu.memory_space<hbm>>
          %dma_wait3A_78 = tpu.memref_slice %arg3[%add3A_68] : memref<128000xi32, #tpu.memory_space<hbm>> -> memref<80xi32, #tpu.memory_space<hbm>>
          tpu.wait_dma2 semaphore(%run_scoped3A : memref<!tpu.dma_semaphore, #tpu.memory_space<semaphore_mem>>) src(%dma_wait3A_78 : memref<80xi32, #tpu.memory_space<hbm>>) dst(%arg7 : memref<80xi32, #tpu.memory_space<vmem>>)
          tpu.yield
        }) : () -> ()
        %add3A_69 = arith.constant 80 : i32
        %add3A_70 = arith.addi %add3A_29, %add3A_69 : i32
        %dma_start3A_71 = arith.constant 0 : i32
        %dma_start3A_72 = tpu.memref_slice %arg2[%add3A_70, %dma_start3A_71] : memref<128000x128xf32, #tpu.memory_space<hbm>> -> memref<80x128xf32, #tpu.memory_space<hbm>>
        %dma_start3A_73 = arith.constant 0 : i32
        %dma_start3A_74 = tpu.memref_slice %arg2[%add3A_70, %dma_start3A_73] : memref<128000x128xf32, #tpu.memory_space<hbm>> -> memref<80x128xf32, #tpu.memory_space<hbm>>
        tpu.enqueue_dma source(%dma_start3A_74 : memref<80x128xf32, #tpu.memory_space<hbm>>) target(%arg9 : memref<80x128xf32, #tpu.memory_space<vmem>>) target_semaphore(%arg11 : memref<!tpu.dma_semaphore, #tpu.memory_space<semaphore_mem>>)
      } else {
      }
      %mul3A_43 = arith.constant 2 : i32
      %mul3A_44 = arith.muli %scan3A_22, %mul3A_43 : i32
      %add3A_45 = arith.constant 1 : i32
      %add3A_46 = arith.addi %mul3A_44, %add3A_45 : i32
      %mul3A_47 = arith.constant 80 : i32
      %mul3A_48 = arith.muli %add3A_46, %mul3A_47 : i32
      %add3A_49 = arith.addi %mul3A_2, %mul3A_48 : i32
      %dma_wait3A_50 = arith.constant 0 : i32
      %dma_wait3A_51 = tpu.memref_slice %arg2[%add3A_49, %dma_wait3A_50] : memref<128000x128xf32, #tpu.memory_space<hbm>> -> memref<80x128xf32, #tpu.memory_space<hbm>>
      %dma_wait3A_52 = arith.constant 0 : i32
      %dma_wait3A_53 = tpu.memref_slice %arg2[%add3A_49, %dma_wait3A_52] : memref<128000x128xf32, #tpu.memory_space<hbm>> -> memref<80x128xf32, #tpu.memory_space<hbm>>
      tpu.wait_dma2 semaphore(%arg11 : memref<!tpu.dma_semaphore, #tpu.memory_space<semaphore_mem>>) src(%dma_wait3A_53 : memref<80x128xf32, #tpu.memory_space<hbm>>) dst(%arg9 : memref<80x128xf32, #tpu.memory_space<vmem>>)
      %ge3A_54 = arith.constant 1 : i32
      %ge3A_55 = arith.cmpi sge, %add3A_46, %ge3A_54 : i32
      %convert_element_type3A_56 = arith.extui %ge3A_55 : i1 to i32
      %cond3A_57 = arith.constant 0 : i32
      %cond3A_58 = arith.cmpi ne, %convert_element_type3A_56, %cond3A_57 : i32
      scf.if %cond3A_58 {
        %dma_wait3A_67 = arith.constant 0 : i32
        %dma_wait3A_68 = arith.constant 0 : i32
        %dma_wait3A_69 = tpu.memref_slice %arg14[%dma_wait3A_67, %dma_wait3A_68] : memref<10240x128xf32, #tpu.memory_space<vmem_shared>> -> memref<10240x128xf32, #tpu.memory_space<vmem_shared>>
        tpu.wait_indirect_dma semaphore(%arg12 : memref<!tpu.dma_semaphore, #tpu.memory_space<semaphore_mem>>) src(%arg8 : memref<80x128xf32, #tpu.memory_space<vmem>>) dst(%dma_wait3A_69 : memref<10240x128xf32, #tpu.memory_space<vmem_shared>>)
      } else {
      }
      %dma_start3A_59 = arith.constant 0 : i32
      %dma_start3A_60 = arith.constant 0 : i32
      %dma_start3A_61 = tpu.memref_slice %arg14[%dma_start3A_59, %dma_start3A_60] : memref<10240x128xf32, #tpu.memory_space<vmem_shared>> -> memref<10240x128xf32, #tpu.memory_space<vmem_shared>>
      tpu.enqueue_indirect_dma source(%arg9 : memref<80x128xf32, #tpu.memory_space<vmem>>) target(%dma_start3A_61 : memref<10240x128xf32, #tpu.memory_space<vmem_shared>>) offsets(%arg7 : memref<80xi32, #tpu.memory_space<vmem>>) semaphore(%arg13 : memref<!tpu.dma_semaphore, #tpu.memory_space<semaphore_mem>>) {add = true}
      %lt3A_62 = arith.constant 49 : i32
      %lt3A_63 = arith.cmpi slt, %add3A_46, %lt3A_62 : i32
      %convert_element_type3A_64 = arith.extui %lt3A_63 : i1 to i32
      %cond3A_65 = arith.constant 0 : i32
      %cond3A_66 = arith.cmpi ne, %convert_element_type3A_64, %cond3A_65 : i32
      scf.if %cond3A_66 {
        %add3A_67 = arith.constant 80 : i32
        %add3A_68 = arith.addi %add3A_49, %add3A_67 : i32
        "tpu.region"() ({
          %run_scoped3A = tpu.sem_alloc : memref<!tpu.dma_semaphore, #tpu.memory_space<semaphore_mem>>
          %dma_start3A_75 = tpu.memref_slice %arg3[%add3A_68] : memref<128000xi32, #tpu.memory_space<hbm>> -> memref<80xi32, #tpu.memory_space<hbm>>
          %dma_start3A_76 = tpu.memref_slice %arg3[%add3A_68] : memref<128000xi32, #tpu.memory_space<hbm>> -> memref<80xi32, #tpu.memory_space<hbm>>
          tpu.enqueue_dma source(%dma_start3A_76 : memref<80xi32, #tpu.memory_space<hbm>>) target(%arg6 : memref<80xi32, #tpu.memory_space<vmem>>) target_semaphore(%run_scoped3A : memref<!tpu.dma_semaphore, #tpu.memory_space<semaphore_mem>>)
          %dma_wait3A_77 = tpu.memref_slice %arg3[%add3A_68] : memref<128000xi32, #tpu.memory_space<hbm>> -> memref<80xi32, #tpu.memory_space<hbm>>
          %dma_wait3A_78 = tpu.memref_slice %arg3[%add3A_68] : memref<128000xi32, #tpu.memory_space<hbm>> -> memref<80xi32, #tpu.memory_space<hbm>>
          tpu.wait_dma2 semaphore(%run_scoped3A : memref<!tpu.dma_semaphore, #tpu.memory_space<semaphore_mem>>) src(%dma_wait3A_78 : memref<80xi32, #tpu.memory_space<hbm>>) dst(%arg6 : memref<80xi32, #tpu.memory_space<vmem>>)
          tpu.yield
        }) : () -> ()
        %add3A_69 = arith.constant 80 : i32
        %add3A_70 = arith.addi %add3A_49, %add3A_69 : i32
        %dma_start3A_71 = arith.constant 0 : i32
        %dma_start3A_72 = tpu.memref_slice %arg2[%add3A_70, %dma_start3A_71] : memref<128000x128xf32, #tpu.memory_space<hbm>> -> memref<80x128xf32, #tpu.memory_space<hbm>>
        %dma_start3A_73 = arith.constant 0 : i32
        %dma_start3A_74 = tpu.memref_slice %arg2[%add3A_70, %dma_start3A_73] : memref<128000x128xf32, #tpu.memory_space<hbm>> -> memref<80x128xf32, #tpu.memory_space<hbm>>
        tpu.enqueue_dma source(%dma_start3A_74 : memref<80x128xf32, #tpu.memory_space<hbm>>) target(%arg8 : memref<80x128xf32, #tpu.memory_space<vmem>>) target_semaphore(%arg10 : memref<!tpu.dma_semaphore, #tpu.memory_space<semaphore_mem>>)
      } else {
      }
    }
    %scan3A_14 = arith.constant 25 : i32
    %dma_wait3A = arith.constant 0 : i32
    %dma_wait3A_15 = arith.constant 0 : i32
    %dma_wait3A_16 = tpu.memref_slice %arg14[%dma_wait3A, %dma_wait3A_15] : memref<10240x128xf32, #tpu.memory_space<vmem_shared>> -> memref<10240x128xf32, #tpu.memory_space<vmem_shared>>
    tpu.wait_indirect_dma semaphore(%arg13 : memref<!tpu.dma_semaphore, #tpu.memory_space<semaphore_mem>>) src(%arg9 : memref<80x128xf32, #tpu.memory_space<vmem>>) dst(%dma_wait3A_16 : memref<10240x128xf32, #tpu.memory_space<vmem_shared>>)
    %barrier3A_17 = arith.constant 0 : index
    tpu.barrier barrier_id(%barrier3A_17)
    %mul3A_18 = arith.constant 640 : i32
    %mul3A_19 = arith.muli %arg1, %mul3A_18 : i32
    %mul3A_20 = arith.constant 640 : i32
    %mul3A_21 = arith.muli %arg1, %mul3A_20 : i32
    "tpu.region"() ({
      %run_scoped3A = tpu.sem_alloc : memref<!tpu.dma_semaphore, #tpu.memory_space<semaphore_mem>>
      %dma_start3A_22 = arith.constant 0 : i32
      %dma_start3A_23 = tpu.memref_slice %arg5[%arg0, %mul3A_21, %dma_start3A_22] : memref<2x10240x128xf32, #tpu.memory_space<hbm>> -> memref<1x640x128xf32, #tpu.memory_space<hbm>>
      %dma_start3A_24 = tpu.memref_squeeze %dma_start3A_23 : memref<1x640x128xf32, #tpu.memory_space<hbm>> -> memref<640x128xf32, #tpu.memory_space<hbm>>
      %dma_start3A_25 = arith.constant 0 : i32
      %dma_start3A_26 = tpu.memref_slice %arg14[%mul3A_19, %dma_start3A_25] : memref<10240x128xf32, #tpu.memory_space<vmem_shared>> -> memref<640x128xf32, #tpu.memory_space<vmem_shared>>
      tpu.enqueue_dma source(%dma_start3A_26 : memref<640x128xf32, #tpu.memory_space<vmem_shared>>) target(%dma_start3A_24 : memref<640x128xf32, #tpu.memory_space<hbm>>) target_semaphore(%run_scoped3A : memref<!tpu.dma_semaphore, #tpu.memory_space<semaphore_mem>>)
      %dma_wait3A_27 = arith.constant 0 : i32
      %dma_wait3A_28 = tpu.memref_slice %arg5[%arg0, %mul3A_21, %dma_wait3A_27] : memref<2x10240x128xf32, #tpu.memory_space<hbm>> -> memref<1x640x128xf32, #tpu.memory_space<hbm>>
      %dma_wait3A_29 = tpu.memref_squeeze %dma_wait3A_28 : memref<1x640x128xf32, #tpu.memory_space<hbm>> -> memref<640x128xf32, #tpu.memory_space<hbm>>
      %dma_wait3A_30 = arith.constant 0 : i32
      %dma_wait3A_31 = tpu.memref_slice %arg14[%mul3A_19, %dma_wait3A_30] : memref<10240x128xf32, #tpu.memory_space<vmem_shared>> -> memref<640x128xf32, #tpu.memory_space<vmem_shared>>
      tpu.wait_dma2 semaphore(%run_scoped3A : memref<!tpu.dma_semaphore, #tpu.memory_space<semaphore_mem>>) src(%dma_wait3A_31 : memref<640x128xf32, #tpu.memory_space<vmem_shared>>) dst(%dma_wait3A_29 : memref<640x128xf32, #tpu.memory_space<hbm>>)
      tpu.yield
    }) : () -> ()
    return
  }
}

#map = affine_map<(d0, d1) -> (0, 0)>
#map1 = affine_map<(d0, d1) -> (0)>
module attributes {stable_mosaic.version = 14 : i64} {
  func.func @k(%arg0: i32, %arg1: i32, %arg2: memref<10240x128xf32, #tpu.memory_space<hbm>>, %arg3: memref<192000xi32, #tpu.memory_space<hbm>>, %arg4: memref<192000x128xf32, #tpu.memory_space<hbm>>, %arg5: memref<120xi32, #tpu.memory_space<vmem>>, %arg6: memref<120xi32, #tpu.memory_space<vmem>>, %arg7: memref<120x128xf32, #tpu.memory_space<vmem>>, %arg8: memref<120x128xf32, #tpu.memory_space<vmem>>, %arg9: memref<!tpu.dma_semaphore, #tpu.memory_space<semaphore_mem>>, %arg10: memref<!tpu.dma_semaphore, #tpu.memory_space<semaphore_mem>>, %arg11: memref<!tpu.dma_semaphore, #tpu.memory_space<semaphore_mem>>, %arg12: memref<!tpu.dma_semaphore, #tpu.memory_space<semaphore_mem>>) attributes {dimension_semantics = [#tpu.dimension_semantics<core_parallel>, #tpu.dimension_semantics<subcore_parallel>], iteration_bounds = array<i64: 2, 16>, scalar_prefetch = 0 : i64, scratch_operands = 8 : i64, tpu.core_type = #tpu.core_type<sc_vector_subcore>, window_params = [{transform_indices = #map}, {transform_indices = #map1}, {transform_indices = #map}]} {
    %mul3A = arith.constant 2 : i32
    %mul3A_0 = arith.muli %arg1, %mul3A : i32
    %add3A = arith.addi %mul3A_0, %arg0 : i32
    %mul3A_1 = arith.constant 6000 : i32
    %mul3A_2 = arith.muli %add3A, %mul3A_1 : i32
    "tpu.region"() ({
      %run_scoped3A = tpu.sem_alloc : memref<!tpu.dma_semaphore, #tpu.memory_space<semaphore_mem>>
      %dma_start3A_19 = tpu.memref_slice %arg3[%mul3A_2] : memref<192000xi32, #tpu.memory_space<hbm>> -> memref<120xi32, #tpu.memory_space<hbm>>
      %dma_start3A_20 = tpu.memref_slice %arg3[%mul3A_2] : memref<192000xi32, #tpu.memory_space<hbm>> -> memref<120xi32, #tpu.memory_space<hbm>>
      tpu.enqueue_dma source(%dma_start3A_20 : memref<120xi32, #tpu.memory_space<hbm>>) target(%arg5 : memref<120xi32, #tpu.memory_space<vmem>>) target_semaphore(%run_scoped3A : memref<!tpu.dma_semaphore, #tpu.memory_space<semaphore_mem>>)
      %dma_wait3A_21 = tpu.memref_slice %arg3[%mul3A_2] : memref<192000xi32, #tpu.memory_space<hbm>> -> memref<120xi32, #tpu.memory_space<hbm>>
      %dma_wait3A_22 = tpu.memref_slice %arg3[%mul3A_2] : memref<192000xi32, #tpu.memory_space<hbm>> -> memref<120xi32, #tpu.memory_space<hbm>>
      tpu.wait_dma2 semaphore(%run_scoped3A : memref<!tpu.dma_semaphore, #tpu.memory_space<semaphore_mem>>) src(%dma_wait3A_22 : memref<120xi32, #tpu.memory_space<hbm>>) dst(%arg5 : memref<120xi32, #tpu.memory_space<vmem>>)
      tpu.yield
    }) : () -> ()
    %add3A_3 = arith.constant 120 : i32
    %add3A_4 = arith.addi %mul3A_2, %add3A_3 : i32
    "tpu.region"() ({
      %run_scoped3A = tpu.sem_alloc : memref<!tpu.dma_semaphore, #tpu.memory_space<semaphore_mem>>
      %dma_start3A_19 = tpu.memref_slice %arg3[%add3A_4] : memref<192000xi32, #tpu.memory_space<hbm>> -> memref<120xi32, #tpu.memory_space<hbm>>
      %dma_start3A_20 = tpu.memref_slice %arg3[%add3A_4] : memref<192000xi32, #tpu.memory_space<hbm>> -> memref<120xi32, #tpu.memory_space<hbm>>
      tpu.enqueue_dma source(%dma_start3A_20 : memref<120xi32, #tpu.memory_space<hbm>>) target(%arg6 : memref<120xi32, #tpu.memory_space<vmem>>) target_semaphore(%run_scoped3A : memref<!tpu.dma_semaphore, #tpu.memory_space<semaphore_mem>>)
      %dma_wait3A_21 = tpu.memref_slice %arg3[%add3A_4] : memref<192000xi32, #tpu.memory_space<hbm>> -> memref<120xi32, #tpu.memory_space<hbm>>
      %dma_wait3A_22 = tpu.memref_slice %arg3[%add3A_4] : memref<192000xi32, #tpu.memory_space<hbm>> -> memref<120xi32, #tpu.memory_space<hbm>>
      tpu.wait_dma2 semaphore(%run_scoped3A : memref<!tpu.dma_semaphore, #tpu.memory_space<semaphore_mem>>) src(%dma_wait3A_22 : memref<120xi32, #tpu.memory_space<hbm>>) dst(%arg6 : memref<120xi32, #tpu.memory_space<vmem>>)
      tpu.yield
    }) : () -> ()
    %dma_start3A = arith.constant 0 : i32
    %dma_start3A_5 = arith.constant 0 : i32
    %dma_start3A_6 = tpu.memref_slice %arg2[%dma_start3A, %dma_start3A_5] : memref<10240x128xf32, #tpu.memory_space<hbm>> -> memref<10240x128xf32, #tpu.memory_space<hbm>>
    tpu.enqueue_indirect_dma source(%dma_start3A_6 : memref<10240x128xf32, #tpu.memory_space<hbm>>) target(%arg7 : memref<120x128xf32, #tpu.memory_space<vmem>>) offsets(%arg5 : memref<120xi32, #tpu.memory_space<vmem>>) semaphore(%arg9 : memref<!tpu.dma_semaphore, #tpu.memory_space<semaphore_mem>>)
    %scan3A = arith.constant 0 : i32
    %scan3A_7 = arith.constant 0 : i32
    %scan3A_8 = arith.constant 25 : i32
    %scan3A_9 = arith.addi %scan3A_7, %scan3A_8 : i32
    %scan3A_10 = arith.constant 1 : i32
    scf.for %scan3A_19 = %scan3A_7 to %scan3A_9 step %scan3A_10  : i32 {
      %mul3A_20 = arith.constant 2 : i32
      %mul3A_21 = arith.muli %scan3A_19, %mul3A_20 : i32
      %add3A_22 = arith.constant 0 : i32
      %add3A_23 = arith.addi %mul3A_21, %add3A_22 : i32
      %mul3A_24 = arith.constant 120 : i32
      %mul3A_25 = arith.muli %add3A_23, %mul3A_24 : i32
      %add3A_26 = arith.addi %mul3A_2, %mul3A_25 : i32
      %dma_wait3A_27 = arith.constant 0 : i32
      %dma_wait3A_28 = arith.constant 0 : i32
      %dma_wait3A_29 = tpu.memref_slice %arg2[%dma_wait3A_27, %dma_wait3A_28] : memref<10240x128xf32, #tpu.memory_space<hbm>> -> memref<10240x128xf32, #tpu.memory_space<hbm>>
      tpu.wait_indirect_dma semaphore(%arg9 : memref<!tpu.dma_semaphore, #tpu.memory_space<semaphore_mem>>) src(%dma_wait3A_29 : memref<10240x128xf32, #tpu.memory_space<hbm>>) dst(%arg7 : memref<120x128xf32, #tpu.memory_space<vmem>>)
      %dma_start3A_30 = arith.constant 0 : i32
      %dma_start3A_31 = tpu.memref_slice %arg4[%add3A_26, %dma_start3A_30] : memref<192000x128xf32, #tpu.memory_space<hbm>> -> memref<120x128xf32, #tpu.memory_space<hbm>>
      %dma_start3A_32 = arith.constant 0 : i32
      %dma_start3A_33 = tpu.memref_slice %arg4[%add3A_26, %dma_start3A_32] : memref<192000x128xf32, #tpu.memory_space<hbm>> -> memref<120x128xf32, #tpu.memory_space<hbm>>
      tpu.enqueue_dma source(%arg7 : memref<120x128xf32, #tpu.memory_space<vmem>>) target(%dma_start3A_33 : memref<120x128xf32, #tpu.memory_space<hbm>>) target_semaphore(%arg11 : memref<!tpu.dma_semaphore, #tpu.memory_space<semaphore_mem>>)
      %lt3A = arith.constant 49 : i32
      %lt3A_34 = arith.cmpi slt, %add3A_23, %lt3A : i32
      %convert_element_type3A = arith.extui %lt3A_34 : i1 to i32
      %cond3A = arith.constant 0 : i32
      %cond3A_35 = arith.cmpi ne, %convert_element_type3A, %cond3A : i32
      scf.if %cond3A_35 {
        %ge3A = arith.constant 1 : i32
        %ge3A_65 = arith.cmpi sge, %add3A_23, %ge3A : i32
        %convert_element_type3A_66 = arith.extui %ge3A_65 : i1 to i32
        %cond3A_67 = arith.constant 0 : i32
        %cond3A_68 = arith.cmpi ne, %convert_element_type3A_66, %cond3A_67 : i32
        scf.if %cond3A_68 {
          %dma_wait3A_72 = arith.constant 0 : i32
          %dma_wait3A_73 = tpu.memref_slice %arg4[%add3A_26, %dma_wait3A_72] : memref<192000x128xf32, #tpu.memory_space<hbm>> -> memref<120x128xf32, #tpu.memory_space<hbm>>
          %dma_wait3A_74 = arith.constant 0 : i32
          %dma_wait3A_75 = tpu.memref_slice %arg4[%add3A_26, %dma_wait3A_74] : memref<192000x128xf32, #tpu.memory_space<hbm>> -> memref<120x128xf32, #tpu.memory_space<hbm>>
          tpu.wait_dma2 semaphore(%arg12 : memref<!tpu.dma_semaphore, #tpu.memory_space<semaphore_mem>>) src(%arg8 : memref<120x128xf32, #tpu.memory_space<vmem>>) dst(%dma_wait3A_75 : memref<120x128xf32, #tpu.memory_space<hbm>>)
        } else {
        }
        %dma_start3A_69 = arith.constant 0 : i32
        %dma_start3A_70 = arith.constant 0 : i32
        %dma_start3A_71 = tpu.memref_slice %arg2[%dma_start3A_69, %dma_start3A_70] : memref<10240x128xf32, #tpu.memory_space<hbm>> -> memref<10240x128xf32, #tpu.memory_space<hbm>>
        tpu.enqueue_indirect_dma source(%dma_start3A_71 : memref<10240x128xf32, #tpu.memory_space<hbm>>) target(%arg8 : memref<120x128xf32, #tpu.memory_space<vmem>>) offsets(%arg6 : memref<120xi32, #tpu.memory_space<vmem>>) semaphore(%arg10 : memref<!tpu.dma_semaphore, #tpu.memory_space<semaphore_mem>>)
      } else {
      }
      %lt3A_36 = arith.constant 48 : i32
      %lt3A_37 = arith.cmpi slt, %add3A_23, %lt3A_36 : i32
      %convert_element_type3A_38 = arith.extui %lt3A_37 : i1 to i32
      %cond3A_39 = arith.constant 0 : i32
      %cond3A_40 = arith.cmpi ne, %convert_element_type3A_38, %cond3A_39 : i32
      scf.if %cond3A_40 {
        %add3A_65 = arith.constant 240 : i32
        %add3A_66 = arith.addi %add3A_26, %add3A_65 : i32
        "tpu.region"() ({
          %run_scoped3A = tpu.sem_alloc : memref<!tpu.dma_semaphore, #tpu.memory_space<semaphore_mem>>
          %dma_start3A_67 = tpu.memref_slice %arg3[%add3A_66] : memref<192000xi32, #tpu.memory_space<hbm>> -> memref<120xi32, #tpu.memory_space<hbm>>
          %dma_start3A_68 = tpu.memref_slice %arg3[%add3A_66] : memref<192000xi32, #tpu.memory_space<hbm>> -> memref<120xi32, #tpu.memory_space<hbm>>
          tpu.enqueue_dma source(%dma_start3A_68 : memref<120xi32, #tpu.memory_space<hbm>>) target(%arg5 : memref<120xi32, #tpu.memory_space<vmem>>) target_semaphore(%run_scoped3A : memref<!tpu.dma_semaphore, #tpu.memory_space<semaphore_mem>>)
          %dma_wait3A_69 = tpu.memref_slice %arg3[%add3A_66] : memref<192000xi32, #tpu.memory_space<hbm>> -> memref<120xi32, #tpu.memory_space<hbm>>
          %dma_wait3A_70 = tpu.memref_slice %arg3[%add3A_66] : memref<192000xi32, #tpu.memory_space<hbm>> -> memref<120xi32, #tpu.memory_space<hbm>>
          tpu.wait_dma2 semaphore(%run_scoped3A : memref<!tpu.dma_semaphore, #tpu.memory_space<semaphore_mem>>) src(%dma_wait3A_70 : memref<120xi32, #tpu.memory_space<hbm>>) dst(%arg5 : memref<120xi32, #tpu.memory_space<vmem>>)
          tpu.yield
        }) : () -> ()
      } else {
      }
      %mul3A_41 = arith.constant 2 : i32
      %mul3A_42 = arith.muli %scan3A_19, %mul3A_41 : i32
      %add3A_43 = arith.constant 1 : i32
      %add3A_44 = arith.addi %mul3A_42, %add3A_43 : i32
      %mul3A_45 = arith.constant 120 : i32
      %mul3A_46 = arith.muli %add3A_44, %mul3A_45 : i32
      %add3A_47 = arith.addi %mul3A_2, %mul3A_46 : i32
      %dma_wait3A_48 = arith.constant 0 : i32
      %dma_wait3A_49 = arith.constant 0 : i32
      %dma_wait3A_50 = tpu.memref_slice %arg2[%dma_wait3A_48, %dma_wait3A_49] : memref<10240x128xf32, #tpu.memory_space<hbm>> -> memref<10240x128xf32, #tpu.memory_space<hbm>>
      tpu.wait_indirect_dma semaphore(%arg10 : memref<!tpu.dma_semaphore, #tpu.memory_space<semaphore_mem>>) src(%dma_wait3A_50 : memref<10240x128xf32, #tpu.memory_space<hbm>>) dst(%arg8 : memref<120x128xf32, #tpu.memory_space<vmem>>)
      %dma_start3A_51 = arith.constant 0 : i32
      %dma_start3A_52 = tpu.memref_slice %arg4[%add3A_47, %dma_start3A_51] : memref<192000x128xf32, #tpu.memory_space<hbm>> -> memref<120x128xf32, #tpu.memory_space<hbm>>
      %dma_start3A_53 = arith.constant 0 : i32
      %dma_start3A_54 = tpu.memref_slice %arg4[%add3A_47, %dma_start3A_53] : memref<192000x128xf32, #tpu.memory_space<hbm>> -> memref<120x128xf32, #tpu.memory_space<hbm>>
      tpu.enqueue_dma source(%arg8 : memref<120x128xf32, #tpu.memory_space<vmem>>) target(%dma_start3A_54 : memref<120x128xf32, #tpu.memory_space<hbm>>) target_semaphore(%arg12 : memref<!tpu.dma_semaphore, #tpu.memory_space<semaphore_mem>>)
      %lt3A_55 = arith.constant 49 : i32
      %lt3A_56 = arith.cmpi slt, %add3A_44, %lt3A_55 : i32
      %convert_element_type3A_57 = arith.extui %lt3A_56 : i1 to i32
      %cond3A_58 = arith.constant 0 : i32
      %cond3A_59 = arith.cmpi ne, %convert_element_type3A_57, %cond3A_58 : i32
      scf.if %cond3A_59 {
        %ge3A = arith.constant 1 : i32
        %ge3A_65 = arith.cmpi sge, %add3A_44, %ge3A : i32
        %convert_element_type3A_66 = arith.extui %ge3A_65 : i1 to i32
        %cond3A_67 = arith.constant 0 : i32
        %cond3A_68 = arith.cmpi ne, %convert_element_type3A_66, %cond3A_67 : i32
        scf.if %cond3A_68 {
          %dma_wait3A_72 = arith.constant 0 : i32
          %dma_wait3A_73 = tpu.memref_slice %arg4[%add3A_47, %dma_wait3A_72] : memref<192000x128xf32, #tpu.memory_space<hbm>> -> memref<120x128xf32, #tpu.memory_space<hbm>>
          %dma_wait3A_74 = arith.constant 0 : i32
          %dma_wait3A_75 = tpu.memref_slice %arg4[%add3A_47, %dma_wait3A_74] : memref<192000x128xf32, #tpu.memory_space<hbm>> -> memref<120x128xf32, #tpu.memory_space<hbm>>
          tpu.wait_dma2 semaphore(%arg11 : memref<!tpu.dma_semaphore, #tpu.memory_space<semaphore_mem>>) src(%arg7 : memref<120x128xf32, #tpu.memory_space<vmem>>) dst(%dma_wait3A_75 : memref<120x128xf32, #tpu.memory_space<hbm>>)
        } else {
        }
        %dma_start3A_69 = arith.constant 0 : i32
        %dma_start3A_70 = arith.constant 0 : i32
        %dma_start3A_71 = tpu.memref_slice %arg2[%dma_start3A_69, %dma_start3A_70] : memref<10240x128xf32, #tpu.memory_space<hbm>> -> memref<10240x128xf32, #tpu.memory_space<hbm>>
        tpu.enqueue_indirect_dma source(%dma_start3A_71 : memref<10240x128xf32, #tpu.memory_space<hbm>>) target(%arg7 : memref<120x128xf32, #tpu.memory_space<vmem>>) offsets(%arg5 : memref<120xi32, #tpu.memory_space<vmem>>) semaphore(%arg9 : memref<!tpu.dma_semaphore, #tpu.memory_space<semaphore_mem>>)
      } else {
      }
      %lt3A_60 = arith.constant 48 : i32
      %lt3A_61 = arith.cmpi slt, %add3A_44, %lt3A_60 : i32
      %convert_element_type3A_62 = arith.extui %lt3A_61 : i1 to i32
      %cond3A_63 = arith.constant 0 : i32
      %cond3A_64 = arith.cmpi ne, %convert_element_type3A_62, %cond3A_63 : i32
      scf.if %cond3A_64 {
        %add3A_65 = arith.constant 240 : i32
        %add3A_66 = arith.addi %add3A_47, %add3A_65 : i32
        "tpu.region"() ({
          %run_scoped3A = tpu.sem_alloc : memref<!tpu.dma_semaphore, #tpu.memory_space<semaphore_mem>>
          %dma_start3A_67 = tpu.memref_slice %arg3[%add3A_66] : memref<192000xi32, #tpu.memory_space<hbm>> -> memref<120xi32, #tpu.memory_space<hbm>>
          %dma_start3A_68 = tpu.memref_slice %arg3[%add3A_66] : memref<192000xi32, #tpu.memory_space<hbm>> -> memref<120xi32, #tpu.memory_space<hbm>>
          tpu.enqueue_dma source(%dma_start3A_68 : memref<120xi32, #tpu.memory_space<hbm>>) target(%arg6 : memref<120xi32, #tpu.memory_space<vmem>>) target_semaphore(%run_scoped3A : memref<!tpu.dma_semaphore, #tpu.memory_space<semaphore_mem>>)
          %dma_wait3A_69 = tpu.memref_slice %arg3[%add3A_66] : memref<192000xi32, #tpu.memory_space<hbm>> -> memref<120xi32, #tpu.memory_space<hbm>>
          %dma_wait3A_70 = tpu.memref_slice %arg3[%add3A_66] : memref<192000xi32, #tpu.memory_space<hbm>> -> memref<120xi32, #tpu.memory_space<hbm>>
          tpu.wait_dma2 semaphore(%run_scoped3A : memref<!tpu.dma_semaphore, #tpu.memory_space<semaphore_mem>>) src(%dma_wait3A_70 : memref<120xi32, #tpu.memory_space<hbm>>) dst(%arg6 : memref<120xi32, #tpu.memory_space<vmem>>)
          tpu.yield
        }) : () -> ()
      } else {
      }
    }
    %scan3A_11 = arith.constant 25 : i32
    %dma_wait3A = arith.constant 0 : i32
    %dma_wait3A_12 = tpu.memref_slice %arg4[%mul3A_2, %dma_wait3A] : memref<192000x128xf32, #tpu.memory_space<hbm>> -> memref<120x128xf32, #tpu.memory_space<hbm>>
    %dma_wait3A_13 = arith.constant 0 : i32
    %dma_wait3A_14 = tpu.memref_slice %arg4[%mul3A_2, %dma_wait3A_13] : memref<192000x128xf32, #tpu.memory_space<hbm>> -> memref<120x128xf32, #tpu.memory_space<hbm>>
    tpu.wait_dma2 semaphore(%arg11 : memref<!tpu.dma_semaphore, #tpu.memory_space<semaphore_mem>>) src(%arg7 : memref<120x128xf32, #tpu.memory_space<vmem>>) dst(%dma_wait3A_14 : memref<120x128xf32, #tpu.memory_space<hbm>>)
    %dma_wait3A_15 = arith.constant 0 : i32
    %dma_wait3A_16 = tpu.memref_slice %arg4[%mul3A_2, %dma_wait3A_15] : memref<192000x128xf32, #tpu.memory_space<hbm>> -> memref<120x128xf32, #tpu.memory_space<hbm>>
    %dma_wait3A_17 = arith.constant 0 : i32
    %dma_wait3A_18 = tpu.memref_slice %arg4[%mul3A_2, %dma_wait3A_17] : memref<192000x128xf32, #tpu.memory_space<hbm>> -> memref<120x128xf32, #tpu.memory_space<hbm>>
    tpu.wait_dma2 semaphore(%arg12 : memref<!tpu.dma_semaphore, #tpu.memory_space<semaphore_mem>>) src(%arg8 : memref<120x128xf32, #tpu.memory_space<vmem>>) dst(%dma_wait3A_18 : memref<120x128xf32, #tpu.memory_space<hbm>>)
    return
  }
}

#map = affine_map<(d0, d1) -> (0, 0)>
#map1 = affine_map<(d0, d1) -> (0)>
module attributes {stable_mosaic.version = 14 : i64} {
  func.func @k(%arg0: i32, %arg1: i32, %arg2: memref<10240x128xf32, #tpu.memory_space<hbm>>, %arg3: memref<128000xi32, #tpu.memory_space<hbm>>, %arg4: memref<128000x128xf32, #tpu.memory_space<hbm>>, %arg5: memref<80xi32, #tpu.memory_space<vmem>>, %arg6: memref<80xi32, #tpu.memory_space<vmem>>, %arg7: memref<80x128xf32, #tpu.memory_space<vmem>>, %arg8: memref<80x128xf32, #tpu.memory_space<vmem>>, %arg9: memref<!tpu.dma_semaphore, #tpu.memory_space<semaphore_mem>>, %arg10: memref<!tpu.dma_semaphore, #tpu.memory_space<semaphore_mem>>, %arg11: memref<!tpu.dma_semaphore, #tpu.memory_space<semaphore_mem>>, %arg12: memref<!tpu.dma_semaphore, #tpu.memory_space<semaphore_mem>>) attributes {dimension_semantics = [#tpu.dimension_semantics<core_parallel>, #tpu.dimension_semantics<subcore_parallel>], iteration_bounds = array<i64: 2, 16>, scalar_prefetch = 0 : i64, scratch_operands = 8 : i64, tpu.core_type = #tpu.core_type<sc_vector_subcore>, window_params = [{transform_indices = #map}, {transform_indices = #map1}, {transform_indices = #map}]} {
    %mul3A = arith.constant 2 : i32
    %mul3A_0 = arith.muli %arg1, %mul3A : i32
    %add3A = arith.addi %mul3A_0, %arg0 : i32
    %mul3A_1 = arith.constant 4000 : i32
    %mul3A_2 = arith.muli %add3A, %mul3A_1 : i32
    "tpu.region"() ({
      %run_scoped3A = tpu.sem_alloc : memref<!tpu.dma_semaphore, #tpu.memory_space<semaphore_mem>>
      %dma_start3A_19 = tpu.memref_slice %arg3[%mul3A_2] : memref<128000xi32, #tpu.memory_space<hbm>> -> memref<80xi32, #tpu.memory_space<hbm>>
      %dma_start3A_20 = tpu.memref_slice %arg3[%mul3A_2] : memref<128000xi32, #tpu.memory_space<hbm>> -> memref<80xi32, #tpu.memory_space<hbm>>
      tpu.enqueue_dma source(%dma_start3A_20 : memref<80xi32, #tpu.memory_space<hbm>>) target(%arg5 : memref<80xi32, #tpu.memory_space<vmem>>) target_semaphore(%run_scoped3A : memref<!tpu.dma_semaphore, #tpu.memory_space<semaphore_mem>>)
      %dma_wait3A_21 = tpu.memref_slice %arg3[%mul3A_2] : memref<128000xi32, #tpu.memory_space<hbm>> -> memref<80xi32, #tpu.memory_space<hbm>>
      %dma_wait3A_22 = tpu.memref_slice %arg3[%mul3A_2] : memref<128000xi32, #tpu.memory_space<hbm>> -> memref<80xi32, #tpu.memory_space<hbm>>
      tpu.wait_dma2 semaphore(%run_scoped3A : memref<!tpu.dma_semaphore, #tpu.memory_space<semaphore_mem>>) src(%dma_wait3A_22 : memref<80xi32, #tpu.memory_space<hbm>>) dst(%arg5 : memref<80xi32, #tpu.memory_space<vmem>>)
      tpu.yield
    }) : () -> ()
    %add3A_3 = arith.constant 80 : i32
    %add3A_4 = arith.addi %mul3A_2, %add3A_3 : i32
    "tpu.region"() ({
      %run_scoped3A = tpu.sem_alloc : memref<!tpu.dma_semaphore, #tpu.memory_space<semaphore_mem>>
      %dma_start3A_19 = tpu.memref_slice %arg3[%add3A_4] : memref<128000xi32, #tpu.memory_space<hbm>> -> memref<80xi32, #tpu.memory_space<hbm>>
      %dma_start3A_20 = tpu.memref_slice %arg3[%add3A_4] : memref<128000xi32, #tpu.memory_space<hbm>> -> memref<80xi32, #tpu.memory_space<hbm>>
      tpu.enqueue_dma source(%dma_start3A_20 : memref<80xi32, #tpu.memory_space<hbm>>) target(%arg6 : memref<80xi32, #tpu.memory_space<vmem>>) target_semaphore(%run_scoped3A : memref<!tpu.dma_semaphore, #tpu.memory_space<semaphore_mem>>)
      %dma_wait3A_21 = tpu.memref_slice %arg3[%add3A_4] : memref<128000xi32, #tpu.memory_space<hbm>> -> memref<80xi32, #tpu.memory_space<hbm>>
      %dma_wait3A_22 = tpu.memref_slice %arg3[%add3A_4] : memref<128000xi32, #tpu.memory_space<hbm>> -> memref<80xi32, #tpu.memory_space<hbm>>
      tpu.wait_dma2 semaphore(%run_scoped3A : memref<!tpu.dma_semaphore, #tpu.memory_space<semaphore_mem>>) src(%dma_wait3A_22 : memref<80xi32, #tpu.memory_space<hbm>>) dst(%arg6 : memref<80xi32, #tpu.memory_space<vmem>>)
      tpu.yield
    }) : () -> ()
    %dma_start3A = arith.constant 0 : i32
    %dma_start3A_5 = arith.constant 0 : i32
    %dma_start3A_6 = tpu.memref_slice %arg2[%dma_start3A, %dma_start3A_5] : memref<10240x128xf32, #tpu.memory_space<hbm>> -> memref<10240x128xf32, #tpu.memory_space<hbm>>
    tpu.enqueue_indirect_dma source(%dma_start3A_6 : memref<10240x128xf32, #tpu.memory_space<hbm>>) target(%arg7 : memref<80x128xf32, #tpu.memory_space<vmem>>) offsets(%arg5 : memref<80xi32, #tpu.memory_space<vmem>>) semaphore(%arg9 : memref<!tpu.dma_semaphore, #tpu.memory_space<semaphore_mem>>)
    %scan3A = arith.constant 0 : i32
    %scan3A_7 = arith.constant 0 : i32
    %scan3A_8 = arith.constant 25 : i32
    %scan3A_9 = arith.addi %scan3A_7, %scan3A_8 : i32
    %scan3A_10 = arith.constant 1 : i32
    scf.for %scan3A_19 = %scan3A_7 to %scan3A_9 step %scan3A_10  : i32 {
      %mul3A_20 = arith.constant 2 : i32
      %mul3A_21 = arith.muli %scan3A_19, %mul3A_20 : i32
      %add3A_22 = arith.constant 0 : i32
      %add3A_23 = arith.addi %mul3A_21, %add3A_22 : i32
      %mul3A_24 = arith.constant 80 : i32
      %mul3A_25 = arith.muli %add3A_23, %mul3A_24 : i32
      %add3A_26 = arith.addi %mul3A_2, %mul3A_25 : i32
      %dma_wait3A_27 = arith.constant 0 : i32
      %dma_wait3A_28 = arith.constant 0 : i32
      %dma_wait3A_29 = tpu.memref_slice %arg2[%dma_wait3A_27, %dma_wait3A_28] : memref<10240x128xf32, #tpu.memory_space<hbm>> -> memref<10240x128xf32, #tpu.memory_space<hbm>>
      tpu.wait_indirect_dma semaphore(%arg9 : memref<!tpu.dma_semaphore, #tpu.memory_space<semaphore_mem>>) src(%dma_wait3A_29 : memref<10240x128xf32, #tpu.memory_space<hbm>>) dst(%arg7 : memref<80x128xf32, #tpu.memory_space<vmem>>)
      %dma_start3A_30 = arith.constant 0 : i32
      %dma_start3A_31 = tpu.memref_slice %arg4[%add3A_26, %dma_start3A_30] : memref<128000x128xf32, #tpu.memory_space<hbm>> -> memref<80x128xf32, #tpu.memory_space<hbm>>
      %dma_start3A_32 = arith.constant 0 : i32
      %dma_start3A_33 = tpu.memref_slice %arg4[%add3A_26, %dma_start3A_32] : memref<128000x128xf32, #tpu.memory_space<hbm>> -> memref<80x128xf32, #tpu.memory_space<hbm>>
      tpu.enqueue_dma source(%arg7 : memref<80x128xf32, #tpu.memory_space<vmem>>) target(%dma_start3A_33 : memref<80x128xf32, #tpu.memory_space<hbm>>) target_semaphore(%arg11 : memref<!tpu.dma_semaphore, #tpu.memory_space<semaphore_mem>>)
      %lt3A = arith.constant 49 : i32
      %lt3A_34 = arith.cmpi slt, %add3A_23, %lt3A : i32
      %convert_element_type3A = arith.extui %lt3A_34 : i1 to i32
      %cond3A = arith.constant 0 : i32
      %cond3A_35 = arith.cmpi ne, %convert_element_type3A, %cond3A : i32
      scf.if %cond3A_35 {
        %ge3A = arith.constant 1 : i32
        %ge3A_65 = arith.cmpi sge, %add3A_23, %ge3A : i32
        %convert_element_type3A_66 = arith.extui %ge3A_65 : i1 to i32
        %cond3A_67 = arith.constant 0 : i32
        %cond3A_68 = arith.cmpi ne, %convert_element_type3A_66, %cond3A_67 : i32
        scf.if %cond3A_68 {
          %dma_wait3A_72 = arith.constant 0 : i32
          %dma_wait3A_73 = tpu.memref_slice %arg4[%add3A_26, %dma_wait3A_72] : memref<128000x128xf32, #tpu.memory_space<hbm>> -> memref<80x128xf32, #tpu.memory_space<hbm>>
          %dma_wait3A_74 = arith.constant 0 : i32
          %dma_wait3A_75 = tpu.memref_slice %arg4[%add3A_26, %dma_wait3A_74] : memref<128000x128xf32, #tpu.memory_space<hbm>> -> memref<80x128xf32, #tpu.memory_space<hbm>>
          tpu.wait_dma2 semaphore(%arg12 : memref<!tpu.dma_semaphore, #tpu.memory_space<semaphore_mem>>) src(%arg8 : memref<80x128xf32, #tpu.memory_space<vmem>>) dst(%dma_wait3A_75 : memref<80x128xf32, #tpu.memory_space<hbm>>)
        } else {
        }
        %dma_start3A_69 = arith.constant 0 : i32
        %dma_start3A_70 = arith.constant 0 : i32
        %dma_start3A_71 = tpu.memref_slice %arg2[%dma_start3A_69, %dma_start3A_70] : memref<10240x128xf32, #tpu.memory_space<hbm>> -> memref<10240x128xf32, #tpu.memory_space<hbm>>
        tpu.enqueue_indirect_dma source(%dma_start3A_71 : memref<10240x128xf32, #tpu.memory_space<hbm>>) target(%arg8 : memref<80x128xf32, #tpu.memory_space<vmem>>) offsets(%arg6 : memref<80xi32, #tpu.memory_space<vmem>>) semaphore(%arg10 : memref<!tpu.dma_semaphore, #tpu.memory_space<semaphore_mem>>)
      } else {
      }
      %lt3A_36 = arith.constant 48 : i32
      %lt3A_37 = arith.cmpi slt, %add3A_23, %lt3A_36 : i32
      %convert_element_type3A_38 = arith.extui %lt3A_37 : i1 to i32
      %cond3A_39 = arith.constant 0 : i32
      %cond3A_40 = arith.cmpi ne, %convert_element_type3A_38, %cond3A_39 : i32
      scf.if %cond3A_40 {
        %add3A_65 = arith.constant 160 : i32
        %add3A_66 = arith.addi %add3A_26, %add3A_65 : i32
        "tpu.region"() ({
          %run_scoped3A = tpu.sem_alloc : memref<!tpu.dma_semaphore, #tpu.memory_space<semaphore_mem>>
          %dma_start3A_67 = tpu.memref_slice %arg3[%add3A_66] : memref<128000xi32, #tpu.memory_space<hbm>> -> memref<80xi32, #tpu.memory_space<hbm>>
          %dma_start3A_68 = tpu.memref_slice %arg3[%add3A_66] : memref<128000xi32, #tpu.memory_space<hbm>> -> memref<80xi32, #tpu.memory_space<hbm>>
          tpu.enqueue_dma source(%dma_start3A_68 : memref<80xi32, #tpu.memory_space<hbm>>) target(%arg5 : memref<80xi32, #tpu.memory_space<vmem>>) target_semaphore(%run_scoped3A : memref<!tpu.dma_semaphore, #tpu.memory_space<semaphore_mem>>)
          %dma_wait3A_69 = tpu.memref_slice %arg3[%add3A_66] : memref<128000xi32, #tpu.memory_space<hbm>> -> memref<80xi32, #tpu.memory_space<hbm>>
          %dma_wait3A_70 = tpu.memref_slice %arg3[%add3A_66] : memref<128000xi32, #tpu.memory_space<hbm>> -> memref<80xi32, #tpu.memory_space<hbm>>
          tpu.wait_dma2 semaphore(%run_scoped3A : memref<!tpu.dma_semaphore, #tpu.memory_space<semaphore_mem>>) src(%dma_wait3A_70 : memref<80xi32, #tpu.memory_space<hbm>>) dst(%arg5 : memref<80xi32, #tpu.memory_space<vmem>>)
          tpu.yield
        }) : () -> ()
      } else {
      }
      %mul3A_41 = arith.constant 2 : i32
      %mul3A_42 = arith.muli %scan3A_19, %mul3A_41 : i32
      %add3A_43 = arith.constant 1 : i32
      %add3A_44 = arith.addi %mul3A_42, %add3A_43 : i32
      %mul3A_45 = arith.constant 80 : i32
      %mul3A_46 = arith.muli %add3A_44, %mul3A_45 : i32
      %add3A_47 = arith.addi %mul3A_2, %mul3A_46 : i32
      %dma_wait3A_48 = arith.constant 0 : i32
      %dma_wait3A_49 = arith.constant 0 : i32
      %dma_wait3A_50 = tpu.memref_slice %arg2[%dma_wait3A_48, %dma_wait3A_49] : memref<10240x128xf32, #tpu.memory_space<hbm>> -> memref<10240x128xf32, #tpu.memory_space<hbm>>
      tpu.wait_indirect_dma semaphore(%arg10 : memref<!tpu.dma_semaphore, #tpu.memory_space<semaphore_mem>>) src(%dma_wait3A_50 : memref<10240x128xf32, #tpu.memory_space<hbm>>) dst(%arg8 : memref<80x128xf32, #tpu.memory_space<vmem>>)
      %dma_start3A_51 = arith.constant 0 : i32
      %dma_start3A_52 = tpu.memref_slice %arg4[%add3A_47, %dma_start3A_51] : memref<128000x128xf32, #tpu.memory_space<hbm>> -> memref<80x128xf32, #tpu.memory_space<hbm>>
      %dma_start3A_53 = arith.constant 0 : i32
      %dma_start3A_54 = tpu.memref_slice %arg4[%add3A_47, %dma_start3A_53] : memref<128000x128xf32, #tpu.memory_space<hbm>> -> memref<80x128xf32, #tpu.memory_space<hbm>>
      tpu.enqueue_dma source(%arg8 : memref<80x128xf32, #tpu.memory_space<vmem>>) target(%dma_start3A_54 : memref<80x128xf32, #tpu.memory_space<hbm>>) target_semaphore(%arg12 : memref<!tpu.dma_semaphore, #tpu.memory_space<semaphore_mem>>)
      %lt3A_55 = arith.constant 49 : i32
      %lt3A_56 = arith.cmpi slt, %add3A_44, %lt3A_55 : i32
      %convert_element_type3A_57 = arith.extui %lt3A_56 : i1 to i32
      %cond3A_58 = arith.constant 0 : i32
      %cond3A_59 = arith.cmpi ne, %convert_element_type3A_57, %cond3A_58 : i32
      scf.if %cond3A_59 {
        %ge3A = arith.constant 1 : i32
        %ge3A_65 = arith.cmpi sge, %add3A_44, %ge3A : i32
        %convert_element_type3A_66 = arith.extui %ge3A_65 : i1 to i32
        %cond3A_67 = arith.constant 0 : i32
        %cond3A_68 = arith.cmpi ne, %convert_element_type3A_66, %cond3A_67 : i32
        scf.if %cond3A_68 {
          %dma_wait3A_72 = arith.constant 0 : i32
          %dma_wait3A_73 = tpu.memref_slice %arg4[%add3A_47, %dma_wait3A_72] : memref<128000x128xf32, #tpu.memory_space<hbm>> -> memref<80x128xf32, #tpu.memory_space<hbm>>
          %dma_wait3A_74 = arith.constant 0 : i32
          %dma_wait3A_75 = tpu.memref_slice %arg4[%add3A_47, %dma_wait3A_74] : memref<128000x128xf32, #tpu.memory_space<hbm>> -> memref<80x128xf32, #tpu.memory_space<hbm>>
          tpu.wait_dma2 semaphore(%arg11 : memref<!tpu.dma_semaphore, #tpu.memory_space<semaphore_mem>>) src(%arg7 : memref<80x128xf32, #tpu.memory_space<vmem>>) dst(%dma_wait3A_75 : memref<80x128xf32, #tpu.memory_space<hbm>>)
        } else {
        }
        %dma_start3A_69 = arith.constant 0 : i32
        %dma_start3A_70 = arith.constant 0 : i32
        %dma_start3A_71 = tpu.memref_slice %arg2[%dma_start3A_69, %dma_start3A_70] : memref<10240x128xf32, #tpu.memory_space<hbm>> -> memref<10240x128xf32, #tpu.memory_space<hbm>>
        tpu.enqueue_indirect_dma source(%dma_start3A_71 : memref<10240x128xf32, #tpu.memory_space<hbm>>) target(%arg7 : memref<80x128xf32, #tpu.memory_space<vmem>>) offsets(%arg5 : memref<80xi32, #tpu.memory_space<vmem>>) semaphore(%arg9 : memref<!tpu.dma_semaphore, #tpu.memory_space<semaphore_mem>>)
      } else {
      }
      %lt3A_60 = arith.constant 48 : i32
      %lt3A_61 = arith.cmpi slt, %add3A_44, %lt3A_60 : i32
      %convert_element_type3A_62 = arith.extui %lt3A_61 : i1 to i32
      %cond3A_63 = arith.constant 0 : i32
      %cond3A_64 = arith.cmpi ne, %convert_element_type3A_62, %cond3A_63 : i32
      scf.if %cond3A_64 {
        %add3A_65 = arith.constant 160 : i32
        %add3A_66 = arith.addi %add3A_47, %add3A_65 : i32
        "tpu.region"() ({
          %run_scoped3A = tpu.sem_alloc : memref<!tpu.dma_semaphore, #tpu.memory_space<semaphore_mem>>
          %dma_start3A_67 = tpu.memref_slice %arg3[%add3A_66] : memref<128000xi32, #tpu.memory_space<hbm>> -> memref<80xi32, #tpu.memory_space<hbm>>
          %dma_start3A_68 = tpu.memref_slice %arg3[%add3A_66] : memref<128000xi32, #tpu.memory_space<hbm>> -> memref<80xi32, #tpu.memory_space<hbm>>
          tpu.enqueue_dma source(%dma_start3A_68 : memref<80xi32, #tpu.memory_space<hbm>>) target(%arg6 : memref<80xi32, #tpu.memory_space<vmem>>) target_semaphore(%run_scoped3A : memref<!tpu.dma_semaphore, #tpu.memory_space<semaphore_mem>>)
          %dma_wait3A_69 = tpu.memref_slice %arg3[%add3A_66] : memref<128000xi32, #tpu.memory_space<hbm>> -> memref<80xi32, #tpu.memory_space<hbm>>
          %dma_wait3A_70 = tpu.memref_slice %arg3[%add3A_66] : memref<128000xi32, #tpu.memory_space<hbm>> -> memref<80xi32, #tpu.memory_space<hbm>>
          tpu.wait_dma2 semaphore(%run_scoped3A : memref<!tpu.dma_semaphore, #tpu.memory_space<semaphore_mem>>) src(%dma_wait3A_70 : memref<80xi32, #tpu.memory_space<hbm>>) dst(%arg6 : memref<80xi32, #tpu.memory_space<vmem>>)
          tpu.yield
        }) : () -> ()
      } else {
      }
    }
    %scan3A_11 = arith.constant 25 : i32
    %dma_wait3A = arith.constant 0 : i32
    %dma_wait3A_12 = tpu.memref_slice %arg4[%mul3A_2, %dma_wait3A] : memref<128000x128xf32, #tpu.memory_space<hbm>> -> memref<80x128xf32, #tpu.memory_space<hbm>>
    %dma_wait3A_13 = arith.constant 0 : i32
    %dma_wait3A_14 = tpu.memref_slice %arg4[%mul3A_2, %dma_wait3A_13] : memref<128000x128xf32, #tpu.memory_space<hbm>> -> memref<80x128xf32, #tpu.memory_space<hbm>>
    tpu.wait_dma2 semaphore(%arg11 : memref<!tpu.dma_semaphore, #tpu.memory_space<semaphore_mem>>) src(%arg7 : memref<80x128xf32, #tpu.memory_space<vmem>>) dst(%dma_wait3A_14 : memref<80x128xf32, #tpu.memory_space<hbm>>)
    %dma_wait3A_15 = arith.constant 0 : i32
    %dma_wait3A_16 = tpu.memref_slice %arg4[%mul3A_2, %dma_wait3A_15] : memref<128000x128xf32, #tpu.memory_space<hbm>> -> memref<80x128xf32, #tpu.memory_space<hbm>>
    %dma_wait3A_17 = arith.constant 0 : i32
    %dma_wait3A_18 = tpu.memref_slice %arg4[%mul3A_2, %dma_wait3A_17] : memref<128000x128xf32, #tpu.memory_space<hbm>> -> memref<80x128xf32, #tpu.memory_space<hbm>>
    tpu.wait_dma2 semaphore(%arg12 : memref<!tpu.dma_semaphore, #tpu.memory_space<semaphore_mem>>) src(%arg8 : memref<80x128xf32, #tpu.memory_space<vmem>>) dst(%dma_wait3A_18 : memref<80x128xf32, #tpu.memory_space<hbm>>)
    return
  }
}

#map = affine_map<(d0, d1) -> (0, 0)>
#map1 = affine_map<(d0, d1) -> (0)>
#map2 = affine_map<(d0, d1) -> (0, 0, 0)>
module attributes {stable_mosaic.version = 14 : i64} {
  func.func @k(%arg0: i32, %arg1: i32, %arg2: memref<128000x128xf32, #tpu.memory_space<hbm>>, %arg3: memref<128000xi32, #tpu.memory_space<hbm>>, %arg4: memref<10240x128xf32, #tpu.memory_space<hbm>>, %arg5: memref<2x10240x128xf32, #tpu.memory_space<hbm>>, %arg6: memref<80xi32, #tpu.memory_space<vmem>>, %arg7: memref<80xi32, #tpu.memory_space<vmem>>, %arg8: memref<80x128xf32, #tpu.memory_space<vmem>>, %arg9: memref<80x128xf32, #tpu.memory_space<vmem>>, %arg10: memref<!tpu.dma_semaphore, #tpu.memory_space<semaphore_mem>>, %arg11: memref<!tpu.dma_semaphore, #tpu.memory_space<semaphore_mem>>, %arg12: memref<!tpu.dma_semaphore, #tpu.memory_space<semaphore_mem>>, %arg13: memref<!tpu.dma_semaphore, #tpu.memory_space<semaphore_mem>>, %arg14: memref<10240x128xf32, #tpu.memory_space<vmem_shared>>) attributes {dimension_semantics = [#tpu.dimension_semantics<core_parallel>, #tpu.dimension_semantics<subcore_parallel>], iteration_bounds = array<i64: 2, 16>, scalar_prefetch = 0 : i64, scratch_operands = 9 : i64, tpu.core_type = #tpu.core_type<sc_vector_subcore>, window_params = [{transform_indices = #map}, {transform_indices = #map1}, {transform_indices = #map}, {transform_indices = #map2}]} {
    %mul3A = arith.constant 2 : i32
    %mul3A_0 = arith.muli %arg1, %mul3A : i32
    %add3A = arith.addi %mul3A_0, %arg0 : i32
    %mul3A_1 = arith.constant 4000 : i32
    %mul3A_2 = arith.muli %add3A, %mul3A_1 : i32
    %mul3A_3 = arith.constant 640 : i32
    %mul3A_4 = arith.muli %arg1, %mul3A_3 : i32
    %mul3A_5 = arith.constant 640 : i32
    %mul3A_6 = arith.muli %arg1, %mul3A_5 : i32
    "tpu.region"() ({
      %run_scoped3A = tpu.sem_alloc : memref<!tpu.dma_semaphore, #tpu.memory_space<semaphore_mem>>
      %dma_start3A_22 = arith.constant 0 : i32
      %dma_start3A_23 = tpu.memref_slice %arg14[%mul3A_6, %dma_start3A_22] : memref<10240x128xf32, #tpu.memory_space<vmem_shared>> -> memref<640x128xf32, #tpu.memory_space<vmem_shared>>
      %dma_start3A_24 = arith.constant 0 : i32
      %dma_start3A_25 = tpu.memref_slice %arg4[%mul3A_4, %dma_start3A_24] : memref<10240x128xf32, #tpu.memory_space<hbm>> -> memref<640x128xf32, #tpu.memory_space<hbm>>
      tpu.enqueue_dma source(%dma_start3A_25 : memref<640x128xf32, #tpu.memory_space<hbm>>) target(%dma_start3A_23 : memref<640x128xf32, #tpu.memory_space<vmem_shared>>) target_semaphore(%run_scoped3A : memref<!tpu.dma_semaphore, #tpu.memory_space<semaphore_mem>>)
      %dma_wait3A_26 = arith.constant 0 : i32
      %dma_wait3A_27 = tpu.memref_slice %arg14[%mul3A_6, %dma_wait3A_26] : memref<10240x128xf32, #tpu.memory_space<vmem_shared>> -> memref<640x128xf32, #tpu.memory_space<vmem_shared>>
      %dma_wait3A_28 = arith.constant 0 : i32
      %dma_wait3A_29 = tpu.memref_slice %arg4[%mul3A_4, %dma_wait3A_28] : memref<10240x128xf32, #tpu.memory_space<hbm>> -> memref<640x128xf32, #tpu.memory_space<hbm>>
      tpu.wait_dma2 semaphore(%run_scoped3A : memref<!tpu.dma_semaphore, #tpu.memory_space<semaphore_mem>>) src(%dma_wait3A_29 : memref<640x128xf32, #tpu.memory_space<hbm>>) dst(%dma_wait3A_27 : memref<640x128xf32, #tpu.memory_space<vmem_shared>>)
      tpu.yield
    }) : () -> ()
    %barrier3A = arith.constant 0 : index
    tpu.barrier barrier_id(%barrier3A)
    "tpu.region"() ({
      %run_scoped3A = tpu.sem_alloc : memref<!tpu.dma_semaphore, #tpu.memory_space<semaphore_mem>>
      %dma_start3A_22 = tpu.memref_slice %arg3[%mul3A_2] : memref<128000xi32, #tpu.memory_space<hbm>> -> memref<80xi32, #tpu.memory_space<hbm>>
      %dma_start3A_23 = tpu.memref_slice %arg3[%mul3A_2] : memref<128000xi32, #tpu.memory_space<hbm>> -> memref<80xi32, #tpu.memory_space<hbm>>
      tpu.enqueue_dma source(%dma_start3A_23 : memref<80xi32, #tpu.memory_space<hbm>>) target(%arg6 : memref<80xi32, #tpu.memory_space<vmem>>) target_semaphore(%run_scoped3A : memref<!tpu.dma_semaphore, #tpu.memory_space<semaphore_mem>>)
      %dma_wait3A_24 = tpu.memref_slice %arg3[%mul3A_2] : memref<128000xi32, #tpu.memory_space<hbm>> -> memref<80xi32, #tpu.memory_space<hbm>>
      %dma_wait3A_25 = tpu.memref_slice %arg3[%mul3A_2] : memref<128000xi32, #tpu.memory_space<hbm>> -> memref<80xi32, #tpu.memory_space<hbm>>
      tpu.wait_dma2 semaphore(%run_scoped3A : memref<!tpu.dma_semaphore, #tpu.memory_space<semaphore_mem>>) src(%dma_wait3A_25 : memref<80xi32, #tpu.memory_space<hbm>>) dst(%arg6 : memref<80xi32, #tpu.memory_space<vmem>>)
      tpu.yield
    }) : () -> ()
    %dma_start3A = arith.constant 0 : i32
    %dma_start3A_7 = tpu.memref_slice %arg2[%mul3A_2, %dma_start3A] : memref<128000x128xf32, #tpu.memory_space<hbm>> -> memref<80x128xf32, #tpu.memory_space<hbm>>
    %dma_start3A_8 = arith.constant 0 : i32
    %dma_start3A_9 = tpu.memref_slice %arg2[%mul3A_2, %dma_start3A_8] : memref<128000x128xf32, #tpu.memory_space<hbm>> -> memref<80x128xf32, #tpu.memory_space<hbm>>
    tpu.enqueue_dma source(%dma_start3A_9 : memref<80x128xf32, #tpu.memory_space<hbm>>) target(%arg8 : memref<80x128xf32, #tpu.memory_space<vmem>>) target_semaphore(%arg10 : memref<!tpu.dma_semaphore, #tpu.memory_space<semaphore_mem>>)
    %scan3A = arith.constant 0 : i32
    %scan3A_10 = arith.constant 0 : i32
    %scan3A_11 = arith.constant 25 : i32
    %scan3A_12 = arith.addi %scan3A_10, %scan3A_11 : i32
    %scan3A_13 = arith.constant 1 : i32
    scf.for %scan3A_22 = %scan3A_10 to %scan3A_12 step %scan3A_13  : i32 {
      %mul3A_23 = arith.constant 2 : i32
      %mul3A_24 = arith.muli %scan3A_22, %mul3A_23 : i32
      %add3A_25 = arith.constant 0 : i32
      %add3A_26 = arith.addi %mul3A_24, %add3A_25 : i32
      %mul3A_27 = arith.constant 80 : i32
      %mul3A_28 = arith.muli %add3A_26, %mul3A_27 : i32
      %add3A_29 = arith.addi %mul3A_2, %mul3A_28 : i32
      %dma_wait3A_30 = arith.constant 0 : i32
      %dma_wait3A_31 = tpu.memref_slice %arg2[%add3A_29, %dma_wait3A_30] : memref<128000x128xf32, #tpu.memory_space<hbm>> -> memref<80x128xf32, #tpu.memory_space<hbm>>
      %dma_wait3A_32 = arith.constant 0 : i32
      %dma_wait3A_33 = tpu.memref_slice %arg2[%add3A_29, %dma_wait3A_32] : memref<128000x128xf32, #tpu.memory_space<hbm>> -> memref<80x128xf32, #tpu.memory_space<hbm>>
      tpu.wait_dma2 semaphore(%arg10 : memref<!tpu.dma_semaphore, #tpu.memory_space<semaphore_mem>>) src(%dma_wait3A_33 : memref<80x128xf32, #tpu.memory_space<hbm>>) dst(%arg8 : memref<80x128xf32, #tpu.memory_space<vmem>>)
      %ge3A = arith.constant 1 : i32
      %ge3A_34 = arith.cmpi sge, %add3A_26, %ge3A : i32
      %convert_element_type3A = arith.extui %ge3A_34 : i1 to i32
      %cond3A = arith.constant 0 : i32
      %cond3A_35 = arith.cmpi ne, %convert_element_type3A, %cond3A : i32
      scf.if %cond3A_35 {
        %dma_wait3A_67 = arith.constant 0 : i32
        %dma_wait3A_68 = arith.constant 0 : i32
        %dma_wait3A_69 = tpu.memref_slice %arg14[%dma_wait3A_67, %dma_wait3A_68] : memref<10240x128xf32, #tpu.memory_space<vmem_shared>> -> memref<10240x128xf32, #tpu.memory_space<vmem_shared>>
        tpu.wait_indirect_dma semaphore(%arg13 : memref<!tpu.dma_semaphore, #tpu.memory_space<semaphore_mem>>) src(%arg9 : memref<80x128xf32, #tpu.memory_space<vmem>>) dst(%dma_wait3A_69 : memref<10240x128xf32, #tpu.memory_space<vmem_shared>>)
      } else {
      }
      %dma_start3A_36 = arith.constant 0 : i32
      %dma_start3A_37 = arith.constant 0 : i32
      %dma_start3A_38 = tpu.memref_slice %arg14[%dma_start3A_36, %dma_start3A_37] : memref<10240x128xf32, #tpu.memory_space<vmem_shared>> -> memref<10240x128xf32, #tpu.memory_space<vmem_shared>>
      tpu.enqueue_indirect_dma source(%arg8 : memref<80x128xf32, #tpu.memory_space<vmem>>) target(%dma_start3A_38 : memref<10240x128xf32, #tpu.memory_space<vmem_shared>>) offsets(%arg6 : memref<80xi32, #tpu.memory_space<vmem>>) semaphore(%arg12 : memref<!tpu.dma_semaphore, #tpu.memory_space<semaphore_mem>>) {add = true}
      %lt3A = arith.constant 49 : i32
      %lt3A_39 = arith.cmpi slt, %add3A_26, %lt3A : i32
      %convert_element_type3A_40 = arith.extui %lt3A_39 : i1 to i32
      %cond3A_41 = arith.constant 0 : i32
      %cond3A_42 = arith.cmpi ne, %convert_element_type3A_40, %cond3A_41 : i32
      scf.if %cond3A_42 {
        %add3A_67 = arith.constant 80 : i32
        %add3A_68 = arith.addi %add3A_29, %add3A_67 : i32
        "tpu.region"() ({
          %run_scoped3A = tpu.sem_alloc : memref<!tpu.dma_semaphore, #tpu.memory_space<semaphore_mem>>
          %dma_start3A_75 = tpu.memref_slice %arg3[%add3A_68] : memref<128000xi32, #tpu.memory_space<hbm>> -> memref<80xi32, #tpu.memory_space<hbm>>
          %dma_start3A_76 = tpu.memref_slice %arg3[%add3A_68] : memref<128000xi32, #tpu.memory_space<hbm>> -> memref<80xi32, #tpu.memory_space<hbm>>
          tpu.enqueue_dma source(%dma_start3A_76 : memref<80xi32, #tpu.memory_space<hbm>>) target(%arg7 : memref<80xi32, #tpu.memory_space<vmem>>) target_semaphore(%run_scoped3A : memref<!tpu.dma_semaphore, #tpu.memory_space<semaphore_mem>>)
          %dma_wait3A_77 = tpu.memref_slice %arg3[%add3A_68] : memref<128000xi32, #tpu.memory_space<hbm>> -> memref<80xi32, #tpu.memory_space<hbm>>
          %dma_wait3A_78 = tpu.memref_slice %arg3[%add3A_68] : memref<128000xi32, #tpu.memory_space<hbm>> -> memref<80xi32, #tpu.memory_space<hbm>>
          tpu.wait_dma2 semaphore(%run_scoped3A : memref<!tpu.dma_semaphore, #tpu.memory_space<semaphore_mem>>) src(%dma_wait3A_78 : memref<80xi32, #tpu.memory_space<hbm>>) dst(%arg7 : memref<80xi32, #tpu.memory_space<vmem>>)
          tpu.yield
        }) : () -> ()
        %add3A_69 = arith.constant 80 : i32
        %add3A_70 = arith.addi %add3A_29, %add3A_69 : i32
        %dma_start3A_71 = arith.constant 0 : i32
        %dma_start3A_72 = tpu.memref_slice %arg2[%add3A_70, %dma_start3A_71] : memref<128000x128xf32, #tpu.memory_space<hbm>> -> memref<80x128xf32, #tpu.memory_space<hbm>>
        %dma_start3A_73 = arith.constant 0 : i32
        %dma_start3A_74 = tpu.memref_slice %arg2[%add3A_70, %dma_start3A_73] : memref<128000x128xf32, #tpu.memory_space<hbm>> -> memref<80x128xf32, #tpu.memory_space<hbm>>
        tpu.enqueue_dma source(%dma_start3A_74 : memref<80x128xf32, #tpu.memory_space<hbm>>) target(%arg9 : memref<80x128xf32, #tpu.memory_space<vmem>>) target_semaphore(%arg11 : memref<!tpu.dma_semaphore, #tpu.memory_space<semaphore_mem>>)
      } else {
      }
      %mul3A_43 = arith.constant 2 : i32
      %mul3A_44 = arith.muli %scan3A_22, %mul3A_43 : i32
      %add3A_45 = arith.constant 1 : i32
      %add3A_46 = arith.addi %mul3A_44, %add3A_45 : i32
      %mul3A_47 = arith.constant 80 : i32
      %mul3A_48 = arith.muli %add3A_46, %mul3A_47 : i32
      %add3A_49 = arith.addi %mul3A_2, %mul3A_48 : i32
      %dma_wait3A_50 = arith.constant 0 : i32
      %dma_wait3A_51 = tpu.memref_slice %arg2[%add3A_49, %dma_wait3A_50] : memref<128000x128xf32, #tpu.memory_space<hbm>> -> memref<80x128xf32, #tpu.memory_space<hbm>>
      %dma_wait3A_52 = arith.constant 0 : i32
      %dma_wait3A_53 = tpu.memref_slice %arg2[%add3A_49, %dma_wait3A_52] : memref<128000x128xf32, #tpu.memory_space<hbm>> -> memref<80x128xf32, #tpu.memory_space<hbm>>
      tpu.wait_dma2 semaphore(%arg11 : memref<!tpu.dma_semaphore, #tpu.memory_space<semaphore_mem>>) src(%dma_wait3A_53 : memref<80x128xf32, #tpu.memory_space<hbm>>) dst(%arg9 : memref<80x128xf32, #tpu.memory_space<vmem>>)
      %ge3A_54 = arith.constant 1 : i32
      %ge3A_55 = arith.cmpi sge, %add3A_46, %ge3A_54 : i32
      %convert_element_type3A_56 = arith.extui %ge3A_55 : i1 to i32
      %cond3A_57 = arith.constant 0 : i32
      %cond3A_58 = arith.cmpi ne, %convert_element_type3A_56, %cond3A_57 : i32
      scf.if %cond3A_58 {
        %dma_wait3A_67 = arith.constant 0 : i32
        %dma_wait3A_68 = arith.constant 0 : i32
        %dma_wait3A_69 = tpu.memref_slice %arg14[%dma_wait3A_67, %dma_wait3A_68] : memref<10240x128xf32, #tpu.memory_space<vmem_shared>> -> memref<10240x128xf32, #tpu.memory_space<vmem_shared>>
        tpu.wait_indirect_dma semaphore(%arg12 : memref<!tpu.dma_semaphore, #tpu.memory_space<semaphore_mem>>) src(%arg8 : memref<80x128xf32, #tpu.memory_space<vmem>>) dst(%dma_wait3A_69 : memref<10240x128xf32, #tpu.memory_space<vmem_shared>>)
      } else {
      }
      %dma_start3A_59 = arith.constant 0 : i32
      %dma_start3A_60 = arith.constant 0 : i32
      %dma_start3A_61 = tpu.memref_slice %arg14[%dma_start3A_59, %dma_start3A_60] : memref<10240x128xf32, #tpu.memory_space<vmem_shared>> -> memref<10240x128xf32, #tpu.memory_space<vmem_shared>>
      tpu.enqueue_indirect_dma source(%arg9 : memref<80x128xf32, #tpu.memory_space<vmem>>) target(%dma_start3A_61 : memref<10240x128xf32, #tpu.memory_space<vmem_shared>>) offsets(%arg7 : memref<80xi32, #tpu.memory_space<vmem>>) semaphore(%arg13 : memref<!tpu.dma_semaphore, #tpu.memory_space<semaphore_mem>>) {add = true}
      %lt3A_62 = arith.constant 49 : i32
      %lt3A_63 = arith.cmpi slt, %add3A_46, %lt3A_62 : i32
      %convert_element_type3A_64 = arith.extui %lt3A_63 : i1 to i32
      %cond3A_65 = arith.constant 0 : i32
      %cond3A_66 = arith.cmpi ne, %convert_element_type3A_64, %cond3A_65 : i32
      scf.if %cond3A_66 {
        %add3A_67 = arith.constant 80 : i32
        %add3A_68 = arith.addi %add3A_49, %add3A_67 : i32
        "tpu.region"() ({
          %run_scoped3A = tpu.sem_alloc : memref<!tpu.dma_semaphore, #tpu.memory_space<semaphore_mem>>
          %dma_start3A_75 = tpu.memref_slice %arg3[%add3A_68] : memref<128000xi32, #tpu.memory_space<hbm>> -> memref<80xi32, #tpu.memory_space<hbm>>
          %dma_start3A_76 = tpu.memref_slice %arg3[%add3A_68] : memref<128000xi32, #tpu.memory_space<hbm>> -> memref<80xi32, #tpu.memory_space<hbm>>
          tpu.enqueue_dma source(%dma_start3A_76 : memref<80xi32, #tpu.memory_space<hbm>>) target(%arg6 : memref<80xi32, #tpu.memory_space<vmem>>) target_semaphore(%run_scoped3A : memref<!tpu.dma_semaphore, #tpu.memory_space<semaphore_mem>>)
          %dma_wait3A_77 = tpu.memref_slice %arg3[%add3A_68] : memref<128000xi32, #tpu.memory_space<hbm>> -> memref<80xi32, #tpu.memory_space<hbm>>
          %dma_wait3A_78 = tpu.memref_slice %arg3[%add3A_68] : memref<128000xi32, #tpu.memory_space<hbm>> -> memref<80xi32, #tpu.memory_space<hbm>>
          tpu.wait_dma2 semaphore(%run_scoped3A : memref<!tpu.dma_semaphore, #tpu.memory_space<semaphore_mem>>) src(%dma_wait3A_78 : memref<80xi32, #tpu.memory_space<hbm>>) dst(%arg6 : memref<80xi32, #tpu.memory_space<vmem>>)
          tpu.yield
        }) : () -> ()
        %add3A_69 = arith.constant 80 : i32
        %add3A_70 = arith.addi %add3A_49, %add3A_69 : i32
        %dma_start3A_71 = arith.constant 0 : i32
        %dma_start3A_72 = tpu.memref_slice %arg2[%add3A_70, %dma_start3A_71] : memref<128000x128xf32, #tpu.memory_space<hbm>> -> memref<80x128xf32, #tpu.memory_space<hbm>>
        %dma_start3A_73 = arith.constant 0 : i32
        %dma_start3A_74 = tpu.memref_slice %arg2[%add3A_70, %dma_start3A_73] : memref<128000x128xf32, #tpu.memory_space<hbm>> -> memref<80x128xf32, #tpu.memory_space<hbm>>
        tpu.enqueue_dma source(%dma_start3A_74 : memref<80x128xf32, #tpu.memory_space<hbm>>) target(%arg8 : memref<80x128xf32, #tpu.memory_space<vmem>>) target_semaphore(%arg10 : memref<!tpu.dma_semaphore, #tpu.memory_space<semaphore_mem>>)
      } else {
      }
    }
    %scan3A_14 = arith.constant 25 : i32
    %dma_wait3A = arith.constant 0 : i32
    %dma_wait3A_15 = arith.constant 0 : i32
    %dma_wait3A_16 = tpu.memref_slice %arg14[%dma_wait3A, %dma_wait3A_15] : memref<10240x128xf32, #tpu.memory_space<vmem_shared>> -> memref<10240x128xf32, #tpu.memory_space<vmem_shared>>
    tpu.wait_indirect_dma semaphore(%arg13 : memref<!tpu.dma_semaphore, #tpu.memory_space<semaphore_mem>>) src(%arg9 : memref<80x128xf32, #tpu.memory_space<vmem>>) dst(%dma_wait3A_16 : memref<10240x128xf32, #tpu.memory_space<vmem_shared>>)
    %barrier3A_17 = arith.constant 0 : index
    tpu.barrier barrier_id(%barrier3A_17)
    %mul3A_18 = arith.constant 640 : i32
    %mul3A_19 = arith.muli %arg1, %mul3A_18 : i32
    %mul3A_20 = arith.constant 640 : i32
    %mul3A_21 = arith.muli %arg1, %mul3A_20 : i32
    "tpu.region"() ({
      %run_scoped3A = tpu.sem_alloc : memref<!tpu.dma_semaphore, #tpu.memory_space<semaphore_mem>>
      %dma_start3A_22 = arith.constant 0 : i32
      %dma_start3A_23 = tpu.memref_slice %arg5[%arg0, %mul3A_21, %dma_start3A_22] : memref<2x10240x128xf32, #tpu.memory_space<hbm>> -> memref<1x640x128xf32, #tpu.memory_space<hbm>>
      %dma_start3A_24 = tpu.memref_squeeze %dma_start3A_23 : memref<1x640x128xf32, #tpu.memory_space<hbm>> -> memref<640x128xf32, #tpu.memory_space<hbm>>
      %dma_start3A_25 = arith.constant 0 : i32
      %dma_start3A_26 = tpu.memref_slice %arg14[%mul3A_19, %dma_start3A_25] : memref<10240x128xf32, #tpu.memory_space<vmem_shared>> -> memref<640x128xf32, #tpu.memory_space<vmem_shared>>
      tpu.enqueue_dma source(%dma_start3A_26 : memref<640x128xf32, #tpu.memory_space<vmem_shared>>) target(%dma_start3A_24 : memref<640x128xf32, #tpu.memory_space<hbm>>) target_semaphore(%run_scoped3A : memref<!tpu.dma_semaphore, #tpu.memory_space<semaphore_mem>>)
      %dma_wait3A_27 = arith.constant 0 : i32
      %dma_wait3A_28 = tpu.memref_slice %arg5[%arg0, %mul3A_21, %dma_wait3A_27] : memref<2x10240x128xf32, #tpu.memory_space<hbm>> -> memref<1x640x128xf32, #tpu.memory_space<hbm>>
      %dma_wait3A_29 = tpu.memref_squeeze %dma_wait3A_28 : memref<1x640x128xf32, #tpu.memory_space<hbm>> -> memref<640x128xf32, #tpu.memory_space<hbm>>
      %dma_wait3A_30 = arith.constant 0 : i32
      %dma_wait3A_31 = tpu.memref_slice %arg14[%mul3A_19, %dma_wait3A_30] : memref<10240x128xf32, #tpu.memory_space<vmem_shared>> -> memref<640x128xf32, #tpu.memory_space<vmem_shared>>
      tpu.wait_dma2 semaphore(%run_scoped3A : memref<!tpu.dma_semaphore, #tpu.memory_space<semaphore_mem>>) src(%dma_wait3A_31 : memref<640x128xf32, #tpu.memory_space<vmem_shared>>) dst(%dma_wait3A_29 : memref<640x128xf32, #tpu.memory_space<hbm>>)
      tpu.yield
    }) : () -> ()
    return
  }
}

#map = affine_map<(d0, d1) -> (0, 0)>
#map1 = affine_map<(d0, d1) -> (0)>
#map2 = affine_map<(d0, d1) -> (0, 0, 0)>
module attributes {stable_mosaic.version = 14 : i64} {
  func.func @k(%arg0: i32, %arg1: i32, %arg2: memref<192000x128xf32, #tpu.memory_space<hbm>>, %arg3: memref<192000xi32, #tpu.memory_space<hbm>>, %arg4: memref<10240x128xf32, #tpu.memory_space<hbm>>, %arg5: memref<2x10240x128xf32, #tpu.memory_space<hbm>>, %arg6: memref<120xi32, #tpu.memory_space<vmem>>, %arg7: memref<120xi32, #tpu.memory_space<vmem>>, %arg8: memref<120x128xf32, #tpu.memory_space<vmem>>, %arg9: memref<120x128xf32, #tpu.memory_space<vmem>>, %arg10: memref<!tpu.dma_semaphore, #tpu.memory_space<semaphore_mem>>, %arg11: memref<!tpu.dma_semaphore, #tpu.memory_space<semaphore_mem>>, %arg12: memref<!tpu.dma_semaphore, #tpu.memory_space<semaphore_mem>>, %arg13: memref<!tpu.dma_semaphore, #tpu.memory_space<semaphore_mem>>, %arg14: memref<10240x128xf32, #tpu.memory_space<vmem_shared>>) attributes {dimension_semantics = [#tpu.dimension_semantics<core_parallel>, #tpu.dimension_semantics<subcore_parallel>], iteration_bounds = array<i64: 2, 16>, scalar_prefetch = 0 : i64, scratch_operands = 9 : i64, tpu.core_type = #tpu.core_type<sc_vector_subcore>, window_params = [{transform_indices = #map}, {transform_indices = #map1}, {transform_indices = #map}, {transform_indices = #map2}]} {
    %mul3A = arith.constant 2 : i32
    %mul3A_0 = arith.muli %arg1, %mul3A : i32
    %add3A = arith.addi %mul3A_0, %arg0 : i32
    %mul3A_1 = arith.constant 6000 : i32
    %mul3A_2 = arith.muli %add3A, %mul3A_1 : i32
    %mul3A_3 = arith.constant 640 : i32
    %mul3A_4 = arith.muli %arg1, %mul3A_3 : i32
    %mul3A_5 = arith.constant 640 : i32
    %mul3A_6 = arith.muli %arg1, %mul3A_5 : i32
    "tpu.region"() ({
      %run_scoped3A = tpu.sem_alloc : memref<!tpu.dma_semaphore, #tpu.memory_space<semaphore_mem>>
      %dma_start3A_22 = arith.constant 0 : i32
      %dma_start3A_23 = tpu.memref_slice %arg14[%mul3A_6, %dma_start3A_22] : memref<10240x128xf32, #tpu.memory_space<vmem_shared>> -> memref<640x128xf32, #tpu.memory_space<vmem_shared>>
      %dma_start3A_24 = arith.constant 0 : i32
      %dma_start3A_25 = tpu.memref_slice %arg4[%mul3A_4, %dma_start3A_24] : memref<10240x128xf32, #tpu.memory_space<hbm>> -> memref<640x128xf32, #tpu.memory_space<hbm>>
      tpu.enqueue_dma source(%dma_start3A_25 : memref<640x128xf32, #tpu.memory_space<hbm>>) target(%dma_start3A_23 : memref<640x128xf32, #tpu.memory_space<vmem_shared>>) target_semaphore(%run_scoped3A : memref<!tpu.dma_semaphore, #tpu.memory_space<semaphore_mem>>)
      %dma_wait3A_26 = arith.constant 0 : i32
      %dma_wait3A_27 = tpu.memref_slice %arg14[%mul3A_6, %dma_wait3A_26] : memref<10240x128xf32, #tpu.memory_space<vmem_shared>> -> memref<640x128xf32, #tpu.memory_space<vmem_shared>>
      %dma_wait3A_28 = arith.constant 0 : i32
      %dma_wait3A_29 = tpu.memref_slice %arg4[%mul3A_4, %dma_wait3A_28] : memref<10240x128xf32, #tpu.memory_space<hbm>> -> memref<640x128xf32, #tpu.memory_space<hbm>>
      tpu.wait_dma2 semaphore(%run_scoped3A : memref<!tpu.dma_semaphore, #tpu.memory_space<semaphore_mem>>) src(%dma_wait3A_29 : memref<640x128xf32, #tpu.memory_space<hbm>>) dst(%dma_wait3A_27 : memref<640x128xf32, #tpu.memory_space<vmem_shared>>)
      tpu.yield
    }) : () -> ()
    %barrier3A = arith.constant 0 : index
    tpu.barrier barrier_id(%barrier3A)
    "tpu.region"() ({
      %run_scoped3A = tpu.sem_alloc : memref<!tpu.dma_semaphore, #tpu.memory_space<semaphore_mem>>
      %dma_start3A_22 = tpu.memref_slice %arg3[%mul3A_2] : memref<192000xi32, #tpu.memory_space<hbm>> -> memref<120xi32, #tpu.memory_space<hbm>>
      %dma_start3A_23 = tpu.memref_slice %arg3[%mul3A_2] : memref<192000xi32, #tpu.memory_space<hbm>> -> memref<120xi32, #tpu.memory_space<hbm>>
      tpu.enqueue_dma source(%dma_start3A_23 : memref<120xi32, #tpu.memory_space<hbm>>) target(%arg6 : memref<120xi32, #tpu.memory_space<vmem>>) target_semaphore(%run_scoped3A : memref<!tpu.dma_semaphore, #tpu.memory_space<semaphore_mem>>)
      %dma_wait3A_24 = tpu.memref_slice %arg3[%mul3A_2] : memref<192000xi32, #tpu.memory_space<hbm>> -> memref<120xi32, #tpu.memory_space<hbm>>
      %dma_wait3A_25 = tpu.memref_slice %arg3[%mul3A_2] : memref<192000xi32, #tpu.memory_space<hbm>> -> memref<120xi32, #tpu.memory_space<hbm>>
      tpu.wait_dma2 semaphore(%run_scoped3A : memref<!tpu.dma_semaphore, #tpu.memory_space<semaphore_mem>>) src(%dma_wait3A_25 : memref<120xi32, #tpu.memory_space<hbm>>) dst(%arg6 : memref<120xi32, #tpu.memory_space<vmem>>)
      tpu.yield
    }) : () -> ()
    %dma_start3A = arith.constant 0 : i32
    %dma_start3A_7 = tpu.memref_slice %arg2[%mul3A_2, %dma_start3A] : memref<192000x128xf32, #tpu.memory_space<hbm>> -> memref<120x128xf32, #tpu.memory_space<hbm>>
    %dma_start3A_8 = arith.constant 0 : i32
    %dma_start3A_9 = tpu.memref_slice %arg2[%mul3A_2, %dma_start3A_8] : memref<192000x128xf32, #tpu.memory_space<hbm>> -> memref<120x128xf32, #tpu.memory_space<hbm>>
    tpu.enqueue_dma source(%dma_start3A_9 : memref<120x128xf32, #tpu.memory_space<hbm>>) target(%arg8 : memref<120x128xf32, #tpu.memory_space<vmem>>) target_semaphore(%arg10 : memref<!tpu.dma_semaphore, #tpu.memory_space<semaphore_mem>>)
    %scan3A = arith.constant 0 : i32
    %scan3A_10 = arith.constant 0 : i32
    %scan3A_11 = arith.constant 25 : i32
    %scan3A_12 = arith.addi %scan3A_10, %scan3A_11 : i32
    %scan3A_13 = arith.constant 1 : i32
    scf.for %scan3A_22 = %scan3A_10 to %scan3A_12 step %scan3A_13  : i32 {
      %mul3A_23 = arith.constant 2 : i32
      %mul3A_24 = arith.muli %scan3A_22, %mul3A_23 : i32
      %add3A_25 = arith.constant 0 : i32
      %add3A_26 = arith.addi %mul3A_24, %add3A_25 : i32
      %mul3A_27 = arith.constant 120 : i32
      %mul3A_28 = arith.muli %add3A_26, %mul3A_27 : i32
      %add3A_29 = arith.addi %mul3A_2, %mul3A_28 : i32
      %dma_wait3A_30 = arith.constant 0 : i32
      %dma_wait3A_31 = tpu.memref_slice %arg2[%add3A_29, %dma_wait3A_30] : memref<192000x128xf32, #tpu.memory_space<hbm>> -> memref<120x128xf32, #tpu.memory_space<hbm>>
      %dma_wait3A_32 = arith.constant 0 : i32
      %dma_wait3A_33 = tpu.memref_slice %arg2[%add3A_29, %dma_wait3A_32] : memref<192000x128xf32, #tpu.memory_space<hbm>> -> memref<120x128xf32, #tpu.memory_space<hbm>>
      tpu.wait_dma2 semaphore(%arg10 : memref<!tpu.dma_semaphore, #tpu.memory_space<semaphore_mem>>) src(%dma_wait3A_33 : memref<120x128xf32, #tpu.memory_space<hbm>>) dst(%arg8 : memref<120x128xf32, #tpu.memory_space<vmem>>)
      %ge3A = arith.constant 1 : i32
      %ge3A_34 = arith.cmpi sge, %add3A_26, %ge3A : i32
      %convert_element_type3A = arith.extui %ge3A_34 : i1 to i32
      %cond3A = arith.constant 0 : i32
      %cond3A_35 = arith.cmpi ne, %convert_element_type3A, %cond3A : i32
      scf.if %cond3A_35 {
        %dma_wait3A_67 = arith.constant 0 : i32
        %dma_wait3A_68 = arith.constant 0 : i32
        %dma_wait3A_69 = tpu.memref_slice %arg14[%dma_wait3A_67, %dma_wait3A_68] : memref<10240x128xf32, #tpu.memory_space<vmem_shared>> -> memref<10240x128xf32, #tpu.memory_space<vmem_shared>>
        tpu.wait_indirect_dma semaphore(%arg13 : memref<!tpu.dma_semaphore, #tpu.memory_space<semaphore_mem>>) src(%arg9 : memref<120x128xf32, #tpu.memory_space<vmem>>) dst(%dma_wait3A_69 : memref<10240x128xf32, #tpu.memory_space<vmem_shared>>)
      } else {
      }
      %dma_start3A_36 = arith.constant 0 : i32
      %dma_start3A_37 = arith.constant 0 : i32
      %dma_start3A_38 = tpu.memref_slice %arg14[%dma_start3A_36, %dma_start3A_37] : memref<10240x128xf32, #tpu.memory_space<vmem_shared>> -> memref<10240x128xf32, #tpu.memory_space<vmem_shared>>
      tpu.enqueue_indirect_dma source(%arg8 : memref<120x128xf32, #tpu.memory_space<vmem>>) target(%dma_start3A_38 : memref<10240x128xf32, #tpu.memory_space<vmem_shared>>) offsets(%arg6 : memref<120xi32, #tpu.memory_space<vmem>>) semaphore(%arg12 : memref<!tpu.dma_semaphore, #tpu.memory_space<semaphore_mem>>) {add = true}
      %lt3A = arith.constant 49 : i32
      %lt3A_39 = arith.cmpi slt, %add3A_26, %lt3A : i32
      %convert_element_type3A_40 = arith.extui %lt3A_39 : i1 to i32
      %cond3A_41 = arith.constant 0 : i32
      %cond3A_42 = arith.cmpi ne, %convert_element_type3A_40, %cond3A_41 : i32
      scf.if %cond3A_42 {
        %add3A_67 = arith.constant 120 : i32
        %add3A_68 = arith.addi %add3A_29, %add3A_67 : i32
        "tpu.region"() ({
          %run_scoped3A = tpu.sem_alloc : memref<!tpu.dma_semaphore, #tpu.memory_space<semaphore_mem>>
          %dma_start3A_75 = tpu.memref_slice %arg3[%add3A_68] : memref<192000xi32, #tpu.memory_space<hbm>> -> memref<120xi32, #tpu.memory_space<hbm>>
          %dma_start3A_76 = tpu.memref_slice %arg3[%add3A_68] : memref<192000xi32, #tpu.memory_space<hbm>> -> memref<120xi32, #tpu.memory_space<hbm>>
          tpu.enqueue_dma source(%dma_start3A_76 : memref<120xi32, #tpu.memory_space<hbm>>) target(%arg7 : memref<120xi32, #tpu.memory_space<vmem>>) target_semaphore(%run_scoped3A : memref<!tpu.dma_semaphore, #tpu.memory_space<semaphore_mem>>)
          %dma_wait3A_77 = tpu.memref_slice %arg3[%add3A_68] : memref<192000xi32, #tpu.memory_space<hbm>> -> memref<120xi32, #tpu.memory_space<hbm>>
          %dma_wait3A_78 = tpu.memref_slice %arg3[%add3A_68] : memref<192000xi32, #tpu.memory_space<hbm>> -> memref<120xi32, #tpu.memory_space<hbm>>
          tpu.wait_dma2 semaphore(%run_scoped3A : memref<!tpu.dma_semaphore, #tpu.memory_space<semaphore_mem>>) src(%dma_wait3A_78 : memref<120xi32, #tpu.memory_space<hbm>>) dst(%arg7 : memref<120xi32, #tpu.memory_space<vmem>>)
          tpu.yield
        }) : () -> ()
        %add3A_69 = arith.constant 120 : i32
        %add3A_70 = arith.addi %add3A_29, %add3A_69 : i32
        %dma_start3A_71 = arith.constant 0 : i32
        %dma_start3A_72 = tpu.memref_slice %arg2[%add3A_70, %dma_start3A_71] : memref<192000x128xf32, #tpu.memory_space<hbm>> -> memref<120x128xf32, #tpu.memory_space<hbm>>
        %dma_start3A_73 = arith.constant 0 : i32
        %dma_start3A_74 = tpu.memref_slice %arg2[%add3A_70, %dma_start3A_73] : memref<192000x128xf32, #tpu.memory_space<hbm>> -> memref<120x128xf32, #tpu.memory_space<hbm>>
        tpu.enqueue_dma source(%dma_start3A_74 : memref<120x128xf32, #tpu.memory_space<hbm>>) target(%arg9 : memref<120x128xf32, #tpu.memory_space<vmem>>) target_semaphore(%arg11 : memref<!tpu.dma_semaphore, #tpu.memory_space<semaphore_mem>>)
      } else {
      }
      %mul3A_43 = arith.constant 2 : i32
      %mul3A_44 = arith.muli %scan3A_22, %mul3A_43 : i32
      %add3A_45 = arith.constant 1 : i32
      %add3A_46 = arith.addi %mul3A_44, %add3A_45 : i32
      %mul3A_47 = arith.constant 120 : i32
      %mul3A_48 = arith.muli %add3A_46, %mul3A_47 : i32
      %add3A_49 = arith.addi %mul3A_2, %mul3A_48 : i32
      %dma_wait3A_50 = arith.constant 0 : i32
      %dma_wait3A_51 = tpu.memref_slice %arg2[%add3A_49, %dma_wait3A_50] : memref<192000x128xf32, #tpu.memory_space<hbm>> -> memref<120x128xf32, #tpu.memory_space<hbm>>
      %dma_wait3A_52 = arith.constant 0 : i32
      %dma_wait3A_53 = tpu.memref_slice %arg2[%add3A_49, %dma_wait3A_52] : memref<192000x128xf32, #tpu.memory_space<hbm>> -> memref<120x128xf32, #tpu.memory_space<hbm>>
      tpu.wait_dma2 semaphore(%arg11 : memref<!tpu.dma_semaphore, #tpu.memory_space<semaphore_mem>>) src(%dma_wait3A_53 : memref<120x128xf32, #tpu.memory_space<hbm>>) dst(%arg9 : memref<120x128xf32, #tpu.memory_space<vmem>>)
      %ge3A_54 = arith.constant 1 : i32
      %ge3A_55 = arith.cmpi sge, %add3A_46, %ge3A_54 : i32
      %convert_element_type3A_56 = arith.extui %ge3A_55 : i1 to i32
      %cond3A_57 = arith.constant 0 : i32
      %cond3A_58 = arith.cmpi ne, %convert_element_type3A_56, %cond3A_57 : i32
      scf.if %cond3A_58 {
        %dma_wait3A_67 = arith.constant 0 : i32
        %dma_wait3A_68 = arith.constant 0 : i32
        %dma_wait3A_69 = tpu.memref_slice %arg14[%dma_wait3A_67, %dma_wait3A_68] : memref<10240x128xf32, #tpu.memory_space<vmem_shared>> -> memref<10240x128xf32, #tpu.memory_space<vmem_shared>>
        tpu.wait_indirect_dma semaphore(%arg12 : memref<!tpu.dma_semaphore, #tpu.memory_space<semaphore_mem>>) src(%arg8 : memref<120x128xf32, #tpu.memory_space<vmem>>) dst(%dma_wait3A_69 : memref<10240x128xf32, #tpu.memory_space<vmem_shared>>)
      } else {
      }
      %dma_start3A_59 = arith.constant 0 : i32
      %dma_start3A_60 = arith.constant 0 : i32
      %dma_start3A_61 = tpu.memref_slice %arg14[%dma_start3A_59, %dma_start3A_60] : memref<10240x128xf32, #tpu.memory_space<vmem_shared>> -> memref<10240x128xf32, #tpu.memory_space<vmem_shared>>
      tpu.enqueue_indirect_dma source(%arg9 : memref<120x128xf32, #tpu.memory_space<vmem>>) target(%dma_start3A_61 : memref<10240x128xf32, #tpu.memory_space<vmem_shared>>) offsets(%arg7 : memref<120xi32, #tpu.memory_space<vmem>>) semaphore(%arg13 : memref<!tpu.dma_semaphore, #tpu.memory_space<semaphore_mem>>) {add = true}
      %lt3A_62 = arith.constant 49 : i32
      %lt3A_63 = arith.cmpi slt, %add3A_46, %lt3A_62 : i32
      %convert_element_type3A_64 = arith.extui %lt3A_63 : i1 to i32
      %cond3A_65 = arith.constant 0 : i32
      %cond3A_66 = arith.cmpi ne, %convert_element_type3A_64, %cond3A_65 : i32
      scf.if %cond3A_66 {
        %add3A_67 = arith.constant 120 : i32
        %add3A_68 = arith.addi %add3A_49, %add3A_67 : i32
        "tpu.region"() ({
          %run_scoped3A = tpu.sem_alloc : memref<!tpu.dma_semaphore, #tpu.memory_space<semaphore_mem>>
          %dma_start3A_75 = tpu.memref_slice %arg3[%add3A_68] : memref<192000xi32, #tpu.memory_space<hbm>> -> memref<120xi32, #tpu.memory_space<hbm>>
          %dma_start3A_76 = tpu.memref_slice %arg3[%add3A_68] : memref<192000xi32, #tpu.memory_space<hbm>> -> memref<120xi32, #tpu.memory_space<hbm>>
          tpu.enqueue_dma source(%dma_start3A_76 : memref<120xi32, #tpu.memory_space<hbm>>) target(%arg6 : memref<120xi32, #tpu.memory_space<vmem>>) target_semaphore(%run_scoped3A : memref<!tpu.dma_semaphore, #tpu.memory_space<semaphore_mem>>)
          %dma_wait3A_77 = tpu.memref_slice %arg3[%add3A_68] : memref<192000xi32, #tpu.memory_space<hbm>> -> memref<120xi32, #tpu.memory_space<hbm>>
          %dma_wait3A_78 = tpu.memref_slice %arg3[%add3A_68] : memref<192000xi32, #tpu.memory_space<hbm>> -> memref<120xi32, #tpu.memory_space<hbm>>
          tpu.wait_dma2 semaphore(%run_scoped3A : memref<!tpu.dma_semaphore, #tpu.memory_space<semaphore_mem>>) src(%dma_wait3A_78 : memref<120xi32, #tpu.memory_space<hbm>>) dst(%arg6 : memref<120xi32, #tpu.memory_space<vmem>>)
          tpu.yield
        }) : () -> ()
        %add3A_69 = arith.constant 120 : i32
        %add3A_70 = arith.addi %add3A_49, %add3A_69 : i32
        %dma_start3A_71 = arith.constant 0 : i32
        %dma_start3A_72 = tpu.memref_slice %arg2[%add3A_70, %dma_start3A_71] : memref<192000x128xf32, #tpu.memory_space<hbm>> -> memref<120x128xf32, #tpu.memory_space<hbm>>
        %dma_start3A_73 = arith.constant 0 : i32
        %dma_start3A_74 = tpu.memref_slice %arg2[%add3A_70, %dma_start3A_73] : memref<192000x128xf32, #tpu.memory_space<hbm>> -> memref<120x128xf32, #tpu.memory_space<hbm>>
        tpu.enqueue_dma source(%dma_start3A_74 : memref<120x128xf32, #tpu.memory_space<hbm>>) target(%arg8 : memref<120x128xf32, #tpu.memory_space<vmem>>) target_semaphore(%arg10 : memref<!tpu.dma_semaphore, #tpu.memory_space<semaphore_mem>>)
      } else {
      }
    }
    %scan3A_14 = arith.constant 25 : i32
    %dma_wait3A = arith.constant 0 : i32
    %dma_wait3A_15 = arith.constant 0 : i32
    %dma_wait3A_16 = tpu.memref_slice %arg14[%dma_wait3A, %dma_wait3A_15] : memref<10240x128xf32, #tpu.memory_space<vmem_shared>> -> memref<10240x128xf32, #tpu.memory_space<vmem_shared>>
    tpu.wait_indirect_dma semaphore(%arg13 : memref<!tpu.dma_semaphore, #tpu.memory_space<semaphore_mem>>) src(%arg9 : memref<120x128xf32, #tpu.memory_space<vmem>>) dst(%dma_wait3A_16 : memref<10240x128xf32, #tpu.memory_space<vmem_shared>>)
    %barrier3A_17 = arith.constant 0 : index
    tpu.barrier barrier_id(%barrier3A_17)
    %mul3A_18 = arith.constant 640 : i32
    %mul3A_19 = arith.muli %arg1, %mul3A_18 : i32
    %mul3A_20 = arith.constant 640 : i32
    %mul3A_21 = arith.muli %arg1, %mul3A_20 : i32
    "tpu.region"() ({
      %run_scoped3A = tpu.sem_alloc : memref<!tpu.dma_semaphore, #tpu.memory_space<semaphore_mem>>
      %dma_start3A_22 = arith.constant 0 : i32
      %dma_start3A_23 = tpu.memref_slice %arg5[%arg0, %mul3A_21, %dma_start3A_22] : memref<2x10240x128xf32, #tpu.memory_space<hbm>> -> memref<1x640x128xf32, #tpu.memory_space<hbm>>
      %dma_start3A_24 = tpu.memref_squeeze %dma_start3A_23 : memref<1x640x128xf32, #tpu.memory_space<hbm>> -> memref<640x128xf32, #tpu.memory_space<hbm>>
      %dma_start3A_25 = arith.constant 0 : i32
      %dma_start3A_26 = tpu.memref_slice %arg14[%mul3A_19, %dma_start3A_25] : memref<10240x128xf32, #tpu.memory_space<vmem_shared>> -> memref<640x128xf32, #tpu.memory_space<vmem_shared>>
      tpu.enqueue_dma source(%dma_start3A_26 : memref<640x128xf32, #tpu.memory_space<vmem_shared>>) target(%dma_start3A_24 : memref<640x128xf32, #tpu.memory_space<hbm>>) target_semaphore(%run_scoped3A : memref<!tpu.dma_semaphore, #tpu.memory_space<semaphore_mem>>)
      %dma_wait3A_27 = arith.constant 0 : i32
      %dma_wait3A_28 = tpu.memref_slice %arg5[%arg0, %mul3A_21, %dma_wait3A_27] : memref<2x10240x128xf32, #tpu.memory_space<hbm>> -> memref<1x640x128xf32, #tpu.memory_space<hbm>>
      %dma_wait3A_29 = tpu.memref_squeeze %dma_wait3A_28 : memref<1x640x128xf32, #tpu.memory_space<hbm>> -> memref<640x128xf32, #tpu.memory_space<hbm>>
      %dma_wait3A_30 = arith.constant 0 : i32
      %dma_wait3A_31 = tpu.memref_slice %arg14[%mul3A_19, %dma_wait3A_30] : memref<10240x128xf32, #tpu.memory_space<vmem_shared>> -> memref<640x128xf32, #tpu.memory_space<vmem_shared>>
      tpu.wait_dma2 semaphore(%run_scoped3A : memref<!tpu.dma_semaphore, #tpu.memory_space<semaphore_mem>>) src(%dma_wait3A_31 : memref<640x128xf32, #tpu.memory_space<vmem_shared>>) dst(%dma_wait3A_29 : memref<640x128xf32, #tpu.memory_space<hbm>>)
      tpu.yield
    }) : () -> ()
    return
  }
}

module attributes {stable_mosaic.version = 14 : i64} {
  func.func @_idx_body(%arg0: i32, %arg1: memref<1x1x2000xi32, #tpu.memory_space<vmem>>, %arg2: memref<1x1x2000xi32, #tpu.memory_space<vmem>>, %arg3: memref<1x1x2000xi32, #tpu.memory_space<vmem>>, %arg4: memref<1x1x2000xi32, #tpu.memory_space<vmem>>, %arg5: memref<1x1x2000xi32, #tpu.memory_space<vmem>>) attributes {dimension_semantics = [#tpu.dimension_semantics<arbitrary>], iteration_bounds = array<i64: 96>, scalar_prefetch = 0 : i64, scratch_operands = 0 : i64, tpu.core_type = #tpu.core_type<tc>, window_params = [{transform_indices = @transform_0, window_bounds = array<i64: 1, 1, 2000>}, {transform_indices = @transform_1, window_bounds = array<i64: 1, 1, 2000>}, {transform_indices = @transform_2, window_bounds = array<i64: 1, 1, 2000>}, {transform_indices = @transform_3, window_bounds = array<i64: 1, 1, 2000>}, {transform_indices = @transform_4, window_bounds = array<i64: 1, 1, 2000>}]} {
    %get3A = arith.constant 0 : index
    %get3A_0 = arith.constant 0 : index
    %get3A_1 = arith.constant 0 : index
    %get3A_2 = vector.load %arg3[%get3A, %get3A_0, %get3A_1] : memref<1x1x2000xi32, #tpu.memory_space<vmem>>, vector<1x1x2000xi32>
    %get3A_3 = vector.shape_cast %get3A_2 : vector<1x1x2000xi32> to vector<1x2000xi32>
    %mul3A = arith.constant 10000 : i32
    %mul3A_4 = vector.broadcast %mul3A : i32 to vector<1x2000xi32>
    %mul3A_5 = arith.muli %get3A_3, %mul3A_4 : vector<1x2000xi32>
    %get3A_6 = arith.constant 0 : index
    %get3A_7 = arith.constant 0 : index
    %get3A_8 = arith.constant 0 : index
    %get3A_9 = vector.load %arg1[%get3A_6, %get3A_7, %get3A_8] : memref<1x1x2000xi32, #tpu.memory_space<vmem>>, vector<1x1x2000xi32>
    %get3A_10 = vector.shape_cast %get3A_9 : vector<1x1x2000xi32> to vector<1x2000xi32>
    %add3A = arith.addi %mul3A_5, %get3A_10 : vector<1x2000xi32>
    %swap3A = arith.constant 0 : index
    %swap3A_11 = arith.constant 0 : index
    %swap3A_12 = arith.constant 0 : index
    %swap3A_13 = vector.load %arg4[%swap3A, %swap3A_11, %swap3A_12] : memref<1x1x2000xi32, #tpu.memory_space<vmem>>, vector<1x1x2000xi32>
    %swap3A_14 = vector.shape_cast %swap3A_13 : vector<1x1x2000xi32> to vector<1x2000xi32>
    %swap3A_15 = vector.shape_cast %add3A : vector<1x2000xi32> to vector<1x1x2000xi32>
    tpu.vector_store %arg4[%swap3A, %swap3A_11, %swap3A_12], %swap3A_15 {strides = array<i32>} : memref<1x1x2000xi32, #tpu.memory_space<vmem>>, vector<1x1x2000xi32>,
    %get3A_16 = arith.constant 0 : index
    %get3A_17 = arith.constant 0 : index
    %get3A_18 = arith.constant 0 : index
    %get3A_19 = vector.load %arg2[%get3A_16, %get3A_17, %get3A_18] : memref<1x1x2000xi32, #tpu.memory_space<vmem>>, vector<1x1x2000xi32>
    %get3A_20 = vector.shape_cast %get3A_19 : vector<1x1x2000xi32> to vector<1x2000xi32>
    %add3A_21 = arith.addi %mul3A_5, %get3A_20 : vector<1x2000xi32>
    %swap3A_22 = arith.constant 0 : index
    %swap3A_23 = arith.constant 0 : index
    %swap3A_24 = arith.constant 0 : index
    %swap3A_25 = vector.load %arg5[%swap3A_22, %swap3A_23, %swap3A_24] : memref<1x1x2000xi32, #tpu.memory_space<vmem>>, vector<1x1x2000xi32>
    %swap3A_26 = vector.shape_cast %swap3A_25 : vector<1x1x2000xi32> to vector<1x2000xi32>
    %swap3A_27 = vector.shape_cast %add3A_21 : vector<1x2000xi32> to vector<1x1x2000xi32>
    tpu.vector_store %arg5[%swap3A_22, %swap3A_23, %swap3A_24], %swap3A_27 {strides = array<i32>} : memref<1x1x2000xi32, #tpu.memory_space<vmem>>, vector<1x1x2000xi32>,
    return
  }
  func.func @transform_0(%arg0: i32) -> (i32, i32, i32) {
    %c0_i32 = arith.constant 0 : i32
    %c0_i32_0 = arith.constant 0 : i32
    %c0_i32_1 = arith.constant 0 : i32
    return %arg0, %c0_i32, %c0_i32_0 : i32, i32, i32
  }
  func.func @transform_1(%arg0: i32) -> (i32, i32, i32) {
    %c0_i32 = arith.constant 0 : i32
    %c0_i32_0 = arith.constant 0 : i32
    %c0_i32_1 = arith.constant 0 : i32
    return %arg0, %c0_i32, %c0_i32_0 : i32, i32, i32
  }
  func.func @transform_2(%arg0: i32) -> (i32, i32, i32) {
    %c0_i32 = arith.constant 0 : i32
    %c0_i32_0 = arith.constant 0 : i32
    %c0_i32_1 = arith.constant 0 : i32
    return %arg0, %c0_i32, %c0_i32_0 : i32, i32, i32
  }
  func.func @transform_3(%arg0: i32) -> (i32, i32, i32) {
    %c0_i32 = arith.constant 0 : i32
    %c0_i32_0 = arith.constant 0 : i32
    %c0_i32_1 = arith.constant 0 : i32
    return %arg0, %c0_i32, %c0_i32_0 : i32, i32, i32
  }
  func.func @transform_4(%arg0: i32) -> (i32, i32, i32) {
    %c0_i32 = arith.constant 0 : i32
    %c0_i32_0 = arith.constant 0 : i32
    %c0_i32_1 = arith.constant 0 : i32
    return %arg0, %c0_i32, %c0_i32_0 : i32, i32, i32
  }
}

module attributes {stable_mosaic.version = 14 : i64} {
  func.func @_tables_body(%arg0: i32, %arg1: i32, %arg2: memref<1000x128xf32, #tpu.memory_space<vmem>>, %arg3: memref<1x128x512xf32, #tpu.memory_space<vmem>>, %arg4: memref<1x1x512xf32, #tpu.memory_space<vmem>>, %arg5: memref<1x128x512xf32, #tpu.memory_space<vmem>>, %arg6: memref<1x1x512xf32, #tpu.memory_space<vmem>>, %arg7: memref<1x24x512xf32, #tpu.memory_space<vmem>>, %arg8: memref<1x1x8xf32, #tpu.memory_space<vmem>>, %arg9: memref<1x1000x512xf32, #tpu.memory_space<vmem>>, %arg10: memref<1x1000x512xf32, #tpu.memory_space<vmem>>) attributes {dimension_semantics = [#tpu.dimension_semantics<arbitrary>, #tpu.dimension_semantics<arbitrary>], iteration_bounds = array<i64: 4, 10>, scalar_prefetch = 0 : i64, scratch_operands = 0 : i64, tpu.core_type = #tpu.core_type<tc>, window_params = [{transform_indices = @transform_0, window_bounds = array<i64: 1000, 128>}, {transform_indices = @transform_1, window_bounds = array<i64: 1, 128, 512>}, {transform_indices = @transform_2, window_bounds = array<i64: 1, 1, 512>}, {transform_indices = @transform_3, window_bounds = array<i64: 1, 128, 512>}, {transform_indices = @transform_4, window_bounds = array<i64: 1, 1, 512>}, {transform_indices = @transform_5, window_bounds = array<i64: 1, 24, 512>}, {transform_indices = @transform_6, window_bounds = array<i64: 1, 1, 8>}, {transform_indices = @transform_7, window_bounds = array<i64: 1, 1000, 512>}, {transform_indices = @transform_8, window_bounds = array<i64: 1, 1000, 512>}]} {
    %get3A = arith.constant 0 : index
    %get3A_0 = arith.constant 0 : index
    %get3A_1 = vector.load %arg2[%get3A, %get3A_0] : memref<1000x128xf32, #tpu.memory_space<vmem>>, vector<1000x128xf32>
    %get3A_2 = arith.constant 0 : index
    %get3A_3 = arith.constant 0 : index
    %get3A_4 = arith.constant 0 : index
    %get3A_5 = vector.load %arg3[%get3A_2, %get3A_3, %get3A_4] : memref<1x128x512xf32, #tpu.memory_space<vmem>>, vector<1x128x512xf32>
    %get3A_6 = vector.shape_cast %get3A_5 : vector<1x128x512xf32> to vector<128x512xf32>
    %dot_general3A = arith.constant dense<0.000000e+00> : vector<1000x512xf32>
    %dot_general3A_7 = tpu.matmul %get3A_1, %get3A_6, %dot_general3A {dimension_numbers = #tpu.dot_dimension_numbers<[1], [0], [0], [1], [0, 0, 1, 1], [], []>, transpose_lhs_hint = false} : vector<1000x128xf32>, vector<128x512xf32>, vector<1000x512xf32> -> vector<1000x512xf32>
    %get3A_8 = arith.constant 0 : index
    %get3A_9 = arith.constant 0 : index
    %get3A_10 = arith.constant 0 : index
    %get3A_11 = vector.load %arg4[%get3A_8, %get3A_9, %get3A_10] : memref<1x1x512xf32, #tpu.memory_space<vmem>>, vector<1x1x512xf32>
    %get3A_12 = vector.shape_cast %get3A_11 : vector<1x1x512xf32> to vector<1x512xf32>
    %add3A = vector.broadcast %get3A_12 : vector<1x512xf32> to vector<1000x512xf32>
    %add3A_13 = arith.addf %dot_general3A_7, %add3A : vector<1000x512xf32>
    %swap3A = arith.constant 0 : index
    %swap3A_14 = arith.constant 0 : index
    %swap3A_15 = arith.constant 0 : index
    %swap3A_16 = vector.load %arg9[%swap3A, %swap3A_14, %swap3A_15] : memref<1x1000x512xf32, #tpu.memory_space<vmem>>, vector<1x1000x512xf32>
    %swap3A_17 = vector.shape_cast %swap3A_16 : vector<1x1000x512xf32> to vector<1000x512xf32>
    %swap3A_18 = vector.shape_cast %add3A_13 : vector<1000x512xf32> to vector<1x1000x512xf32>
    tpu.vector_store %arg9[%swap3A, %swap3A_14, %swap3A_15], %swap3A_18 {strides = array<i32>} : memref<1x1000x512xf32, #tpu.memory_space<vmem>>, vector<1x1000x512xf32>,
    %get3A_19 = arith.constant 0 : index
    %get3A_20 = arith.constant 0 : index
    %get3A_21 = arith.constant 0 : index
    %get3A_22 = vector.load %arg8[%get3A_19, %get3A_20, %get3A_21] : memref<1x1x8xf32, #tpu.memory_space<vmem>>, vector<1x1x8xf32>
    %get3A_23 = vector.shape_cast %get3A_22 : vector<1x1x8xf32> to vector<1x8xf32>
    %get3A_24 = arith.constant 0 : index
    %get3A_25 = arith.constant 16 : index
    %get3A_26 = arith.constant 0 : index
    %get3A_27 = vector.load %arg7[%get3A_24, %get3A_25, %get3A_26] : memref<1x24x512xf32, #tpu.memory_space<vmem>>, vector<1x8x512xf32>
    %get3A_28 = vector.shape_cast %get3A_27 : vector<1x8x512xf32> to vector<8x512xf32>
    %dot_general3A_29 = arith.constant dense<0.000000e+00> : vector<1x512xf32>
    %dot_general3A_30 = tpu.matmul %get3A_23, %get3A_28, %dot_general3A_29 {dimension_numbers = #tpu.dot_dimension_numbers<[1], [0], [0], [1], [0, 0, 1, 1], [], []>, transpose_lhs_hint = false} : vector<1x8xf32>, vector<8x512xf32>, vector<1x512xf32> -> vector<1x512xf32>
    %get3A_31 = arith.constant 0 : index
    %get3A_32 = arith.constant 0 : index
    %get3A_33 = arith.constant 0 : index
    %get3A_34 = vector.load %arg5[%get3A_31, %get3A_32, %get3A_33] : memref<1x128x512xf32, #tpu.memory_space<vmem>>, vector<1x128x512xf32>
    %get3A_35 = vector.shape_cast %get3A_34 : vector<1x128x512xf32> to vector<128x512xf32>
    %dot_general3A_36 = arith.constant dense<0.000000e+00> : vector<1000x512xf32>
    %dot_general3A_37 = tpu.matmul %get3A_1, %get3A_35, %dot_general3A_36 {dimension_numbers = #tpu.dot_dimension_numbers<[1], [0], [0], [1], [0, 0, 1, 1], [], []>, transpose_lhs_hint = false} : vector<1000x128xf32>, vector<128x512xf32>, vector<1000x512xf32> -> vector<1000x512xf32>
    %get3A_38 = arith.constant 0 : index
    %get3A_39 = arith.constant 0 : index
    %get3A_40 = arith.constant 0 : index
    %get3A_41 = vector.load %arg6[%get3A_38, %get3A_39, %get3A_40] : memref<1x1x512xf32, #tpu.memory_space<vmem>>, vector<1x1x512xf32>
    %get3A_42 = vector.shape_cast %get3A_41 : vector<1x1x512xf32> to vector<1x512xf32>
    %add3A_43 = vector.broadcast %get3A_42 : vector<1x512xf32> to vector<1000x512xf32>
    %add3A_44 = arith.addf %dot_general3A_37, %add3A_43 : vector<1000x512xf32>
    %add3A_45 = vector.broadcast %dot_general3A_30 : vector<1x512xf32> to vector<1000x512xf32>
    %add3A_46 = arith.addf %add3A_44, %add3A_45 : vector<1000x512xf32>
    %swap3A_47 = arith.constant 0 : index
    %swap3A_48 = arith.constant 0 : index
    %swap3A_49 = arith.constant 0 : index
    %swap3A_50 = vector.load %arg10[%swap3A_47, %swap3A_48, %swap3A_49] : memref<1x1000x512xf32, #tpu.memory_space<vmem>>, vector<1x1000x512xf32>
    %swap3A_51 = vector.shape_cast %swap3A_50 : vector<1x1000x512xf32> to vector<1000x512xf32>
    %swap3A_52 = vector.shape_cast %add3A_46 : vector<1000x512xf32> to vector<1x1000x512xf32>
    tpu.vector_store %arg10[%swap3A_47, %swap3A_48, %swap3A_49], %swap3A_52 {strides = array<i32>} : memref<1x1000x512xf32, #tpu.memory_space<vmem>>, vector<1x1000x512xf32>,
    return
  }
  func.func @transform_0(%arg0: i32, %arg1: i32) -> (i32, i32) {
    %c0_i32 = arith.constant 0 : i32
    %c0_i32_0 = arith.constant 0 : i32
    return %arg1, %c0_i32 : i32, i32
  }
  func.func @transform_1(%arg0: i32, %arg1: i32) -> (i32, i32, i32) {
    %c0_i32 = arith.constant 0 : i32
    %c0_i32_0 = arith.constant 0 : i32
    %c0_i32_1 = arith.constant 0 : i32
    return %arg0, %c0_i32, %c0_i32_0 : i32, i32, i32
  }
  func.func @transform_2(%arg0: i32, %arg1: i32) -> (i32, i32, i32) {
    %c0_i32 = arith.constant 0 : i32
    %c0_i32_0 = arith.constant 0 : i32
    %c0_i32_1 = arith.constant 0 : i32
    return %arg0, %c0_i32, %c0_i32_0 : i32, i32, i32
  }
  func.func @transform_3(%arg0: i32, %arg1: i32) -> (i32, i32, i32) {
    %c0_i32 = arith.constant 0 : i32
    %c0_i32_0 = arith.constant 0 : i32
    %c0_i32_1 = arith.constant 0 : i32
    return %arg0, %c0_i32, %c0_i32_0 : i32, i32, i32
  }
  func.func @transform_4(%arg0: i32, %arg1: i32) -> (i32, i32, i32) {
    %c0_i32 = arith.constant 0 : i32
    %c0_i32_0 = arith.constant 0 : i32
    %c0_i32_1 = arith.constant 0 : i32
    return %arg0, %c0_i32, %c0_i32_0 : i32, i32, i32
  }
  func.func @transform_5(%arg0: i32, %arg1: i32) -> (i32, i32, i32) {
    %c0_i32 = arith.constant 0 : i32
    %c0_i32_0 = arith.constant 0 : i32
    %c0_i32_1 = arith.constant 0 : i32
    return %arg0, %c0_i32, %c0_i32_0 : i32, i32, i32
  }
  func.func @transform_6(%arg0: i32, %arg1: i32) -> (i32, i32, i32) {
    %c0_i32 = arith.constant 0 : i32
    %c0_i32_0 = arith.constant 0 : i32
    %c0_i32_1 = arith.constant 0 : i32
    return %arg0, %c0_i32, %c0_i32_0 : i32, i32, i32
  }
  func.func @transform_7(%arg0: i32, %arg1: i32) -> (i32, i32, i32) {
    %c0_i32 = arith.constant 0 : i32
    %c0_i32_0 = arith.constant 0 : i32
    return %arg0, %arg1, %c0_i32 : i32, i32, i32
  }
  func.func @transform_8(%arg0: i32, %arg1: i32) -> (i32, i32, i32) {
    %c0_i32 = arith.constant 0 : i32
    %c0_i32_0 = arith.constant 0 : i32
    return %arg0, %arg1, %c0_i32 : i32, i32, i32
  }
}

module attributes {stable_mosaic.version = 14 : i64} {
  func.func @_idx_body(%arg0: i32, %arg1: memref<1x1x2000xi32, #tpu.memory_space<vmem>>, %arg2: memref<1x1x2000xi32, #tpu.memory_space<vmem>>, %arg3: memref<1x1x2000xi32, #tpu.memory_space<vmem>>, %arg4: memref<1x1x2000xi32, #tpu.memory_space<vmem>>, %arg5: memref<1x1x2000xi32, #tpu.memory_space<vmem>>) attributes {dimension_semantics = [#tpu.dimension_semantics<arbitrary>], iteration_bounds = array<i64: 64>, scalar_prefetch = 0 : i64, scratch_operands = 0 : i64, tpu.core_type = #tpu.core_type<tc>, window_params = [{transform_indices = @transform_0, window_bounds = array<i64: 1, 1, 2000>}, {transform_indices = @transform_1, window_bounds = array<i64: 1, 1, 2000>}, {transform_indices = @transform_2, window_bounds = array<i64: 1, 1, 2000>}, {transform_indices = @transform_3, window_bounds = array<i64: 1, 1, 2000>}, {transform_indices = @transform_4, window_bounds = array<i64: 1, 1, 2000>}]} {
    %get3A = arith.constant 0 : index
    %get3A_0 = arith.constant 0 : index
    %get3A_1 = arith.constant 0 : index
    %get3A_2 = vector.load %arg3[%get3A, %get3A_0, %get3A_1] : memref<1x1x2000xi32, #tpu.memory_space<vmem>>, vector<1x1x2000xi32>
    %get3A_3 = vector.shape_cast %get3A_2 : vector<1x1x2000xi32> to vector<1x2000xi32>
    %mul3A = arith.constant 10000 : i32
    %mul3A_4 = vector.broadcast %mul3A : i32 to vector<1x2000xi32>
    %mul3A_5 = arith.muli %get3A_3, %mul3A_4 : vector<1x2000xi32>
    %get3A_6 = arith.constant 0 : index
    %get3A_7 = arith.constant 0 : index
    %get3A_8 = arith.constant 0 : index
    %get3A_9 = vector.load %arg1[%get3A_6, %get3A_7, %get3A_8] : memref<1x1x2000xi32, #tpu.memory_space<vmem>>, vector<1x1x2000xi32>
    %get3A_10 = vector.shape_cast %get3A_9 : vector<1x1x2000xi32> to vector<1x2000xi32>
    %add3A = arith.addi %mul3A_5, %get3A_10 : vector<1x2000xi32>
    %swap3A = arith.constant 0 : index
    %swap3A_11 = arith.constant 0 : index
    %swap3A_12 = arith.constant 0 : index
    %swap3A_13 = vector.load %arg4[%swap3A, %swap3A_11, %swap3A_12] : memref<1x1x2000xi32, #tpu.memory_space<vmem>>, vector<1x1x2000xi32>
    %swap3A_14 = vector.shape_cast %swap3A_13 : vector<1x1x2000xi32> to vector<1x2000xi32>
    %swap3A_15 = vector.shape_cast %add3A : vector<1x2000xi32> to vector<1x1x2000xi32>
    tpu.vector_store %arg4[%swap3A, %swap3A_11, %swap3A_12], %swap3A_15 {strides = array<i32>} : memref<1x1x2000xi32, #tpu.memory_space<vmem>>, vector<1x1x2000xi32>,
    %get3A_16 = arith.constant 0 : index
    %get3A_17 = arith.constant 0 : index
    %get3A_18 = arith.constant 0 : index
    %get3A_19 = vector.load %arg2[%get3A_16, %get3A_17, %get3A_18] : memref<1x1x2000xi32, #tpu.memory_space<vmem>>, vector<1x1x2000xi32>
    %get3A_20 = vector.shape_cast %get3A_19 : vector<1x1x2000xi32> to vector<1x2000xi32>
    %add3A_21 = arith.addi %mul3A_5, %get3A_20 : vector<1x2000xi32>
    %swap3A_22 = arith.constant 0 : index
    %swap3A_23 = arith.constant 0 : index
    %swap3A_24 = arith.constant 0 : index
    %swap3A_25 = vector.load %arg5[%swap3A_22, %swap3A_23, %swap3A_24] : memref<1x1x2000xi32, #tpu.memory_space<vmem>>, vector<1x1x2000xi32>
    %swap3A_26 = vector.shape_cast %swap3A_25 : vector<1x1x2000xi32> to vector<1x2000xi32>
    %swap3A_27 = vector.shape_cast %add3A_21 : vector<1x2000xi32> to vector<1x1x2000xi32>
    tpu.vector_store %arg5[%swap3A_22, %swap3A_23, %swap3A_24], %swap3A_27 {strides = array<i32>} : memref<1x1x2000xi32, #tpu.memory_space<vmem>>, vector<1x1x2000xi32>,
    return
  }
  func.func @transform_0(%arg0: i32) -> (i32, i32, i32) {
    %c0_i32 = arith.constant 0 : i32
    %c0_i32_0 = arith.constant 0 : i32
    %c0_i32_1 = arith.constant 0 : i32
    return %arg0, %c0_i32, %c0_i32_0 : i32, i32, i32
  }
  func.func @transform_1(%arg0: i32) -> (i32, i32, i32) {
    %c0_i32 = arith.constant 0 : i32
    %c0_i32_0 = arith.constant 0 : i32
    %c0_i32_1 = arith.constant 0 : i32
    return %arg0, %c0_i32, %c0_i32_0 : i32, i32, i32
  }
  func.func @transform_2(%arg0: i32) -> (i32, i32, i32) {
    %c0_i32 = arith.constant 0 : i32
    %c0_i32_0 = arith.constant 0 : i32
    %c0_i32_1 = arith.constant 0 : i32
    return %arg0, %c0_i32, %c0_i32_0 : i32, i32, i32
  }
  func.func @transform_3(%arg0: i32) -> (i32, i32, i32) {
    %c0_i32 = arith.constant 0 : i32
    %c0_i32_0 = arith.constant 0 : i32
    %c0_i32_1 = arith.constant 0 : i32
    return %arg0, %c0_i32, %c0_i32_0 : i32, i32, i32
  }
  func.func @transform_4(%arg0: i32) -> (i32, i32, i32) {
    %c0_i32 = arith.constant 0 : i32
    %c0_i32_0 = arith.constant 0 : i32
    %c0_i32_1 = arith.constant 0 : i32
    return %arg0, %c0_i32, %c0_i32_0 : i32, i32, i32
  }
}

module attributes {stable_mosaic.version = 14 : i64} {
  func.func @_ee_body(%arg0: i32, %arg1: memref<1x2000x16xf32, #tpu.memory_space<vmem>>, %arg2: memref<1x1x2000xi32, #tpu.memory_space<vmem>>, %arg3: memref<4x24x512xf32, #tpu.memory_space<vmem>>, %arg4: memref<1x2000x512xbf16, #tpu.memory_space<vmem>>) attributes {dimension_semantics = [#tpu.dimension_semantics<arbitrary>], iteration_bounds = array<i64: 96>, scalar_prefetch = 0 : i64, scratch_operands = 0 : i64, tpu.core_type = #tpu.core_type<tc>, window_params = [{transform_indices = @transform_0, window_bounds = array<i64: 1, 2000, 16>}, {transform_indices = @transform_1, window_bounds = array<i64: 1, 1, 2000>}, {pipeline_mode = #tpu.pipeline_mode<synchronous>, transform_indices = @transform_2, window_bounds = array<i64: 4, 24, 512>}, {transform_indices = @transform_3, window_bounds = array<i64: 1, 2000, 512>}]} {
    %get3A = arith.constant 0 : index
    %get3A_0 = arith.constant 0 : index
    %get3A_1 = arith.constant 0 : index
    %get3A_2 = vector.load %arg1[%get3A, %get3A_0, %get3A_1] : memref<1x2000x16xf32, #tpu.memory_space<vmem>>, vector<1x2000x16xf32>
    %get3A_3 = vector.shape_cast %get3A_2 : vector<1x2000x16xf32> to vector<2000x16xf32>
    %get3A_4 = arith.constant 0 : index
    %get3A_5 = arith.constant 0 : index
    %get3A_6 = arith.constant 0 : index
    %get3A_7 = vector.load %arg2[%get3A_4, %get3A_5, %get3A_6] : memref<1x1x2000xi32, #tpu.memory_space<vmem>>, vector<1x1x2000xi32>
    %get3A_8 = vector.shape_cast %get3A_7 : vector<1x1x2000xi32> to vector<1x2000xi32>
    %broadcast_in_dim3A = vector.shape_cast %get3A_8 : vector<1x2000xi32> to vector<1x2000xi32>
    %broadcast_in_dim3A_9 = vector.broadcast %broadcast_in_dim3A : vector<1x2000xi32> to vector<4x2000xi32>
    %iota3A = tpu.iota {dimensions = array<i32: 0>} : vector<4x2000xi32>
    %eq3A = arith.cmpi eq, %broadcast_in_dim3A_9, %iota3A : vector<4x2000xi32>
    %transpose3A = tpu.transpose %eq3A, [1, 0] : vector<4x2000xi1> -> vector<2000x4xi1>
    %convert_element_type3A = arith.extui %transpose3A : vector<2000x4xi1> to vector<2000x4xi32>
    %convert_element_type3A_10 = arith.sitofp %convert_element_type3A : vector<2000x4xi32> to vector<2000x4xf32>
    %slice3A = vector.extract_strided_slice %convert_element_type3A_10 {offsets = [0, 0], sizes = [2000, 1], strides = [1, 1]} : vector<2000x4xf32> to vector<2000x1xf32>
    %mul3A = vector.broadcast %slice3A : vector<2000x1xf32> to vector<2000x16xf32>
    %mul3A_11 = arith.mulf %get3A_3, %mul3A : vector<2000x16xf32>
    %slice3A_12 = vector.extract_strided_slice %convert_element_type3A_10 {offsets = [0, 1], sizes = [2000, 1], strides = [1, 1]} : vector<2000x4xf32> to vector<2000x1xf32>
    %mul3A_13 = vector.broadcast %slice3A_12 : vector<2000x1xf32> to vector<2000x16xf32>
    %mul3A_14 = arith.mulf %get3A_3, %mul3A_13 : vector<2000x16xf32>
    %slice3A_15 = vector.extract_strided_slice %convert_element_type3A_10 {offsets = [0, 2], sizes = [2000, 1], strides = [1, 1]} : vector<2000x4xf32> to vector<2000x1xf32>
    %mul3A_16 = vector.broadcast %slice3A_15 : vector<2000x1xf32> to vector<2000x16xf32>
    %mul3A_17 = arith.mulf %get3A_3, %mul3A_16 : vector<2000x16xf32>
    %slice3A_18 = vector.extract_strided_slice %convert_element_type3A_10 {offsets = [0, 3], sizes = [2000, 1], strides = [1, 1]} : vector<2000x4xf32> to vector<2000x1xf32>
    %mul3A_19 = vector.broadcast %slice3A_18 : vector<2000x1xf32> to vector<2000x16xf32>
    %mul3A_20 = arith.mulf %get3A_3, %mul3A_19 : vector<2000x16xf32>
    %concatenate3A = tpu.concatenate %mul3A_11, %mul3A_14, %mul3A_17, %mul3A_20 in 1 : vector<2000x16xf32>, vector<2000x16xf32>, vector<2000x16xf32>, vector<2000x16xf32> -> vector<2000x64xf32>
    %get3A_21 = arith.constant 0 : index
    %get3A_22 = arith.constant 0 : index
    %get3A_23 = arith.constant 0 : index
    %get3A_24 = vector.load %arg3[%get3A_21, %get3A_22, %get3A_23] : memref<4x24x512xf32, #tpu.memory_space<vmem>>, vector<1x16x512xf32>
    %get3A_25 = vector.shape_cast %get3A_24 : vector<1x16x512xf32> to vector<16x512xf32>
    %get3A_26 = arith.constant 1 : index
    %get3A_27 = arith.constant 0 : index
    %get3A_28 = arith.constant 0 : index
    %get3A_29 = vector.load %arg3[%get3A_26, %get3A_27, %get3A_28] : memref<4x24x512xf32, #tpu.memory_space<vmem>>, vector<1x16x512xf32>
    %get3A_30 = vector.shape_cast %get3A_29 : vector<1x16x512xf32> to vector<16x512xf32>
    %get3A_31 = arith.constant 2 : index
    %get3A_32 = arith.constant 0 : index
    %get3A_33 = arith.constant 0 : index
    %get3A_34 = vector.load %arg3[%get3A_31, %get3A_32, %get3A_33] : memref<4x24x512xf32, #tpu.memory_space<vmem>>, vector<1x16x512xf32>
    %get3A_35 = vector.shape_cast %get3A_34 : vector<1x16x512xf32> to vector<16x512xf32>
    %get3A_36 = arith.constant 3 : index
    %get3A_37 = arith.constant 0 : index
    %get3A_38 = arith.constant 0 : index
    %get3A_39 = vector.load %arg3[%get3A_36, %get3A_37, %get3A_38] : memref<4x24x512xf32, #tpu.memory_space<vmem>>, vector<1x16x512xf32>
    %get3A_40 = vector.shape_cast %get3A_39 : vector<1x16x512xf32> to vector<16x512xf32>
    %concatenate3A_41 = tpu.concatenate %get3A_25, %get3A_30, %get3A_35, %get3A_40 in 0 : vector<16x512xf32>, vector<16x512xf32>, vector<16x512xf32>, vector<16x512xf32> -> vector<64x512xf32>
    %dot_general3A = arith.constant dense<0.000000e+00> : vector<2000x512xf32>
    %dot_general3A_42 = tpu.matmul %concatenate3A, %concatenate3A_41, %dot_general3A {dimension_numbers = #tpu.dot_dimension_numbers<[1], [0], [0], [1], [0, 0, 1, 1], [], []>, transpose_lhs_hint = false} : vector<2000x64xf32>, vector<64x512xf32>, vector<2000x512xf32> -> vector<2000x512xf32>
    %convert_element_type3A_43 = arith.truncf %dot_general3A_42 : vector<2000x512xf32> to vector<2000x512xbf16>
    %swap3A = arith.constant 0 : index
    %swap3A_44 = arith.constant 0 : index
    %swap3A_45 = arith.constant 0 : index
    %swap3A_46 = vector.load %arg4[%swap3A, %swap3A_44, %swap3A_45] : memref<1x2000x512xbf16, #tpu.memory_space<vmem>>, vector<1x2000x512xbf16>
    %swap3A_47 = vector.shape_cast %swap3A_46 : vector<1x2000x512xbf16> to vector<2000x512xbf16>
    %swap3A_48 = vector.shape_cast %convert_element_type3A_43 : vector<2000x512xbf16> to vector<1x2000x512xbf16>
    tpu.vector_store %arg4[%swap3A, %swap3A_44, %swap3A_45], %swap3A_48 {strides = array<i32>} : memref<1x2000x512xbf16, #tpu.memory_space<vmem>>, vector<1x2000x512xbf16>,
    return
  }
  func.func @transform_0(%arg0: i32) -> (i32, i32, i32) {
    %c0_i32 = arith.constant 0 : i32
    %c0_i32_0 = arith.constant 0 : i32
    %c0_i32_1 = arith.constant 0 : i32
    return %arg0, %c0_i32, %c0_i32_0 : i32, i32, i32
  }
  func.func @transform_1(%arg0: i32) -> (i32, i32, i32) {
    %c0_i32 = arith.constant 0 : i32
    %c0_i32_0 = arith.constant 0 : i32
    %c0_i32_1 = arith.constant 0 : i32
    return %arg0, %c0_i32, %c0_i32_0 : i32, i32, i32
  }
  func.func @transform_2(%arg0: i32) -> (i32, i32, i32) {
    %c0_i32 = arith.constant 0 : i32
    %c0_i32_0 = arith.constant 0 : i32
    %c0_i32_1 = arith.constant 0 : i32
    %c0_i32_2 = arith.constant 0 : i32
    return %c0_i32, %c0_i32_0, %c0_i32_1 : i32, i32, i32
  }
  func.func @transform_3(%arg0: i32) -> (i32, i32, i32) {
    %c0_i32 = arith.constant 0 : i32
    %c0_i32_0 = arith.constant 0 : i32
    %c0_i32_1 = arith.constant 0 : i32
    return %arg0, %c0_i32, %c0_i32_0 : i32, i32, i32
  }
}

module attributes {stable_mosaic.version = 14 : i64} {
  func.func @_logits_body(%arg0: i32, %arg1: memref<1x2000x512xf32, #tpu.memory_space<vmem>>, %arg2: memref<1x2000x512xf32, #tpu.memory_space<vmem>>, %arg3: memref<1x2000x512xbf16, #tpu.memory_space<vmem>>, %arg4: memref<1x1x2000xi32, #tpu.memory_space<vmem>>, %arg5: memref<512x16xf32, #tpu.memory_space<vmem>>, %arg6: memref<1x2000x128xf32, #tpu.memory_space<vmem>>) attributes {dimension_semantics = [#tpu.dimension_semantics<arbitrary>], iteration_bounds = array<i64: 96>, scalar_prefetch = 0 : i64, scratch_operands = 0 : i64, tpu.core_type = #tpu.core_type<tc>, window_params = [{transform_indices = @transform_0, window_bounds = array<i64: 1, 2000, 512>}, {transform_indices = @transform_1, window_bounds = array<i64: 1, 2000, 512>}, {transform_indices = @transform_2, window_bounds = array<i64: 1, 2000, 512>}, {transform_indices = @transform_3, window_bounds = array<i64: 1, 1, 2000>}, {pipeline_mode = #tpu.pipeline_mode<synchronous>, transform_indices = @transform_4, window_bounds = array<i64: 512, 16>}, {transform_indices = @transform_5, window_bounds = array<i64: 1, 2000, 128>}]} {
    %get3A = arith.constant 0 : index
    %get3A_0 = arith.constant 0 : index
    %get3A_1 = arith.constant 0 : index
    %get3A_2 = vector.load %arg1[%get3A, %get3A_0, %get3A_1] : memref<1x2000x512xf32, #tpu.memory_space<vmem>>, vector<1x2000x512xf32>
    %get3A_3 = vector.shape_cast %get3A_2 : vector<1x2000x512xf32> to vector<2000x512xf32>
    %get3A_4 = arith.constant 0 : index
    %get3A_5 = arith.constant 0 : index
    %get3A_6 = arith.constant 0 : index
    %get3A_7 = vector.load %arg2[%get3A_4, %get3A_5, %get3A_6] : memref<1x2000x512xf32, #tpu.memory_space<vmem>>, vector<1x2000x512xf32>
    %get3A_8 = vector.shape_cast %get3A_7 : vector<1x2000x512xf32> to vector<2000x512xf32>
    %add3A = arith.addf %get3A_3, %get3A_8 : vector<2000x512xf32>
    %get3A_9 = arith.constant 0 : index
    %get3A_10 = arith.constant 0 : index
    %get3A_11 = arith.constant 0 : index
    %get3A_12 = vector.load %arg3[%get3A_9, %get3A_10, %get3A_11] : memref<1x2000x512xbf16, #tpu.memory_space<vmem>>, vector<1x2000x512xbf16>
    %get3A_13 = vector.shape_cast %get3A_12 : vector<1x2000x512xbf16> to vector<2000x512xbf16>
    %convert_element_type3A = arith.extf %get3A_13 : vector<2000x512xbf16> to vector<2000x512xf32>
    %add3A_14 = arith.addf %add3A, %convert_element_type3A : vector<2000x512xf32>
    %mul3A = arith.constant 2.000000e-01 : f32
    %mul3A_15 = vector.broadcast %mul3A : f32 to vector<2000x512xf32>
    %mul3A_16 = arith.mulf %mul3A_15, %add3A_14 : vector<2000x512xf32>
    %max3A = arith.maximumf %add3A_14, %mul3A_16 : vector<2000x512xf32>
    %get3A_17 = arith.constant 0 : index
    %get3A_18 = arith.constant 0 : index
    %get3A_19 = arith.constant 0 : index
    %get3A_20 = vector.load %arg4[%get3A_17, %get3A_18, %get3A_19] : memref<1x1x2000xi32, #tpu.memory_space<vmem>>, vector<1x1x2000xi32>
    %get3A_21 = vector.shape_cast %get3A_20 : vector<1x1x2000xi32> to vector<1x2000xi32>
    %broadcast_in_dim3A = vector.shape_cast %get3A_21 : vector<1x2000xi32> to vector<1x2000xi32>
    %broadcast_in_dim3A_22 = vector.broadcast %broadcast_in_dim3A : vector<1x2000xi32> to vector<4x2000xi32>
    %iota3A = tpu.iota {dimensions = array<i32: 0>} : vector<4x2000xi32>
    %eq3A = arith.cmpi eq, %broadcast_in_dim3A_22, %iota3A : vector<4x2000xi32>
    %transpose3A = tpu.transpose %eq3A, [1, 0] : vector<4x2000xi1> -> vector<2000x4xi1>
    %convert_element_type3A_23 = arith.extui %transpose3A : vector<2000x4xi1> to vector<2000x4xi32>
    %convert_element_type3A_24 = arith.sitofp %convert_element_type3A_23 : vector<2000x4xi32> to vector<2000x4xf32>
    %get3A_25 = arith.constant 0 : index
    %get3A_26 = arith.constant 0 : index
    %get3A_27 = vector.load %arg5[%get3A_25, %get3A_26] : memref<512x16xf32, #tpu.memory_space<vmem>>, vector<512x16xf32>
    %dot_general3A = arith.constant dense<0.000000e+00> : vector<2000x16xf32>
    %dot_general3A_28 = tpu.matmul %max3A, %get3A_27, %dot_general3A {dimension_numbers = #tpu.dot_dimension_numbers<[1], [0], [0], [1], [0, 0, 1, 1], [], []>, transpose_lhs_hint = false} : vector<2000x512xf32>, vector<512x16xf32>, vector<2000x16xf32> -> vector<2000x16xf32>
    %broadcast_in_dim3A_29 = vector.shape_cast %convert_element_type3A_24 : vector<2000x4xf32> to vector<2000x4x1xf32>
    %broadcast_in_dim3A_30 = vector.broadcast %broadcast_in_dim3A_29 : vector<2000x4x1xf32> to vector<2000x4x4xf32>
    %reshape3A = vector.shape_cast %broadcast_in_dim3A_30 : vector<2000x4x4xf32> to vector<2000x16xf32>
    %exp3A = math.exp %dot_general3A_28 : vector<2000x16xf32>
    %mul3A_31 = arith.mulf %reshape3A, %exp3A : vector<2000x16xf32>
    %broadcast_in_dim3A_32 = arith.constant 0.000000e+00 : f32
    %broadcast_in_dim3A_33 = vector.broadcast %broadcast_in_dim3A_32 : f32 to vector<2000x112xf32>
    %concatenate3A = tpu.concatenate %mul3A_31, %broadcast_in_dim3A_33 in 1 : vector<2000x16xf32>, vector<2000x112xf32> -> vector<2000x128xf32>
    %swap3A = arith.constant 0 : index
    %swap3A_34 = arith.constant 0 : index
    %swap3A_35 = arith.constant 0 : index
    %swap3A_36 = vector.load %arg6[%swap3A, %swap3A_34, %swap3A_35] : memref<1x2000x128xf32, #tpu.memory_space<vmem>>, vector<1x2000x128xf32>
    %swap3A_37 = vector.shape_cast %swap3A_36 : vector<1x2000x128xf32> to vector<2000x128xf32>
    %swap3A_38 = vector.shape_cast %concatenate3A : vector<2000x128xf32> to vector<1x2000x128xf32>
    tpu.vector_store %arg6[%swap3A, %swap3A_34, %swap3A_35], %swap3A_38 {strides = array<i32>} : memref<1x2000x128xf32, #tpu.memory_space<vmem>>, vector<1x2000x128xf32>,
    return
  }
  func.func @transform_0(%arg0: i32) -> (i32, i32, i32) {
    %c0_i32 = arith.constant 0 : i32
    %c0_i32_0 = arith.constant 0 : i32
    %c0_i32_1 = arith.constant 0 : i32
    return %arg0, %c0_i32, %c0_i32_0 : i32, i32, i32
  }
  func.func @transform_1(%arg0: i32) -> (i32, i32, i32) {
    %c0_i32 = arith.constant 0 : i32
    %c0_i32_0 = arith.constant 0 : i32
    %c0_i32_1 = arith.constant 0 : i32
    return %arg0, %c0_i32, %c0_i32_0 : i32, i32, i32
  }
  func.func @transform_2(%arg0: i32) -> (i32, i32, i32) {
    %c0_i32 = arith.constant 0 : i32
    %c0_i32_0 = arith.constant 0 : i32
    %c0_i32_1 = arith.constant 0 : i32
    return %arg0, %c0_i32, %c0_i32_0 : i32, i32, i32
  }
  func.func @transform_3(%arg0: i32) -> (i32, i32, i32) {
    %c0_i32 = arith.constant 0 : i32
    %c0_i32_0 = arith.constant 0 : i32
    %c0_i32_1 = arith.constant 0 : i32
    return %arg0, %c0_i32, %c0_i32_0 : i32, i32, i32
  }
  func.func @transform_4(%arg0: i32) -> (i32, i32) {
    %c0_i32 = arith.constant 0 : i32
    %c0_i32_0 = arith.constant 0 : i32
    %c0_i32_1 = arith.constant 0 : i32
    return %c0_i32, %c0_i32_0 : i32, i32
  }
  func.func @transform_5(%arg0: i32) -> (i32, i32, i32) {
    %c0_i32 = arith.constant 0 : i32
    %c0_i32_0 = arith.constant 0 : i32
    %c0_i32_1 = arith.constant 0 : i32
    return %arg0, %c0_i32, %c0_i32_0 : i32, i32, i32
  }
}

module attributes {stable_mosaic.version = 14 : i64} {
  func.func @_ee_body(%arg0: i32, %arg1: memref<1x2000x16xf32, #tpu.memory_space<vmem>>, %arg2: memref<1x1x2000xi32, #tpu.memory_space<vmem>>, %arg3: memref<4x24x512xf32, #tpu.memory_space<vmem>>, %arg4: memref<1x2000x512xbf16, #tpu.memory_space<vmem>>) attributes {dimension_semantics = [#tpu.dimension_semantics<arbitrary>], iteration_bounds = array<i64: 64>, scalar_prefetch = 0 : i64, scratch_operands = 0 : i64, tpu.core_type = #tpu.core_type<tc>, window_params = [{transform_indices = @transform_0, window_bounds = array<i64: 1, 2000, 16>}, {transform_indices = @transform_1, window_bounds = array<i64: 1, 1, 2000>}, {pipeline_mode = #tpu.pipeline_mode<synchronous>, transform_indices = @transform_2, window_bounds = array<i64: 4, 24, 512>}, {transform_indices = @transform_3, window_bounds = array<i64: 1, 2000, 512>}]} {
    %get3A = arith.constant 0 : index
    %get3A_0 = arith.constant 0 : index
    %get3A_1 = arith.constant 0 : index
    %get3A_2 = vector.load %arg1[%get3A, %get3A_0, %get3A_1] : memref<1x2000x16xf32, #tpu.memory_space<vmem>>, vector<1x2000x16xf32>
    %get3A_3 = vector.shape_cast %get3A_2 : vector<1x2000x16xf32> to vector<2000x16xf32>
    %get3A_4 = arith.constant 0 : index
    %get3A_5 = arith.constant 0 : index
    %get3A_6 = arith.constant 0 : index
    %get3A_7 = vector.load %arg2[%get3A_4, %get3A_5, %get3A_6] : memref<1x1x2000xi32, #tpu.memory_space<vmem>>, vector<1x1x2000xi32>
    %get3A_8 = vector.shape_cast %get3A_7 : vector<1x1x2000xi32> to vector<1x2000xi32>
    %broadcast_in_dim3A = vector.shape_cast %get3A_8 : vector<1x2000xi32> to vector<1x2000xi32>
    %broadcast_in_dim3A_9 = vector.broadcast %broadcast_in_dim3A : vector<1x2000xi32> to vector<4x2000xi32>
    %iota3A = tpu.iota {dimensions = array<i32: 0>} : vector<4x2000xi32>
    %eq3A = arith.cmpi eq, %broadcast_in_dim3A_9, %iota3A : vector<4x2000xi32>
    %transpose3A = tpu.transpose %eq3A, [1, 0] : vector<4x2000xi1> -> vector<2000x4xi1>
    %convert_element_type3A = arith.extui %transpose3A : vector<2000x4xi1> to vector<2000x4xi32>
    %convert_element_type3A_10 = arith.sitofp %convert_element_type3A : vector<2000x4xi32> to vector<2000x4xf32>
    %slice3A = vector.extract_strided_slice %convert_element_type3A_10 {offsets = [0, 0], sizes = [2000, 1], strides = [1, 1]} : vector<2000x4xf32> to vector<2000x1xf32>
    %mul3A = vector.broadcast %slice3A : vector<2000x1xf32> to vector<2000x16xf32>
    %mul3A_11 = arith.mulf %get3A_3, %mul3A : vector<2000x16xf32>
    %slice3A_12 = vector.extract_strided_slice %convert_element_type3A_10 {offsets = [0, 1], sizes = [2000, 1], strides = [1, 1]} : vector<2000x4xf32> to vector<2000x1xf32>
    %mul3A_13 = vector.broadcast %slice3A_12 : vector<2000x1xf32> to vector<2000x16xf32>
    %mul3A_14 = arith.mulf %get3A_3, %mul3A_13 : vector<2000x16xf32>
    %slice3A_15 = vector.extract_strided_slice %convert_element_type3A_10 {offsets = [0, 2], sizes = [2000, 1], strides = [1, 1]} : vector<2000x4xf32> to vector<2000x1xf32>
    %mul3A_16 = vector.broadcast %slice3A_15 : vector<2000x1xf32> to vector<2000x16xf32>
    %mul3A_17 = arith.mulf %get3A_3, %mul3A_16 : vector<2000x16xf32>
    %slice3A_18 = vector.extract_strided_slice %convert_element_type3A_10 {offsets = [0, 3], sizes = [2000, 1], strides = [1, 1]} : vector<2000x4xf32> to vector<2000x1xf32>
    %mul3A_19 = vector.broadcast %slice3A_18 : vector<2000x1xf32> to vector<2000x16xf32>
    %mul3A_20 = arith.mulf %get3A_3, %mul3A_19 : vector<2000x16xf32>
    %concatenate3A = tpu.concatenate %mul3A_11, %mul3A_14, %mul3A_17, %mul3A_20 in 1 : vector<2000x16xf32>, vector<2000x16xf32>, vector<2000x16xf32>, vector<2000x16xf32> -> vector<2000x64xf32>
    %get3A_21 = arith.constant 0 : index
    %get3A_22 = arith.constant 0 : index
    %get3A_23 = arith.constant 0 : index
    %get3A_24 = vector.load %arg3[%get3A_21, %get3A_22, %get3A_23] : memref<4x24x512xf32, #tpu.memory_space<vmem>>, vector<1x16x512xf32>
    %get3A_25 = vector.shape_cast %get3A_24 : vector<1x16x512xf32> to vector<16x512xf32>
    %get3A_26 = arith.constant 1 : index
    %get3A_27 = arith.constant 0 : index
    %get3A_28 = arith.constant 0 : index
    %get3A_29 = vector.load %arg3[%get3A_26, %get3A_27, %get3A_28] : memref<4x24x512xf32, #tpu.memory_space<vmem>>, vector<1x16x512xf32>
    %get3A_30 = vector.shape_cast %get3A_29 : vector<1x16x512xf32> to vector<16x512xf32>
    %get3A_31 = arith.constant 2 : index
    %get3A_32 = arith.constant 0 : index
    %get3A_33 = arith.constant 0 : index
    %get3A_34 = vector.load %arg3[%get3A_31, %get3A_32, %get3A_33] : memref<4x24x512xf32, #tpu.memory_space<vmem>>, vector<1x16x512xf32>
    %get3A_35 = vector.shape_cast %get3A_34 : vector<1x16x512xf32> to vector<16x512xf32>
    %get3A_36 = arith.constant 3 : index
    %get3A_37 = arith.constant 0 : index
    %get3A_38 = arith.constant 0 : index
    %get3A_39 = vector.load %arg3[%get3A_36, %get3A_37, %get3A_38] : memref<4x24x512xf32, #tpu.memory_space<vmem>>, vector<1x16x512xf32>
    %get3A_40 = vector.shape_cast %get3A_39 : vector<1x16x512xf32> to vector<16x512xf32>
    %concatenate3A_41 = tpu.concatenate %get3A_25, %get3A_30, %get3A_35, %get3A_40 in 0 : vector<16x512xf32>, vector<16x512xf32>, vector<16x512xf32>, vector<16x512xf32> -> vector<64x512xf32>
    %dot_general3A = arith.constant dense<0.000000e+00> : vector<2000x512xf32>
    %dot_general3A_42 = tpu.matmul %concatenate3A, %concatenate3A_41, %dot_general3A {dimension_numbers = #tpu.dot_dimension_numbers<[1], [0], [0], [1], [0, 0, 1, 1], [], []>, transpose_lhs_hint = false} : vector<2000x64xf32>, vector<64x512xf32>, vector<2000x512xf32> -> vector<2000x512xf32>
    %convert_element_type3A_43 = arith.truncf %dot_general3A_42 : vector<2000x512xf32> to vector<2000x512xbf16>
    %swap3A = arith.constant 0 : index
    %swap3A_44 = arith.constant 0 : index
    %swap3A_45 = arith.constant 0 : index
    %swap3A_46 = vector.load %arg4[%swap3A, %swap3A_44, %swap3A_45] : memref<1x2000x512xbf16, #tpu.memory_space<vmem>>, vector<1x2000x512xbf16>
    %swap3A_47 = vector.shape_cast %swap3A_46 : vector<1x2000x512xbf16> to vector<2000x512xbf16>
    %swap3A_48 = vector.shape_cast %convert_element_type3A_43 : vector<2000x512xbf16> to vector<1x2000x512xbf16>
    tpu.vector_store %arg4[%swap3A, %swap3A_44, %swap3A_45], %swap3A_48 {strides = array<i32>} : memref<1x2000x512xbf16, #tpu.memory_space<vmem>>, vector<1x2000x512xbf16>,
    return
  }
  func.func @transform_0(%arg0: i32) -> (i32, i32, i32) {
    %c0_i32 = arith.constant 0 : i32
    %c0_i32_0 = arith.constant 0 : i32
    %c0_i32_1 = arith.constant 0 : i32
    return %arg0, %c0_i32, %c0_i32_0 : i32, i32, i32
  }
  func.func @transform_1(%arg0: i32) -> (i32, i32, i32) {
    %c0_i32 = arith.constant 0 : i32
    %c0_i32_0 = arith.constant 0 : i32
    %c0_i32_1 = arith.constant 0 : i32
    return %arg0, %c0_i32, %c0_i32_0 : i32, i32, i32
  }
  func.func @transform_2(%arg0: i32) -> (i32, i32, i32) {
    %c0_i32 = arith.constant 0 : i32
    %c0_i32_0 = arith.constant 0 : i32
    %c0_i32_1 = arith.constant 0 : i32
    %c0_i32_2 = arith.constant 0 : i32
    return %c0_i32, %c0_i32_0, %c0_i32_1 : i32, i32, i32
  }
  func.func @transform_3(%arg0: i32) -> (i32, i32, i32) {
    %c0_i32 = arith.constant 0 : i32
    %c0_i32_0 = arith.constant 0 : i32
    %c0_i32_1 = arith.constant 0 : i32
    return %arg0, %c0_i32, %c0_i32_0 : i32, i32, i32
  }
}

module attributes {stable_mosaic.version = 14 : i64} {
  func.func @_logits_body(%arg0: i32, %arg1: memref<1x2000x512xf32, #tpu.memory_space<vmem>>, %arg2: memref<1x2000x512xf32, #tpu.memory_space<vmem>>, %arg3: memref<1x2000x512xbf16, #tpu.memory_space<vmem>>, %arg4: memref<1x1x2000xi32, #tpu.memory_space<vmem>>, %arg5: memref<512x16xf32, #tpu.memory_space<vmem>>, %arg6: memref<1x2000x128xf32, #tpu.memory_space<vmem>>) attributes {dimension_semantics = [#tpu.dimension_semantics<arbitrary>], iteration_bounds = array<i64: 64>, scalar_prefetch = 0 : i64, scratch_operands = 0 : i64, tpu.core_type = #tpu.core_type<tc>, window_params = [{transform_indices = @transform_0, window_bounds = array<i64: 1, 2000, 512>}, {transform_indices = @transform_1, window_bounds = array<i64: 1, 2000, 512>}, {transform_indices = @transform_2, window_bounds = array<i64: 1, 2000, 512>}, {transform_indices = @transform_3, window_bounds = array<i64: 1, 1, 2000>}, {pipeline_mode = #tpu.pipeline_mode<synchronous>, transform_indices = @transform_4, window_bounds = array<i64: 512, 16>}, {transform_indices = @transform_5, window_bounds = array<i64: 1, 2000, 128>}]} {
    %get3A = arith.constant 0 : index
    %get3A_0 = arith.constant 0 : index
    %get3A_1 = arith.constant 0 : index
    %get3A_2 = vector.load %arg1[%get3A, %get3A_0, %get3A_1] : memref<1x2000x512xf32, #tpu.memory_space<vmem>>, vector<1x2000x512xf32>
    %get3A_3 = vector.shape_cast %get3A_2 : vector<1x2000x512xf32> to vector<2000x512xf32>
    %get3A_4 = arith.constant 0 : index
    %get3A_5 = arith.constant 0 : index
    %get3A_6 = arith.constant 0 : index
    %get3A_7 = vector.load %arg2[%get3A_4, %get3A_5, %get3A_6] : memref<1x2000x512xf32, #tpu.memory_space<vmem>>, vector<1x2000x512xf32>
    %get3A_8 = vector.shape_cast %get3A_7 : vector<1x2000x512xf32> to vector<2000x512xf32>
    %add3A = arith.addf %get3A_3, %get3A_8 : vector<2000x512xf32>
    %get3A_9 = arith.constant 0 : index
    %get3A_10 = arith.constant 0 : index
    %get3A_11 = arith.constant 0 : index
    %get3A_12 = vector.load %arg3[%get3A_9, %get3A_10, %get3A_11] : memref<1x2000x512xbf16, #tpu.memory_space<vmem>>, vector<1x2000x512xbf16>
    %get3A_13 = vector.shape_cast %get3A_12 : vector<1x2000x512xbf16> to vector<2000x512xbf16>
    %convert_element_type3A = arith.extf %get3A_13 : vector<2000x512xbf16> to vector<2000x512xf32>
    %add3A_14 = arith.addf %add3A, %convert_element_type3A : vector<2000x512xf32>
    %mul3A = arith.constant 2.000000e-01 : f32
    %mul3A_15 = vector.broadcast %mul3A : f32 to vector<2000x512xf32>
    %mul3A_16 = arith.mulf %mul3A_15, %add3A_14 : vector<2000x512xf32>
    %max3A = arith.maximumf %add3A_14, %mul3A_16 : vector<2000x512xf32>
    %get3A_17 = arith.constant 0 : index
    %get3A_18 = arith.constant 0 : index
    %get3A_19 = arith.constant 0 : index
    %get3A_20 = vector.load %arg4[%get3A_17, %get3A_18, %get3A_19] : memref<1x1x2000xi32, #tpu.memory_space<vmem>>, vector<1x1x2000xi32>
    %get3A_21 = vector.shape_cast %get3A_20 : vector<1x1x2000xi32> to vector<1x2000xi32>
    %broadcast_in_dim3A = vector.shape_cast %get3A_21 : vector<1x2000xi32> to vector<1x2000xi32>
    %broadcast_in_dim3A_22 = vector.broadcast %broadcast_in_dim3A : vector<1x2000xi32> to vector<4x2000xi32>
    %iota3A = tpu.iota {dimensions = array<i32: 0>} : vector<4x2000xi32>
    %eq3A = arith.cmpi eq, %broadcast_in_dim3A_22, %iota3A : vector<4x2000xi32>
    %transpose3A = tpu.transpose %eq3A, [1, 0] : vector<4x2000xi1> -> vector<2000x4xi1>
    %convert_element_type3A_23 = arith.extui %transpose3A : vector<2000x4xi1> to vector<2000x4xi32>
    %convert_element_type3A_24 = arith.sitofp %convert_element_type3A_23 : vector<2000x4xi32> to vector<2000x4xf32>
    %get3A_25 = arith.constant 0 : index
    %get3A_26 = arith.constant 0 : index
    %get3A_27 = vector.load %arg5[%get3A_25, %get3A_26] : memref<512x16xf32, #tpu.memory_space<vmem>>, vector<512x16xf32>
    %dot_general3A = arith.constant dense<0.000000e+00> : vector<2000x16xf32>
    %dot_general3A_28 = tpu.matmul %max3A, %get3A_27, %dot_general3A {dimension_numbers = #tpu.dot_dimension_numbers<[1], [0], [0], [1], [0, 0, 1, 1], [], []>, transpose_lhs_hint = false} : vector<2000x512xf32>, vector<512x16xf32>, vector<2000x16xf32> -> vector<2000x16xf32>
    %broadcast_in_dim3A_29 = vector.shape_cast %convert_element_type3A_24 : vector<2000x4xf32> to vector<2000x4x1xf32>
    %broadcast_in_dim3A_30 = vector.broadcast %broadcast_in_dim3A_29 : vector<2000x4x1xf32> to vector<2000x4x4xf32>
    %reshape3A = vector.shape_cast %broadcast_in_dim3A_30 : vector<2000x4x4xf32> to vector<2000x16xf32>
    %exp3A = math.exp %dot_general3A_28 : vector<2000x16xf32>
    %mul3A_31 = arith.mulf %reshape3A, %exp3A : vector<2000x16xf32>
    %broadcast_in_dim3A_32 = arith.constant 0.000000e+00 : f32
    %broadcast_in_dim3A_33 = vector.broadcast %broadcast_in_dim3A_32 : f32 to vector<2000x112xf32>
    %concatenate3A = tpu.concatenate %mul3A_31, %broadcast_in_dim3A_33 in 1 : vector<2000x16xf32>, vector<2000x112xf32> -> vector<2000x128xf32>
    %swap3A = arith.constant 0 : index
    %swap3A_34 = arith.constant 0 : index
    %swap3A_35 = arith.constant 0 : index
    %swap3A_36 = vector.load %arg6[%swap3A, %swap3A_34, %swap3A_35] : memref<1x2000x128xf32, #tpu.memory_space<vmem>>, vector<1x2000x128xf32>
    %swap3A_37 = vector.shape_cast %swap3A_36 : vector<1x2000x128xf32> to vector<2000x128xf32>
    %swap3A_38 = vector.shape_cast %concatenate3A : vector<2000x128xf32> to vector<1x2000x128xf32>
    tpu.vector_store %arg6[%swap3A, %swap3A_34, %swap3A_35], %swap3A_38 {strides = array<i32>} : memref<1x2000x128xf32, #tpu.memory_space<vmem>>, vector<1x2000x128xf32>,
    return
  }
  func.func @transform_0(%arg0: i32) -> (i32, i32, i32) {
    %c0_i32 = arith.constant 0 : i32
    %c0_i32_0 = arith.constant 0 : i32
    %c0_i32_1 = arith.constant 0 : i32
    return %arg0, %c0_i32, %c0_i32_0 : i32, i32, i32
  }
  func.func @transform_1(%arg0: i32) -> (i32, i32, i32) {
    %c0_i32 = arith.constant 0 : i32
    %c0_i32_0 = arith.constant 0 : i32
    %c0_i32_1 = arith.constant 0 : i32
    return %arg0, %c0_i32, %c0_i32_0 : i32, i32, i32
  }
  func.func @transform_2(%arg0: i32) -> (i32, i32, i32) {
    %c0_i32 = arith.constant 0 : i32
    %c0_i32_0 = arith.constant 0 : i32
    %c0_i32_1 = arith.constant 0 : i32
    return %arg0, %c0_i32, %c0_i32_0 : i32, i32, i32
  }
  func.func @transform_3(%arg0: i32) -> (i32, i32, i32) {
    %c0_i32 = arith.constant 0 : i32
    %c0_i32_0 = arith.constant 0 : i32
    %c0_i32_1 = arith.constant 0 : i32
    return %arg0, %c0_i32, %c0_i32_0 : i32, i32, i32
  }
  func.func @transform_4(%arg0: i32) -> (i32, i32) {
    %c0_i32 = arith.constant 0 : i32
    %c0_i32_0 = arith.constant 0 : i32
    %c0_i32_1 = arith.constant 0 : i32
    return %c0_i32, %c0_i32_0 : i32, i32
  }
  func.func @transform_5(%arg0: i32) -> (i32, i32, i32) {
    %c0_i32 = arith.constant 0 : i32
    %c0_i32_0 = arith.constant 0 : i32
    %c0_i32_1 = arith.constant 0 : i32
    return %arg0, %c0_i32, %c0_i32_0 : i32, i32, i32
  }
}

module attributes {stable_mosaic.version = 14 : i64} {
  func.func @_deninv_body(%arg0: i32, %arg1: memref<2x640x128xf32, #tpu.memory_space<vmem>>, %arg2: memref<2x640x128xf32, #tpu.memory_space<vmem>>, %arg3: memref<1x4xf32, #tpu.memory_space<vmem>>, %arg4: memref<640x128xf32, #tpu.memory_space<vmem>>) attributes {dimension_semantics = [#tpu.dimension_semantics<arbitrary>], iteration_bounds = array<i64: 16>, scalar_prefetch = 0 : i64, scratch_operands = 0 : i64, tpu.core_type = #tpu.core_type<tc>, window_params = [{transform_indices = @transform_0, window_bounds = array<i64: 2, 640, 128>}, {transform_indices = @transform_1, window_bounds = array<i64: 2, 640, 128>}, {pipeline_mode = #tpu.pipeline_mode<synchronous>, transform_indices = @transform_2, window_bounds = array<i64: 1, 4>}, {transform_indices = @transform_3, window_bounds = array<i64: 640, 128>}]} {
    %get3A = arith.constant 0 : index
    %get3A_0 = arith.constant 0 : index
    %get3A_1 = arith.constant 0 : index
    %get3A_2 = vector.load %arg1[%get3A, %get3A_0, %get3A_1] : memref<2x640x128xf32, #tpu.memory_space<vmem>>, vector<1x640x128xf32>
    %get3A_3 = vector.shape_cast %get3A_2 : vector<1x640x128xf32> to vector<640x128xf32>
    %get3A_4 = arith.constant 1 : index
    %get3A_5 = arith.constant 0 : index
    %get3A_6 = arith.constant 0 : index
    %get3A_7 = vector.load %arg1[%get3A_4, %get3A_5, %get3A_6] : memref<2x640x128xf32, #tpu.memory_space<vmem>>, vector<1x640x128xf32>
    %get3A_8 = vector.shape_cast %get3A_7 : vector<1x640x128xf32> to vector<640x128xf32>
    %add3A = arith.addf %get3A_3, %get3A_8 : vector<640x128xf32>
    %get3A_9 = arith.constant 0 : index
    %get3A_10 = arith.constant 0 : index
    %get3A_11 = arith.constant 0 : index
    %get3A_12 = vector.load %arg2[%get3A_9, %get3A_10, %get3A_11] : memref<2x640x128xf32, #tpu.memory_space<vmem>>, vector<1x640x128xf32>
    %get3A_13 = vector.shape_cast %get3A_12 : vector<1x640x128xf32> to vector<640x128xf32>
    %add3A_14 = arith.addf %add3A, %get3A_13 : vector<640x128xf32>
    %get3A_15 = arith.constant 1 : index
    %get3A_16 = arith.constant 0 : index
    %get3A_17 = arith.constant 0 : index
    %get3A_18 = vector.load %arg2[%get3A_15, %get3A_16, %get3A_17] : memref<2x640x128xf32, #tpu.memory_space<vmem>>, vector<1x640x128xf32>
    %get3A_19 = vector.shape_cast %get3A_18 : vector<1x640x128xf32> to vector<640x128xf32>
    %add3A_20 = arith.addf %add3A_14, %get3A_19 : vector<640x128xf32>
    %slice3A = vector.extract_strided_slice %add3A_20 {offsets = [0, 0], sizes = [640, 16], strides = [1, 1]} : vector<640x128xf32> to vector<640x16xf32>
    %get3A_21 = arith.constant 0 : index
    %get3A_22 = arith.constant 0 : index
    %get3A_23 = vector.load %arg3[%get3A_21, %get3A_22] : memref<1x4xf32, #tpu.memory_space<vmem>>, vector<1x4xf32>
    %reduce_max3A = arith.constant dense<0xFF800000> : vector<1xf32>
    %reduce_max3A_24 = vector.multi_reduction <maximumf>, %get3A_23, %reduce_max3A [1] : vector<1x4xf32> to vector<1xf32>
    %max3A = arith.constant 0xFF800000 : f32
    %max3A_25 = vector.broadcast %max3A : f32 to vector<1xf32>
    %max3A_26 = arith.maximumf %max3A_25, %reduce_max3A_24 : vector<1xf32>
    %broadcast_in_dim3A = vector.shape_cast %max3A_26 : vector<1xf32> to vector<1x1xf32>
    %sub3A = vector.broadcast %broadcast_in_dim3A : vector<1x1xf32> to vector<1x4xf32>
    %sub3A_27 = arith.subf %get3A_23, %sub3A : vector<1x4xf32>
    %exp3A = math.exp %sub3A_27 : vector<1x4xf32>
    %reduce_sum3A = arith.constant dense<0.000000e+00> : vector<1xf32>
    %reduce_sum3A_28 = vector.multi_reduction <add>, %exp3A, %reduce_sum3A [1] : vector<1x4xf32> to vector<1xf32>
    %broadcast_in_dim3A_29 = vector.shape_cast %reduce_sum3A_28 : vector<1xf32> to vector<1x1xf32>
    %div3A = vector.broadcast %broadcast_in_dim3A_29 : vector<1x1xf32> to vector<1x4xf32>
    %div3A_30 = arith.divf %exp3A, %div3A : vector<1x4xf32>
    %broadcast_in_dim3A_31 = vector.shape_cast %div3A_30 : vector<1x4xf32> to vector<1x4x1xf32>
    %broadcast_in_dim3A_32 = vector.broadcast %broadcast_in_dim3A_31 : vector<1x4x1xf32> to vector<1x4x4xf32>
    %reshape3A = vector.shape_cast %broadcast_in_dim3A_32 : vector<1x4x4xf32> to vector<1x16xf32>
    %div3A_33 = arith.constant 4.000000e+00 : f32
    %div3A_34 = vector.broadcast %div3A_33 : f32 to vector<1x16xf32>
    %div3A_35 = arith.divf %reshape3A, %div3A_34 : vector<1x16xf32>
    %add3A_36 = arith.constant 1.000000e-16 : f32
    %add3A_37 = vector.broadcast %add3A_36 : f32 to vector<640x16xf32>
    %add3A_38 = arith.addf %slice3A, %add3A_37 : vector<640x16xf32>
    %div3A_39 = vector.broadcast %div3A_35 : vector<1x16xf32> to vector<640x16xf32>
    %div3A_40 = arith.divf %div3A_39, %add3A_38 : vector<640x16xf32>
    %broadcast_in_dim3A_41 = arith.constant 0.000000e+00 : f32
    %broadcast_in_dim3A_42 = vector.broadcast %broadcast_in_dim3A_41 : f32 to vector<640x112xf32>
    %concatenate3A = tpu.concatenate %div3A_40, %broadcast_in_dim3A_42 in 1 : vector<640x16xf32>, vector<640x112xf32> -> vector<640x128xf32>
    %swap3A = arith.constant 0 : index
    %swap3A_43 = arith.constant 0 : index
    %swap3A_44 = vector.load %arg4[%swap3A, %swap3A_43] : memref<640x128xf32, #tpu.memory_space<vmem>>, vector<640x128xf32>
    tpu.vector_store %arg4[%swap3A, %swap3A_43], %concatenate3A {strides = array<i32>} : memref<640x128xf32, #tpu.memory_space<vmem>>, vector<640x128xf32>,
    return
  }
  func.func @transform_0(%arg0: i32) -> (i32, i32, i32) {
    %c0_i32 = arith.constant 0 : i32
    %c0_i32_0 = arith.constant 0 : i32
    %c0_i32_1 = arith.constant 0 : i32
    return %c0_i32, %arg0, %c0_i32_0 : i32, i32, i32
  }
  func.func @transform_1(%arg0: i32) -> (i32, i32, i32) {
    %c0_i32 = arith.constant 0 : i32
    %c0_i32_0 = arith.constant 0 : i32
    %c0_i32_1 = arith.constant 0 : i32
    return %c0_i32, %arg0, %c0_i32_0 : i32, i32, i32
  }
  func.func @transform_2(%arg0: i32) -> (i32, i32) {
    %c0_i32 = arith.constant 0 : i32
    %c0_i32_0 = arith.constant 0 : i32
    %c0_i32_1 = arith.constant 0 : i32
    return %c0_i32, %c0_i32_0 : i32, i32
  }
  func.func @transform_3(%arg0: i32) -> (i32, i32) {
    %c0_i32 = arith.constant 0 : i32
    %c0_i32_0 = arith.constant 0 : i32
    return %arg0, %c0_i32 : i32, i32
  }
}

module attributes {stable_mosaic.version = 14 : i64} {
  func.func @_msg_body(%arg0: i32, %arg1: memref<1x2000x128xf32, #tpu.memory_space<vmem>>, %arg2: memref<1x2000x128xf32, #tpu.memory_space<vmem>>, %arg3: memref<1x2000x512xf32, #tpu.memory_space<vmem>>, %arg4: memref<1x2000x128xf32, #tpu.memory_space<vmem>>) attributes {dimension_semantics = [#tpu.dimension_semantics<arbitrary>], iteration_bounds = array<i64: 64>, scalar_prefetch = 0 : i64, scratch_operands = 0 : i64, tpu.core_type = #tpu.core_type<tc>, window_params = [{transform_indices = @transform_0, window_bounds = array<i64: 1, 2000, 128>}, {transform_indices = @transform_1, window_bounds = array<i64: 1, 2000, 128>}, {transform_indices = @transform_2, window_bounds = array<i64: 1, 2000, 512>}, {transform_indices = @transform_3, window_bounds = array<i64: 1, 2000, 128>}]} {
    %get3A = arith.constant 0 : index
    %get3A_0 = arith.constant 0 : index
    %get3A_1 = arith.constant 0 : index
    %get3A_2 = vector.load %arg1[%get3A, %get3A_0, %get3A_1] : memref<1x2000x128xf32, #tpu.memory_space<vmem>>, vector<1x2000x128xf32>
    %get3A_3 = vector.shape_cast %get3A_2 : vector<1x2000x128xf32> to vector<2000x128xf32>
    %slice3A = vector.extract_strided_slice %get3A_3 {offsets = [0, 0], sizes = [2000, 16], strides = [1, 1]} : vector<2000x128xf32> to vector<2000x16xf32>
    %get3A_4 = arith.constant 0 : index
    %get3A_5 = arith.constant 0 : index
    %get3A_6 = arith.constant 0 : index
    %get3A_7 = vector.load %arg2[%get3A_4, %get3A_5, %get3A_6] : memref<1x2000x128xf32, #tpu.memory_space<vmem>>, vector<1x2000x128xf32>
    %get3A_8 = vector.shape_cast %get3A_7 : vector<1x2000x128xf32> to vector<2000x128xf32>
    %slice3A_9 = vector.extract_strided_slice %get3A_8 {offsets = [0, 0], sizes = [2000, 16], strides = [1, 1]} : vector<2000x128xf32> to vector<2000x16xf32>
    %mul3A = arith.mulf %slice3A, %slice3A_9 : vector<2000x16xf32>
    %iota3A = tpu.iota {dimensions = array<i32: 0>} : vector<16x4xi32>
    %iota3A_10 = tpu.iota {dimensions = array<i32: 1>} : vector<16x4xi32>
    %jit3A = arith.constant 4 : i32
    %eq3A = arith.constant 0 : i32
    %eq3A_11 = arith.cmpi eq, %jit3A, %eq3A : i32
    %jit3A_12 = arith.constant 1 : i32
    %select_n3A = arith.select %eq3A_11, %jit3A_12, %jit3A : i32
    %rem3A = vector.broadcast %select_n3A : i32 to vector<16x4xi32>
    %rem3A_13 = arith.remsi %iota3A, %rem3A : vector<16x4xi32>
    %ne3A = arith.constant 0 : i32
    %ne3A_14 = vector.broadcast %ne3A : i32 to vector<16x4xi32>
    %ne3A_15 = arith.cmpi ne, %rem3A_13, %ne3A_14 : vector<16x4xi32>
    %lt3A = arith.constant 0 : i32
    %lt3A_16 = vector.broadcast %lt3A : i32 to vector<16x4xi32>
    %lt3A_17 = arith.cmpi slt, %rem3A_13, %lt3A_16 : vector<16x4xi32>
    %lt3A_18 = arith.constant 0 : i32
    %lt3A_19 = arith.cmpi slt, %select_n3A, %lt3A_18 : i32
    %ne3A_20 = vector.broadcast %lt3A_19 : i1 to vector<16x4xi1>
    %ne3A_21 = vector.broadcast %ne3A_20 : vector<16x4xi1> to vector<16x4xi1>
    %ne3A_22 = arith.xori %lt3A_17, %ne3A_21 : vector<16x4xi1>
    %and3A = arith.andi %ne3A_22, %ne3A_15 : vector<16x4xi1>
    %add3A = vector.broadcast %select_n3A : i32 to vector<16x4xi32>
    %add3A_23 = arith.addi %rem3A_13, %add3A : vector<16x4xi32>
    %select_n3A_24 = arith.select %and3A, %add3A_23, %rem3A_13 : vector<16x4xi1>, vector<16x4xi32>
    %eq3A_25 = arith.cmpi eq, %select_n3A_24, %iota3A_10 : vector<16x4xi32>
    %convert_element_type3A = arith.extui %eq3A_25 : vector<16x4xi1> to vector<16x4xi32>
    %convert_element_type3A_26 = arith.sitofp %convert_element_type3A : vector<16x4xi32> to vector<16x4xf32>
    %dot_general3A = arith.constant dense<0.000000e+00> : vector<2000x4xf32>
    %dot_general3A_27 = tpu.matmul %mul3A, %convert_element_type3A_26, %dot_general3A {dimension_numbers = #tpu.dot_dimension_numbers<[1], [0], [0], [1], [0, 0, 1, 1], [], []>, transpose_lhs_hint = false} : vector<2000x16xf32>, vector<16x4xf32>, vector<2000x4xf32> -> vector<2000x4xf32>
    %get3A_28 = arith.constant 0 : index
    %get3A_29 = arith.constant 0 : index
    %get3A_30 = arith.constant 0 : index
    %get3A_31 = vector.load %arg3[%get3A_28, %get3A_29, %get3A_30] : memref<1x2000x512xf32, #tpu.memory_space<vmem>>, vector<1x2000x512xf32>
    %get3A_32 = vector.shape_cast %get3A_31 : vector<1x2000x512xf32> to vector<2000x512xf32>
    %slice3A_33 = vector.extract_strided_slice %dot_general3A_27 {offsets = [0, 0], sizes = [2000, 1], strides = [1, 1]} : vector<2000x4xf32> to vector<2000x1xf32>
    %slice3A_34 = vector.extract_strided_slice %get3A_32 {offsets = [0, 0], sizes = [2000, 128], strides = [1, 1]} : vector<2000x512xf32> to vector<2000x128xf32>
    %mul3A_35 = vector.broadcast %slice3A_33 : vector<2000x1xf32> to vector<2000x128xf32>
    %mul3A_36 = arith.mulf %mul3A_35, %slice3A_34 : vector<2000x128xf32>
    %slice3A_37 = vector.extract_strided_slice %dot_general3A_27 {offsets = [0, 1], sizes = [2000, 1], strides = [1, 1]} : vector<2000x4xf32> to vector<2000x1xf32>
    %slice3A_38 = vector.extract_strided_slice %get3A_32 {offsets = [0, 128], sizes = [2000, 128], strides = [1, 1]} : vector<2000x512xf32> to vector<2000x128xf32>
    %mul3A_39 = vector.broadcast %slice3A_37 : vector<2000x1xf32> to vector<2000x128xf32>
    %mul3A_40 = arith.mulf %mul3A_39, %slice3A_38 : vector<2000x128xf32>
    %add3A_41 = arith.addf %mul3A_36, %mul3A_40 : vector<2000x128xf32>
    %slice3A_42 = vector.extract_strided_slice %dot_general3A_27 {offsets = [0, 2], sizes = [2000, 1], strides = [1, 1]} : vector<2000x4xf32> to vector<2000x1xf32>
    %slice3A_43 = vector.extract_strided_slice %get3A_32 {offsets = [0, 256], sizes = [2000, 128], strides = [1, 1]} : vector<2000x512xf32> to vector<2000x128xf32>
    %mul3A_44 = vector.broadcast %slice3A_42 : vector<2000x1xf32> to vector<2000x128xf32>
    %mul3A_45 = arith.mulf %mul3A_44, %slice3A_43 : vector<2000x128xf32>
    %add3A_46 = arith.addf %add3A_41, %mul3A_45 : vector<2000x128xf32>
    %slice3A_47 = vector.extract_strided_slice %dot_general3A_27 {offsets = [0, 3], sizes = [2000, 1], strides = [1, 1]} : vector<2000x4xf32> to vector<2000x1xf32>
    %slice3A_48 = vector.extract_strided_slice %get3A_32 {offsets = [0, 384], sizes = [2000, 128], strides = [1, 1]} : vector<2000x512xf32> to vector<2000x128xf32>
    %mul3A_49 = vector.broadcast %slice3A_47 : vector<2000x1xf32> to vector<2000x128xf32>
    %mul3A_50 = arith.mulf %mul3A_49, %slice3A_48 : vector<2000x128xf32>
    %add3A_51 = arith.addf %add3A_46, %mul3A_50 : vector<2000x128xf32>
    %swap3A = arith.constant 0 : index
    %swap3A_52 = arith.constant 0 : index
    %swap3A_53 = arith.constant 0 : index
    %swap3A_54 = vector.load %arg4[%swap3A, %swap3A_52, %swap3A_53] : memref<1x2000x128xf32, #tpu.memory_space<vmem>>, vector<1x2000x128xf32>
    %swap3A_55 = vector.shape_cast %swap3A_54 : vector<1x2000x128xf32> to vector<2000x128xf32>
    %swap3A_56 = vector.shape_cast %add3A_51 : vector<2000x128xf32> to vector<1x2000x128xf32>
    tpu.vector_store %arg4[%swap3A, %swap3A_52, %swap3A_53], %swap3A_56 {strides = array<i32>} : memref<1x2000x128xf32, #tpu.memory_space<vmem>>, vector<1x2000x128xf32>,
    return
  }
  func.func @transform_0(%arg0: i32) -> (i32, i32, i32) {
    %c0_i32 = arith.constant 0 : i32
    %c0_i32_0 = arith.constant 0 : i32
    %c0_i32_1 = arith.constant 0 : i32
    return %arg0, %c0_i32, %c0_i32_0 : i32, i32, i32
  }
  func.func @transform_1(%arg0: i32) -> (i32, i32, i32) {
    %c0_i32 = arith.constant 0 : i32
    %c0_i32_0 = arith.constant 0 : i32
    %c0_i32_1 = arith.constant 0 : i32
    return %arg0, %c0_i32, %c0_i32_0 : i32, i32, i32
  }
  func.func @transform_2(%arg0: i32) -> (i32, i32, i32) {
    %c0_i32 = arith.constant 0 : i32
    %c0_i32_0 = arith.constant 0 : i32
    %c0_i32_1 = arith.constant 0 : i32
    return %arg0, %c0_i32, %c0_i32_0 : i32, i32, i32
  }
  func.func @transform_3(%arg0: i32) -> (i32, i32, i32) {
    %c0_i32 = arith.constant 0 : i32
    %c0_i32_0 = arith.constant 0 : i32
    %c0_i32_1 = arith.constant 0 : i32
    return %arg0, %c0_i32, %c0_i32_0 : i32, i32, i32
  }
}

module attributes {stable_mosaic.version = 14 : i64} {
  func.func @_msg_body(%arg0: i32, %arg1: memref<1x2000x128xf32, #tpu.memory_space<vmem>>, %arg2: memref<1x2000x128xf32, #tpu.memory_space<vmem>>, %arg3: memref<1x2000x512xf32, #tpu.memory_space<vmem>>, %arg4: memref<1x2000x128xf32, #tpu.memory_space<vmem>>) attributes {dimension_semantics = [#tpu.dimension_semantics<arbitrary>], iteration_bounds = array<i64: 96>, scalar_prefetch = 0 : i64, scratch_operands = 0 : i64, tpu.core_type = #tpu.core_type<tc>, window_params = [{transform_indices = @transform_0, window_bounds = array<i64: 1, 2000, 128>}, {transform_indices = @transform_1, window_bounds = array<i64: 1, 2000, 128>}, {transform_indices = @transform_2, window_bounds = array<i64: 1, 2000, 512>}, {transform_indices = @transform_3, window_bounds = array<i64: 1, 2000, 128>}]} {
    %get3A = arith.constant 0 : index
    %get3A_0 = arith.constant 0 : index
    %get3A_1 = arith.constant 0 : index
    %get3A_2 = vector.load %arg1[%get3A, %get3A_0, %get3A_1] : memref<1x2000x128xf32, #tpu.memory_space<vmem>>, vector<1x2000x128xf32>
    %get3A_3 = vector.shape_cast %get3A_2 : vector<1x2000x128xf32> to vector<2000x128xf32>
    %slice3A = vector.extract_strided_slice %get3A_3 {offsets = [0, 0], sizes = [2000, 16], strides = [1, 1]} : vector<2000x128xf32> to vector<2000x16xf32>
    %get3A_4 = arith.constant 0 : index
    %get3A_5 = arith.constant 0 : index
    %get3A_6 = arith.constant 0 : index
    %get3A_7 = vector.load %arg2[%get3A_4, %get3A_5, %get3A_6] : memref<1x2000x128xf32, #tpu.memory_space<vmem>>, vector<1x2000x128xf32>
    %get3A_8 = vector.shape_cast %get3A_7 : vector<1x2000x128xf32> to vector<2000x128xf32>
    %slice3A_9 = vector.extract_strided_slice %get3A_8 {offsets = [0, 0], sizes = [2000, 16], strides = [1, 1]} : vector<2000x128xf32> to vector<2000x16xf32>
    %mul3A = arith.mulf %slice3A, %slice3A_9 : vector<2000x16xf32>
    %iota3A = tpu.iota {dimensions = array<i32: 0>} : vector<16x4xi32>
    %iota3A_10 = tpu.iota {dimensions = array<i32: 1>} : vector<16x4xi32>
    %jit3A = arith.constant 4 : i32
    %eq3A = arith.constant 0 : i32
    %eq3A_11 = arith.cmpi eq, %jit3A, %eq3A : i32
    %jit3A_12 = arith.constant 1 : i32
    %select_n3A = arith.select %eq3A_11, %jit3A_12, %jit3A : i32
    %rem3A = vector.broadcast %select_n3A : i32 to vector<16x4xi32>
    %rem3A_13 = arith.remsi %iota3A, %rem3A : vector<16x4xi32>
    %ne3A = arith.constant 0 : i32
    %ne3A_14 = vector.broadcast %ne3A : i32 to vector<16x4xi32>
    %ne3A_15 = arith.cmpi ne, %rem3A_13, %ne3A_14 : vector<16x4xi32>
    %lt3A = arith.constant 0 : i32
    %lt3A_16 = vector.broadcast %lt3A : i32 to vector<16x4xi32>
    %lt3A_17 = arith.cmpi slt, %rem3A_13, %lt3A_16 : vector<16x4xi32>
    %lt3A_18 = arith.constant 0 : i32
    %lt3A_19 = arith.cmpi slt, %select_n3A, %lt3A_18 : i32
    %ne3A_20 = vector.broadcast %lt3A_19 : i1 to vector<16x4xi1>
    %ne3A_21 = vector.broadcast %ne3A_20 : vector<16x4xi1> to vector<16x4xi1>
    %ne3A_22 = arith.xori %lt3A_17, %ne3A_21 : vector<16x4xi1>
    %and3A = arith.andi %ne3A_22, %ne3A_15 : vector<16x4xi1>
    %add3A = vector.broadcast %select_n3A : i32 to vector<16x4xi32>
    %add3A_23 = arith.addi %rem3A_13, %add3A : vector<16x4xi32>
    %select_n3A_24 = arith.select %and3A, %add3A_23, %rem3A_13 : vector<16x4xi1>, vector<16x4xi32>
    %eq3A_25 = arith.cmpi eq, %select_n3A_24, %iota3A_10 : vector<16x4xi32>
    %convert_element_type3A = arith.extui %eq3A_25 : vector<16x4xi1> to vector<16x4xi32>
    %convert_element_type3A_26 = arith.sitofp %convert_element_type3A : vector<16x4xi32> to vector<16x4xf32>
    %dot_general3A = arith.constant dense<0.000000e+00> : vector<2000x4xf32>
    %dot_general3A_27 = tpu.matmul %mul3A, %convert_element_type3A_26, %dot_general3A {dimension_numbers = #tpu.dot_dimension_numbers<[1], [0], [0], [1], [0, 0, 1, 1], [], []>, transpose_lhs_hint = false} : vector<2000x16xf32>, vector<16x4xf32>, vector<2000x4xf32> -> vector<2000x4xf32>
    %get3A_28 = arith.constant 0 : index
    %get3A_29 = arith.constant 0 : index
    %get3A_30 = arith.constant 0 : index
    %get3A_31 = vector.load %arg3[%get3A_28, %get3A_29, %get3A_30] : memref<1x2000x512xf32, #tpu.memory_space<vmem>>, vector<1x2000x512xf32>
    %get3A_32 = vector.shape_cast %get3A_31 : vector<1x2000x512xf32> to vector<2000x512xf32>
    %slice3A_33 = vector.extract_strided_slice %dot_general3A_27 {offsets = [0, 0], sizes = [2000, 1], strides = [1, 1]} : vector<2000x4xf32> to vector<2000x1xf32>
    %slice3A_34 = vector.extract_strided_slice %get3A_32 {offsets = [0, 0], sizes = [2000, 128], strides = [1, 1]} : vector<2000x512xf32> to vector<2000x128xf32>
    %mul3A_35 = vector.broadcast %slice3A_33 : vector<2000x1xf32> to vector<2000x128xf32>
    %mul3A_36 = arith.mulf %mul3A_35, %slice3A_34 : vector<2000x128xf32>
    %slice3A_37 = vector.extract_strided_slice %dot_general3A_27 {offsets = [0, 1], sizes = [2000, 1], strides = [1, 1]} : vector<2000x4xf32> to vector<2000x1xf32>
    %slice3A_38 = vector.extract_strided_slice %get3A_32 {offsets = [0, 128], sizes = [2000, 128], strides = [1, 1]} : vector<2000x512xf32> to vector<2000x128xf32>
    %mul3A_39 = vector.broadcast %slice3A_37 : vector<2000x1xf32> to vector<2000x128xf32>
    %mul3A_40 = arith.mulf %mul3A_39, %slice3A_38 : vector<2000x128xf32>
    %add3A_41 = arith.addf %mul3A_36, %mul3A_40 : vector<2000x128xf32>
    %slice3A_42 = vector.extract_strided_slice %dot_general3A_27 {offsets = [0, 2], sizes = [2000, 1], strides = [1, 1]} : vector<2000x4xf32> to vector<2000x1xf32>
    %slice3A_43 = vector.extract_strided_slice %get3A_32 {offsets = [0, 256], sizes = [2000, 128], strides = [1, 1]} : vector<2000x512xf32> to vector<2000x128xf32>
    %mul3A_44 = vector.broadcast %slice3A_42 : vector<2000x1xf32> to vector<2000x128xf32>
    %mul3A_45 = arith.mulf %mul3A_44, %slice3A_43 : vector<2000x128xf32>
    %add3A_46 = arith.addf %add3A_41, %mul3A_45 : vector<2000x128xf32>
    %slice3A_47 = vector.extract_strided_slice %dot_general3A_27 {offsets = [0, 3], sizes = [2000, 1], strides = [1, 1]} : vector<2000x4xf32> to vector<2000x1xf32>
    %slice3A_48 = vector.extract_strided_slice %get3A_32 {offsets = [0, 384], sizes = [2000, 128], strides = [1, 1]} : vector<2000x512xf32> to vector<2000x128xf32>
    %mul3A_49 = vector.broadcast %slice3A_47 : vector<2000x1xf32> to vector<2000x128xf32>
    %mul3A_50 = arith.mulf %mul3A_49, %slice3A_48 : vector<2000x128xf32>
    %add3A_51 = arith.addf %add3A_46, %mul3A_50 : vector<2000x128xf32>
    %swap3A = arith.constant 0 : index
    %swap3A_52 = arith.constant 0 : index
    %swap3A_53 = arith.constant 0 : index
    %swap3A_54 = vector.load %arg4[%swap3A, %swap3A_52, %swap3A_53] : memref<1x2000x128xf32, #tpu.memory_space<vmem>>, vector<1x2000x128xf32>
    %swap3A_55 = vector.shape_cast %swap3A_54 : vector<1x2000x128xf32> to vector<2000x128xf32>
    %swap3A_56 = vector.shape_cast %add3A_51 : vector<2000x128xf32> to vector<1x2000x128xf32>
    tpu.vector_store %arg4[%swap3A, %swap3A_52, %swap3A_53], %swap3A_56 {strides = array<i32>} : memref<1x2000x128xf32, #tpu.memory_space<vmem>>, vector<1x2000x128xf32>,
    return
  }
  func.func @transform_0(%arg0: i32) -> (i32, i32, i32) {
    %c0_i32 = arith.constant 0 : i32
    %c0_i32_0 = arith.constant 0 : i32
    %c0_i32_1 = arith.constant 0 : i32
    return %arg0, %c0_i32, %c0_i32_0 : i32, i32, i32
  }
  func.func @transform_1(%arg0: i32) -> (i32, i32, i32) {
    %c0_i32 = arith.constant 0 : i32
    %c0_i32_0 = arith.constant 0 : i32
    %c0_i32_1 = arith.constant 0 : i32
    return %arg0, %c0_i32, %c0_i32_0 : i32, i32, i32
  }
  func.func @transform_2(%arg0: i32) -> (i32, i32, i32) {
    %c0_i32 = arith.constant 0 : i32
    %c0_i32_0 = arith.constant 0 : i32
    %c0_i32_1 = arith.constant 0 : i32
    return %arg0, %c0_i32, %c0_i32_0 : i32, i32, i32
  }
  func.func @transform_3(%arg0: i32) -> (i32, i32, i32) {
    %c0_i32 = arith.constant 0 : i32
    %c0_i32_0 = arith.constant 0 : i32
    %c0_i32_1 = arith.constant 0 : i32
    return %arg0, %c0_i32, %c0_i32_0 : i32, i32, i32
  }
}

module attributes {stable_mosaic.version = 14 : i64} {
  func.func @_final_body(%arg0: i32, %arg1: memref<1000x128xf32, #tpu.memory_space<vmem>>, %arg2: memref<2x1000x128xf32, #tpu.memory_space<vmem>>, %arg3: memref<2x1000x128xf32, #tpu.memory_space<vmem>>, %arg4: memref<1x4xf32, #tpu.memory_space<vmem>>, %arg5: memref<4x128xf32, #tpu.memory_space<vmem>>, %arg6: memref<1x128xf32, #tpu.memory_space<vmem>>, %arg7: memref<1x128xf32, #tpu.memory_space<vmem>>, %arg8: memref<1x128xf32, #tpu.memory_space<vmem>>, %arg9: memref<1x128xf32, #tpu.memory_space<vmem>>, %arg10: memref<128x256xf32, #tpu.memory_space<vmem>>, %arg11: memref<1x256xf32, #tpu.memory_space<vmem>>, %arg12: memref<256x128xf32, #tpu.memory_space<vmem>>, %arg13: memref<1x128xf32, #tpu.memory_space<vmem>>, %arg14: memref<1000x128xf32, #tpu.memory_space<vmem>>) attributes {dimension_semantics = [#tpu.dimension_semantics<arbitrary>], iteration_bounds = array<i64: 10>, scalar_prefetch = 0 : i64, scratch_operands = 0 : i64, tpu.core_type = #tpu.core_type<tc>, window_params = [{transform_indices = @transform_0, window_bounds = array<i64: 1000, 128>}, {transform_indices = @transform_1, window_bounds = array<i64: 2, 1000, 128>}, {transform_indices = @transform_2, window_bounds = array<i64: 2, 1000, 128>}, {pipeline_mode = #tpu.pipeline_mode<synchronous>, transform_indices = @transform_3, window_bounds = array<i64: 1, 4>}, {pipeline_mode = #tpu.pipeline_mode<synchronous>, transform_indices = @transform_4, window_bounds = array<i64: 4, 128>}, {pipeline_mode = #tpu.pipeline_mode<synchronous>, transform_indices = @transform_5, window_bounds = array<i64: 1, 128>}, {pipeline_mode = #tpu.pipeline_mode<synchronous>, transform_indices = @transform_6, window_bounds = array<i64: 1, 128>}, {pipeline_mode = #tpu.pipeline_mode<synchronous>, transform_indices = @transform_7, window_bounds = array<i64: 1, 128>}, {pipeline_mode = #tpu.pipeline_mode<synchronous>, transform_indices = @transform_8, window_bounds = array<i64: 1, 128>}, {pipeline_mode = #tpu.pipeline_mode<synchronous>, transform_indices = @transform_9, window_bounds = array<i64: 128, 256>}, {pipeline_mode = #tpu.pipeline_mode<synchronous>, transform_indices = @transform_10, window_bounds = array<i64: 1, 256>}, {pipeline_mode = #tpu.pipeline_mode<synchronous>, transform_indices = @transform_11, window_bounds = array<i64: 256, 128>}, {pipeline_mode = #tpu.pipeline_mode<synchronous>, transform_indices = @transform_12, window_bounds = array<i64: 1, 128>}, {transform_indices = @transform_13, window_bounds = array<i64: 1000, 128>}]} {
    %get3A = arith.constant 0 : index
    %get3A_0 = arith.constant 0 : index
    %get3A_1 = vector.load %arg4[%get3A, %get3A_0] : memref<1x4xf32, #tpu.memory_space<vmem>>, vector<1x4xf32>
    %reduce_max3A = arith.constant dense<0xFF800000> : vector<1xf32>
    %reduce_max3A_2 = vector.multi_reduction <maximumf>, %get3A_1, %reduce_max3A [1] : vector<1x4xf32> to vector<1xf32>
    %max3A = arith.constant 0xFF800000 : f32
    %max3A_3 = vector.broadcast %max3A : f32 to vector<1xf32>
    %max3A_4 = arith.maximumf %max3A_3, %reduce_max3A_2 : vector<1xf32>
    %broadcast_in_dim3A = vector.shape_cast %max3A_4 : vector<1xf32> to vector<1x1xf32>
    %sub3A = vector.broadcast %broadcast_in_dim3A : vector<1x1xf32> to vector<1x4xf32>
    %sub3A_5 = arith.subf %get3A_1, %sub3A : vector<1x4xf32>
    %exp3A = math.exp %sub3A_5 : vector<1x4xf32>
    %reduce_sum3A = arith.constant dense<0.000000e+00> : vector<1xf32>
    %reduce_sum3A_6 = vector.multi_reduction <add>, %exp3A, %reduce_sum3A [1] : vector<1x4xf32> to vector<1xf32>
    %broadcast_in_dim3A_7 = vector.shape_cast %reduce_sum3A_6 : vector<1xf32> to vector<1x1xf32>
    %div3A = vector.broadcast %broadcast_in_dim3A_7 : vector<1x1xf32> to vector<1x4xf32>
    %div3A_8 = arith.divf %exp3A, %div3A : vector<1x4xf32>
    %get3A_9 = arith.constant 0 : index
    %get3A_10 = arith.constant 0 : index
    %get3A_11 = vector.load %arg5[%get3A_9, %get3A_10] : memref<4x128xf32, #tpu.memory_space<vmem>>, vector<4x128xf32>
    %dot_general3A = arith.constant dense<0.000000e+00> : vector<1x128xf32>
    %dot_general3A_12 = tpu.matmul %div3A_8, %get3A_11, %dot_general3A {dimension_numbers = #tpu.dot_dimension_numbers<[1], [0], [0], [1], [0, 0, 1, 1], [], []>, transpose_lhs_hint = false} : vector<1x4xf32>, vector<4x128xf32>, vector<1x128xf32> -> vector<1x128xf32>
    %get3A_13 = arith.constant 0 : index
    %get3A_14 = arith.constant 0 : index
    %get3A_15 = vector.load %arg1[%get3A_13, %get3A_14] : memref<1000x128xf32, #tpu.memory_space<vmem>>, vector<1000x128xf32>
    %get3A_16 = arith.constant 0 : index
    %get3A_17 = arith.constant 0 : index
    %get3A_18 = arith.constant 0 : index
    %get3A_19 = vector.load %arg2[%get3A_16, %get3A_17, %get3A_18] : memref<2x1000x128xf32, #tpu.memory_space<vmem>>, vector<1x1000x128xf32>
    %get3A_20 = vector.shape_cast %get3A_19 : vector<1x1000x128xf32> to vector<1000x128xf32>
    %add3A = arith.addf %get3A_15, %get3A_20 : vector<1000x128xf32>
    %get3A_21 = arith.constant 1 : index
    %get3A_22 = arith.constant 0 : index
    %get3A_23 = arith.constant 0 : index
    %get3A_24 = vector.load %arg2[%get3A_21, %get3A_22, %get3A_23] : memref<2x1000x128xf32, #tpu.memory_space<vmem>>, vector<1x1000x128xf32>
    %get3A_25 = vector.shape_cast %get3A_24 : vector<1x1000x128xf32> to vector<1000x128xf32>
    %add3A_26 = arith.addf %add3A, %get3A_25 : vector<1000x128xf32>
    %get3A_27 = arith.constant 0 : index
    %get3A_28 = arith.constant 0 : index
    %get3A_29 = arith.constant 0 : index
    %get3A_30 = vector.load %arg3[%get3A_27, %get3A_28, %get3A_29] : memref<2x1000x128xf32, #tpu.memory_space<vmem>>, vector<1x1000x128xf32>
    %get3A_31 = vector.shape_cast %get3A_30 : vector<1x1000x128xf32> to vector<1000x128xf32>
    %add3A_32 = arith.addf %add3A_26, %get3A_31 : vector<1000x128xf32>
    %get3A_33 = arith.constant 1 : index
    %get3A_34 = arith.constant 0 : index
    %get3A_35 = arith.constant 0 : index
    %get3A_36 = vector.load %arg3[%get3A_33, %get3A_34, %get3A_35] : memref<2x1000x128xf32, #tpu.memory_space<vmem>>, vector<1x1000x128xf32>
    %get3A_37 = vector.shape_cast %get3A_36 : vector<1x1000x128xf32> to vector<1000x128xf32>
    %add3A_38 = arith.addf %add3A_32, %get3A_37 : vector<1000x128xf32>
    %add3A_39 = vector.broadcast %dot_general3A_12 : vector<1x128xf32> to vector<1000x128xf32>
    %add3A_40 = arith.addf %add3A_38, %add3A_39 : vector<1000x128xf32>
    %reduce_sum3A_41 = arith.constant dense<0.000000e+00> : vector<1000xf32>
    %reduce_sum3A_42 = vector.multi_reduction <add>, %add3A_40, %reduce_sum3A_41 [1] : vector<1000x128xf32> to vector<1000xf32>
    %broadcast_in_dim3A_43 = vector.shape_cast %reduce_sum3A_42 : vector<1000xf32> to vector<1000x1xf32>
    %div3A_44 = arith.constant 1.280000e+02 : f32
    %div3A_45 = vector.broadcast %div3A_44 : f32 to vector<1000x1xf32>
    %div3A_46 = arith.divf %broadcast_in_dim3A_43, %div3A_45 : vector<1000x1xf32>
    %sub3A_47 = vector.broadcast %div3A_46 : vector<1000x1xf32> to vector<1000x128xf32>
    %sub3A_48 = arith.subf %add3A_40, %sub3A_47 : vector<1000x128xf32>
    %integer_pow3A = arith.mulf %sub3A_48, %sub3A_48 : vector<1000x128xf32>
    %reduce_sum3A_49 = arith.constant dense<0.000000e+00> : vector<1000xf32>
    %reduce_sum3A_50 = vector.multi_reduction <add>, %integer_pow3A, %reduce_sum3A_49 [1] : vector<1000x128xf32> to vector<1000xf32>
    %broadcast_in_dim3A_51 = vector.shape_cast %reduce_sum3A_50 : vector<1000xf32> to vector<1000x1xf32>
    %div3A_52 = arith.constant 1.280000e+02 : f32
    %div3A_53 = vector.broadcast %div3A_52 : f32 to vector<1000x1xf32>
    %div3A_54 = arith.divf %broadcast_in_dim3A_51, %div3A_53 : vector<1000x1xf32>
    %sub3A_55 = vector.broadcast %div3A_46 : vector<1000x1xf32> to vector<1000x128xf32>
    %sub3A_56 = arith.subf %add3A_40, %sub3A_55 : vector<1000x128xf32>
    %add3A_57 = arith.constant 9.99999974E-6 : f32
    %add3A_58 = vector.broadcast %add3A_57 : f32 to vector<1000x1xf32>
    %add3A_59 = arith.addf %div3A_54, %add3A_58 : vector<1000x1xf32>
    %sqrt3A = math.sqrt %add3A_59 : vector<1000x1xf32>
    %div3A_60 = vector.broadcast %sqrt3A : vector<1000x1xf32> to vector<1000x128xf32>
    %div3A_61 = arith.divf %sub3A_56, %div3A_60 : vector<1000x128xf32>
    %get3A_62 = arith.constant 0 : index
    %get3A_63 = arith.constant 0 : index
    %get3A_64 = vector.load %arg6[%get3A_62, %get3A_63] : memref<1x128xf32, #tpu.memory_space<vmem>>, vector<1x128xf32>
    %mul3A = vector.broadcast %get3A_64 : vector<1x128xf32> to vector<1000x128xf32>
    %mul3A_65 = arith.mulf %div3A_61, %mul3A : vector<1000x128xf32>
    %get3A_66 = arith.constant 0 : index
    %get3A_67 = arith.constant 0 : index
    %get3A_68 = vector.load %arg7[%get3A_66, %get3A_67] : memref<1x128xf32, #tpu.memory_space<vmem>>, vector<1x128xf32>
    %add3A_69 = vector.broadcast %get3A_68 : vector<1x128xf32> to vector<1000x128xf32>
    %add3A_70 = arith.addf %mul3A_65, %add3A_69 : vector<1000x128xf32>
    %get3A_71 = arith.constant 0 : index
    %get3A_72 = arith.constant 0 : index
    %get3A_73 = vector.load %arg10[%get3A_71, %get3A_72] : memref<128x256xf32, #tpu.memory_space<vmem>>, vector<128x256xf32>
    %dot_general3A_74 = arith.constant dense<0.000000e+00> : vector<1000x256xf32>
    %dot_general3A_75 = tpu.matmul %add3A_70, %get3A_73, %dot_general3A_74 {dimension_numbers = #tpu.dot_dimension_numbers<[1], [0], [0], [1], [0, 0, 1, 1], [], []>, transpose_lhs_hint = false} : vector<1000x128xf32>, vector<128x256xf32>, vector<1000x256xf32> -> vector<1000x256xf32>
    %get3A_76 = arith.constant 0 : index
    %get3A_77 = arith.constant 0 : index
    %get3A_78 = vector.load %arg11[%get3A_76, %get3A_77] : memref<1x256xf32, #tpu.memory_space<vmem>>, vector<1x256xf32>
    %add3A_79 = vector.broadcast %get3A_78 : vector<1x256xf32> to vector<1000x256xf32>
    %add3A_80 = arith.addf %dot_general3A_75, %add3A_79 : vector<1000x256xf32>
    %logistic3A = arith.negf %add3A_80 : vector<1000x256xf32>
    %logistic3A_81 = math.exp %logistic3A : vector<1000x256xf32>
    %logistic3A_82 = arith.constant 1.000000e+00 : f32
    %logistic3A_83 = vector.broadcast %logistic3A_82 : f32 to vector<1000x256xf32>
    %logistic3A_84 = arith.addf %logistic3A_83, %logistic3A_81 : vector<1000x256xf32>
    %logistic3A_85 = arith.divf %logistic3A_83, %logistic3A_84 : vector<1000x256xf32>
    %mul3A_86 = arith.mulf %add3A_80, %logistic3A_85 : vector<1000x256xf32>
    %get3A_87 = arith.constant 0 : index
    %get3A_88 = arith.constant 0 : index
    %get3A_89 = vector.load %arg12[%get3A_87, %get3A_88] : memref<256x128xf32, #tpu.memory_space<vmem>>, vector<256x128xf32>
    %dot_general3A_90 = arith.constant dense<0.000000e+00> : vector<1000x128xf32>
    %dot_general3A_91 = tpu.matmul %mul3A_86, %get3A_89, %dot_general3A_90 {dimension_numbers = #tpu.dot_dimension_numbers<[1], [0], [0], [1], [0, 0, 1, 1], [], []>, transpose_lhs_hint = false} : vector<1000x256xf32>, vector<256x128xf32>, vector<1000x128xf32> -> vector<1000x128xf32>
    %get3A_92 = arith.constant 0 : index
    %get3A_93 = arith.constant 0 : index
    %get3A_94 = vector.load %arg13[%get3A_92, %get3A_93] : memref<1x128xf32, #tpu.memory_space<vmem>>, vector<1x128xf32>
    %add3A_95 = vector.broadcast %get3A_94 : vector<1x128xf32> to vector<1000x128xf32>
    %add3A_96 = arith.addf %dot_general3A_91, %add3A_95 : vector<1000x128xf32>
    %add3A_97 = arith.addf %add3A_70, %add3A_96 : vector<1000x128xf32>
    %reduce_sum3A_98 = arith.constant dense<0.000000e+00> : vector<1000xf32>
    %reduce_sum3A_99 = vector.multi_reduction <add>, %add3A_97, %reduce_sum3A_98 [1] : vector<1000x128xf32> to vector<1000xf32>
    %broadcast_in_dim3A_100 = vector.shape_cast %reduce_sum3A_99 : vector<1000xf32> to vector<1000x1xf32>
    %div3A_101 = arith.constant 1.280000e+02 : f32
    %div3A_102 = vector.broadcast %div3A_101 : f32 to vector<1000x1xf32>
    %div3A_103 = arith.divf %broadcast_in_dim3A_100, %div3A_102 : vector<1000x1xf32>
    %sub3A_104 = vector.broadcast %div3A_103 : vector<1000x1xf32> to vector<1000x128xf32>
    %sub3A_105 = arith.subf %add3A_97, %sub3A_104 : vector<1000x128xf32>
    %integer_pow3A_106 = arith.mulf %sub3A_105, %sub3A_105 : vector<1000x128xf32>
    %reduce_sum3A_107 = arith.constant dense<0.000000e+00> : vector<1000xf32>
    %reduce_sum3A_108 = vector.multi_reduction <add>, %integer_pow3A_106, %reduce_sum3A_107 [1] : vector<1000x128xf32> to vector<1000xf32>
    %broadcast_in_dim3A_109 = vector.shape_cast %reduce_sum3A_108 : vector<1000xf32> to vector<1000x1xf32>
    %div3A_110 = arith.constant 1.280000e+02 : f32
    %div3A_111 = vector.broadcast %div3A_110 : f32 to vector<1000x1xf32>
    %div3A_112 = arith.divf %broadcast_in_dim3A_109, %div3A_111 : vector<1000x1xf32>
    %sub3A_113 = vector.broadcast %div3A_103 : vector<1000x1xf32> to vector<1000x128xf32>
    %sub3A_114 = arith.subf %add3A_97, %sub3A_113 : vector<1000x128xf32>
    %add3A_115 = arith.constant 9.99999974E-6 : f32
    %add3A_116 = vector.broadcast %add3A_115 : f32 to vector<1000x1xf32>
    %add3A_117 = arith.addf %div3A_112, %add3A_116 : vector<1000x1xf32>
    %sqrt3A_118 = math.sqrt %add3A_117 : vector<1000x1xf32>
    %div3A_119 = vector.broadcast %sqrt3A_118 : vector<1000x1xf32> to vector<1000x128xf32>
    %div3A_120 = arith.divf %sub3A_114, %div3A_119 : vector<1000x128xf32>
    %get3A_121 = arith.constant 0 : index
    %get3A_122 = arith.constant 0 : index
    %get3A_123 = vector.load %arg8[%get3A_121, %get3A_122] : memref<1x128xf32, #tpu.memory_space<vmem>>, vector<1x128xf32>
    %mul3A_124 = vector.broadcast %get3A_123 : vector<1x128xf32> to vector<1000x128xf32>
    %mul3A_125 = arith.mulf %div3A_120, %mul3A_124 : vector<1000x128xf32>
    %get3A_126 = arith.constant 0 : index
    %get3A_127 = arith.constant 0 : index
    %get3A_128 = vector.load %arg9[%get3A_126, %get3A_127] : memref<1x128xf32, #tpu.memory_space<vmem>>, vector<1x128xf32>
    %add3A_129 = vector.broadcast %get3A_128 : vector<1x128xf32> to vector<1000x128xf32>
    %add3A_130 = arith.addf %mul3A_125, %add3A_129 : vector<1000x128xf32>
    %swap3A = arith.constant 0 : index
    %swap3A_131 = arith.constant 0 : index
    %swap3A_132 = vector.load %arg14[%swap3A, %swap3A_131] : memref<1000x128xf32, #tpu.memory_space<vmem>>, vector<1000x128xf32>
    tpu.vector_store %arg14[%swap3A, %swap3A_131], %add3A_130 {strides = array<i32>} : memref<1000x128xf32, #tpu.memory_space<vmem>>, vector<1000x128xf32>,
    return
  }
  func.func @transform_0(%arg0: i32) -> (i32, i32) {
    %c0_i32 = arith.constant 0 : i32
    %c0_i32_0 = arith.constant 0 : i32
    return %arg0, %c0_i32 : i32, i32
  }
  func.func @transform_1(%arg0: i32) -> (i32, i32, i32) {
    %c0_i32 = arith.constant 0 : i32
    %c0_i32_0 = arith.constant 0 : i32
    %c0_i32_1 = arith.constant 0 : i32
    return %c0_i32, %arg0, %c0_i32_0 : i32, i32, i32
  }
  func.func @transform_2(%arg0: i32) -> (i32, i32, i32) {
    %c0_i32 = arith.constant 0 : i32
    %c0_i32_0 = arith.constant 0 : i32
    %c0_i32_1 = arith.constant 0 : i32
    return %c0_i32, %arg0, %c0_i32_0 : i32, i32, i32
  }
  func.func @transform_3(%arg0: i32) -> (i32, i32) {
    %c0_i32 = arith.constant 0 : i32
    %c0_i32_0 = arith.constant 0 : i32
    %c0_i32_1 = arith.constant 0 : i32
    return %c0_i32, %c0_i32_0 : i32, i32
  }
  func.func @transform_4(%arg0: i32) -> (i32, i32) {
    %c0_i32 = arith.constant 0 : i32
    %c0_i32_0 = arith.constant 0 : i32
    %c0_i32_1 = arith.constant 0 : i32
    return %c0_i32, %c0_i32_0 : i32, i32
  }
  func.func @transform_5(%arg0: i32) -> (i32, i32) {
    %c0_i32 = arith.constant 0 : i32
    %c0_i32_0 = arith.constant 0 : i32
    %c0_i32_1 = arith.constant 0 : i32
    return %c0_i32, %c0_i32_0 : i32, i32
  }
  func.func @transform_6(%arg0: i32) -> (i32, i32) {
    %c0_i32 = arith.constant 0 : i32
    %c0_i32_0 = arith.constant 0 : i32
    %c0_i32_1 = arith.constant 0 : i32
    return %c0_i32, %c0_i32_0 : i32, i32
  }
  func.func @transform_7(%arg0: i32) -> (i32, i32) {
    %c0_i32 = arith.constant 0 : i32
    %c0_i32_0 = arith.constant 0 : i32
    %c0_i32_1 = arith.constant 0 : i32
    return %c0_i32, %c0_i32_0 : i32, i32
  }
  func.func @transform_8(%arg0: i32) -> (i32, i32) {
    %c0_i32 = arith.constant 0 : i32
    %c0_i32_0 = arith.constant 0 : i32
    %c0_i32_1 = arith.constant 0 : i32
    return %c0_i32, %c0_i32_0 : i32, i32
  }
  func.func @transform_9(%arg0: i32) -> (i32, i32) {
    %c0_i32 = arith.constant 0 : i32
    %c0_i32_0 = arith.constant 0 : i32
    %c0_i32_1 = arith.constant 0 : i32
    return %c0_i32, %c0_i32_0 : i32, i32
  }
  func.func @transform_10(%arg0: i32) -> (i32, i32) {
    %c0_i32 = arith.constant 0 : i32
    %c0_i32_0 = arith.constant 0 : i32
    %c0_i32_1 = arith.constant 0 : i32
    return %c0_i32, %c0_i32_0 : i32, i32
  }
  func.func @transform_11(%arg0: i32) -> (i32, i32) {
    %c0_i32 = arith.constant 0 : i32
    %c0_i32_0 = arith.constant 0 : i32
    %c0_i32_1 = arith.constant 0 : i32
    return %c0_i32, %c0_i32_0 : i32, i32
  }
  func.func @transform_12(%arg0: i32) -> (i32, i32) {
    %c0_i32 = arith.constant 0 : i32
    %c0_i32_0 = arith.constant 0 : i32
    %c0_i32_1 = arith.constant 0 : i32
    return %c0_i32, %c0_i32_0 : i32, i32
  }
  func.func @transform_13(%arg0: i32) -> (i32, i32) {
    %c0_i32 = arith.constant 0 : i32
    %c0_i32_0 = arith.constant 0 : i32
    return %arg0, %c0_i32 : i32, i32
  }
}

</mosaic_0001>

<sc_bundles>
// kernel: kernel.21.cloned.1.call-start
scs
__scs_entry_jumppad:
0x0: {  	(pc) =	sbr.rel $0x88, $3  }
0x1: {  	(tag) =	ssettag $0x0;
	lr =	simm.s32 $0x1  }
0x2: {  	[smem:$0x3F8C] =	sst lr;
	_ =	strace $0xD0000000  }
0x3: {  	_ = 	snop  }
0x4: {  	_ = 	snop  }
0x5: {  	_ = 	snop  }
0x6: {  	_ = 	snop  }
0x7: {  	_ = 	snop  }
__scs_overlays_trampoline_lowered:
0x8: {  	[smem:$0x3F9B] =	sst s0  }
0x9: {  	[smem:$0x3F9C] =	sst s1  }
0xa: {  	[smem:$0x3F9D] =	sst s2  }
0xb: {  	[smem:$0x3F9E] =	sst s3  }
0xc: {  	[smem:$0x3F9F] =	sst s4  }
0xd: {  	[smem:$0x3FA0] =	sst s5  }
0xe: {  	[smem:$0x3FA1] =	sst s6  }
0xf: {  	[smem:$0x3FA2] =	sst s7  }
0x10: {  	[smem:$0x3FA3] =	sst s8  }
0x11: {  	[smem:$0x3FA4] =	sst s9;
	s0 =	simm.s32 @!p0 $0x0  }
0x12: {  	s1 =	sld [smem:$0x3F8A];
	s0 =	simm.s32 @p0 $0x1  }
0x13: {  	[smem:$0x3FA5] =	sst s0;
	s0 =	simm.s32 @!p1 $0x0  }
0x14: {  	s2 =	sld [smem:$0x3F89];
	s0 =	simm.s32 @p1 $0x1  }
0x15: {  	[smem:$0x3FA6] =	sst s0;
	s0 =	simm.s32 @!p2 $0x0  }
0x16: {  	s3 =	sld [smem:$0x3FDB];
	s0 =	simm.s32 @p2 $0x1  }
0x17: {  	s4 =	simm.s32 $0x1BF5;
	[smem:$0x3FA8] =	sst s0  }
0x18: {  	s0 =	sld [smem:$0x3F8B];
	_ =	swait.ge [sflag:s4], $0x0  }
0x19: {  	s7 =	sld [smem:$0x3F8C]  }
0x1a: {  	s8 =	sadd.s32 $0xFFFFE003, lr  }
0x1b: {  	s9 =	sadd.s32 $0xFFFFFEF7, lr;
	s5 =	simm.s32 $0xFFFFFFFF;
	p2 =	slt.u32 s8, $0xFFFFF086  }
0x1c: {  	p1 =	slt.u32 s9, $0xF7A;
	s5 =	simm.s32 @!p2 $0x0  }
0x1d: {  	s5 =	simm.s32 @p1 $0x1;
	p0 =	seq.s32 s7, s2  }
0x1e: {  	s7 =	smul.u32 @!p0 $0xF7A, s2;
	p2 =	seq.s32 @!p0 s5, $0x0  }
0x1f: {  	s9 =	smul.u32 $0xF7A, s1;
	s8 =	simm.s32 @!p0 $0x1BF5;
	p2 =	por !p2, p0  }
0x20: {  	[sflag:s8] =	ssyncset.s32 @!p0 $0xFFFFF086;
	s6 =	sadd.s32 @!p0 s3, s7;
	s7 =	simm.s32 @!p0 $0x108  }
0x21: {  	s3 =	sadd.s32 s3, s9;
	s6 =	sadd.s32 @!p0 $0x88, s6;
	s7 =	simm.s32 @p2 $0x1082  }
0x22: {  	[simem:s7], [sflag:s8] =	dma.local @!p0 [hbm:s6], $0xF7A  }
0x23: {  	s9 =	sor.u32 $0xD0000000, s2;
	s6 =	simm.s32 $0x108;
	_ =	swait.ge @!p0 [sflag:s8], $0x0  }
0x24: {  	s3 =	sadd.s32 $0x88, s3;
	s6 =	simm.s32 @!p1 $0x1082;
	[sflag:s4] =	ssyncset.s32 $0xFFFFF086  }
0x25: {  	[simem:s6], [sflag:s4] =	dma.local [hbm:s3], $0xF7A  }
0x26: {  	[smem:$0x3F8C] =	sst s1;
	(tag) =	ssettag s2;
	_ =	strace s9  }
0x27: {  	s1 =	sld [smem:$0x3F9C]  }
0x28: {  	s2 =	sld [smem:$0x3F9D]  }
0x29: {  	s4 =	sld [smem:$0x3F9F]  }
0x2a: {  	p0 =	seq.s32 s5, $0x0;
	s5 =	sld [smem:$0x3FA0]  }
0x2b: {  	s6 =	sld [smem:$0x3FA1]  }
0x2c: {  	s7 =	sld [smem:$0x3FA2]  }
0x2d: {  	s3 =	simm.s32 $0x108;
	s8 =	sld [smem:$0x3FA3]  }
0x2e: {  	s3 =	simm.s32 @!p0 $0x1082;
	s9 =	sld [smem:$0x3FA4]  }
0x2f: {  	lr =	sadd.s32 s0, s3;
	s0 =	sld [smem:$0x3F9B]  }
0x30: {  	s3 =	sld [smem:$0x3F9E]  }
0x31: {  	[smem:$0x3FA7] =	sst s10  }
0x32: {  	s10 =	sld [smem:$0x3FA5];
	_ =	sdelay $0x3  }
0x33: {  	p0 =	seq.s32 s10, $0x1;
	s10 =	sld [smem:$0x3FA7];
	_ =	sdelay $0x3  }
0x34: {  	[smem:$0x3FA7] =	sst s10  }
0x35: {  	s10 =	sld [smem:$0x3FA6];
	_ =	sdelay $0x3  }
0x36: {  	p1 =	seq.s32 s10, $0x1;
	s10 =	sld [smem:$0x3FA7];
	_ =	sdelay $0x3  }
0x37: {  	[smem:$0x3FA7] =	sst s10  }
0x38: {  	s10 =	sld [smem:$0x3FA8]  }
0x39: {  	_ = 	snop;
	(pc) =	sbr.ind lr, $3  }
0x3a: {  	_ = 	snop  }
0x3b: {  	_ = 	snop  }
0x3c: {  	p2 =	seq.s32 s10, $0x1;
	s10 =	sld [smem:$0x3FA7]  }
0x3d: {  	_ =	shalt  }
0x3e: {  	_ =	shalt  }
0x3f: {  	_ =	shalt  }
0x40: {  	_ =	shalt  }
0x41: {  	_ =	shalt  }
0x42: {  	_ =	shalt  }
0x43: {  	_ =	shalt  }
0x44: {  	_ =	shalt  }
0x45: {  	_ =	shalt  }
0x46: {  	_ =	shalt  }
0x47: {  	_ =	shalt  }
0x48: {  	_ =	shalt  }
0x49: {  	_ =	shalt  }
0x4a: {  	_ =	shalt  }
0x4b: {  	_ =	shalt  }
0x4c: {  	_ =	shalt  }
0x4d: {  	_ =	shalt  }
0x4e: {  	_ =	shalt  }
0x4f: {  	_ =	shalt  }
0x50: {  	_ =	shalt  }
0x51: {  	_ =	shalt  }
0x52: {  	_ =	shalt  }
0x53: {  	_ =	shalt  }
0x54: {  	_ =	shalt  }
0x55: {  	_ =	shalt  }
0x56: {  	_ =	shalt  }
0x57: {  	_ =	shalt  }
0x58: {  	_ =	shalt  }
0x59: {  	_ =	shalt  }
0x5a: {  	_ =	shalt  }
0x5b: {  	_ =	shalt  }
0x5c: {  	_ =	shalt  }
0x5d: {  	_ =	shalt  }
0x5e: {  	_ =	shalt  }
0x5f: {  	_ =	shalt  }
0x60: {  	_ =	shalt  }
0x61: {  	_ =	shalt  }
0x62: {  	_ =	shalt  }
0x63: {  	_ =	shalt  }
0x64: {  	_ =	shalt  }
0x65: {  	_ =	shalt  }
0x66: {  	_ =	shalt  }
0x67: {  	_ =	shalt  }
0x68: {  	_ =	shalt  }
0x69: {  	_ =	shalt  }
0x6a: {  	_ =	shalt  }
0x6b: {  	_ =	shalt  }
0x6c: {  	_ =	shalt  }
0x6d: {  	_ =	shalt  }
0x6e: {  	_ =	shalt  }
0x6f: {  	_ =	shalt  }
0x70: {  	_ =	shalt  }
0x71: {  	_ =	shalt  }
0x72: {  	_ =	shalt  }
0x73: {  	_ =	shalt  }
0x74: {  	_ =	shalt  }
0x75: {  	_ =	shalt  }
0x76: {  	_ =	shalt  }
0x77: {  	_ =	shalt  }
0x78: {  	_ =	shalt  }
0x79: {  	_ =	shalt  }
0x7a: {  	_ =	shalt  }
0x7b: {  	_ =	shalt  }
0x7c: {  	_ =	shalt  }
0x7d: {  	_ =	shalt  }
0x7e: {  	_ =	shalt  }
0x7f: {  	_ =	shalt  }
0x80: {  	_ =	shalt  }
0x81: {  	_ =	shalt  }
0x82: {  	_ =	shalt  }
0x83: {  	_ =	shalt  }
0x84: {  	_ =	shalt  }
0x85: {  	_ =	shalt  }
0x86: {  	_ =	shalt  }
0x87: {  	_ =	shalt  }
.Lfunc_end0:
.L_simem_size_0:
called_computation_lowered:
.L_overlay_start_0:
0x88: {  	s2 =	sld [smem:$0x3FD9]  }
0x89: {  	s3 =	sld [smem:$0x3FFE];
	_ =	sdelay $0x1  }
0x8a: {  	s1 =	srdreg.scid  }
0x8b: {  	s0 =	sand.u32 $0x1, s1  }
0x8c: {  	s16 =	sshll.u32 s0, $0xA;
	s2 =	sadd.s32 s3, s2  }
0x8d: {  	s2 =	sadd.s32 s2, s16  }
0x8e: {  	[smem:$0x3FB3] =	sst s2  }
0x8f: {  	_ = 	snop  }
0x90: {  	(tm) =	ssettm $0x1  }
0x91: {  	s17 =	sld [smem:$0x3FFB];
	_ =	sdelay $0x3  }
0x92: {  	_ =	strace s17  }
0x93: {  	s2 =	sld [smem:$0x3FFC];
	_ =	sdelay $0x3  }
0x94: {  	_ =	strace s2  }
0x95: {  	s2 =	sld [smem:$0x3FFD];
	_ =	sdelay $0x3  }
0x96: {  	_ =	strace s2  }
0x97: {  	_ =	strace $0x8FFFFFFF  }
0x98: {  	s18 =	sld [smem:$0x3FDB];
	_ =	sdelay $0x1  }
0x99: {  	s19 =	simm.s32 $_scs_section_size  }
0x9a: {  	s4 =	simm.s32 $_size__tile_overlayer_lowered;
	s5 =	simm.s32 $_tile_overlayer_lowered  }
0x9b: {  	s22 =	simm.s32 $0x1BFF;
	s21 =	sshll.u32 s5, $0x1;
	s2 =	sadd.s32 s19, s18  }
0x9c: {  	s6 =	simm.s32 $0x0;
	s20 =	sshll.u32 s4, $0x1;
	s4 =	sadd.s32 s21, s2  }
0x9d: {  	[timem:s6], [sflag:s22] =	dma.local [hbm:s4], s20  }
0x9e: {  	_ =	swait.ge [sflag:s22], s20  }
0x9f: {  	s3 =	ssub.s32 $0x0, s20;
	[sflag:s22] =	ssyncset.done $0x0  }
0xa0: {  	[sflag:s22] =	ssyncadd.s32 s3;
	_ =	sdelay $0x1  }
0xa1: {  	s23 =	simm.s32 $0x1B8B  }
0xa2: {  	_ =	swait.ge [sflag:s23], $0x1  }
0xa3: {  	[sflag:s23] =	ssyncset.done $0x0  }
0xa4: {  	s25 =	simm.s32 $0x1B8E;
	s24 =	sld [smem:$0x3FFE];
	[sflag:s23] =	ssyncadd.s32 $0xFFFFFFFF  }
0xa5: {  	s26 =	simm.s32 $execute0_lowered;
	[smem:$0x3FD2] =	sst s25  }
0xa6: {  	s4 =	sshll.u32 s26, $0x1;
	_ =	strace $0x80000046;
	[dreg:$0x1] =	wrdreg $0xFFFFFFFF  }
0xa7: {  	s28 =	simm.s32 $_size_execute0_lowered;
	s2 =	sadd.s32 s2, s4;
	[dreg:$0x0] =	wrdreg $0x0  }
0xa8: {  	s4 =	sshll.u32 s28, $0x1;
	[dreg:$0x2] =	wrdreg s2  }
0xa9: {  	[dreg:$0x3] =	wrdreg s4  }
0xaa: {  	[dreg:$0x4] =	wrdreg $0xC0  }
0xab: {  	_ =	task [dreg:s6], $0x5FFFF  }
0xac: {  	[dreg:$0x1] =	wrdreg $0xFFFFFFFF  }
0xad: {  	[dreg:$0x0] =	wrdreg $0x60  }
0xae: {  	[dreg:$0x2] =	wrdreg s24  }
0xaf: {  	[dreg:$0x3] =	wrdreg $0xA  }
0xb0: {  	_ =	task.clear_ibuf [dreg:s6], $0x4FFFF;
	_ =	strace $0x90000046  }
0xb1: {  	s29 =	simm.s32 $0xA;
	_ =	strace $0x80000048  }
0xb2: {  	_ =	swait.ge [sflag:s29], $0x1  }
0xb3: {  	[sflag:s29] =	ssyncadd.s32 $0xFFFFFFFF  }
0xb4: {  	_ =	strace $0x90000048  }
0xb5: {  	_ =	sfence  }
0xb6: {  	s30 =	sld [smem:$0x0];
	_ =	sdelay $0x2  }
0xb7: {  	s31 =	sshll.u32 s1, $0xD;
	s1 =	sshrl.u32 s1, $0x2  }
0xb8: {  	s3 =	sand.u32 $0x4000, s31;
	s1 =	sadd.s32 s1, s30  }
0xb9: {  	s0 =	sor.u32 s3, s0;
	s1 =	sshll.u32 s1, $0x11  }
0xba: {  	s0 =	sor.u32 s1, s0  }
0xbb: {  	s0 =	sadd.s32 $0x8F2B, s0  }
0xbc: {  	[sflag:s0] =	ssyncadd.remote.s32 $0x1  }
0xbd: {  	_ =	sfence.sel $0xFFFF  }
0xbe: {  	[dreg:$0x0] =	wrdreg $0xFFFFFFFF;
	(pc) =	sbr.abs _section_cstart, $3  }
0xbf: {  	[dreg:$0x1] =	wrdreg $0xFFFFFFFF  }
0xc0: {  	_ =	task.clear_ibuf [dreg:s6], $0x2FFFF;
	_ =	strace $0x9FFFFFFF  }
0xc1: {  	(tm) =	ssettm $0x7FFFFFFF  }
tec
execute0_lowered:
.L_overlay_start_1:
0x0: {  	(tag) =	ssettag $0x1  }
0x1: {  	s0 =	rddreg [dreg:$0x0];
	s2 =	simm.s32 $0x0  }
0x2: {  	s11 =	stileid.u32;
	s1 =	srdreg.scid;
	s19 =	simm.s32 $0x9  }
0x3: {  	s20 =	simm.s32 $0xA200;
	s28 =	simm.s32 $0x5200;
	s17 =	simm.s32 $0x0  }
0x4: {  	[smem:$0x7FF] =	sst s2;
	s1 =	sand.u32 $0x1, s1;
	s7 =	smul.u32 $0xBB800, s11  }
0x5: {  	s4 =	sshll.u32 s11, $0x1;
	s3 =	sadd.s32 $0x1D400, s0;
	s13 =	smul.u32 $0x2EE0, s11  }
0x6: {  	s6 =	sadd.s32 $0x17600, s0;
	_ =	strace $0x80000047;
	s23 =	smul.u32 $0x1770, s1  }
0x7: {  	s5 =	sor.u32 s1, s4;
	s8 =	ssub.s32 $0x2, s1;
	s1 =	smul.u32 $0x5DC00, s1  }
0x8: {  	s11 =	sadd.s32 $0x1D500, s0;
	s4 =	sadd.s32 $0x28E400, s0;
	s9 =	smul.u32 $0x1770, s5  }
0x9: {  	s5 =	sadd.s32 $0x11800, s0;
	s10 =	sshrl.u32 s8, $0x1;
	s7 =	sadd.s32 s7, s0  }
0xa: {  	s8 =	ssub.s32 s8, s10;
	s25 =	sadd.s32 s23, s13;
	s1 =	sadd.s32 s1, s7  }
0xb: {  	s13 =	simm.s32 $0xF200;
	s7 =	simm.s32 $0x5;
	s22 =	sshrl.u32 s9, $0x3  }
0xc: {  	s9 =	sadd.s32 $0x28, s9;
	s8 =	smax.u32 s8, $0x1;
	s26 =	sadd.s32 $0x78, s25  }
0xd: {  	s14 =	sadd.s32 $0x10B7400, s1;
	s15 =	sadd.s32 $0x4FF400, s1;
	s1 =	simm.s32 $0x4  }
0xe: {  	s12 =	sadd.s32 s5, s22;
	s10 =	sadd.s32 s6, s22;
	[dreg:$0x6] =	wrdreg s8  }
0xf: {  	s9 =	sshrl.u32 s9, $0x3;
	s29 =	sshrl.u32 s26, $0x3;
	[dreg:$0x2] =	wrdreg s12  }
0x10: {  	s26 =	simm.s32 $0x3;
	[dreg:$0x3] =	wrdreg s10;
	s24 =	sadd.s32 s5, s9  }
.Ltmp0:
0x11: {  	s9 =	sadd.s32 s6, s9;
	[dreg:$0x4] =	wrdreg s24;
	(pc) =	sbr.rel .LBB2_1-.Ltmp0, $4  }
0x12: {  	s12 =	sadd.s32 $0x28E500, s0;
	s0 =	sadd.s32 $0x50, s25;
	[dreg:$0x5] =	wrdreg s9  }
0x13: {  	v2 =	vlaneseq.u32;
	s8 =	simm.s32 $0x7;
	s30 =	sadd.s32 s29, s6;
	[dreg:$0x7] =	wrdreg s0  }
0x14: {  	vm0 =	vmmov $0xffff;
	v1 =	vshrl.u32 v2, $0x3;
	s31 =	sadd.s32 s29, s5;
	s25 =	simm.s32 $0x1;
	[dreg:$0x8] =	wrdreg s30  }
0x15: {  	v0 =	vand.u32 $0x7, v2;
	v2 =	vor.u32 $0x8, v2;
	v1 =	vmul.u32 $0x8, v1;
	[dreg:$0x9] =	wrdreg s31;
	s0 =	simm.s32 $0x2;
	s9 =	simm.s32 $0xA  }
.LBB2_6:
0x16: {  	_ =	swait.ge [sflag:s7], $0x5000  }
0x17: {  	[sflag:s7] =	ssyncset.done $0x0  }
0x18: {  	[sflag:s7] =	ssyncadd.s32 $0xFFFFB000  }
0x19: {  	_ =	swait.ge [sflag:s8], $0x5000  }
0x1a: {  	[sflag:s8] =	ssyncset.done $0x0  }
0x1b: {  	s10 =	simm.s32 $0x6;
	[sflag:s8] =	ssyncadd.s32 $0xFFFFB000  }
0x1c: {  	_ =	swait.ge [sflag:s10], $0x5000  }
0x1d: {  	[sflag:s10] =	ssyncset.done $0x0  }
0x1e: {  	s16 =	simm.s32 $0x8;
	[sflag:s10] =	ssyncadd.s32 $0xFFFFB000  }
0x1f: {  	_ =	swait.ge [sflag:s16], $0x5000  }
0x20: {  	s17 =	rddreg [dreg:$0xa]  }
0x21: {  	s31 =	rddreg [dreg:$0x6];
	s17 =	sadd.s32 $0x1, s17  }
0x22: {  	p0 =	sne.s32 s17, s31  }
.Ltmp1:
0x23: {  	_ = 	snop;
	(pc) =	sbr.rel @!p0 .LBB2_7-.Ltmp1, $3  }
0x24: {  	_ =	sdelay $0x1  }
0x25: {  	[sflag:s16] =	ssyncset.done $0x0  }
0x26: {  	[sflag:s16] =	ssyncadd.s32 $0xFFFFB000  }
.LBB2_1:
0x27: {  	[dreg:$0xa] =	wrdreg s17  }
0x28: {  	s10 =	rddreg [dreg:$0x2]  }
0x29: {  	[tilespmem:s2], [sflag:$0x9] =	stream.linear.gather [hbm4b:s10+s2], $0x28, $0x38;
	[tilespmem:$0x14200] =	vst v63  }
0x2a: {  	_ =	swait.ge [sflag:s19], $0x28  }
0x2b: {  	[sflag:s19] =	ssyncset.done $0x0  }
0x2c: {  	s16 =	simm.s32 $0x100;
	s23 =	rddreg [dreg:$0x3];
	[sflag:s19] =	ssyncadd.s32 $0xFFFFFFD8  }
0x2d: {  	[tilespmem:s16], [sflag:$0x9] =	stream.linear.gather [hbm4b:s23+s2], $0x28, $0x38;
	[tilespmem:$0x14200] =	vst v63  }
0x2e: {  	_ =	swait.ge [sflag:s19], $0x28  }
0x2f: {  	[sflag:s19] =	ssyncset.done $0x0  }
0x30: {  	s29 =	simm.s32 $0x80;
	s24 =	rddreg [dreg:$0x4];
	[sflag:s19] =	ssyncadd.s32 $0xFFFFFFD8  }
0x31: {  	[tilespmem:s29], [sflag:$0x9] =	stream.linear.gather [hbm4b:s24+s2], $0x28, $0x38;
	[tilespmem:$0x14200] =	vst v63  }
0x32: {  	_ =	swait.ge [sflag:s19], $0x28  }
0x33: {  	[sflag:s19] =	ssyncset.done $0x0  }
0x34: {  	s31 =	simm.s32 $0x180;
	s30 =	rddreg [dreg:$0x5];
	[sflag:s19] =	ssyncadd.s32 $0xFFFFFFD8  }
0x35: {  	[tilespmem:s31], [sflag:$0x9] =	stream.linear.gather [hbm4b:s30+s2], $0x28, $0x38;
	[tilespmem:$0x14200] =	vst v63  }
0x36: {  	_ =	swait.ge [sflag:s19], $0x28  }
0x37: {  	[sflag:s19] =	ssyncset.done $0x0  }
0x38: {  	[sflag:s19] =	ssyncadd.s32 $0xFFFFFFD8  }
0x39: {  	v3 =	vld [tilespmem:$0x0];
	_ =	sdelay $0x4  }
0x3a: {  	v4 =	vshll.u32 v3, $0x2  }
0x3b: {  	v3 =	vand.u32 $0x7, v3;
	v4 =	vand.u32 $0xFFFFFFE0, v4  }
0x3c: {  	v3 =	vor.u32 v3, v4  }
0x3d: {  	v4 =	vperm.xlane v3, v0;
	_ =	sdelay $0x1  }
0x3e: {  	v4 =	vadd.s32 v1, v4;
	_ =	sdelay $0x1  }
0x3f: {  	v3 =	vperm.xlane v3, v2;
	_ =	sdelay $0x1  }
0x40: {  	s17 =	simm.s32 $0x200;
	v3 =	vadd.s32 v1, v3  }
0x41: {  	[tilespmem:s17], [sflag:$0x1] =	stream.indirect_vreg.gather [hbm4b:s3+s2], $0x80, v4, vm0, $0xb8;
	[tilespmem:$0x14200] =	vst v63  }
0x42: {  	s18 =	simm.s32 $0xA00  }
0x43: {  	[tilespmem:s18], [sflag:$0x1] =	stream.indirect_vreg.gather [hbm4b:s11+s2], $0x80, v4, vm0, $0xb8;
	[tilespmem:$0x14200] =	vst v63  }
0x44: {  	s21 =	simm.s32 $0x1200  }
0x45: {  	[tilespmem:s21], [sflag:$0x1] =	stream.indirect_vreg.gather [hbm4b:s3+s2], $0x80, v3, vm0, $0xb8;
	[tilespmem:$0x14200] =	vst v63  }
0x46: {  	s22 =	simm.s32 $0x1A00  }
0x47: {  	[tilespmem:s22], [sflag:$0x1] =	stream.indirect_vreg.gather [hbm4b:s11+s2], $0x80, v3, vm0, $0xb8;
	[tilespmem:$0x14200] =	vst v63  }
0x48: {  	v3 =	vld [tilespmem:$0x10];
	_ =	sdelay $0x4  }
0x49: {  	v59 =	vshll.u32 v3, $0x2  }
0x4a: {  	v3 =	vand.u32 $0x7, v3;
	v4 =	vand.u32 $0xFFFFFFE0, v59  }
0x4b: {  	v3 =	vor.u32 v3, v4  }
0x4c: {  	v4 =	vperm.xlane v3, v0;
	_ =	sdelay $0x1  }
0x4d: {  	v4 =	vadd.s32 v1, v4;
	_ =	sdelay $0x1  }
0x4e: {  	v3 =	vperm.xlane v3, v2;
	_ =	sdelay $0x1  }
0x4f: {  	s23 =	simm.s32 $0x2200;
	v3 =	vadd.s32 v1, v3  }
0x50: {  	[tilespmem:s23], [sflag:$0x1] =	stream.indirect_vreg.gather [hbm4b:s3+s2], $0x80, v4, vm0, $0xb8;
	[tilespmem:$0x14200] =	vst v63  }
0x51: {  	s24 =	simm.s32 $0x2A00  }
0x52: {  	[tilespmem:s24], [sflag:$0x1] =	stream.indirect_vreg.gather [hbm4b:s11+s2], $0x80, v4, vm0, $0xb8;
	[tilespmem:$0x14200] =	vst v63  }
0x53: {  	s29 =	simm.s32 $0x3200  }
0x54: {  	[tilespmem:s29], [sflag:$0x1] =	stream.indirect_vreg.gather [hbm4b:s3+s2], $0x80, v3, vm0, $0xb8;
	[tilespmem:$0x14200] =	vst v63  }
0x55: {  	s30 =	simm.s32 $0x3A00  }
0x56: {  	[tilespmem:s30], [sflag:$0x1] =	stream.indirect_vreg.gather [hbm4b:s11+s2], $0x80, v3, vm0, $0xb8;
	[tilespmem:$0x14200] =	vst v63  }
0x57: {  	v3 =	vld.msk [tilespmem:$0x20], $0xff;
	_ =	sdelay $0x4  }
0x58: {  	v60 =	vshll.u32 v3, $0x2  }
0x59: {  	v3 =	vand.u32 $0x7, v3;
	v4 =	vand.u32 $0xFFFFFFE0, v60  }
0x5a: {  	v3 =	vor.u32 v3, v4  }
0x5b: {  	v3 =	vperm.xlane v3, v0;
	_ =	sdelay $0x1  }
0x5c: {  	v3 =	vadd.s32 v1, v3;
	_ =	sdelay $0x3  }
0x5d: {  	s31 =	simm.s32 $0x4200  }
0x5e: {  	[tilespmem:s31], [sflag:$0x1] =	stream.indirect_vreg.gather [hbm4b:s3+s2], $0x80, v3, vm0, $0xb8;
	[tilespmem:$0x14200] =	vst v63  }
0x5f: {  	s16 =	simm.s32 $0x4A00  }
0x60: {  	[tilespmem:s16], [sflag:$0x1] =	stream.indirect_vreg.gather [hbm4b:s11+s2], $0x80, v3, vm0, $0xb8;
	[tilespmem:$0x14200] =	vst v63  }
0x61: {  	v3 =	vld [tilespmem:$0x100];
	_ =	sdelay $0x4  }
0x62: {  	v61 =	vshll.u32 v3, $0x2  }
0x63: {  	v3 =	vand.u32 $0x7, v3;
	v4 =	vand.u32 $0xFFFFFFE0, v61  }
0x64: {  	v3 =	vor.u32 v3, v4  }
0x65: {  	v4 =	vperm.xlane v3, v0;
	_ =	sdelay $0x1  }
0x66: {  	v4 =	vadd.s32 v1, v4;
	_ =	sdelay $0x1  }
0x67: {  	v3 =	vperm.xlane v3, v2;
	_ =	sdelay $0x1  }
0x68: {  	v3 =	vadd.s32 v1, v3  }
0x69: {  	[tilespmem:s20], [sflag:$0x3] =	stream.indirect_vreg.gather [hbm4b:s4+s2], $0x80, v4, vm0, $0xb8;
	[tilespmem:$0x14200] =	vst v63  }
0x6a: {  	s17 =	simm.s32 $0xAA00  }
0x6b: {  	[tilespmem:s17], [sflag:$0x3] =	stream.indirect_vreg.gather [hbm4b:s12+s2], $0x80, v4, vm0, $0xb8;
	[tilespmem:$0x14200] =	vst v63  }
0x6c: {  	s18 =	simm.s32 $0xB200  }
0x6d: {  	[tilespmem:s18], [sflag:$0x3] =	stream.indirect_vreg.gather [hbm4b:s4+s2], $0x80, v3, vm0, $0xb8;
	[tilespmem:$0x14200] =	vst v63  }
0x6e: {  	s21 =	simm.s32 $0xBA00  }
0x6f: {  	[tilespmem:s21], [sflag:$0x3] =	stream.indirect_vreg.gather [hbm4b:s12+s2], $0x80, v3, vm0, $0xb8;
	[tilespmem:$0x14200] =	vst v63  }
0x70: {  	v3 =	vld [tilespmem:$0x110];
	_ =	sdelay $0x4  }
0x71: {  	v62 =	vshll.u32 v3, $0x2  }
0x72: {  	v3 =	vand.u32 $0x7, v3;
	v4 =	vand.u32 $0xFFFFFFE0, v62  }
0x73: {  	v3 =	vor.u32 v3, v4  }
0x74: {  	v4 =	vperm.xlane v3, v0;
	_ =	sdelay $0x1  }
0x75: {  	v4 =	vadd.s32 v1, v4;
	_ =	sdelay $0x1  }
0x76: {  	v3 =	vperm.xlane v3, v2;
	_ =	sdelay $0x1  }
0x77: {  	s22 =	simm.s32 $0xC200;
	v3 =	vadd.s32 v1, v3  }
0x78: {  	[tilespmem:s22], [sflag:$0x3] =	stream.indirect_vreg.gather [hbm4b:s4+s2], $0x80, v4, vm0, $0xb8;
	[tilespmem:$0x14200] =	vst v63  }
0x79: {  	s23 =	simm.s32 $0xCA00  }
0x7a: {  	[tilespmem:s23], [sflag:$0x3] =	stream.indirect_vreg.gather [hbm4b:s12+s2], $0x80, v4, vm0, $0xb8;
	[tilespmem:$0x14200] =	vst v63  }
0x7b: {  	s24 =	simm.s32 $0xD200  }
0x7c: {  	[tilespmem:s24], [sflag:$0x3] =	stream.indirect_vreg.gather [hbm4b:s4+s2], $0x80, v3, vm0, $0xb8;
	[tilespmem:$0x14200] =	vst v63  }
0x7d: {  	s29 =	simm.s32 $0xDA00  }
0x7e: {  	[tilespmem:s29], [sflag:$0x3] =	stream.indirect_vreg.gather [hbm4b:s12+s2], $0x80, v3, vm0, $0xb8;
	[tilespmem:$0x14200] =	vst v63  }
0x7f: {  	v3 =	vld.msk [tilespmem:$0x120], $0xff;
	_ =	sdelay $0x4  }
0x80: {  	v63 =	vshll.u32 v3, $0x2  }
0x81: {  	v3 =	vand.u32 $0x7, v3;
	v4 =	vand.u32 $0xFFFFFFE0, v63  }
0x82: {  	v3 =	vor.u32 v3, v4  }
0x83: {  	v3 =	vperm.xlane v3, v0;
	_ =	sdelay $0x1  }
0x84: {  	v3 =	vadd.s32 v1, v3;
	_ =	sdelay $0x2  }
0x85: {  	s16 =	rddreg [dreg:$0x9]  }
0x86: {  	s10 =	simm.s32 $0x1;
	s30 =	simm.s32 $0xE200;
	s17 =	rddreg [dreg:$0x8]  }
0x87: {  	[tilespmem:s30], [sflag:$0x3] =	stream.indirect_vreg.gather [hbm4b:s4+s2], $0x80, v3, vm0, $0xb8;
	[tilespmem:$0x14200] =	vst v63  }
0x88: {  	s31 =	simm.s32 $0xEA00;
	s18 =	rddreg [dreg:$0x7];
	s24 =	simm.s32 $0x0  }
0x89: {  	[tilespmem:s31], [sflag:$0x3] =	stream.indirect_vreg.gather [hbm4b:s12+s2], $0x80, v3, vm0, $0xb8;
	[tilespmem:$0x14200] =	vst v63  }
.LBB2_2:
0x8a: {  	_ =	swait.ge [sflag:s25], $0x5000  }
0x8b: {  	[sflag:s25] =	ssyncset.done $0x0  }
0x8c: {  	[sflag:s25] =	ssyncadd.s32 $0xFFFFB000  }
0x8d: {  	_ =	swait.ge [sflag:s26], $0x5000  }
0x8e: {  	s21 =	sadd.s32 s24, s14;
	[sflag:s26] =	ssyncset.done $0x0  }
0x8f: {  	s22 =	simm.s32 $0x200;
	p0 =	seq.s32 s24, $0x0;
	[sflag:s26] =	ssyncadd.s32 $0xFFFFB000  }
0x90: {  	[hbm4b:s21+s2] =	stream.linear.scatter [tilespmem:s22], [sflag:$0x5], $0x5000, $0x38;
	[tilespmem:$0x14200] =	vst v63  }
0x91: {  	s29 =	simm.s32 @!p0 $0x6;
	s22 =	sadd.s32 s24, s15  }
0x92: {  	[hbm4b:s22+s2] =	stream.linear.scatter [tilespmem:s20], [sflag:$0x7], $0x5000, $0x38;
	[tilespmem:$0x14200] =	vst v63  }
0x93: {  	_ =	swait.ge @!p0 [sflag:s29], $0x5000  }
0x94: {  	[sflag:s29] =	ssyncset.done @!p0 $0x0  }
0x95: {  	[sflag:s29] =	ssyncadd.s32 @!p0 $0xFFFFB000;
	s29 =	simm.s32 @!p0 $0x8  }
0x96: {  	_ =	swait.ge @!p0 [sflag:s29], $0x5000  }
0x97: {  	[sflag:s29] =	ssyncset.done @!p0 $0x0  }
0x98: {  	[sflag:s29] =	ssyncadd.s32 @!p0 $0xFFFFB000  }
0x99: {  	v3 =	vld [tilespmem:$0x80];
	_ =	sdelay $0x4  }
0x9a: {  	v4 =	vshll.u32 v3, $0x2  }
0x9b: {  	v3 =	vand.u32 $0x7, v3;
	v4 =	vand.u32 $0xFFFFFFE0, v4  }
0x9c: {  	v3 =	vor.u32 v3, v4  }
0x9d: {  	v4 =	vperm.xlane v3, v0;
	_ =	sdelay $0x1  }
0x9e: {  	v4 =	vadd.s32 v1, v4;
	_ =	sdelay $0x1  }
0x9f: {  	v3 =	vperm.xlane v3, v2;
	_ =	sdelay $0x1  }
0xa0: {  	v3 =	vadd.s32 v1, v3  }
0xa1: {  	[tilespmem:s28], [sflag:$0x2] =	stream.indirect_vreg.gather [hbm4b:s3+s2], $0x80, v4, vm0, $0xb8;
	[tilespmem:$0x14200] =	vst v63  }
0xa2: {  	s23 =	simm.s32 $0x5A00  }
0xa3: {  	[tilespmem:s23], [sflag:$0x2] =	stream.indirect_vreg.gather [hbm4b:s11+s2], $0x80, v4, vm0, $0xb8;
	[tilespmem:$0x14200] =	vst v63  }
0xa4: {  	s29 =	simm.s32 $0x6200  }
0xa5: {  	[tilespmem:s29], [sflag:$0x2] =	stream.indirect_vreg.gather [hbm4b:s3+s2], $0x80, v3, vm0, $0xb8;
	[tilespmem:$0x14200] =	vst v63  }
0xa6: {  	s30 =	simm.s32 $0x6A00  }
0xa7: {  	[tilespmem:s30], [sflag:$0x2] =	stream.indirect_vreg.gather [hbm4b:s11+s2], $0x80, v3, vm0, $0xb8;
	[tilespmem:$0x14200] =	vst v63  }
0xa8: {  	v3 =	vld [tilespmem:$0x90];
	_ =	sdelay $0x4  }
0xa9: {  	v59 =	vshll.u32 v3, $0x2  }
0xaa: {  	v3 =	vand.u32 $0x7, v3;
	v4 =	vand.u32 $0xFFFFFFE0, v59  }
0xab: {  	v3 =	vor.u32 v3, v4  }
0xac: {  	v4 =	vperm.xlane v3, v0;
	_ =	sdelay $0x1  }
0xad: {  	v4 =	vadd.s32 v1, v4;
	_ =	sdelay $0x1  }
0xae: {  	v3 =	vperm.xlane v3, v2;
	_ =	sdelay $0x1  }
0xaf: {  	s31 =	simm.s32 $0x7200;
	v3 =	vadd.s32 v1, v3  }
0xb0: {  	[tilespmem:s31], [sflag:$0x2] =	stream.indirect_vreg.gather [hbm4b:s3+s2], $0x80, v4, vm0, $0xb8;
	[tilespmem:$0x14200] =	vst v63  }
0xb1: {  	s29 =	simm.s32 $0x7A00  }
0xb2: {  	[tilespmem:s29], [sflag:$0x2] =	stream.indirect_vreg.gather [hbm4b:s11+s2], $0x80, v4, vm0, $0xb8;
	[tilespmem:$0x14200] =	vst v63  }
0xb3: {  	s30 =	simm.s32 $0x8200  }
0xb4: {  	[tilespmem:s30], [sflag:$0x2] =	stream.indirect_vreg.gather [hbm4b:s3+s2], $0x80, v3, vm0, $0xb8;
	[tilespmem:$0x14200] =	vst v63  }
0xb5: {  	s31 =	simm.s32 $0x8A00  }
0xb6: {  	[tilespmem:s31], [sflag:$0x2] =	stream.indirect_vreg.gather [hbm4b:s11+s2], $0x80, v3, vm0, $0xb8;
	[tilespmem:$0x14200] =	vst v63  }
0xb7: {  	v3 =	vld.msk [tilespmem:$0xA0], $0xff;
	_ =	sdelay $0x4  }
0xb8: {  	v60 =	vshll.u32 v3, $0x2  }
0xb9: {  	v3 =	vand.u32 $0x7, v3;
	v4 =	vand.u32 $0xFFFFFFE0, v60  }
0xba: {  	v3 =	vor.u32 v3, v4  }
0xbb: {  	v3 =	vperm.xlane v3, v0;
	_ =	sdelay $0x1  }
0xbc: {  	v3 =	vadd.s32 v1, v3;
	_ =	sdelay $0x3  }
0xbd: {  	s29 =	simm.s32 $0x9200  }
0xbe: {  	[tilespmem:s29], [sflag:$0x2] =	stream.indirect_vreg.gather [hbm4b:s3+s2], $0x80, v3, vm0, $0xb8;
	[tilespmem:$0x14200] =	vst v63  }
0xbf: {  	s30 =	simm.s32 $0x9A00  }
0xc0: {  	[tilespmem:s30], [sflag:$0x2] =	stream.indirect_vreg.gather [hbm4b:s11+s2], $0x80, v3, vm0, $0xb8;
	[tilespmem:$0x14200] =	vst v63  }
0xc1: {  	v3 =	vld [tilespmem:$0x180];
	_ =	sdelay $0x4  }
0xc2: {  	v61 =	vshll.u32 v3, $0x2  }
0xc3: {  	v3 =	vand.u32 $0x7, v3;
	v4 =	vand.u32 $0xFFFFFFE0, v61  }
0xc4: {  	v3 =	vor.u32 v3, v4  }
0xc5: {  	v4 =	vperm.xlane v3, v0;
	_ =	sdelay $0x1  }
0xc6: {  	v4 =	vadd.s32 v1, v4;
	_ =	sdelay $0x1  }
0xc7: {  	v3 =	vperm.xlane v3, v2;
	_ =	sdelay $0x1  }
0xc8: {  	v3 =	vadd.s32 v1, v3  }
0xc9: {  	[tilespmem:s13], [sflag:$0x4] =	stream.indirect_vreg.gather [hbm4b:s4+s2], $0x80, v4, vm0, $0xb8;
	[tilespmem:$0x14200] =	vst v63  }
0xca: {  	s31 =	simm.s32 $0xFA00  }
0xcb: {  	[tilespmem:s31], [sflag:$0x4] =	stream.indirect_vreg.gather [hbm4b:s12+s2], $0x80, v4, vm0, $0xb8;
	[tilespmem:$0x14200] =	vst v63  }
0xcc: {  	s29 =	simm.s32 $0x10200  }
0xcd: {  	[tilespmem:s29], [sflag:$0x4] =	stream.indirect_vreg.gather [hbm4b:s4+s2], $0x80, v3, vm0, $0xb8;
	[tilespmem:$0x14200] =	vst v63  }
0xce: {  	s30 =	simm.s32 $0x10A00  }
0xcf: {  	[tilespmem:s30], [sflag:$0x4] =	stream.indirect_vreg.gather [hbm4b:s12+s2], $0x80, v3, vm0, $0xb8;
	[tilespmem:$0x14200] =	vst v63  }
0xd0: {  	v3 =	vld [tilespmem:$0x190];
	_ =	sdelay $0x4  }
0xd1: {  	v62 =	vshll.u32 v3, $0x2  }
0xd2: {  	v3 =	vand.u32 $0x7, v3;
	v4 =	vand.u32 $0xFFFFFFE0, v62  }
0xd3: {  	v3 =	vor.u32 v3, v4  }
0xd4: {  	v4 =	vperm.xlane v3, v0;
	_ =	sdelay $0x1  }
0xd5: {  	v4 =	vadd.s32 v1, v4;
	_ =	sdelay $0x1  }
0xd6: {  	v3 =	vperm.xlane v3, v2;
	_ =	sdelay $0x1  }
0xd7: {  	s31 =	simm.s32 $0x11200;
	v3 =	vadd.s32 v1, v3  }
0xd8: {  	[tilespmem:s31], [sflag:$0x4] =	stream.indirect_vreg.gather [hbm4b:s4+s2], $0x80, v4, vm0, $0xb8;
	[tilespmem:$0x14200] =	vst v63  }
0xd9: {  	s29 =	simm.s32 $0x11A00  }
0xda: {  	[tilespmem:s29], [sflag:$0x4] =	stream.indirect_vreg.gather [hbm4b:s12+s2], $0x80, v4, vm0, $0xb8;
	[tilespmem:$0x14200] =	vst v63  }
0xdb: {  	s30 =	simm.s32 $0x12200  }
0xdc: {  	[tilespmem:s30], [sflag:$0x4] =	stream.indirect_vreg.gather [hbm4b:s4+s2], $0x80, v3, vm0, $0xb8;
	[tilespmem:$0x14200] =	vst v63  }
0xdd: {  	s31 =	simm.s32 $0x12A00  }
0xde: {  	[tilespmem:s31], [sflag:$0x4] =	stream.indirect_vreg.gather [hbm4b:s12+s2], $0x80, v3, vm0, $0xb8;
	[tilespmem:$0x14200] =	vst v63  }
0xdf: {  	v3 =	vld.msk [tilespmem:$0x1A0], $0xff;
	_ =	sdelay $0x4  }
0xe0: {  	v63 =	vshll.u32 v3, $0x2  }
0xe1: {  	v3 =	vand.u32 $0x7, v3;
	v4 =	vand.u32 $0xFFFFFFE0, v63  }
0xe2: {  	v3 =	vor.u32 v3, v4  }
0xe3: {  	v3 =	vperm.xlane v3, v0;
	_ =	sdelay $0x1  }
0xe4: {  	v3 =	vadd.s32 v1, v3;
	_ =	sdelay $0x3  }
0xe5: {  	p0 =	seq.s32 s24, $0x5C800;
	s29 =	simm.s32 $0x13200  }
0xe6: {  	[tilespmem:s29], [sflag:$0x4] =	stream.indirect_vreg.gather [hbm4b:s4+s2], $0x80, v3, vm0, $0xb8;
	[tilespmem:$0x14200] =	vst v63  }
0xe7: {  	s30 =	simm.s32 $0x13A00;
	s29 =	sshrl.u32 @!p0 s18, $0x3  }
0xe8: {  	[tilespmem:s30], [sflag:$0x4] =	stream.indirect_vreg.gather [hbm4b:s12+s2], $0x80, v3, vm0, $0xb8;
	[tilespmem:$0x14200] =	vst v63  }
0xe9: {  	s31 =	simm.s32 @!p0 $0x0;
	s30 =	sadd.s32 @!p0 s5, s29  }
0xea: {  	[tilespmem:s31], [sflag:$0xA] =	stream.linear.gather @!p0 [hbm4b:s30+s31], $0x28, $0x38;
	[tilespmem:$0x14200] =	vst v63  }
0xeb: {  	s30 =	simm.s32 @!p0 $0xA  }
0xec: {  	_ =	swait.ge @!p0 [sflag:s30], $0x28  }
0xed: {  	[sflag:s30] =	ssyncset.done @!p0 $0x0  }
0xee: {  	s23 =	simm.s32 @!p0 $0x100;
	s29 =	sadd.s32 @!p0 s6, s29;
	[sflag:s30] =	ssyncadd.s32 @!p0 $0xFFFFFFD8  }
0xef: {  	[tilespmem:s23], [sflag:$0xA] =	stream.linear.gather @!p0 [hbm4b:s29+s31], $0x28, $0x38;
	[tilespmem:$0x14200] =	vst v63  }
0xf0: {  	_ =	swait.ge @!p0 [sflag:s30], $0x28  }
0xf1: {  	[sflag:s30] =	ssyncset.done @!p0 $0x0  }
0xf2: {  	[sflag:s30] =	ssyncadd.s32 @!p0 $0xFFFFFFD8  }
0xf3: {  	_ =	swait.ge [sflag:s0], $0x5000  }
0xf4: {  	[sflag:s0] =	ssyncset.done $0x0  }
0xf5: {  	[sflag:s0] =	ssyncadd.s32 $0xFFFFB000  }
0xf6: {  	p1 =	sgt.u32 s10, $0x94;
	_ =	swait.ge [sflag:s1], $0x5000  }
.Ltmp2:
0xf7: {  	[sflag:s1] =	ssyncset.done $0x0;
	(pc) =	sbr.rel @p1 .LBB2_4-.Ltmp2, $4  }
0xf8: {  	s21 =	sadd.s32 $0xA00, s21;
	[sflag:s1] =	ssyncadd.s32 $0xFFFFB000  }
0xf9: {  	[hbm4b:s21+s2] =	stream.linear.scatter [tilespmem:s28], [sflag:$0x6], $0x5000, $0x38;
	[tilespmem:$0x14200] =	vst v63  }
0xfa: {  	s31 =	sadd.s32 $0xA00, s22  }
0xfb: {  	[hbm4b:s31+s2] =	stream.linear.scatter [tilespmem:s13], [sflag:$0x8], $0x5000, $0x38;
	[tilespmem:$0x14200] =	vst v63  }
0xfc: {  	_ =	swait.ge [sflag:s7], $0x5000  }
0xfd: {  	[sflag:s7] =	ssyncset.done $0x0  }
0xfe: {  	[sflag:s7] =	ssyncadd.s32 $0xFFFFB000  }
0xff: {  	_ =	swait.ge [sflag:s8], $0x5000  }
0x100: {  	[sflag:s8] =	ssyncset.done $0x0  }
0x101: {  	[sflag:s8] =	ssyncadd.s32 $0xFFFFB000  }
0x102: {  	v3 =	vld [tilespmem:$0x0];
	_ =	sdelay $0x4  }
0x103: {  	v4 =	vshll.u32 v3, $0x2  }
0x104: {  	v3 =	vand.u32 $0x7, v3;
	v4 =	vand.u32 $0xFFFFFFE0, v4  }
0x105: {  	v3 =	vor.u32 v3, v4  }
0x106: {  	v4 =	vperm.xlane v3, v0;
	_ =	sdelay $0x1  }
0x107: {  	v4 =	vadd.s32 v1, v4;
	_ =	sdelay $0x1  }
0x108: {  	v3 =	vperm.xlane v3, v2;
	_ =	sdelay $0x1  }
0x109: {  	s21 =	simm.s32 $0x200;
	v3 =	vadd.s32 v1, v3  }
0x10a: {  	[tilespmem:s21], [sflag:$0x1] =	stream.indirect_vreg.gather [hbm4b:s3+s2], $0x80, v4, vm0, $0xb8;
	[tilespmem:$0x14200] =	vst v63  }
0x10b: {  	s29 =	simm.s32 $0xA00  }
0x10c: {  	[tilespmem:s29], [sflag:$0x1] =	stream.indirect_vreg.gather [hbm4b:s11+s2], $0x80, v4, vm0, $0xb8;
	[tilespmem:$0x14200] =	vst v63  }
0x10d: {  	s30 =	simm.s32 $0x1200  }
0x10e: {  	[tilespmem:s30], [sflag:$0x1] =	stream.indirect_vreg.gather [hbm4b:s3+s2], $0x80, v3, vm0, $0xb8;
	[tilespmem:$0x14200] =	vst v63  }
0x10f: {  	s31 =	simm.s32 $0x1A00  }
0x110: {  	[tilespmem:s31], [sflag:$0x1] =	stream.indirect_vreg.gather [hbm4b:s11+s2], $0x80, v3, vm0, $0xb8;
	[tilespmem:$0x14200] =	vst v63  }
0x111: {  	v3 =	vld [tilespmem:$0x10];
	_ =	sdelay $0x4  }
0x112: {  	v59 =	vshll.u32 v3, $0x2  }
0x113: {  	v3 =	vand.u32 $0x7, v3;
	v4 =	vand.u32 $0xFFFFFFE0, v59  }
0x114: {  	v3 =	vor.u32 v3, v4  }
0x115: {  	v4 =	vperm.xlane v3, v0;
	_ =	sdelay $0x1  }
0x116: {  	v4 =	vadd.s32 v1, v4;
	_ =	sdelay $0x1  }
0x117: {  	v3 =	vperm.xlane v3, v2;
	_ =	sdelay $0x1  }
0x118: {  	s22 =	simm.s32 $0x2200;
	v3 =	vadd.s32 v1, v3  }
0x119: {  	[tilespmem:s22], [sflag:$0x1] =	stream.indirect_vreg.gather [hbm4b:s3+s2], $0x80, v4, vm0, $0xb8;
	[tilespmem:$0x14200] =	vst v63  }
0x11a: {  	s23 =	simm.s32 $0x2A00  }
0x11b: {  	[tilespmem:s23], [sflag:$0x1] =	stream.indirect_vreg.gather [hbm4b:s11+s2], $0x80, v4, vm0, $0xb8;
	[tilespmem:$0x14200] =	vst v63  }
0x11c: {  	s29 =	simm.s32 $0x3200  }
0x11d: {  	[tilespmem:s29], [sflag:$0x1] =	stream.indirect_vreg.gather [hbm4b:s3+s2], $0x80, v3, vm0, $0xb8;
	[tilespmem:$0x14200] =	vst v63  }
0x11e: {  	s30 =	simm.s32 $0x3A00  }
0x11f: {  	[tilespmem:s30], [sflag:$0x1] =	stream.indirect_vreg.gather [hbm4b:s11+s2], $0x80, v3, vm0, $0xb8;
	[tilespmem:$0x14200] =	vst v63  }
0x120: {  	v3 =	vld.msk [tilespmem:$0x20], $0xff;
	_ =	sdelay $0x4  }
0x121: {  	v60 =	vshll.u32 v3, $0x2  }
0x122: {  	v3 =	vand.u32 $0x7, v3;
	v4 =	vand.u32 $0xFFFFFFE0, v60  }
0x123: {  	v3 =	vor.u32 v3, v4  }
0x124: {  	v3 =	vperm.xlane v3, v0;
	_ =	sdelay $0x1  }
0x125: {  	v3 =	vadd.s32 v1, v3;
	_ =	sdelay $0x3  }
0x126: {  	s31 =	simm.s32 $0x4200  }
0x127: {  	[tilespmem:s31], [sflag:$0x1] =	stream.indirect_vreg.gather [hbm4b:s3+s2], $0x80, v3, vm0, $0xb8;
	[tilespmem:$0x14200] =	vst v63  }
0x128: {  	s22 =	simm.s32 $0x4A00  }
0x129: {  	[tilespmem:s22], [sflag:$0x1] =	stream.indirect_vreg.gather [hbm4b:s11+s2], $0x80, v3, vm0, $0xb8;
	[tilespmem:$0x14200] =	vst v63  }
0x12a: {  	v3 =	vld [tilespmem:$0x100];
	_ =	sdelay $0x4  }
0x12b: {  	v61 =	vshll.u32 v3, $0x2  }
0x12c: {  	v3 =	vand.u32 $0x7, v3;
	v4 =	vand.u32 $0xFFFFFFE0, v61  }
0x12d: {  	v3 =	vor.u32 v3, v4  }
0x12e: {  	v4 =	vperm.xlane v3, v0;
	_ =	sdelay $0x1  }
0x12f: {  	v4 =	vadd.s32 v1, v4;
	_ =	sdelay $0x1  }
0x130: {  	v3 =	vperm.xlane v3, v2;
	_ =	sdelay $0x1  }
0x131: {  	v3 =	vadd.s32 v1, v3  }
0x132: {  	[tilespmem:s20], [sflag:$0x3] =	stream.indirect_vreg.gather [hbm4b:s4+s2], $0x80, v4, vm0, $0xb8;
	[tilespmem:$0x14200] =	vst v63  }
0x133: {  	s23 =	simm.s32 $0xAA00  }
0x134: {  	[tilespmem:s23], [sflag:$0x3] =	stream.indirect_vreg.gather [hbm4b:s12+s2], $0x80, v4, vm0, $0xb8;
	[tilespmem:$0x14200] =	vst v63  }
0x135: {  	s29 =	simm.s32 $0xB200  }
0x136: {  	[tilespmem:s29], [sflag:$0x3] =	stream.indirect_vreg.gather [hbm4b:s4+s2], $0x80, v3, vm0, $0xb8;
	[tilespmem:$0x14200] =	vst v63  }
0x137: {  	s30 =	simm.s32 $0xBA00  }
0x138: {  	[tilespmem:s30], [sflag:$0x3] =	stream.indirect_vreg.gather [hbm4b:s12+s2], $0x80, v3, vm0, $0xb8;
	[tilespmem:$0x14200] =	vst v63  }
0x139: {  	v3 =	vld [tilespmem:$0x110];
	_ =	sdelay $0x4  }
0x13a: {  	v62 =	vshll.u32 v3, $0x2  }
0x13b: {  	v3 =	vand.u32 $0x7, v3;
	v4 =	vand.u32 $0xFFFFFFE0, v62  }
0x13c: {  	v3 =	vor.u32 v3, v4  }
0x13d: {  	v4 =	vperm.xlane v3, v0;
	_ =	sdelay $0x1  }
0x13e: {  	v4 =	vadd.s32 v1, v4;
	_ =	sdelay $0x1  }
0x13f: {  	v3 =	vperm.xlane v3, v2;
	_ =	sdelay $0x1  }
0x140: {  	s31 =	simm.s32 $0xC200;
	v3 =	vadd.s32 v1, v3  }
0x141: {  	[tilespmem:s31], [sflag:$0x3] =	stream.indirect_vreg.gather [hbm4b:s4+s2], $0x80, v4, vm0, $0xb8;
	[tilespmem:$0x14200] =	vst v63  }
0x142: {  	s22 =	simm.s32 $0xCA00  }
0x143: {  	[tilespmem:s22], [sflag:$0x3] =	stream.indirect_vreg.gather [hbm4b:s12+s2], $0x80, v4, vm0, $0xb8;
	[tilespmem:$0x14200] =	vst v63  }
0x144: {  	s23 =	simm.s32 $0xD200  }
0x145: {  	[tilespmem:s23], [sflag:$0x3] =	stream.indirect_vreg.gather [hbm4b:s4+s2], $0x80, v3, vm0, $0xb8;
	[tilespmem:$0x14200] =	vst v63  }
0x146: {  	s29 =	simm.s32 $0xDA00  }
0x147: {  	[tilespmem:s29], [sflag:$0x3] =	stream.indirect_vreg.gather [hbm4b:s12+s2], $0x80, v3, vm0, $0xb8;
	[tilespmem:$0x14200] =	vst v63  }
0x148: {  	v3 =	vld.msk [tilespmem:$0x120], $0xff;
	_ =	sdelay $0x4  }
0x149: {  	v63 =	vshll.u32 v3, $0x2  }
0x14a: {  	v3 =	vand.u32 $0x7, v3;
	v4 =	vand.u32 $0xFFFFFFE0, v63  }
0x14b: {  	v3 =	vor.u32 v3, v4  }
0x14c: {  	v3 =	vperm.xlane v3, v0;
	_ =	sdelay $0x1  }
0x14d: {  	v3 =	vadd.s32 v1, v3;
	_ =	sdelay $0x3  }
0x14e: {  	s30 =	simm.s32 $0xE200  }
0x14f: {  	[tilespmem:s30], [sflag:$0x3] =	stream.indirect_vreg.gather [hbm4b:s4+s2], $0x80, v3, vm0, $0xb8;
	[tilespmem:$0x14200] =	vst v63  }
0x150: {  	s31 =	simm.s32 $0xEA00  }
0x151: {  	[tilespmem:s31], [sflag:$0x3] =	stream.indirect_vreg.gather [hbm4b:s12+s2], $0x80, v3, vm0, $0xb8;
	[tilespmem:$0x14200] =	vst v63  }
.LBB2_4:
.Ltmp3:
0x152: {  	(pc) =	sbr.rel @p0 .LBB2_6-.Ltmp3, $1  }
0x153: {  	_ =	sdelay $0x3  }
0x154: {  	s21 =	simm.s32 $0x80  }
0x155: {  	[tilespmem:s21], [sflag:$0xA] =	stream.linear.gather [hbm4b:s16+s2], $0x28, $0x38;
	[tilespmem:$0x14200] =	vst v63  }
0x156: {  	_ =	swait.ge [sflag:s9], $0x28  }
0x157: {  	[sflag:s9] =	ssyncset.done $0x0  }
.Ltmp4:
0x158: {  	s31 =	simm.s32 $0x180;
	[sflag:s9] =	ssyncadd.s32 $0xFFFFFFD8;
	(pc) =	sbr.rel .LBB2_2-.Ltmp4, $4  }
0x159: {  	[tilespmem:s31], [sflag:$0x9] =	stream.linear.gather [hbm4b:s17+s2], $0x28, $0x38;
	[tilespmem:$0x14200] =	vst v63  }
0x15a: {  	s24 =	sadd.s32 $0x1400, s24;
	_ =	swait.ge [sflag:s19], $0x28  }
0x15b: {  	s18 =	sadd.s32 $0x50, s18;
	s10 =	sadd.s32 $0x2, s10;
	[sflag:s19] =	ssyncset.done $0x0  }
0x15c: {  	s16 =	sadd.s32 $0xA, s16;
	s17 =	sadd.s32 $0xA, s17;
	[sflag:s19] =	ssyncadd.s32 $0xFFFFFFD8  }
.LBB2_7:
0x15d: {  	_ =	sfence.sel $0x180000  }
0x15e: {  	[bflag:$0x0] =	sbarrier.arrive $0xFFFF  }
0x15f: {  	_ =	strace $0x90000047  }
0x160: {  	s0 =	stileid.u32;
	[bflag:$0x2] =	sbarrier.arrive $0xFFFF  }
0x161: {  	p0 =	sne.s32 s0, $0x0;
	s0 =	rddreg [dreg:$0x1]  }
0x162: {  	s0 =	sadd.s32 @!p0 $0x100000, s0  }
0x163: {  	[sflag:s0] =	ssyncadd.tile.s32 @!p0 $0x1;
	_ =	shalt  }
.Lfunc_end2:
_tile_overlayer_lowered:
.L_overlay_start_2:
0x164: {  	(tag) =	ssettag $0x2  }
0x165: {  	s0 =	rddreg [dreg:$0x0];
	s2 =	stileid.u32  }
0x166: {  	s1 =	rddreg [dreg:$0x1];
	p0 =	sne.s32 s2, $0x0  }
0x167: {  	s3 =	rddreg [dreg:$0x2];
	[bflag:$0x3] =	sbarrier.arrive $0xFFFF;
	s2 =	simm.s32 @!p0 $0x1C09  }
0x168: {  	[timem:s3], [sflag:s2] =	dma.local @!p0 [hbm:s0], s1  }
0x169: {  	s0 =	simm.s32 @!p0 $0x9  }
0x16a: {  	_ =	swait.ge @!p0 [sflag:s0], s1  }
0x16b: {  	s1 =	ssub.s32 @!p0 $0x0, s1;
	[sflag:s0] =	ssyncset.done @!p0 $0x0  }
0x16c: {  	[sflag:s0] =	ssyncadd.s32 @!p0 s1  }
0x16d: {  	[bflag:$0x3] =	sbarrier.arrive $0xFFFF  }
0x16e: {  	_ =	shalt  }

// kernel: kernel.24.cloned.1.call-start
scs
__scs_entry_jumppad:
0x0: {  	(pc) =	sbr.rel $0x88, $3  }
0x1: {  	(tag) =	ssettag $0x0;
	lr =	simm.s32 $0x1  }
0x2: {  	[smem:$0x3F8C] =	sst lr;
	_ =	strace $0xD0000000  }
0x3: {  	_ = 	snop  }
0x4: {  	_ = 	snop  }
0x5: {  	_ = 	snop  }
0x6: {  	_ = 	snop  }
0x7: {  	_ = 	snop  }
__scs_overlays_trampoline_lowered:
0x8: {  	[smem:$0x3F9B] =	sst s0  }
0x9: {  	[smem:$0x3F9C] =	sst s1  }
0xa: {  	[smem:$0x3F9D] =	sst s2  }
0xb: {  	[smem:$0x3F9E] =	sst s3  }
0xc: {  	[smem:$0x3F9F] =	sst s4  }
0xd: {  	[smem:$0x3FA0] =	sst s5  }
0xe: {  	[smem:$0x3FA1] =	sst s6  }
0xf: {  	[smem:$0x3FA2] =	sst s7  }
0x10: {  	[smem:$0x3FA3] =	sst s8  }
0x11: {  	[smem:$0x3FA4] =	sst s9;
	s0 =	simm.s32 @!p0 $0x0  }
0x12: {  	s1 =	sld [smem:$0x3F8A];
	s0 =	simm.s32 @p0 $0x1  }
0x13: {  	[smem:$0x3FA5] =	sst s0;
	s0 =	simm.s32 @!p1 $0x0  }
0x14: {  	s2 =	sld [smem:$0x3F89];
	s0 =	simm.s32 @p1 $0x1  }
0x15: {  	[smem:$0x3FA6] =	sst s0;
	s0 =	simm.s32 @!p2 $0x0  }
0x16: {  	s3 =	sld [smem:$0x3FDB];
	s0 =	simm.s32 @p2 $0x1  }
0x17: {  	s4 =	simm.s32 $0x1BF5;
	[smem:$0x3FA8] =	sst s0  }
0x18: {  	s0 =	sld [smem:$0x3F8B];
	_ =	swait.ge [sflag:s4], $0x0  }
0x19: {  	s7 =	sld [smem:$0x3F8C]  }
0x1a: {  	s8 =	sadd.s32 $0xFFFFE003, lr  }
0x1b: {  	s9 =	sadd.s32 $0xFFFFFEF7, lr;
	s5 =	simm.s32 $0xFFFFFFFF;
	p2 =	slt.u32 s8, $0xFFFFF086  }
0x1c: {  	p1 =	slt.u32 s9, $0xF7A;
	s5 =	simm.s32 @!p2 $0x0  }
0x1d: {  	s5 =	simm.s32 @p1 $0x1;
	p0 =	seq.s32 s7, s2  }
0x1e: {  	s7 =	smul.u32 @!p0 $0xF7A, s2;
	p2 =	seq.s32 @!p0 s5, $0x0  }
0x1f: {  	s9 =	smul.u32 $0xF7A, s1;
	s8 =	simm.s32 @!p0 $0x1BF5;
	p2 =	por !p2, p0  }
0x20: {  	[sflag:s8] =	ssyncset.s32 @!p0 $0xFFFFF086;
	s6 =	sadd.s32 @!p0 s3, s7;
	s7 =	simm.s32 @!p0 $0x108  }
0x21: {  	s3 =	sadd.s32 s3, s9;
	s6 =	sadd.s32 @!p0 $0x88, s6;
	s7 =	simm.s32 @p2 $0x1082  }
0x22: {  	[simem:s7], [sflag:s8] =	dma.local @!p0 [hbm:s6], $0xF7A  }
0x23: {  	s9 =	sor.u32 $0xD0000000, s2;
	s6 =	simm.s32 $0x108;
	_ =	swait.ge @!p0 [sflag:s8], $0x0  }
0x24: {  	s3 =	sadd.s32 $0x88, s3;
	s6 =	simm.s32 @!p1 $0x1082;
	[sflag:s4] =	ssyncset.s32 $0xFFFFF086  }
0x25: {  	[simem:s6], [sflag:s4] =	dma.local [hbm:s3], $0xF7A  }
0x26: {  	[smem:$0x3F8C] =	sst s1;
	(tag) =	ssettag s2;
	_ =	strace s9  }
0x27: {  	s1 =	sld [smem:$0x3F9C]  }
0x28: {  	s2 =	sld [smem:$0x3F9D]  }
0x29: {  	s4 =	sld [smem:$0x3F9F]  }
0x2a: {  	p0 =	seq.s32 s5, $0x0;
	s5 =	sld [smem:$0x3FA0]  }
0x2b: {  	s6 =	sld [smem:$0x3FA1]  }
0x2c: {  	s7 =	sld [smem:$0x3FA2]  }
0x2d: {  	s3 =	simm.s32 $0x108;
	s8 =	sld [smem:$0x3FA3]  }
0x2e: {  	s3 =	simm.s32 @!p0 $0x1082;
	s9 =	sld [smem:$0x3FA4]  }
0x2f: {  	lr =	sadd.s32 s0, s3;
	s0 =	sld [smem:$0x3F9B]  }
0x30: {  	s3 =	sld [smem:$0x3F9E]  }
0x31: {  	[smem:$0x3FA7] =	sst s10  }
0x32: {  	s10 =	sld [smem:$0x3FA5];
	_ =	sdelay $0x3  }
0x33: {  	p0 =	seq.s32 s10, $0x1;
	s10 =	sld [smem:$0x3FA7];
	_ =	sdelay $0x3  }
0x34: {  	[smem:$0x3FA7] =	sst s10  }
0x35: {  	s10 =	sld [smem:$0x3FA6];
	_ =	sdelay $0x3  }
0x36: {  	p1 =	seq.s32 s10, $0x1;
	s10 =	sld [smem:$0x3FA7];
	_ =	sdelay $0x3  }
0x37: {  	[smem:$0x3FA7] =	sst s10  }
0x38: {  	s10 =	sld [smem:$0x3FA8]  }
0x39: {  	_ = 	snop;
	(pc) =	sbr.ind lr, $3  }
0x3a: {  	_ = 	snop  }
0x3b: {  	_ = 	snop  }
0x3c: {  	p2 =	seq.s32 s10, $0x1;
	s10 =	sld [smem:$0x3FA7]  }
0x3d: {  	_ =	shalt  }
0x3e: {  	_ =	shalt  }
0x3f: {  	_ =	shalt  }
0x40: {  	_ =	shalt  }
0x41: {  	_ =	shalt  }
0x42: {  	_ =	shalt  }
0x43: {  	_ =	shalt  }
0x44: {  	_ =	shalt  }
0x45: {  	_ =	shalt  }
0x46: {  	_ =	shalt  }
0x47: {  	_ =	shalt  }
0x48: {  	_ =	shalt  }
0x49: {  	_ =	shalt  }
0x4a: {  	_ =	shalt  }
0x4b: {  	_ =	shalt  }
0x4c: {  	_ =	shalt  }
0x4d: {  	_ =	shalt  }
0x4e: {  	_ =	shalt  }
0x4f: {  	_ =	shalt  }
0x50: {  	_ =	shalt  }
0x51: {  	_ =	shalt  }
0x52: {  	_ =	shalt  }
0x53: {  	_ =	shalt  }
0x54: {  	_ =	shalt  }
0x55: {  	_ =	shalt  }
0x56: {  	_ =	shalt  }
0x57: {  	_ =	shalt  }
0x58: {  	_ =	shalt  }
0x59: {  	_ =	shalt  }
0x5a: {  	_ =	shalt  }
0x5b: {  	_ =	shalt  }
0x5c: {  	_ =	shalt  }
0x5d: {  	_ =	shalt  }
0x5e: {  	_ =	shalt  }
0x5f: {  	_ =	shalt  }
0x60: {  	_ =	shalt  }
0x61: {  	_ =	shalt  }
0x62: {  	_ =	shalt  }
0x63: {  	_ =	shalt  }
0x64: {  	_ =	shalt  }
0x65: {  	_ =	shalt  }
0x66: {  	_ =	shalt  }
0x67: {  	_ =	shalt  }
0x68: {  	_ =	shalt  }
0x69: {  	_ =	shalt  }
0x6a: {  	_ =	shalt  }
0x6b: {  	_ =	shalt  }
0x6c: {  	_ =	shalt  }
0x6d: {  	_ =	shalt  }
0x6e: {  	_ =	shalt  }
0x6f: {  	_ =	shalt  }
0x70: {  	_ =	shalt  }
0x71: {  	_ =	shalt  }
0x72: {  	_ =	shalt  }
0x73: {  	_ =	shalt  }
0x74: {  	_ =	shalt  }
0x75: {  	_ =	shalt  }
0x76: {  	_ =	shalt  }
0x77: {  	_ =	shalt  }
0x78: {  	_ =	shalt  }
0x79: {  	_ =	shalt  }
0x7a: {  	_ =	shalt  }
0x7b: {  	_ =	shalt  }
0x7c: {  	_ =	shalt  }
0x7d: {  	_ =	shalt  }
0x7e: {  	_ =	shalt  }
0x7f: {  	_ =	shalt  }
0x80: {  	_ =	shalt  }
0x81: {  	_ =	shalt  }
0x82: {  	_ =	shalt  }
0x83: {  	_ =	shalt  }
0x84: {  	_ =	shalt  }
0x85: {  	_ =	shalt  }
0x86: {  	_ =	shalt  }
0x87: {  	_ =	shalt  }
.Lfunc_end0:
.L_simem_size_0:
called_computation.1_lowered:
.L_overlay_start_0:
0x88: {  	s2 =	sld [smem:$0x3FD9]  }
0x89: {  	s3 =	sld [smem:$0x3FFE];
	_ =	sdelay $0x1  }
0x8a: {  	s1 =	srdreg.scid  }
0x8b: {  	s0 =	sand.u32 $0x1, s1  }
0x8c: {  	s17 =	sshll.u32 s0, $0xA;
	s2 =	sadd.s32 s3, s2  }
0x8d: {  	s2 =	sadd.s32 s2, s17  }
0x8e: {  	[smem:$0x3FB3] =	sst s2  }
0x8f: {  	_ = 	snop  }
0x90: {  	(tm) =	ssettm $0x1  }
0x91: {  	s18 =	sld [smem:$0x3FFB];
	_ =	sdelay $0x3  }
0x92: {  	_ =	strace s18  }
0x93: {  	s2 =	sld [smem:$0x3FFC];
	_ =	sdelay $0x3  }
0x94: {  	_ =	strace s2  }
0x95: {  	s2 =	sld [smem:$0x3FFD];
	_ =	sdelay $0x3  }
0x96: {  	_ =	strace s2  }
0x97: {  	_ =	strace $0x8FFFFFFF  }
0x98: {  	s19 =	sld [smem:$0x3FDB];
	_ =	sdelay $0x1  }
0x99: {  	s20 =	simm.s32 $_scs_section_size  }
0x9a: {  	s4 =	simm.s32 $_size__tile_overlayer_lowered;
	s5 =	simm.s32 $_tile_overlayer_lowered  }
0x9b: {  	s6 =	simm.s32 $0x1BFF;
	s21 =	sshll.u32 s5, $0x1;
	s3 =	sadd.s32 s20, s19  }
0x9c: {  	s22 =	simm.s32 $0x0;
	s4 =	sshll.u32 s4, $0x1;
	s5 =	sadd.s32 s21, s3  }
0x9d: {  	[timem:s22], [sflag:s6] =	dma.local [hbm:s5], s4  }
0x9e: {  	_ =	swait.ge [sflag:s6], s4  }
0x9f: {  	s4 =	ssub.s32 $0x0, s4;
	[sflag:s6] =	ssyncset.done $0x0  }
0xa0: {  	[sflag:s6] =	ssyncadd.s32 s4;
	_ =	sdelay $0x1  }
0xa1: {  	s23 =	simm.s32 $0x1B8B  }
0xa2: {  	_ =	swait.ge [sflag:s23], $0x1  }
0xa3: {  	[sflag:s23] =	ssyncset.done $0x0  }
0xa4: {  	[sflag:s23] =	ssyncadd.s32 $0xFFFFFFFF  }
0xa5: {  	s4 =	sld [smem:$0x0]  }
0xa6: {  	s5 =	sand.u32 $0xFFFFFFFE, s1  }
0xa7: {  	p0 =	sne.s32 s1, s5  }
0xa8: {  	s5 =	sshll.u32 @p0 s5, $0xE  }
0xa9: {  	s5 =	sadd.s32 @p0 $0x11B8D, s5;
	s6 =	sshll.u32 @p0 s4, $0x11  }
0xaa: {  	s5 =	sor.u32 @p0 s6, s5  }
0xab: {  	[sflag:s5] =	ssyncadd.remote.s32 @p0 $0x1;
	_ =	sdelay $0x1  }
0xac: {  	s5 =	simm.s32 @p0 $0x1B8D  }
0xad: {  	_ =	swait.eq @p0 [sflag:s5], $0x1  }
0xae: {  	[sflag:s5] =	ssyncadd.s32 @p0 $0xFFFFFFFF  }
0xaf: {  	s6 =	sshll.u32 @!p0 s1, $0xE  }
0xb0: {  	s6 =	sor.u32 @!p0 $0x4000, s6;
	s5 =	simm.s32 @!p0 $0x1B8D  }
0xb1: {  	s4 =	sshll.u32 @!p0 s4, $0x11;
	s6 =	sadd.s32 @!p0 $0x11B8D, s6;
	_ =	swait.eq @!p0 [sflag:s5], $0x1  }
0xb2: {  	s4 =	sor.u32 @!p0 s4, s6;
	[sflag:s5] =	ssyncadd.s32 @!p0 $0xFFFFFFFF  }
0xb3: {  	s25 =	simm.s32 $0x1B8E;
	s24 =	sld [smem:$0x3FFE];
	[sflag:s4] =	ssyncadd.remote.s32 @!p0 $0x1  }
0xb4: {  	s26 =	simm.s32 $execute0_lowered;
	[smem:$0x3FD2] =	sst s25  }
0xb5: {  	s5 =	sshll.u32 s26, $0x1;
	_ =	strace $0x80000049;
	[dreg:$0x1] =	wrdreg $0xFFFFFFFF  }
0xb6: {  	s28 =	simm.s32 $_size_execute0_lowered;
	s3 =	sadd.s32 s3, s5;
	[dreg:$0x0] =	wrdreg $0x0  }
0xb7: {  	s5 =	sshll.u32 s28, $0x1;
	[dreg:$0x2] =	wrdreg s3  }
0xb8: {  	[dreg:$0x3] =	wrdreg s5  }
0xb9: {  	[dreg:$0x4] =	wrdreg $0xC0  }
0xba: {  	_ =	task [dreg:s22], $0x5FFFF  }
0xbb: {  	[dreg:$0x1] =	wrdreg $0xFFFFFFFF  }
0xbc: {  	[dreg:$0x0] =	wrdreg $0x60  }
0xbd: {  	[dreg:$0x2] =	wrdreg s24  }
0xbe: {  	[dreg:$0x3] =	wrdreg $0x9  }
0xbf: {  	_ =	task.clear_ibuf [dreg:s22], $0x4FFFF;
	_ =	strace $0x90000049  }
0xc0: {  	s29 =	simm.s32 $0x9;
	_ =	strace $0x8000004B  }
0xc1: {  	_ =	swait.ge [sflag:s29], $0x1  }
0xc2: {  	[sflag:s29] =	ssyncadd.s32 $0xFFFFFFFF  }
0xc3: {  	_ =	strace $0x9000004B  }
0xc4: {  	_ =	sfence  }
0xc5: {  	s30 =	sld [smem:$0x0];
	_ =	sdelay $0x2  }
0xc6: {  	s31 =	sshll.u32 s1, $0xD;
	s1 =	sshrl.u32 s1, $0x2  }
0xc7: {  	s4 =	sand.u32 $0x4000, s31;
	s1 =	sadd.s32 s1, s30  }
0xc8: {  	s0 =	sor.u32 s4, s0;
	s1 =	sshll.u32 s1, $0x11  }
0xc9: {  	s0 =	sor.u32 s1, s0  }
0xca: {  	s0 =	sadd.s32 $0x8F2B, s0  }
0xcb: {  	[sflag:s0] =	ssyncadd.remote.s32 $0x1  }
0xcc: {  	_ =	sfence.sel $0xFFFF  }
0xcd: {  	[dreg:$0x0] =	wrdreg $0xFFFFFFFF;
	(pc) =	sbr.abs _section_cstart, $3  }
0xce: {  	[dreg:$0x1] =	wrdreg $0xFFFFFFFF  }
0xcf: {  	_ =	task.clear_ibuf [dreg:s22], $0x2FFFF;
	_ =	strace $0x9FFFFFFF  }
0xd0: {  	(tm) =	ssettm $0x7FFFFFFF  }
0xd1: {  	_ =	shalt  }
tec
execute0_lowered:
.L_overlay_start_1:
0x0: {  	(tag) =	ssettag $0x1  }
0x1: {  	s0 =	rddreg [dreg:$0x0];
	s2 =	simm.s32 $0x0  }
0x2: {  	s11 =	stileid.u32;
	s1 =	srdreg.scid;
	s19 =	simm.s32 $0x9  }
0x3: {  	s20 =	simm.s32 $0xA200;
	s28 =	simm.s32 $0x5200;
	s17 =	simm.s32 $0x0  }
0x4: {  	[smem:$0x7FF] =	sst s2;
	s1 =	sand.u32 $0x1, s1;
	s7 =	smul.u32 $0x7D000, s11  }
0x5: {  	s4 =	sshll.u32 s11, $0x1;
	s6 =	sadd.s32 $0x1C77400, s0;
	s13 =	smul.u32 $0x1F40, s11  }
0x6: {  	s3 =	sadd.s32 $0x1D400, s0;
	_ =	strace $0x8000004A;
	s23 =	smul.u32 $0xFA0, s1  }
0x7: {  	s5 =	sor.u32 s1, s4;
	s8 =	ssub.s32 $0x2, s1;
	s1 =	smul.u32 $0x3E800, s1  }
0x8: {  	s11 =	sadd.s32 $0x1D500, s0;
	s4 =	sadd.s32 $0x28E400, s0;
	s9 =	smul.u32 $0xFA0, s5  }
0x9: {  	s5 =	sadd.s32 $0x1C73400, s0;
	s10 =	sshrl.u32 s8, $0x1;
	s7 =	sadd.s32 s7, s0  }
0xa: {  	s8 =	ssub.s32 s8, s10;
	s25 =	sadd.s32 s23, s13;
	s1 =	sadd.s32 s1, s7  }
0xb: {  	s13 =	simm.s32 $0xF200;
	s7 =	simm.s32 $0x5;
	s22 =	sshrl.u32 s9, $0x3  }
0xc: {  	s9 =	sadd.s32 $0x28, s9;
	s8 =	smax.u32 s8, $0x1;
	s26 =	sadd.s32 $0x78, s25  }
0xd: {  	s14 =	sadd.s32 $0x244B400, s1;
	s15 =	sadd.s32 $0x1C7B400, s1;
	s1 =	simm.s32 $0x4  }
0xe: {  	s12 =	sadd.s32 s5, s22;
	s10 =	sadd.s32 s6, s22;
	[dreg:$0x6] =	wrdreg s8  }
0xf: {  	s9 =	sshrl.u32 s9, $0x3;
	s29 =	sshrl.u32 s26, $0x3;
	[dreg:$0x2] =	wrdreg s12  }
0x10: {  	s26 =	simm.s32 $0x3;
	[dreg:$0x3] =	wrdreg s10;
	s24 =	sadd.s32 s5, s9  }
.Ltmp0:
0x11: {  	s9 =	sadd.s32 s6, s9;
	[dreg:$0x4] =	wrdreg s24;
	(pc) =	sbr.rel .LBB2_1-.Ltmp0, $4  }
0x12: {  	s12 =	sadd.s32 $0x28E500, s0;
	s0 =	sadd.s32 $0x50, s25;
	[dreg:$0x5] =	wrdreg s9  }
0x13: {  	v2 =	vlaneseq.u32;
	s8 =	simm.s32 $0x7;
	s30 =	sadd.s32 s29, s6;
	[dreg:$0x7] =	wrdreg s0  }
0x14: {  	vm0 =	vmmov $0xffff;
	v1 =	vshrl.u32 v2, $0x3;
	s31 =	sadd.s32 s29, s5;
	s25 =	simm.s32 $0x1;
	[dreg:$0x8] =	wrdreg s30  }
0x15: {  	v0 =	vand.u32 $0x7, v2;
	v2 =	vor.u32 $0x8, v2;
	v1 =	vmul.u32 $0x8, v1;
	[dreg:$0x9] =	wrdreg s31;
	s0 =	simm.s32 $0x2;
	s9 =	simm.s32 $0xA  }
.LBB2_6:
0x16: {  	_ =	swait.ge [sflag:s7], $0x5000  }
0x17: {  	[sflag:s7] =	ssyncset.done $0x0  }
0x18: {  	[sflag:s7] =	ssyncadd.s32 $0xFFFFB000  }
0x19: {  	_ =	swait.ge [sflag:s8], $0x5000  }
0x1a: {  	[sflag:s8] =	ssyncset.done $0x0  }
0x1b: {  	s10 =	simm.s32 $0x6;
	[sflag:s8] =	ssyncadd.s32 $0xFFFFB000  }
0x1c: {  	_ =	swait.ge [sflag:s10], $0x5000  }
0x1d: {  	[sflag:s10] =	ssyncset.done $0x0  }
0x1e: {  	s16 =	simm.s32 $0x8;
	[sflag:s10] =	ssyncadd.s32 $0xFFFFB000  }
0x1f: {  	_ =	swait.ge [sflag:s16], $0x5000  }
0x20: {  	s17 =	rddreg [dreg:$0xa]  }
0x21: {  	s31 =	rddreg [dreg:$0x6];
	s17 =	sadd.s32 $0x1, s17  }
0x22: {  	p0 =	sne.s32 s17, s31  }
.Ltmp1:
0x23: {  	_ = 	snop;
	(pc) =	sbr.rel @!p0 .LBB2_7-.Ltmp1, $3  }
0x24: {  	_ =	sdelay $0x1  }
0x25: {  	[sflag:s16] =	ssyncset.done $0x0  }
0x26: {  	[sflag:s16] =	ssyncadd.s32 $0xFFFFB000  }
.LBB2_1:
0x27: {  	[dreg:$0xa] =	wrdreg s17  }
0x28: {  	s10 =	rddreg [dreg:$0x2]  }
0x29: {  	[tilespmem:s2], [sflag:$0x9] =	stream.linear.gather [hbm4b:s10+s2], $0x28, $0x38;
	[tilespmem:$0x14200] =	vst v63  }
0x2a: {  	_ =	swait.ge [sflag:s19], $0x28  }
0x2b: {  	[sflag:s19] =	ssyncset.done $0x0  }
0x2c: {  	s16 =	simm.s32 $0x100;
	s23 =	rddreg [dreg:$0x3];
	[sflag:s19] =	ssyncadd.s32 $0xFFFFFFD8  }
0x2d: {  	[tilespmem:s16], [sflag:$0x9] =	stream.linear.gather [hbm4b:s23+s2], $0x28, $0x38;
	[tilespmem:$0x14200] =	vst v63  }
0x2e: {  	_ =	swait.ge [sflag:s19], $0x28  }
0x2f: {  	[sflag:s19] =	ssyncset.done $0x0  }
0x30: {  	s29 =	simm.s32 $0x80;
	s24 =	rddreg [dreg:$0x4];
	[sflag:s19] =	ssyncadd.s32 $0xFFFFFFD8  }
0x31: {  	[tilespmem:s29], [sflag:$0x9] =	stream.linear.gather [hbm4b:s24+s2], $0x28, $0x38;
	[tilespmem:$0x14200] =	vst v63  }
0x32: {  	_ =	swait.ge [sflag:s19], $0x28  }
0x33: {  	[sflag:s19] =	ssyncset.done $0x0  }
0x34: {  	s31 =	simm.s32 $0x180;
	s30 =	rddreg [dreg:$0x5];
	[sflag:s19] =	ssyncadd.s32 $0xFFFFFFD8  }
0x35: {  	[tilespmem:s31], [sflag:$0x9] =	stream.linear.gather [hbm4b:s30+s2], $0x28, $0x38;
	[tilespmem:$0x14200] =	vst v63  }
0x36: {  	_ =	swait.ge [sflag:s19], $0x28  }
0x37: {  	[sflag:s19] =	ssyncset.done $0x0  }
0x38: {  	[sflag:s19] =	ssyncadd.s32 $0xFFFFFFD8  }
0x39: {  	v3 =	vld [tilespmem:$0x0];
	_ =	sdelay $0x4  }
0x3a: {  	v4 =	vshll.u32 v3, $0x2  }
0x3b: {  	v3 =	vand.u32 $0x7, v3;
	v4 =	vand.u32 $0xFFFFFFE0, v4  }
0x3c: {  	v3 =	vor.u32 v3, v4  }
0x3d: {  	v4 =	vperm.xlane v3, v0;
	_ =	sdelay $0x1  }
0x3e: {  	v4 =	vadd.s32 v1, v4;
	_ =	sdelay $0x1  }
0x3f: {  	v3 =	vperm.xlane v3, v2;
	_ =	sdelay $0x1  }
0x40: {  	s17 =	simm.s32 $0x200;
	v3 =	vadd.s32 v1, v3  }
0x41: {  	[tilespmem:s17], [sflag:$0x1] =	stream.indirect_vreg.gather [hbm4b:s3+s2], $0x80, v4, vm0, $0xb8;
	[tilespmem:$0x14200] =	vst v63  }
0x42: {  	s18 =	simm.s32 $0xA00  }
0x43: {  	[tilespmem:s18], [sflag:$0x1] =	stream.indirect_vreg.gather [hbm4b:s11+s2], $0x80, v4, vm0, $0xb8;
	[tilespmem:$0x14200] =	vst v63  }
0x44: {  	s21 =	simm.s32 $0x1200  }
0x45: {  	[tilespmem:s21], [sflag:$0x1] =	stream.indirect_vreg.gather [hbm4b:s3+s2], $0x80, v3, vm0, $0xb8;
	[tilespmem:$0x14200] =	vst v63  }
0x46: {  	s22 =	simm.s32 $0x1A00  }
0x47: {  	[tilespmem:s22], [sflag:$0x1] =	stream.indirect_vreg.gather [hbm4b:s11+s2], $0x80, v3, vm0, $0xb8;
	[tilespmem:$0x14200] =	vst v63  }
0x48: {  	v3 =	vld [tilespmem:$0x10];
	_ =	sdelay $0x4  }
0x49: {  	v59 =	vshll.u32 v3, $0x2  }
0x4a: {  	v3 =	vand.u32 $0x7, v3;
	v4 =	vand.u32 $0xFFFFFFE0, v59  }
0x4b: {  	v3 =	vor.u32 v3, v4  }
0x4c: {  	v4 =	vperm.xlane v3, v0;
	_ =	sdelay $0x1  }
0x4d: {  	v4 =	vadd.s32 v1, v4;
	_ =	sdelay $0x1  }
0x4e: {  	v3 =	vperm.xlane v3, v2;
	_ =	sdelay $0x1  }
0x4f: {  	s23 =	simm.s32 $0x2200;
	v3 =	vadd.s32 v1, v3  }
0x50: {  	[tilespmem:s23], [sflag:$0x1] =	stream.indirect_vreg.gather [hbm4b:s3+s2], $0x80, v4, vm0, $0xb8;
	[tilespmem:$0x14200] =	vst v63  }
0x51: {  	s24 =	simm.s32 $0x2A00  }
0x52: {  	[tilespmem:s24], [sflag:$0x1] =	stream.indirect_vreg.gather [hbm4b:s11+s2], $0x80, v4, vm0, $0xb8;
	[tilespmem:$0x14200] =	vst v63  }
0x53: {  	s29 =	simm.s32 $0x3200  }
0x54: {  	[tilespmem:s29], [sflag:$0x1] =	stream.indirect_vreg.gather [hbm4b:s3+s2], $0x80, v3, vm0, $0xb8;
	[tilespmem:$0x14200] =	vst v63  }
0x55: {  	s30 =	simm.s32 $0x3A00  }
0x56: {  	[tilespmem:s30], [sflag:$0x1] =	stream.indirect_vreg.gather [hbm4b:s11+s2], $0x80, v3, vm0, $0xb8;
	[tilespmem:$0x14200] =	vst v63  }
0x57: {  	v3 =	vld.msk [tilespmem:$0x20], $0xff;
	_ =	sdelay $0x4  }
0x58: {  	v60 =	vshll.u32 v3, $0x2  }
0x59: {  	v3 =	vand.u32 $0x7, v3;
	v4 =	vand.u32 $0xFFFFFFE0, v60  }
0x5a: {  	v3 =	vor.u32 v3, v4  }
0x5b: {  	v3 =	vperm.xlane v3, v0;
	_ =	sdelay $0x1  }
0x5c: {  	v3 =	vadd.s32 v1, v3;
	_ =	sdelay $0x3  }
0x5d: {  	s31 =	simm.s32 $0x4200  }
0x5e: {  	[tilespmem:s31], [sflag:$0x1] =	stream.indirect_vreg.gather [hbm4b:s3+s2], $0x80, v3, vm0, $0xb8;
	[tilespmem:$0x14200] =	vst v63  }
0x5f: {  	s16 =	simm.s32 $0x4A00  }
0x60: {  	[tilespmem:s16], [sflag:$0x1] =	stream.indirect_vreg.gather [hbm4b:s11+s2], $0x80, v3, vm0, $0xb8;
	[tilespmem:$0x14200] =	vst v63  }
0x61: {  	v3 =	vld [tilespmem:$0x100];
	_ =	sdelay $0x4  }
0x62: {  	v61 =	vshll.u32 v3, $0x2  }
0x63: {  	v3 =	vand.u32 $0x7, v3;
	v4 =	vand.u32 $0xFFFFFFE0, v61  }
0x64: {  	v3 =	vor.u32 v3, v4  }
0x65: {  	v4 =	vperm.xlane v3, v0;
	_ =	sdelay $0x1  }
0x66: {  	v4 =	vadd.s32 v1, v4;
	_ =	sdelay $0x1  }
0x67: {  	v3 =	vperm.xlane v3, v2;
	_ =	sdelay $0x1  }
0x68: {  	v3 =	vadd.s32 v1, v3  }
0x69: {  	[tilespmem:s20], [sflag:$0x3] =	stream.indirect_vreg.gather [hbm4b:s4+s2], $0x80, v4, vm0, $0xb8;
	[tilespmem:$0x14200] =	vst v63  }
0x6a: {  	s17 =	simm.s32 $0xAA00  }
0x6b: {  	[tilespmem:s17], [sflag:$0x3] =	stream.indirect_vreg.gather [hbm4b:s12+s2], $0x80, v4, vm0, $0xb8;
	[tilespmem:$0x14200] =	vst v63  }
0x6c: {  	s18 =	simm.s32 $0xB200  }
0x6d: {  	[tilespmem:s18], [sflag:$0x3] =	stream.indirect_vreg.gather [hbm4b:s4+s2], $0x80, v3, vm0, $0xb8;
	[tilespmem:$0x14200] =	vst v63  }
0x6e: {  	s21 =	simm.s32 $0xBA00  }
0x6f: {  	[tilespmem:s21], [sflag:$0x3] =	stream.indirect_vreg.gather [hbm4b:s12+s2], $0x80, v3, vm0, $0xb8;
	[tilespmem:$0x14200] =	vst v63  }
0x70: {  	v3 =	vld [tilespmem:$0x110];
	_ =	sdelay $0x4  }
0x71: {  	v62 =	vshll.u32 v3, $0x2  }
0x72: {  	v3 =	vand.u32 $0x7, v3;
	v4 =	vand.u32 $0xFFFFFFE0, v62  }
0x73: {  	v3 =	vor.u32 v3, v4  }
0x74: {  	v4 =	vperm.xlane v3, v0;
	_ =	sdelay $0x1  }
0x75: {  	v4 =	vadd.s32 v1, v4;
	_ =	sdelay $0x1  }
0x76: {  	v3 =	vperm.xlane v3, v2;
	_ =	sdelay $0x1  }
0x77: {  	s22 =	simm.s32 $0xC200;
	v3 =	vadd.s32 v1, v3  }
0x78: {  	[tilespmem:s22], [sflag:$0x3] =	stream.indirect_vreg.gather [hbm4b:s4+s2], $0x80, v4, vm0, $0xb8;
	[tilespmem:$0x14200] =	vst v63  }
0x79: {  	s23 =	simm.s32 $0xCA00  }
0x7a: {  	[tilespmem:s23], [sflag:$0x3] =	stream.indirect_vreg.gather [hbm4b:s12+s2], $0x80, v4, vm0, $0xb8;
	[tilespmem:$0x14200] =	vst v63  }
0x7b: {  	s24 =	simm.s32 $0xD200  }
0x7c: {  	[tilespmem:s24], [sflag:$0x3] =	stream.indirect_vreg.gather [hbm4b:s4+s2], $0x80, v3, vm0, $0xb8;
	[tilespmem:$0x14200] =	vst v63  }
0x7d: {  	s29 =	simm.s32 $0xDA00  }
0x7e: {  	[tilespmem:s29], [sflag:$0x3] =	stream.indirect_vreg.gather [hbm4b:s12+s2], $0x80, v3, vm0, $0xb8;
	[tilespmem:$0x14200] =	vst v63  }
0x7f: {  	v3 =	vld.msk [tilespmem:$0x120], $0xff;
	_ =	sdelay $0x4  }
0x80: {  	v63 =	vshll.u32 v3, $0x2  }
0x81: {  	v3 =	vand.u32 $0x7, v3;
	v4 =	vand.u32 $0xFFFFFFE0, v63  }
0x82: {  	v3 =	vor.u32 v3, v4  }
0x83: {  	v3 =	vperm.xlane v3, v0;
	_ =	sdelay $0x1  }
0x84: {  	v3 =	vadd.s32 v1, v3;
	_ =	sdelay $0x2  }
0x85: {  	s16 =	rddreg [dreg:$0x9]  }
0x86: {  	s10 =	simm.s32 $0x1;
	s30 =	simm.s32 $0xE200;
	s17 =	rddreg [dreg:$0x8]  }
0x87: {  	[tilespmem:s30], [sflag:$0x3] =	stream.indirect_vreg.gather [hbm4b:s4+s2], $0x80, v3, vm0, $0xb8;
	[tilespmem:$0x14200] =	vst v63  }
0x88: {  	s31 =	simm.s32 $0xEA00;
	s18 =	rddreg [dreg:$0x7];
	s24 =	simm.s32 $0x0  }
0x89: {  	[tilespmem:s31], [sflag:$0x3] =	stream.indirect_vreg.gather [hbm4b:s12+s2], $0x80, v3, vm0, $0xb8;
	[tilespmem:$0x14200] =	vst v63  }
.LBB2_2:
0x8a: {  	_ =	swait.ge [sflag:s25], $0x5000  }
0x8b: {  	[sflag:s25] =	ssyncset.done $0x0  }
0x8c: {  	[sflag:s25] =	ssyncadd.s32 $0xFFFFB000  }
0x8d: {  	_ =	swait.ge [sflag:s26], $0x5000  }
0x8e: {  	s21 =	sadd.s32 s24, s14;
	[sflag:s26] =	ssyncset.done $0x0  }
0x8f: {  	s22 =	simm.s32 $0x200;
	p0 =	seq.s32 s24, $0x0;
	[sflag:s26] =	ssyncadd.s32 $0xFFFFB000  }
0x90: {  	[hbm4b:s21+s2] =	stream.linear.scatter [tilespmem:s22], [sflag:$0x5], $0x5000, $0x38;
	[tilespmem:$0x14200] =	vst v63  }
0x91: {  	s29 =	simm.s32 @!p0 $0x6;
	s22 =	sadd.s32 s24, s15  }
0x92: {  	[hbm4b:s22+s2] =	stream.linear.scatter [tilespmem:s20], [sflag:$0x7], $0x5000, $0x38;
	[tilespmem:$0x14200] =	vst v63  }
0x93: {  	_ =	swait.ge @!p0 [sflag:s29], $0x5000  }
0x94: {  	[sflag:s29] =	ssyncset.done @!p0 $0x0  }
0x95: {  	[sflag:s29] =	ssyncadd.s32 @!p0 $0xFFFFB000;
	s29 =	simm.s32 @!p0 $0x8  }
0x96: {  	_ =	swait.ge @!p0 [sflag:s29], $0x5000  }
0x97: {  	[sflag:s29] =	ssyncset.done @!p0 $0x0  }
0x98: {  	[sflag:s29] =	ssyncadd.s32 @!p0 $0xFFFFB000  }
0x99: {  	v3 =	vld [tilespmem:$0x80];
	_ =	sdelay $0x4  }
0x9a: {  	v4 =	vshll.u32 v3, $0x2  }
0x9b: {  	v3 =	vand.u32 $0x7, v3;
	v4 =	vand.u32 $0xFFFFFFE0, v4  }
0x9c: {  	v3 =	vor.u32 v3, v4  }
0x9d: {  	v4 =	vperm.xlane v3, v0;
	_ =	sdelay $0x1  }
0x9e: {  	v4 =	vadd.s32 v1, v4;
	_ =	sdelay $0x1  }
0x9f: {  	v3 =	vperm.xlane v3, v2;
	_ =	sdelay $0x1  }
0xa0: {  	v3 =	vadd.s32 v1, v3  }
0xa1: {  	[tilespmem:s28], [sflag:$0x2] =	stream.indirect_vreg.gather [hbm4b:s3+s2], $0x80, v4, vm0, $0xb8;
	[tilespmem:$0x14200] =	vst v63  }
0xa2: {  	s23 =	simm.s32 $0x5A00  }
0xa3: {  	[tilespmem:s23], [sflag:$0x2] =	stream.indirect_vreg.gather [hbm4b:s11+s2], $0x80, v4, vm0, $0xb8;
	[tilespmem:$0x14200] =	vst v63  }
0xa4: {  	s29 =	simm.s32 $0x6200  }
0xa5: {  	[tilespmem:s29], [sflag:$0x2] =	stream.indirect_vreg.gather [hbm4b:s3+s2], $0x80, v3, vm0, $0xb8;
	[tilespmem:$0x14200] =	vst v63  }
0xa6: {  	s30 =	simm.s32 $0x6A00  }
0xa7: {  	[tilespmem:s30], [sflag:$0x2] =	stream.indirect_vreg.gather [hbm4b:s11+s2], $0x80, v3, vm0, $0xb8;
	[tilespmem:$0x14200] =	vst v63  }
0xa8: {  	v3 =	vld [tilespmem:$0x90];
	_ =	sdelay $0x4  }
0xa9: {  	v59 =	vshll.u32 v3, $0x2  }
0xaa: {  	v3 =	vand.u32 $0x7, v3;
	v4 =	vand.u32 $0xFFFFFFE0, v59  }
0xab: {  	v3 =	vor.u32 v3, v4  }
0xac: {  	v4 =	vperm.xlane v3, v0;
	_ =	sdelay $0x1  }
0xad: {  	v4 =	vadd.s32 v1, v4;
	_ =	sdelay $0x1  }
0xae: {  	v3 =	vperm.xlane v3, v2;
	_ =	sdelay $0x1  }
0xaf: {  	s31 =	simm.s32 $0x7200;
	v3 =	vadd.s32 v1, v3  }
0xb0: {  	[tilespmem:s31], [sflag:$0x2] =	stream.indirect_vreg.gather [hbm4b:s3+s2], $0x80, v4, vm0, $0xb8;
	[tilespmem:$0x14200] =	vst v63  }
0xb1: {  	s29 =	simm.s32 $0x7A00  }
0xb2: {  	[tilespmem:s29], [sflag:$0x2] =	stream.indirect_vreg.gather [hbm4b:s11+s2], $0x80, v4, vm0, $0xb8;
	[tilespmem:$0x14200] =	vst v63  }
0xb3: {  	s30 =	simm.s32 $0x8200  }
0xb4: {  	[tilespmem:s30], [sflag:$0x2] =	stream.indirect_vreg.gather [hbm4b:s3+s2], $0x80, v3, vm0, $0xb8;
	[tilespmem:$0x14200] =	vst v63  }
0xb5: {  	s31 =	simm.s32 $0x8A00  }
0xb6: {  	[tilespmem:s31], [sflag:$0x2] =	stream.indirect_vreg.gather [hbm4b:s11+s2], $0x80, v3, vm0, $0xb8;
	[tilespmem:$0x14200] =	vst v63  }
0xb7: {  	v3 =	vld.msk [tilespmem:$0xA0], $0xff;
	_ =	sdelay $0x4  }
0xb8: {  	v60 =	vshll.u32 v3, $0x2  }
0xb9: {  	v3 =	vand.u32 $0x7, v3;
	v4 =	vand.u32 $0xFFFFFFE0, v60  }
0xba: {  	v3 =	vor.u32 v3, v4  }
0xbb: {  	v3 =	vperm.xlane v3, v0;
	_ =	sdelay $0x1  }
0xbc: {  	v3 =	vadd.s32 v1, v3;
	_ =	sdelay $0x3  }
0xbd: {  	s29 =	simm.s32 $0x9200  }
0xbe: {  	[tilespmem:s29], [sflag:$0x2] =	stream.indirect_vreg.gather [hbm4b:s3+s2], $0x80, v3, vm0, $0xb8;
	[tilespmem:$0x14200] =	vst v63  }
0xbf: {  	s30 =	simm.s32 $0x9A00  }
0xc0: {  	[tilespmem:s30], [sflag:$0x2] =	stream.indirect_vreg.gather [hbm4b:s11+s2], $0x80, v3, vm0, $0xb8;
	[tilespmem:$0x14200] =	vst v63  }
0xc1: {  	v3 =	vld [tilespmem:$0x180];
	_ =	sdelay $0x4  }
0xc2: {  	v61 =	vshll.u32 v3, $0x2  }
0xc3: {  	v3 =	vand.u32 $0x7, v3;
	v4 =	vand.u32 $0xFFFFFFE0, v61  }
0xc4: {  	v3 =	vor.u32 v3, v4  }
0xc5: {  	v4 =	vperm.xlane v3, v0;
	_ =	sdelay $0x1  }
0xc6: {  	v4 =	vadd.s32 v1, v4;
	_ =	sdelay $0x1  }
0xc7: {  	v3 =	vperm.xlane v3, v2;
	_ =	sdelay $0x1  }
0xc8: {  	v3 =	vadd.s32 v1, v3  }
0xc9: {  	[tilespmem:s13], [sflag:$0x4] =	stream.indirect_vreg.gather [hbm4b:s4+s2], $0x80, v4, vm0, $0xb8;
	[tilespmem:$0x14200] =	vst v63  }
0xca: {  	s31 =	simm.s32 $0xFA00  }
0xcb: {  	[tilespmem:s31], [sflag:$0x4] =	stream.indirect_vreg.gather [hbm4b:s12+s2], $0x80, v4, vm0, $0xb8;
	[tilespmem:$0x14200] =	vst v63  }
0xcc: {  	s29 =	simm.s32 $0x10200  }
0xcd: {  	[tilespmem:s29], [sflag:$0x4] =	stream.indirect_vreg.gather [hbm4b:s4+s2], $0x80, v3, vm0, $0xb8;
	[tilespmem:$0x14200] =	vst v63  }
0xce: {  	s30 =	simm.s32 $0x10A00  }
0xcf: {  	[tilespmem:s30], [sflag:$0x4] =	stream.indirect_vreg.gather [hbm4b:s12+s2], $0x80, v3, vm0, $0xb8;
	[tilespmem:$0x14200] =	vst v63  }
0xd0: {  	v3 =	vld [tilespmem:$0x190];
	_ =	sdelay $0x4  }
0xd1: {  	v62 =	vshll.u32 v3, $0x2  }
0xd2: {  	v3 =	vand.u32 $0x7, v3;
	v4 =	vand.u32 $0xFFFFFFE0, v62  }
0xd3: {  	v3 =	vor.u32 v3, v4  }
0xd4: {  	v4 =	vperm.xlane v3, v0;
	_ =	sdelay $0x1  }
0xd5: {  	v4 =	vadd.s32 v1, v4;
	_ =	sdelay $0x1  }
0xd6: {  	v3 =	vperm.xlane v3, v2;
	_ =	sdelay $0x1  }
0xd7: {  	s31 =	simm.s32 $0x11200;
	v3 =	vadd.s32 v1, v3  }
0xd8: {  	[tilespmem:s31], [sflag:$0x4] =	stream.indirect_vreg.gather [hbm4b:s4+s2], $0x80, v4, vm0, $0xb8;
	[tilespmem:$0x14200] =	vst v63  }
0xd9: {  	s29 =	simm.s32 $0x11A00  }
0xda: {  	[tilespmem:s29], [sflag:$0x4] =	stream.indirect_vreg.gather [hbm4b:s12+s2], $0x80, v4, vm0, $0xb8;
	[tilespmem:$0x14200] =	vst v63  }
0xdb: {  	s30 =	simm.s32 $0x12200  }
0xdc: {  	[tilespmem:s30], [sflag:$0x4] =	stream.indirect_vreg.gather [hbm4b:s4+s2], $0x80, v3, vm0, $0xb8;
	[tilespmem:$0x14200] =	vst v63  }
0xdd: {  	s31 =	simm.s32 $0x12A00  }
0xde: {  	[tilespmem:s31], [sflag:$0x4] =	stream.indirect_vreg.gather [hbm4b:s12+s2], $0x80, v3, vm0, $0xb8;
	[tilespmem:$0x14200] =	vst v63  }
0xdf: {  	v3 =	vld.msk [tilespmem:$0x1A0], $0xff;
	_ =	sdelay $0x4  }
0xe0: {  	v63 =	vshll.u32 v3, $0x2  }
0xe1: {  	v3 =	vand.u32 $0x7, v3;
	v4 =	vand.u32 $0xFFFFFFE0, v63  }
0xe2: {  	v3 =	vor.u32 v3, v4  }
0xe3: {  	v3 =	vperm.xlane v3, v0;
	_ =	sdelay $0x1  }
0xe4: {  	v3 =	vadd.s32 v1, v3;
	_ =	sdelay $0x3  }
0xe5: {  	p0 =	seq.s32 s24, $0x3D400;
	s29 =	simm.s32 $0x13200  }
0xe6: {  	[tilespmem:s29], [sflag:$0x4] =	stream.indirect_vreg.gather [hbm4b:s4+s2], $0x80, v3, vm0, $0xb8;
	[tilespmem:$0x14200] =	vst v63  }
0xe7: {  	s30 =	simm.s32 $0x13A00;
	s29 =	sshrl.u32 @!p0 s18, $0x3  }
0xe8: {  	[tilespmem:s30], [sflag:$0x4] =	stream.indirect_vreg.gather [hbm4b:s12+s2], $0x80, v3, vm0, $0xb8;
	[tilespmem:$0x14200] =	vst v63  }
0xe9: {  	s31 =	simm.s32 @!p0 $0x0;
	s30 =	sadd.s32 @!p0 s5, s29  }
0xea: {  	[tilespmem:s31], [sflag:$0xA] =	stream.linear.gather @!p0 [hbm4b:s30+s31], $0x28, $0x38;
	[tilespmem:$0x14200] =	vst v63  }
0xeb: {  	s30 =	simm.s32 @!p0 $0xA  }
0xec: {  	_ =	swait.ge @!p0 [sflag:s30], $0x28  }
0xed: {  	[sflag:s30] =	ssyncset.done @!p0 $0x0  }
0xee: {  	s23 =	simm.s32 @!p0 $0x100;
	s29 =	sadd.s32 @!p0 s6, s29;
	[sflag:s30] =	ssyncadd.s32 @!p0 $0xFFFFFFD8  }
0xef: {  	[tilespmem:s23], [sflag:$0xA] =	stream.linear.gather @!p0 [hbm4b:s29+s31], $0x28, $0x38;
	[tilespmem:$0x14200] =	vst v63  }
0xf0: {  	_ =	swait.ge @!p0 [sflag:s30], $0x28  }
0xf1: {  	[sflag:s30] =	ssyncset.done @!p0 $0x0  }
0xf2: {  	[sflag:s30] =	ssyncadd.s32 @!p0 $0xFFFFFFD8  }
0xf3: {  	_ =	swait.ge [sflag:s0], $0x5000  }
0xf4: {  	[sflag:s0] =	ssyncset.done $0x0  }
0xf5: {  	[sflag:s0] =	ssyncadd.s32 $0xFFFFB000  }
0xf6: {  	p1 =	sgt.u32 s10, $0x62;
	_ =	swait.ge [sflag:s1], $0x5000  }
.Ltmp2:
0xf7: {  	[sflag:s1] =	ssyncset.done $0x0;
	(pc) =	sbr.rel @p1 .LBB2_4-.Ltmp2, $4  }
0xf8: {  	s21 =	sadd.s32 $0xA00, s21;
	[sflag:s1] =	ssyncadd.s32 $0xFFFFB000  }
0xf9: {  	[hbm4b:s21+s2] =	stream.linear.scatter [tilespmem:s28], [sflag:$0x6], $0x5000, $0x38;
	[tilespmem:$0x14200] =	vst v63  }
0xfa: {  	s31 =	sadd.s32 $0xA00, s22  }
0xfb: {  	[hbm4b:s31+s2] =	stream.linear.scatter [tilespmem:s13], [sflag:$0x8], $0x5000, $0x38;
	[tilespmem:$0x14200] =	vst v63  }
0xfc: {  	_ =	swait.ge [sflag:s7], $0x5000  }
0xfd: {  	[sflag:s7] =	ssyncset.done $0x0  }
0xfe: {  	[sflag:s7] =	ssyncadd.s32 $0xFFFFB000  }
0xff: {  	_ =	swait.ge [sflag:s8], $0x5000  }
0x100: {  	[sflag:s8] =	ssyncset.done $0x0  }
0x101: {  	[sflag:s8] =	ssyncadd.s32 $0xFFFFB000  }
0x102: {  	v3 =	vld [tilespmem:$0x0];
	_ =	sdelay $0x4  }
0x103: {  	v4 =	vshll.u32 v3, $0x2  }
0x104: {  	v3 =	vand.u32 $0x7, v3;
	v4 =	vand.u32 $0xFFFFFFE0, v4  }
0x105: {  	v3 =	vor.u32 v3, v4  }
0x106: {  	v4 =	vperm.xlane v3, v0;
	_ =	sdelay $0x1  }
0x107: {  	v4 =	vadd.s32 v1, v4;
	_ =	sdelay $0x1  }
0x108: {  	v3 =	vperm.xlane v3, v2;
	_ =	sdelay $0x1  }
0x109: {  	s21 =	simm.s32 $0x200;
	v3 =	vadd.s32 v1, v3  }
0x10a: {  	[tilespmem:s21], [sflag:$0x1] =	stream.indirect_vreg.gather [hbm4b:s3+s2], $0x80, v4, vm0, $0xb8;
	[tilespmem:$0x14200] =	vst v63  }
0x10b: {  	s29 =	simm.s32 $0xA00  }
0x10c: {  	[tilespmem:s29], [sflag:$0x1] =	stream.indirect_vreg.gather [hbm4b:s11+s2], $0x80, v4, vm0, $0xb8;
	[tilespmem:$0x14200] =	vst v63  }
0x10d: {  	s30 =	simm.s32 $0x1200  }
0x10e: {  	[tilespmem:s30], [sflag:$0x1] =	stream.indirect_vreg.gather [hbm4b:s3+s2], $0x80, v3, vm0, $0xb8;
	[tilespmem:$0x14200] =	vst v63  }
0x10f: {  	s31 =	simm.s32 $0x1A00  }
0x110: {  	[tilespmem:s31], [sflag:$0x1] =	stream.indirect_vreg.gather [hbm4b:s11+s2], $0x80, v3, vm0, $0xb8;
	[tilespmem:$0x14200] =	vst v63  }
0x111: {  	v3 =	vld [tilespmem:$0x10];
	_ =	sdelay $0x4  }
0x112: {  	v59 =	vshll.u32 v3, $0x2  }
0x113: {  	v3 =	vand.u32 $0x7, v3;
	v4 =	vand.u32 $0xFFFFFFE0, v59  }
0x114: {  	v3 =	vor.u32 v3, v4  }
0x115: {  	v4 =	vperm.xlane v3, v0;
	_ =	sdelay $0x1  }
0x116: {  	v4 =	vadd.s32 v1, v4;
	_ =	sdelay $0x1  }
0x117: {  	v3 =	vperm.xlane v3, v2;
	_ =	sdelay $0x1  }
0x118: {  	s22 =	simm.s32 $0x2200;
	v3 =	vadd.s32 v1, v3  }
0x119: {  	[tilespmem:s22], [sflag:$0x1] =	stream.indirect_vreg.gather [hbm4b:s3+s2], $0x80, v4, vm0, $0xb8;
	[tilespmem:$0x14200] =	vst v63  }
0x11a: {  	s23 =	simm.s32 $0x2A00  }
0x11b: {  	[tilespmem:s23], [sflag:$0x1] =	stream.indirect_vreg.gather [hbm4b:s11+s2], $0x80, v4, vm0, $0xb8;
	[tilespmem:$0x14200] =	vst v63  }
0x11c: {  	s29 =	simm.s32 $0x3200  }
0x11d: {  	[tilespmem:s29], [sflag:$0x1] =	stream.indirect_vreg.gather [hbm4b:s3+s2], $0x80, v3, vm0, $0xb8;
	[tilespmem:$0x14200] =	vst v63  }
0x11e: {  	s30 =	simm.s32 $0x3A00  }
0x11f: {  	[tilespmem:s30], [sflag:$0x1] =	stream.indirect_vreg.gather [hbm4b:s11+s2], $0x80, v3, vm0, $0xb8;
	[tilespmem:$0x14200] =	vst v63  }
0x120: {  	v3 =	vld.msk [tilespmem:$0x20], $0xff;
	_ =	sdelay $0x4  }
0x121: {  	v60 =	vshll.u32 v3, $0x2  }
0x122: {  	v3 =	vand.u32 $0x7, v3;
	v4 =	vand.u32 $0xFFFFFFE0, v60  }
0x123: {  	v3 =	vor.u32 v3, v4  }
0x124: {  	v3 =	vperm.xlane v3, v0;
	_ =	sdelay $0x1  }
0x125: {  	v3 =	vadd.s32 v1, v3;
	_ =	sdelay $0x3  }
0x126: {  	s31 =	simm.s32 $0x4200  }
0x127: {  	[tilespmem:s31], [sflag:$0x1] =	stream.indirect_vreg.gather [hbm4b:s3+s2], $0x80, v3, vm0, $0xb8;
	[tilespmem:$0x14200] =	vst v63  }
0x128: {  	s22 =	simm.s32 $0x4A00  }
0x129: {  	[tilespmem:s22], [sflag:$0x1] =	stream.indirect_vreg.gather [hbm4b:s11+s2], $0x80, v3, vm0, $0xb8;
	[tilespmem:$0x14200] =	vst v63  }
0x12a: {  	v3 =	vld [tilespmem:$0x100];
	_ =	sdelay $0x4  }
0x12b: {  	v61 =	vshll.u32 v3, $0x2  }
0x12c: {  	v3 =	vand.u32 $0x7, v3;
	v4 =	vand.u32 $0xFFFFFFE0, v61  }
0x12d: {  	v3 =	vor.u32 v3, v4  }
0x12e: {  	v4 =	vperm.xlane v3, v0;
	_ =	sdelay $0x1  }
0x12f: {  	v4 =	vadd.s32 v1, v4;
	_ =	sdelay $0x1  }
0x130: {  	v3 =	vperm.xlane v3, v2;
	_ =	sdelay $0x1  }
0x131: {  	v3 =	vadd.s32 v1, v3  }
0x132: {  	[tilespmem:s20], [sflag:$0x3] =	stream.indirect_vreg.gather [hbm4b:s4+s2], $0x80, v4, vm0, $0xb8;
	[tilespmem:$0x14200] =	vst v63  }
0x133: {  	s23 =	simm.s32 $0xAA00  }
0x134: {  	[tilespmem:s23], [sflag:$0x3] =	stream.indirect_vreg.gather [hbm4b:s12+s2], $0x80, v4, vm0, $0xb8;
	[tilespmem:$0x14200] =	vst v63  }
0x135: {  	s29 =	simm.s32 $0xB200  }
0x136: {  	[tilespmem:s29], [sflag:$0x3] =	stream.indirect_vreg.gather [hbm4b:s4+s2], $0x80, v3, vm0, $0xb8;
	[tilespmem:$0x14200] =	vst v63  }
0x137: {  	s30 =	simm.s32 $0xBA00  }
0x138: {  	[tilespmem:s30], [sflag:$0x3] =	stream.indirect_vreg.gather [hbm4b:s12+s2], $0x80, v3, vm0, $0xb8;
	[tilespmem:$0x14200] =	vst v63  }
0x139: {  	v3 =	vld [tilespmem:$0x110];
	_ =	sdelay $0x4  }
0x13a: {  	v62 =	vshll.u32 v3, $0x2  }
0x13b: {  	v3 =	vand.u32 $0x7, v3;
	v4 =	vand.u32 $0xFFFFFFE0, v62  }
0x13c: {  	v3 =	vor.u32 v3, v4  }
0x13d: {  	v4 =	vperm.xlane v3, v0;
	_ =	sdelay $0x1  }
0x13e: {  	v4 =	vadd.s32 v1, v4;
	_ =	sdelay $0x1  }
0x13f: {  	v3 =	vperm.xlane v3, v2;
	_ =	sdelay $0x1  }
0x140: {  	s31 =	simm.s32 $0xC200;
	v3 =	vadd.s32 v1, v3  }
0x141: {  	[tilespmem:s31], [sflag:$0x3] =	stream.indirect_vreg.gather [hbm4b:s4+s2], $0x80, v4, vm0, $0xb8;
	[tilespmem:$0x14200] =	vst v63  }
0x142: {  	s22 =	simm.s32 $0xCA00  }
0x143: {  	[tilespmem:s22], [sflag:$0x3] =	stream.indirect_vreg.gather [hbm4b:s12+s2], $0x80, v4, vm0, $0xb8;
	[tilespmem:$0x14200] =	vst v63  }
0x144: {  	s23 =	simm.s32 $0xD200  }
0x145: {  	[tilespmem:s23], [sflag:$0x3] =	stream.indirect_vreg.gather [hbm4b:s4+s2], $0x80, v3, vm0, $0xb8;
	[tilespmem:$0x14200] =	vst v63  }
0x146: {  	s29 =	simm.s32 $0xDA00  }
0x147: {  	[tilespmem:s29], [sflag:$0x3] =	stream.indirect_vreg.gather [hbm4b:s12+s2], $0x80, v3, vm0, $0xb8;
	[tilespmem:$0x14200] =	vst v63  }
0x148: {  	v3 =	vld.msk [tilespmem:$0x120], $0xff;
	_ =	sdelay $0x4  }
0x149: {  	v63 =	vshll.u32 v3, $0x2  }
0x14a: {  	v3 =	vand.u32 $0x7, v3;
	v4 =	vand.u32 $0xFFFFFFE0, v63  }
0x14b: {  	v3 =	vor.u32 v3, v4  }
0x14c: {  	v3 =	vperm.xlane v3, v0;
	_ =	sdelay $0x1  }
0x14d: {  	v3 =	vadd.s32 v1, v3;
	_ =	sdelay $0x3  }
0x14e: {  	s30 =	simm.s32 $0xE200  }
0x14f: {  	[tilespmem:s30], [sflag:$0x3] =	stream.indirect_vreg.gather [hbm4b:s4+s2], $0x80, v3, vm0, $0xb8;
	[tilespmem:$0x14200] =	vst v63  }
0x150: {  	s31 =	simm.s32 $0xEA00  }
0x151: {  	[tilespmem:s31], [sflag:$0x3] =	stream.indirect_vreg.gather [hbm4b:s12+s2], $0x80, v3, vm0, $0xb8;
	[tilespmem:$0x14200] =	vst v63  }
.LBB2_4:
.Ltmp3:
0x152: {  	(pc) =	sbr.rel @p0 .LBB2_6-.Ltmp3, $1  }
0x153: {  	_ =	sdelay $0x3  }
0x154: {  	s21 =	simm.s32 $0x80  }
0x155: {  	[tilespmem:s21], [sflag:$0xA] =	stream.linear.gather [hbm4b:s16+s2], $0x28, $0x38;
	[tilespmem:$0x14200] =	vst v63  }
0x156: {  	_ =	swait.ge [sflag:s9], $0x28  }
0x157: {  	[sflag:s9] =	ssyncset.done $0x0  }
.Ltmp4:
0x158: {  	s31 =	simm.s32 $0x180;
	[sflag:s9] =	ssyncadd.s32 $0xFFFFFFD8;
	(pc) =	sbr.rel .LBB2_2-.Ltmp4, $4  }
0x159: {  	[tilespmem:s31], [sflag:$0x9] =	stream.linear.gather [hbm4b:s17+s2], $0x28, $0x38;
	[tilespmem:$0x14200] =	vst v63  }
0x15a: {  	s24 =	sadd.s32 $0x1400, s24;
	_ =	swait.ge [sflag:s19], $0x28  }
0x15b: {  	s18 =	sadd.s32 $0x50, s18;
	s10 =	sadd.s32 $0x2, s10;
	[sflag:s19] =	ssyncset.done $0x0  }
0x15c: {  	s16 =	sadd.s32 $0xA, s16;
	s17 =	sadd.s32 $0xA, s17;
	[sflag:s19] =	ssyncadd.s32 $0xFFFFFFD8  }
.LBB2_7:
0x15d: {  	_ =	sfence.sel $0x180000  }
0x15e: {  	[bflag:$0x0] =	sbarrier.arrive $0xFFFF  }
0x15f: {  	_ =	strace $0x9000004A  }
0x160: {  	s0 =	stileid.u32;
	[bflag:$0x2] =	sbarrier.arrive $0xFFFF  }
0x161: {  	p0 =	sne.s32 s0, $0x0;
	s0 =	rddreg [dreg:$0x1]  }
0x162: {  	s0 =	sadd.s32 @!p0 $0x100000, s0  }
0x163: {  	[sflag:s0] =	ssyncadd.tile.s32 @!p0 $0x1;
	_ =	shalt  }
.Lfunc_end2:
_tile_overlayer_lowered:
.L_overlay_start_2:
0x164: {  	(tag) =	ssettag $0x2  }
0x165: {  	s0 =	rddreg [dreg:$0x0];
	s2 =	stileid.u32  }
0x166: {  	s1 =	rddreg [dreg:$0x1];
	p0 =	sne.s32 s2, $0x0  }
0x167: {  	s3 =	rddreg [dreg:$0x2];
	[bflag:$0x3] =	sbarrier.arrive $0xFFFF;
	s2 =	simm.s32 @!p0 $0x1C09  }
0x168: {  	[timem:s3], [sflag:s2] =	dma.local @!p0 [hbm:s0], s1  }
0x169: {  	s0 =	simm.s32 @!p0 $0x9  }
0x16a: {  	_ =	swait.ge @!p0 [sflag:s0], s1  }
0x16b: {  	s1 =	ssub.s32 @!p0 $0x0, s1;
	[sflag:s0] =	ssyncset.done @!p0 $0x0  }
0x16c: {  	[sflag:s0] =	ssyncadd.s32 @!p0 s1  }
0x16d: {  	[bflag:$0x3] =	sbarrier.arrive $0xFFFF  }
0x16e: {  	_ =	shalt  }

// kernel: kernel.27.cloned.1.call-start
scs
__scs_entry_jumppad:
0x0: {  	(pc) =	sbr.rel $0x88, $3  }
0x1: {  	(tag) =	ssettag $0x0;
	lr =	simm.s32 $0x1  }
0x2: {  	[smem:$0x3F8C] =	sst lr;
	_ =	strace $0xD0000000  }
0x3: {  	_ = 	snop  }
0x4: {  	_ = 	snop  }
0x5: {  	_ = 	snop  }
0x6: {  	_ = 	snop  }
0x7: {  	_ = 	snop  }
__scs_overlays_trampoline_lowered:
0x8: {  	[smem:$0x3F9B] =	sst s0  }
0x9: {  	[smem:$0x3F9C] =	sst s1  }
0xa: {  	[smem:$0x3F9D] =	sst s2  }
0xb: {  	[smem:$0x3F9E] =	sst s3  }
0xc: {  	[smem:$0x3F9F] =	sst s4  }
0xd: {  	[smem:$0x3FA0] =	sst s5  }
0xe: {  	[smem:$0x3FA1] =	sst s6  }
0xf: {  	[smem:$0x3FA2] =	sst s7  }
0x10: {  	[smem:$0x3FA3] =	sst s8  }
0x11: {  	[smem:$0x3FA4] =	sst s9;
	s0 =	simm.s32 @!p0 $0x0  }
0x12: {  	s1 =	sld [smem:$0x3F8A];
	s0 =	simm.s32 @p0 $0x1  }
0x13: {  	[smem:$0x3FA5] =	sst s0;
	s0 =	simm.s32 @!p1 $0x0  }
0x14: {  	s2 =	sld [smem:$0x3F89];
	s0 =	simm.s32 @p1 $0x1  }
0x15: {  	[smem:$0x3FA6] =	sst s0;
	s0 =	simm.s32 @!p2 $0x0  }
0x16: {  	s3 =	sld [smem:$0x3FDB];
	s0 =	simm.s32 @p2 $0x1  }
0x17: {  	s4 =	simm.s32 $0x1BF5;
	[smem:$0x3FA8] =	sst s0  }
0x18: {  	s0 =	sld [smem:$0x3F8B];
	_ =	swait.ge [sflag:s4], $0x0  }
0x19: {  	s7 =	sld [smem:$0x3F8C]  }
0x1a: {  	s8 =	sadd.s32 $0xFFFFE003, lr  }
0x1b: {  	s9 =	sadd.s32 $0xFFFFFEF7, lr;
	s5 =	simm.s32 $0xFFFFFFFF;
	p2 =	slt.u32 s8, $0xFFFFF086  }
0x1c: {  	p1 =	slt.u32 s9, $0xF7A;
	s5 =	simm.s32 @!p2 $0x0  }
0x1d: {  	s5 =	simm.s32 @p1 $0x1;
	p0 =	seq.s32 s7, s2  }
0x1e: {  	s7 =	smul.u32 @!p0 $0xF7A, s2;
	p2 =	seq.s32 @!p0 s5, $0x0  }
0x1f: {  	s9 =	smul.u32 $0xF7A, s1;
	s8 =	simm.s32 @!p0 $0x1BF5;
	p2 =	por !p2, p0  }
0x20: {  	[sflag:s8] =	ssyncset.s32 @!p0 $0xFFFFF086;
	s6 =	sadd.s32 @!p0 s3, s7;
	s7 =	simm.s32 @!p0 $0x108  }
0x21: {  	s3 =	sadd.s32 s3, s9;
	s6 =	sadd.s32 @!p0 $0x88, s6;
	s7 =	simm.s32 @p2 $0x1082  }
0x22: {  	[simem:s7], [sflag:s8] =	dma.local @!p0 [hbm:s6], $0xF7A  }
0x23: {  	s9 =	sor.u32 $0xD0000000, s2;
	s6 =	simm.s32 $0x108;
	_ =	swait.ge @!p0 [sflag:s8], $0x0  }
0x24: {  	s3 =	sadd.s32 $0x88, s3;
	s6 =	simm.s32 @!p1 $0x1082;
	[sflag:s4] =	ssyncset.s32 $0xFFFFF086  }
0x25: {  	[simem:s6], [sflag:s4] =	dma.local [hbm:s3], $0xF7A  }
0x26: {  	[smem:$0x3F8C] =	sst s1;
	(tag) =	ssettag s2;
	_ =	strace s9  }
0x27: {  	s1 =	sld [smem:$0x3F9C]  }
0x28: {  	s2 =	sld [smem:$0x3F9D]  }
0x29: {  	s4 =	sld [smem:$0x3F9F]  }
0x2a: {  	p0 =	seq.s32 s5, $0x0;
	s5 =	sld [smem:$0x3FA0]  }
0x2b: {  	s6 =	sld [smem:$0x3FA1]  }
0x2c: {  	s7 =	sld [smem:$0x3FA2]  }
0x2d: {  	s3 =	simm.s32 $0x108;
	s8 =	sld [smem:$0x3FA3]  }
0x2e: {  	s3 =	simm.s32 @!p0 $0x1082;
	s9 =	sld [smem:$0x3FA4]  }
0x2f: {  	lr =	sadd.s32 s0, s3;
	s0 =	sld [smem:$0x3F9B]  }
0x30: {  	s3 =	sld [smem:$0x3F9E]  }
0x31: {  	[smem:$0x3FA7] =	sst s10  }
0x32: {  	s10 =	sld [smem:$0x3FA5];
	_ =	sdelay $0x3  }
0x33: {  	p0 =	seq.s32 s10, $0x1;
	s10 =	sld [smem:$0x3FA7];
	_ =	sdelay $0x3  }
0x34: {  	[smem:$0x3FA7] =	sst s10  }
0x35: {  	s10 =	sld [smem:$0x3FA6];
	_ =	sdelay $0x3  }
0x36: {  	p1 =	seq.s32 s10, $0x1;
	s10 =	sld [smem:$0x3FA7];
	_ =	sdelay $0x3  }
0x37: {  	[smem:$0x3FA7] =	sst s10  }
0x38: {  	s10 =	sld [smem:$0x3FA8]  }
0x39: {  	_ = 	snop;
	(pc) =	sbr.ind lr, $3  }
0x3a: {  	_ = 	snop  }
0x3b: {  	_ = 	snop  }
0x3c: {  	p2 =	seq.s32 s10, $0x1;
	s10 =	sld [smem:$0x3FA7]  }
0x3d: {  	_ =	shalt  }
0x3e: {  	_ =	shalt  }
0x3f: {  	_ =	shalt  }
0x40: {  	_ =	shalt  }
0x41: {  	_ =	shalt  }
0x42: {  	_ =	shalt  }
0x43: {  	_ =	shalt  }
0x44: {  	_ =	shalt  }
0x45: {  	_ =	shalt  }
0x46: {  	_ =	shalt  }
0x47: {  	_ =	shalt  }
0x48: {  	_ =	shalt  }
0x49: {  	_ =	shalt  }
0x4a: {  	_ =	shalt  }
0x4b: {  	_ =	shalt  }
0x4c: {  	_ =	shalt  }
0x4d: {  	_ =	shalt  }
0x4e: {  	_ =	shalt  }
0x4f: {  	_ =	shalt  }
0x50: {  	_ =	shalt  }
0x51: {  	_ =	shalt  }
0x52: {  	_ =	shalt  }
0x53: {  	_ =	shalt  }
0x54: {  	_ =	shalt  }
0x55: {  	_ =	shalt  }
0x56: {  	_ =	shalt  }
0x57: {  	_ =	shalt  }
0x58: {  	_ =	shalt  }
0x59: {  	_ =	shalt  }
0x5a: {  	_ =	shalt  }
0x5b: {  	_ =	shalt  }
0x5c: {  	_ =	shalt  }
0x5d: {  	_ =	shalt  }
0x5e: {  	_ =	shalt  }
0x5f: {  	_ =	shalt  }
0x60: {  	_ =	shalt  }
0x61: {  	_ =	shalt  }
0x62: {  	_ =	shalt  }
0x63: {  	_ =	shalt  }
0x64: {  	_ =	shalt  }
0x65: {  	_ =	shalt  }
0x66: {  	_ =	shalt  }
0x67: {  	_ =	shalt  }
0x68: {  	_ =	shalt  }
0x69: {  	_ =	shalt  }
0x6a: {  	_ =	shalt  }
0x6b: {  	_ =	shalt  }
0x6c: {  	_ =	shalt  }
0x6d: {  	_ =	shalt  }
0x6e: {  	_ =	shalt  }
0x6f: {  	_ =	shalt  }
0x70: {  	_ =	shalt  }
0x71: {  	_ =	shalt  }
0x72: {  	_ =	shalt  }
0x73: {  	_ =	shalt  }
0x74: {  	_ =	shalt  }
0x75: {  	_ =	shalt  }
0x76: {  	_ =	shalt  }
0x77: {  	_ =	shalt  }
0x78: {  	_ =	shalt  }
0x79: {  	_ =	shalt  }
0x7a: {  	_ =	shalt  }
0x7b: {  	_ =	shalt  }
0x7c: {  	_ =	shalt  }
0x7d: {  	_ =	shalt  }
0x7e: {  	_ =	shalt  }
0x7f: {  	_ =	shalt  }
0x80: {  	_ =	shalt  }
0x81: {  	_ =	shalt  }
0x82: {  	_ =	shalt  }
0x83: {  	_ =	shalt  }
0x84: {  	_ =	shalt  }
0x85: {  	_ =	shalt  }
0x86: {  	_ =	shalt  }
0x87: {  	_ =	shalt  }
.Lfunc_end0:
.L_simem_size_0:
called_computation.2_lowered:
.L_overlay_start_0:
0x88: {  	s2 =	sld [smem:$0x3FD9]  }
0x89: {  	s3 =	sld [smem:$0x3FFE];
	_ =	sdelay $0x1  }
0x8a: {  	s1 =	srdreg.scid  }
0x8b: {  	s0 =	sand.u32 $0x1, s1  }
0x8c: {  	s17 =	sshll.u32 s0, $0xA;
	s2 =	sadd.s32 s3, s2  }
0x8d: {  	s2 =	sadd.s32 s2, s17  }
0x8e: {  	[smem:$0x3FB3] =	sst s2  }
0x8f: {  	_ = 	snop  }
0x90: {  	(tm) =	ssettm $0x1  }
0x91: {  	s18 =	sld [smem:$0x3FFB];
	_ =	sdelay $0x3  }
0x92: {  	_ =	strace s18  }
0x93: {  	s2 =	sld [smem:$0x3FFC];
	_ =	sdelay $0x3  }
0x94: {  	_ =	strace s2  }
0x95: {  	s2 =	sld [smem:$0x3FFD];
	_ =	sdelay $0x3  }
0x96: {  	_ =	strace s2  }
0x97: {  	_ =	strace $0x8FFFFFFF  }
0x98: {  	s19 =	sld [smem:$0x3FDB];
	_ =	sdelay $0x1  }
0x99: {  	s20 =	simm.s32 $_scs_section_size  }
0x9a: {  	s4 =	simm.s32 $_size__tile_overlayer_lowered;
	s5 =	simm.s32 $_tile_overlayer_lowered  }
0x9b: {  	s6 =	simm.s32 $0x1BFF;
	s21 =	sshll.u32 s5, $0x1;
	s3 =	sadd.s32 s20, s19  }
0x9c: {  	s22 =	simm.s32 $0x0;
	s4 =	sshll.u32 s4, $0x1;
	s5 =	sadd.s32 s21, s3  }
0x9d: {  	[timem:s22], [sflag:s6] =	dma.local [hbm:s5], s4  }
0x9e: {  	_ =	swait.ge [sflag:s6], s4  }
0x9f: {  	s4 =	ssub.s32 $0x0, s4;
	[sflag:s6] =	ssyncset.done $0x0  }
0xa0: {  	[sflag:s6] =	ssyncadd.s32 s4;
	_ =	sdelay $0x1  }
0xa1: {  	s23 =	simm.s32 $0x1B8B  }
0xa2: {  	_ =	swait.ge [sflag:s23], $0x1  }
0xa3: {  	[sflag:s23] =	ssyncset.done $0x0  }
0xa4: {  	[sflag:s23] =	ssyncadd.s32 $0xFFFFFFFF  }
0xa5: {  	s4 =	sld [smem:$0x0]  }
0xa6: {  	s5 =	sand.u32 $0xFFFFFFFE, s1  }
0xa7: {  	p0 =	sne.s32 s1, s5  }
0xa8: {  	s5 =	sshll.u32 @p0 s5, $0xE  }
0xa9: {  	s5 =	sadd.s32 @p0 $0x11B8D, s5;
	s6 =	sshll.u32 @p0 s4, $0x11  }
0xaa: {  	s5 =	sor.u32 @p0 s6, s5  }
0xab: {  	[sflag:s5] =	ssyncadd.remote.s32 @p0 $0x1;
	_ =	sdelay $0x1  }
0xac: {  	s5 =	simm.s32 @p0 $0x1B8D  }
0xad: {  	_ =	swait.eq @p0 [sflag:s5], $0x1  }
0xae: {  	[sflag:s5] =	ssyncadd.s32 @p0 $0xFFFFFFFF  }
0xaf: {  	s6 =	sshll.u32 @!p0 s1, $0xE  }
0xb0: {  	s6 =	sor.u32 @!p0 $0x4000, s6;
	s5 =	simm.s32 @!p0 $0x1B8D  }
0xb1: {  	s4 =	sshll.u32 @!p0 s4, $0x11;
	s6 =	sadd.s32 @!p0 $0x11B8D, s6;
	_ =	swait.eq @!p0 [sflag:s5], $0x1  }
0xb2: {  	s4 =	sor.u32 @!p0 s4, s6;
	[sflag:s5] =	ssyncadd.s32 @!p0 $0xFFFFFFFF  }
0xb3: {  	s25 =	simm.s32 $0x1B8E;
	s24 =	sld [smem:$0x3FFE];
	[sflag:s4] =	ssyncadd.remote.s32 @!p0 $0x1  }
0xb4: {  	s26 =	simm.s32 $execute0_lowered;
	[smem:$0x3FD2] =	sst s25  }
0xb5: {  	s5 =	sshll.u32 s26, $0x1;
	_ =	strace $0x8000004C;
	[dreg:$0x1] =	wrdreg $0xFFFFFFFF  }
0xb6: {  	s28 =	simm.s32 $_size_execute0_lowered;
	s3 =	sadd.s32 s3, s5;
	[dreg:$0x0] =	wrdreg $0x0  }
0xb7: {  	s5 =	sshll.u32 s28, $0x1;
	[dreg:$0x2] =	wrdreg s3  }
0xb8: {  	[dreg:$0x3] =	wrdreg s5  }
0xb9: {  	[dreg:$0x4] =	wrdreg $0xC0  }
0xba: {  	_ =	task [dreg:s22], $0x5FFFF  }
0xbb: {  	[dreg:$0x1] =	wrdreg $0xFFFFFFFF  }
0xbc: {  	[dreg:$0x0] =	wrdreg $0x60  }
0xbd: {  	[dreg:$0x2] =	wrdreg s24  }
0xbe: {  	[dreg:$0x3] =	wrdreg $0x79000  }
0xbf: {  	[dreg:$0x4] =	wrdreg $0xA  }
0xc0: {  	_ =	task.clear_ibuf [dreg:s22], $0x5FFFF;
	_ =	strace $0x9000004C  }
0xc1: {  	s29 =	simm.s32 $0xA;
	_ =	strace $0x8000004E  }
0xc2: {  	_ =	swait.ge [sflag:s29], $0x1  }
0xc3: {  	[sflag:s29] =	ssyncadd.s32 $0xFFFFFFFF  }
0xc4: {  	_ =	strace $0x9000004E  }
0xc5: {  	_ =	sfence  }
0xc6: {  	s30 =	sld [smem:$0x0];
	_ =	sdelay $0x2  }
0xc7: {  	s31 =	sshll.u32 s1, $0xD;
	s1 =	sshrl.u32 s1, $0x2  }
0xc8: {  	s4 =	sand.u32 $0x4000, s31;
	s1 =	sadd.s32 s1, s30  }
0xc9: {  	s0 =	sor.u32 s4, s0;
	s1 =	sshll.u32 s1, $0x11  }
0xca: {  	s0 =	sor.u32 s1, s0  }
0xcb: {  	s0 =	sadd.s32 $0x8F2B, s0  }
0xcc: {  	[sflag:s0] =	ssyncadd.remote.s32 $0x1  }
0xcd: {  	_ =	sfence.sel $0xFFFF  }
0xce: {  	[dreg:$0x0] =	wrdreg $0xFFFFFFFF;
	(pc) =	sbr.abs _section_cstart, $3  }
0xcf: {  	[dreg:$0x1] =	wrdreg $0xFFFFFFFF  }
0xd0: {  	_ =	task.clear_ibuf [dreg:s22], $0x2FFFF;
	_ =	strace $0x9FFFFFFF  }
0xd1: {  	(tm) =	ssettm $0x7FFFFFFF  }
tec
execute0_lowered:
.L_overlay_start_1:
0x0: {  	(tag) =	ssettag $0x1  }
0x1: {  	s0 =	rddreg [dreg:$0x0]  }
0x2: {  	s2 =	rddreg [dreg:$0x1]  }
0x3: {  	s1 =	stileid.u32;
	s3 =	simm.s32 $0x0;
	s5 =	srdreg.scid  }
0x4: {  	s28 =	simm.s32 $0x4;
	s29 =	simm.s32 $0x0;
	s4 =	smul.u32 $0x14000, s1  }
0x5: {  	[smem:$0x7FF] =	sst s3;
	s13 =	sand.u32 $0x1, s5;
	s7 =	smul.u32 $0x50000, s1  }
0x6: {  	s14 =	sadd.s32 $0x2C1B400, s0;
	s17 =	sadd.s32 $0x5A00, s0;
	s15 =	smul.u32 $0x2EE00, s1  }
0x7: {  	s24 =	sshll.u32 s1, $0x1;
	s25 =	sshll.u32 s1, $0x6;
	s16 =	smul.u32 $0x2EE0, s1  }
0x8: {  	_ =	strace $0x8000004D;
	s6 =	smul.u32 $0x140000, s13;
	s8 =	ssub.s32 $0x2, s13  }
0x9: {  	s19 =	smul.u32 $0x1770, s13;
	s23 =	sshrl.u32 s4, $0x3;
	s9 =	sshrl.u32 s8, $0x1  }
0xa: {  	s7 =	sshrl.u32 s7, $0x2;
	s15 =	sadd.s32 s15, s14;
	s5 =	sadd.s32 s23, s0  }
0xb: {  	s4 =	sadd.s32 s4, s6;
	s6 =	sor.u32 s13, s24;
	s9 =	ssub.s32 s8, s9  }
0xc: {  	s18 =	sadd.s32 s7, s2;
	s16 =	sadd.s32 s19, s16;
	s11 =	smul.u32 $0x1770, s6  }
0xd: {  	s19 =	simm.s32 $0x5;
	s4 =	sshrl.u32 s4, $0x3;
	s10 =	smul.u32 $0x17700, s6  }
0xe: {  	s9 =	smax.u32 s9, $0x1;
	s23 =	sadd.s32 $0x258, s16;
	s18 =	sshrl.u32 s18, $0x3  }
0xf: {  	s0 =	sadd.s32 s4, s0;
	s4 =	sadd.s32 $0x4FF400, s5;
	s5 =	sor.u32 $0x1C05, s25  }
0x10: {  	s24 =	sshrl.u32 s23, $0x3;
	s25 =	sadd.s32 $0x1E0, s16;
	s23 =	simm.s32 $0x80  }
0x11: {  	s26 =	sshrl.u32 s11, $0x3;
	s7 =	sadd.s32 s14, s10;
	s12 =	sadd.s32 $0x78, s11  }
0x12: {  	s8 =	sadd.s32 $0x527400, s0;
	s31 =	sadd.s32 $0xF0, s11;
	s6 =	sadd.s32 s17, s26  }
0x13: {  	s30 =	sshrl.u32 s12, $0x3;
	s20 =	sshll.u32 s12, $0x4;
	s21 =	sshrl.u32 s31, $0x3  }
0x14: {  	s0 =	sshll.u32 s31, $0x4;
	s26 =	sshrl.u32 s25, $0x3;
	s25 =	simm.s32 $0x2  }
0x15: {  	s10 =	sadd.s32 s17, s30;
	s11 =	sadd.s32 s14, s20;
	s12 =	sadd.s32 s17, s21  }
0x16: {  	s20 =	smul.u32 $0x17700, s13;
	s13 =	sadd.s32 s14, s0;
	s0 =	sadd.s32 s24, s17  }
0x17: {  	s30 =	sadd.s32 $0x168, s16;
	s16 =	sadd.s32 s26, s17;
	s21 =	simm.s32 $0x1  }
0x18: {  	s24 =	simm.s32 $0x3D00;
	s26 =	simm.s32 $0x3;
	s31 =	sshrl.u32 s30, $0x3  }
0x19: {  	s22 =	sadd.s32 s20, s15;
	s15 =	sadd.s32 $0xFFFFFFE2, s0;
	s17 =	sadd.s32 s31, s17  }
0x1a: {  	s20 =	simm.s32 $0x100;
	s14 =	sadd.s32 $0x1680, s22;
	s22 =	simm.s32 $0x78  }
.LBB2_1:
0x1b: {  	[spmem:s18], [sflag:s5] =	dma.local [hbm:s4], $0x2800  }
0x1c: {  	_ =	swait.ge [sflag:s19], $0x2800  }
0x1d: {  	[sflag:s19] =	ssyncset.done $0x0  }
0x1e: {  	[sflag:s19] =	ssyncadd.s32 $0xFFFFD800  }
0x1f: {  	[bflag:$0x0] =	sbarrier.arrive $0xFFFF  }
0x20: {  	[tilespmem:s3], [sflag:$0x5] =	stream.linear.gather [hbm4b:s6+s3], $0x78, $0x38;
	[tilespmem:$0x1B900] =	vst v63  }
0x21: {  	_ =	swait.ge [sflag:s19], $0x78  }
0x22: {  	[sflag:s19] =	ssyncset.done $0x0  }
0x23: {  	[sflag:s19] =	ssyncadd.s32 $0xFFFFFF88  }
0x24: {  	[tilespmem:s20], [sflag:$0x1] =	stream.linear.gather [hbm4b:s7+s3], $0x3C00, $0x38;
	[tilespmem:$0x1B900] =	vst v63  }
0x25: {  	_ =	swait.ge [sflag:s21], $0x3C00  }
0x26: {  	[sflag:s21] =	ssyncset.done $0x0  }
0x27: {  	[sflag:s21] =	ssyncadd.s32 $0xFFFFC400  }
0x28: {  	[spmem:s2] =	stream.indirect.scatter.add.f32 [tilespmem:s20], [sflag:$0x3], $0x80, s3, s22, $0xb8;
	[tilespmem:$0x1B900] =	vst v63  }
0x29: {  	_ = 	snop  }
0x2a: {  	[tilespmem:s23], [sflag:$0x5] =	stream.linear.gather [hbm4b:s10+s3], $0x78, $0x38;
	[tilespmem:$0x1B900] =	vst v63  }
0x2b: {  	_ =	swait.ge [sflag:s19], $0x78  }
0x2c: {  	[sflag:s19] =	ssyncset.done $0x0  }
0x2d: {  	[sflag:s19] =	ssyncadd.s32 $0xFFFFFF88  }
0x2e: {  	[tilespmem:s24], [sflag:$0x2] =	stream.linear.gather [hbm4b:s11+s3], $0x3C00, $0x38;
	[tilespmem:$0x1B900] =	vst v63  }
0x2f: {  	_ =	swait.ge [sflag:s25], $0x3C00  }
0x30: {  	[sflag:s25] =	ssyncset.done $0x0  }
0x31: {  	[sflag:s25] =	ssyncadd.s32 $0xFFFFC400  }
0x32: {  	_ =	swait.ge [sflag:s26], $0x3C00  }
0x33: {  	[sflag:s26] =	ssyncset.done $0x0  }
0x34: {  	[sflag:s26] =	ssyncadd.s32 $0xFFFFC400  }
0x35: {  	[spmem:s2] =	stream.indirect.scatter.add.f32 [tilespmem:s24], [sflag:$0x4], $0x80, s23, s22, $0xb8;
	[tilespmem:$0x1B900] =	vst v63  }
0x36: {  	_ = 	snop  }
0x37: {  	[tilespmem:s3], [sflag:$0x5] =	stream.linear.gather [hbm4b:s12+s3], $0x78, $0x38;
	[tilespmem:$0x1B900] =	vst v63  }
0x38: {  	_ =	swait.ge [sflag:s19], $0x78  }
0x39: {  	[sflag:s19] =	ssyncset.done $0x0  }
0x3a: {  	[sflag:s19] =	ssyncadd.s32 $0xFFFFFF88  }
0x3b: {  	[tilespmem:s20], [sflag:$0x1] =	stream.linear.gather [hbm4b:s13+s3], $0x3C00, $0x38;
	[tilespmem:$0x1B900] =	vst v63  }
0x3c: {  	_ =	swait.ge [sflag:s21], $0x3C00  }
0x3d: {  	[sflag:s21] =	ssyncset.done $0x0  }
0x3e: {  	[sflag:s21] =	ssyncadd.s32 $0xFFFFC400  }
0x3f: {  	_ =	swait.ge [sflag:s28], $0x3C00  }
0x40: {  	[sflag:s28] =	ssyncset.done $0x0  }
0x41: {  	[sflag:s28] =	ssyncadd.s32 $0xFFFFC400  }
0x42: {  	[spmem:s2] =	stream.indirect.scatter.add.f32 [tilespmem:s20], [sflag:$0x3], $0x80, s3, s22, $0xb8;
	[tilespmem:$0x1B900] =	vst v63  }
0x43: {  	s0 =	sadd.s32 $0x0, s17  }
0x44: {  	[tilespmem:s23], [sflag:$0x5] =	stream.linear.gather [hbm4b:s0+s3], $0x78, $0x38;
	[tilespmem:$0x1B900] =	vst v63  }
0x45: {  	_ =	swait.ge [sflag:s19], $0x78  }
0x46: {  	[sflag:s19] =	ssyncset.done $0x0  }
0x47: {  	[sflag:s19] =	ssyncadd.s32 $0xFFFFFF88  }
0x48: {  	[tilespmem:s24], [sflag:$0x2] =	stream.linear.gather [hbm4b:s14+s3], $0x3C00, $0x38;
	[tilespmem:$0x1B900] =	vst v63  }
0x49: {  	_ =	swait.ge [sflag:s25], $0x3C00  }
0x4a: {  	[sflag:s25] =	ssyncset.done $0x0  }
0x4b: {  	[sflag:s25] =	ssyncadd.s32 $0xFFFFC400  }
0x4c: {  	_ =	swait.ge [sflag:s26], $0x3C00  }
0x4d: {  	[sflag:s26] =	ssyncset.done $0x0  }
0x4e: {  	[sflag:s26] =	ssyncadd.s32 $0xFFFFC400  }
0x4f: {  	[spmem:s2] =	stream.indirect.scatter.add.f32 [tilespmem:s24], [sflag:$0x4], $0x80, s23, s22, $0xb8;
	[tilespmem:$0x1B900] =	vst v63  }
0x50: {  	s1 =	sadd.s32 $0x0, s16  }
0x51: {  	[tilespmem:s3], [sflag:$0x5] =	stream.linear.gather [hbm4b:s1+s3], $0x78, $0x38;
	[tilespmem:$0x1B900] =	vst v63  }
0x52: {  	_ =	swait.ge [sflag:s19], $0x78  }
0x53: {  	s31 =	simm.s32 $0x1E;
	[sflag:s19] =	ssyncset.done $0x0  }
0x54: {  	s30 =	sadd.s32 $0xF00, s14;
	s0 =	sadd.s32 $0x780, s14;
	[sflag:s19] =	ssyncadd.s32 $0xFFFFFF88  }
.LBB2_2:
0x55: {  	[tilespmem:s20], [sflag:$0x1] =	stream.linear.gather [hbm4b:s0+s3], $0x3C00, $0x38;
	[tilespmem:$0x1B900] =	vst v63  }
0x56: {  	s0 =	smov.u32 s31;
	s31 =	sadd.s32 $0x1E, s31;
	_ =	swait.ge [sflag:s21], $0x3C00  }
0x57: {  	p0 =	sne.s32 s31, $0x2B2;
	[sflag:s21] =	ssyncset.done $0x0  }
0x58: {  	[sflag:s21] =	ssyncadd.s32 $0xFFFFC400  }
0x59: {  	_ =	swait.ge [sflag:s28], $0x3C00  }
0x5a: {  	[sflag:s28] =	ssyncset.done $0x0  }
0x5b: {  	[sflag:s28] =	ssyncadd.s32 $0xFFFFC400  }
0x5c: {  	[spmem:s2] =	stream.indirect.scatter.add.f32 [tilespmem:s20], [sflag:$0x3], $0x80, s3, s22, $0xb8;
	[tilespmem:$0x1B900] =	vst v63  }
0x5d: {  	s1 =	sadd.s32 s0, s17  }
0x5e: {  	[tilespmem:s23], [sflag:$0x5] =	stream.linear.gather [hbm4b:s1+s3], $0x78, $0x38;
	[tilespmem:$0x1B900] =	vst v63  }
0x5f: {  	_ =	swait.ge [sflag:s19], $0x78  }
0x60: {  	[sflag:s19] =	ssyncset.done $0x0  }
0x61: {  	[sflag:s19] =	ssyncadd.s32 $0xFFFFFF88  }
0x62: {  	[tilespmem:s24], [sflag:$0x2] =	stream.linear.gather [hbm4b:s30+s3], $0x3C00, $0x38;
	[tilespmem:$0x1B900] =	vst v63  }
0x63: {  	_ =	swait.ge [sflag:s25], $0x3C00  }
0x64: {  	[sflag:s25] =	ssyncset.done $0x0  }
0x65: {  	[sflag:s25] =	ssyncadd.s32 $0xFFFFC400  }
0x66: {  	_ =	swait.ge [sflag:s26], $0x3C00  }
0x67: {  	[sflag:s26] =	ssyncset.done $0x0  }
0x68: {  	[sflag:s26] =	ssyncadd.s32 $0xFFFFC400  }
0x69: {  	[spmem:s2] =	stream.indirect.scatter.add.f32 [tilespmem:s24], [sflag:$0x4], $0x80, s23, s22, $0xb8;
	[tilespmem:$0x1B900] =	vst v63  }
.Ltmp0:
0x6a: {  	s0 =	sadd.s32 s0, s16;
	(pc) =	sbr.rel @p0 .LBB2_2-.Ltmp0, $4  }
0x6b: {  	[tilespmem:s3], [sflag:$0x5] =	stream.linear.gather [hbm4b:s0+s3], $0x78, $0x38;
	[tilespmem:$0x1B900] =	vst v63  }
0x6c: {  	_ =	swait.ge [sflag:s19], $0x78  }
0x6d: {  	[sflag:s19] =	ssyncset.done $0x0  }
0x6e: {  	s0 =	sadd.s32 $0x780, s30;
	s30 =	sadd.s32 $0xF00, s30;
	[sflag:s19] =	ssyncadd.s32 $0xFFFFFF88  }
0x6f: {  	[tilespmem:s20], [sflag:$0x1] =	stream.linear.gather [hbm4b:s0+s3], $0x3C00, $0x38;
	[tilespmem:$0x1B900] =	vst v63  }
0x70: {  	_ =	swait.ge [sflag:s21], $0x3C00  }
0x71: {  	[sflag:s21] =	ssyncset.done $0x0  }
0x72: {  	[sflag:s21] =	ssyncadd.s32 $0xFFFFC400  }
0x73: {  	_ =	swait.ge [sflag:s28], $0x3C00  }
0x74: {  	[sflag:s28] =	ssyncset.done $0x0  }
0x75: {  	[sflag:s28] =	ssyncadd.s32 $0xFFFFC400  }
0x76: {  	[spmem:s2] =	stream.indirect.scatter.add.f32 [tilespmem:s20], [sflag:$0x3], $0x80, s3, s22, $0xb8;
	[tilespmem:$0x1B900] =	vst v63  }
0x77: {  	s31 =	sadd.s32 s31, s15  }
0x78: {  	[tilespmem:s23], [sflag:$0x5] =	stream.linear.gather [hbm4b:s31+s3], $0x78, $0x38;
	[tilespmem:$0x1B900] =	vst v63  }
0x79: {  	_ =	swait.ge [sflag:s19], $0x78  }
0x7a: {  	[sflag:s19] =	ssyncset.done $0x0  }
0x7b: {  	[sflag:s19] =	ssyncadd.s32 $0xFFFFFF88  }
0x7c: {  	[tilespmem:s24], [sflag:$0x2] =	stream.linear.gather [hbm4b:s30+s3], $0x3C00, $0x38;
	[tilespmem:$0x1B900] =	vst v63  }
0x7d: {  	_ =	swait.ge [sflag:s25], $0x3C00  }
0x7e: {  	[sflag:s25] =	ssyncset.done $0x0  }
0x7f: {  	[sflag:s25] =	ssyncadd.s32 $0xFFFFC400  }
0x80: {  	_ =	swait.ge [sflag:s26], $0x3C00  }
0x81: {  	[sflag:s26] =	ssyncset.done $0x0  }
0x82: {  	[sflag:s26] =	ssyncadd.s32 $0xFFFFC400  }
0x83: {  	[spmem:s2] =	stream.indirect.scatter.add.f32 [tilespmem:s24], [sflag:$0x4], $0x80, s23, s22, $0xb8;
	[tilespmem:$0x1B900] =	vst v63  }
0x84: {  	_ =	swait.ge [sflag:s28], $0x3C00  }
0x85: {  	s29 =	sadd.s32 $0x1, s29;
	[sflag:s28] =	ssyncset.done $0x0  }
0x86: {  	p0 =	sne.s32 s29, s9;
	[sflag:s28] =	ssyncadd.s32 $0xFFFFC400  }
.Ltmp1:
0x87: {  	[bflag:$0x0] =	sbarrier.arrive $0xFFFF;
	(pc) =	sbr.rel @p0 .LBB2_1-.Ltmp1, $4  }
0x88: {  	[hbm:s8], [sflag:s5] =	dma.local [spmem:s18], $0x2800  }
0x89: {  	_ =	swait.ge [sflag:s19], $0x2800  }
0x8a: {  	[sflag:s19] =	ssyncset.done $0x0  }
0x8b: {  	[sflag:s19] =	ssyncadd.s32 $0xFFFFD800  }
0x8c: {  	_ =	sfence.sel $0x180000  }
0x8d: {  	[bflag:$0x0] =	sbarrier.arrive $0xFFFF  }
0x8e: {  	_ =	strace $0x9000004D  }
0x8f: {  	s0 =	stileid.u32;
	[bflag:$0x2] =	sbarrier.arrive $0xFFFF  }
0x90: {  	p0 =	sne.s32 s0, $0x0;
	s0 =	rddreg [dreg:$0x2]  }
0x91: {  	s0 =	sadd.s32 @!p0 $0x100000, s0  }
0x92: {  	[sflag:s0] =	ssyncadd.tile.s32 @!p0 $0x1;
	_ =	shalt  }
.Lfunc_end2:
_tile_overlayer_lowered:
.L_overlay_start_2:
0x93: {  	(tag) =	ssettag $0x2  }
0x94: {  	s0 =	rddreg [dreg:$0x0];
	s2 =	stileid.u32  }
0x95: {  	s1 =	rddreg [dreg:$0x1];
	p0 =	sne.s32 s2, $0x0  }
0x96: {  	s3 =	rddreg [dreg:$0x2];
	[bflag:$0x3] =	sbarrier.arrive $0xFFFF;
	s2 =	simm.s32 @!p0 $0x1C05  }
0x97: {  	[timem:s3], [sflag:s2] =	dma.local @!p0 [hbm:s0], s1  }
0x98: {  	s0 =	simm.s32 @!p0 $0x5  }
0x99: {  	_ =	swait.ge @!p0 [sflag:s0], s1  }
0x9a: {  	s1 =	ssub.s32 @!p0 $0x0, s1;
	[sflag:s0] =	ssyncset.done @!p0 $0x0  }
0x9b: {  	[sflag:s0] =	ssyncadd.s32 @!p0 s1  }
0x9c: {  	[bflag:$0x3] =	sbarrier.arrive $0xFFFF  }
0x9d: {  	_ =	shalt  }

// kernel: kernel.30.cloned.1.call-start
scs
__scs_entry_jumppad:
0x0: {  	(pc) =	sbr.rel $0x88, $3  }
0x1: {  	(tag) =	ssettag $0x0;
	lr =	simm.s32 $0x1  }
0x2: {  	[smem:$0x3F8C] =	sst lr;
	_ =	strace $0xD0000000  }
0x3: {  	_ = 	snop  }
0x4: {  	_ = 	snop  }
0x5: {  	_ = 	snop  }
0x6: {  	_ = 	snop  }
0x7: {  	_ = 	snop  }
__scs_overlays_trampoline_lowered:
0x8: {  	[smem:$0x3F9B] =	sst s0  }
0x9: {  	[smem:$0x3F9C] =	sst s1  }
0xa: {  	[smem:$0x3F9D] =	sst s2  }
0xb: {  	[smem:$0x3F9E] =	sst s3  }
0xc: {  	[smem:$0x3F9F] =	sst s4  }
0xd: {  	[smem:$0x3FA0] =	sst s5  }
0xe: {  	[smem:$0x3FA1] =	sst s6  }
0xf: {  	[smem:$0x3FA2] =	sst s7  }
0x10: {  	[smem:$0x3FA3] =	sst s8  }
0x11: {  	[smem:$0x3FA4] =	sst s9;
	s0 =	simm.s32 @!p0 $0x0  }
0x12: {  	s1 =	sld [smem:$0x3F8A];
	s0 =	simm.s32 @p0 $0x1  }
0x13: {  	[smem:$0x3FA5] =	sst s0;
	s0 =	simm.s32 @!p1 $0x0  }
0x14: {  	s2 =	sld [smem:$0x3F89];
	s0 =	simm.s32 @p1 $0x1  }
0x15: {  	[smem:$0x3FA6] =	sst s0;
	s0 =	simm.s32 @!p2 $0x0  }
0x16: {  	s3 =	sld [smem:$0x3FDB];
	s0 =	simm.s32 @p2 $0x1  }
0x17: {  	s4 =	simm.s32 $0x1BF5;
	[smem:$0x3FA8] =	sst s0  }
0x18: {  	s0 =	sld [smem:$0x3F8B];
	_ =	swait.ge [sflag:s4], $0x0  }
0x19: {  	s7 =	sld [smem:$0x3F8C]  }
0x1a: {  	s8 =	sadd.s32 $0xFFFFE003, lr  }
0x1b: {  	s9 =	sadd.s32 $0xFFFFFEF7, lr;
	s5 =	simm.s32 $0xFFFFFFFF;
	p2 =	slt.u32 s8, $0xFFFFF086  }
0x1c: {  	p1 =	slt.u32 s9, $0xF7A;
	s5 =	simm.s32 @!p2 $0x0  }
0x1d: {  	s5 =	simm.s32 @p1 $0x1;
	p0 =	seq.s32 s7, s2  }
0x1e: {  	s7 =	smul.u32 @!p0 $0xF7A, s2;
	p2 =	seq.s32 @!p0 s5, $0x0  }
0x1f: {  	s9 =	smul.u32 $0xF7A, s1;
	s8 =	simm.s32 @!p0 $0x1BF5;
	p2 =	por !p2, p0  }
0x20: {  	[sflag:s8] =	ssyncset.s32 @!p0 $0xFFFFF086;
	s6 =	sadd.s32 @!p0 s3, s7;
	s7 =	simm.s32 @!p0 $0x108  }
0x21: {  	s3 =	sadd.s32 s3, s9;
	s6 =	sadd.s32 @!p0 $0x88, s6;
	s7 =	simm.s32 @p2 $0x1082  }
0x22: {  	[simem:s7], [sflag:s8] =	dma.local @!p0 [hbm:s6], $0xF7A  }
0x23: {  	s9 =	sor.u32 $0xD0000000, s2;
	s6 =	simm.s32 $0x108;
	_ =	swait.ge @!p0 [sflag:s8], $0x0  }
0x24: {  	s3 =	sadd.s32 $0x88, s3;
	s6 =	simm.s32 @!p1 $0x1082;
	[sflag:s4] =	ssyncset.s32 $0xFFFFF086  }
0x25: {  	[simem:s6], [sflag:s4] =	dma.local [hbm:s3], $0xF7A  }
0x26: {  	[smem:$0x3F8C] =	sst s1;
	(tag) =	ssettag s2;
	_ =	strace s9  }
0x27: {  	s1 =	sld [smem:$0x3F9C]  }
0x28: {  	s2 =	sld [smem:$0x3F9D]  }
0x29: {  	s4 =	sld [smem:$0x3F9F]  }
0x2a: {  	p0 =	seq.s32 s5, $0x0;
	s5 =	sld [smem:$0x3FA0]  }
0x2b: {  	s6 =	sld [smem:$0x3FA1]  }
0x2c: {  	s7 =	sld [smem:$0x3FA2]  }
0x2d: {  	s3 =	simm.s32 $0x108;
	s8 =	sld [smem:$0x3FA3]  }
0x2e: {  	s3 =	simm.s32 @!p0 $0x1082;
	s9 =	sld [smem:$0x3FA4]  }
0x2f: {  	lr =	sadd.s32 s0, s3;
	s0 =	sld [smem:$0x3F9B]  }
0x30: {  	s3 =	sld [smem:$0x3F9E]  }
0x31: {  	[smem:$0x3FA7] =	sst s10  }
0x32: {  	s10 =	sld [smem:$0x3FA5];
	_ =	sdelay $0x3  }
0x33: {  	p0 =	seq.s32 s10, $0x1;
	s10 =	sld [smem:$0x3FA7];
	_ =	sdelay $0x3  }
0x34: {  	[smem:$0x3FA7] =	sst s10  }
0x35: {  	s10 =	sld [smem:$0x3FA6];
	_ =	sdelay $0x3  }
0x36: {  	p1 =	seq.s32 s10, $0x1;
	s10 =	sld [smem:$0x3FA7];
	_ =	sdelay $0x3  }
0x37: {  	[smem:$0x3FA7] =	sst s10  }
0x38: {  	s10 =	sld [smem:$0x3FA8]  }
0x39: {  	_ = 	snop;
	(pc) =	sbr.ind lr, $3  }
0x3a: {  	_ = 	snop  }
0x3b: {  	_ = 	snop  }
0x3c: {  	p2 =	seq.s32 s10, $0x1;
	s10 =	sld [smem:$0x3FA7]  }
0x3d: {  	_ =	shalt  }
0x3e: {  	_ =	shalt  }
0x3f: {  	_ =	shalt  }
0x40: {  	_ =	shalt  }
0x41: {  	_ =	shalt  }
0x42: {  	_ =	shalt  }
0x43: {  	_ =	shalt  }
0x44: {  	_ =	shalt  }
0x45: {  	_ =	shalt  }
0x46: {  	_ =	shalt  }
0x47: {  	_ =	shalt  }
0x48: {  	_ =	shalt  }
0x49: {  	_ =	shalt  }
0x4a: {  	_ =	shalt  }
0x4b: {  	_ =	shalt  }
0x4c: {  	_ =	shalt  }
0x4d: {  	_ =	shalt  }
0x4e: {  	_ =	shalt  }
0x4f: {  	_ =	shalt  }
0x50: {  	_ =	shalt  }
0x51: {  	_ =	shalt  }
0x52: {  	_ =	shalt  }
0x53: {  	_ =	shalt  }
0x54: {  	_ =	shalt  }
0x55: {  	_ =	shalt  }
0x56: {  	_ =	shalt  }
0x57: {  	_ =	shalt  }
0x58: {  	_ =	shalt  }
0x59: {  	_ =	shalt  }
0x5a: {  	_ =	shalt  }
0x5b: {  	_ =	shalt  }
0x5c: {  	_ =	shalt  }
0x5d: {  	_ =	shalt  }
0x5e: {  	_ =	shalt  }
0x5f: {  	_ =	shalt  }
0x60: {  	_ =	shalt  }
0x61: {  	_ =	shalt  }
0x62: {  	_ =	shalt  }
0x63: {  	_ =	shalt  }
0x64: {  	_ =	shalt  }
0x65: {  	_ =	shalt  }
0x66: {  	_ =	shalt  }
0x67: {  	_ =	shalt  }
0x68: {  	_ =	shalt  }
0x69: {  	_ =	shalt  }
0x6a: {  	_ =	shalt  }
0x6b: {  	_ =	shalt  }
0x6c: {  	_ =	shalt  }
0x6d: {  	_ =	shalt  }
0x6e: {  	_ =	shalt  }
0x6f: {  	_ =	shalt  }
0x70: {  	_ =	shalt  }
0x71: {  	_ =	shalt  }
0x72: {  	_ =	shalt  }
0x73: {  	_ =	shalt  }
0x74: {  	_ =	shalt  }
0x75: {  	_ =	shalt  }
0x76: {  	_ =	shalt  }
0x77: {  	_ =	shalt  }
0x78: {  	_ =	shalt  }
0x79: {  	_ =	shalt  }
0x7a: {  	_ =	shalt  }
0x7b: {  	_ =	shalt  }
0x7c: {  	_ =	shalt  }
0x7d: {  	_ =	shalt  }
0x7e: {  	_ =	shalt  }
0x7f: {  	_ =	shalt  }
0x80: {  	_ =	shalt  }
0x81: {  	_ =	shalt  }
0x82: {  	_ =	shalt  }
0x83: {  	_ =	shalt  }
0x84: {  	_ =	shalt  }
0x85: {  	_ =	shalt  }
0x86: {  	_ =	shalt  }
0x87: {  	_ =	shalt  }
.Lfunc_end0:
.L_simem_size_0:
called_computation.3_lowered:
.L_overlay_start_0:
0x88: {  	s2 =	sld [smem:$0x3FD9]  }
0x89: {  	s3 =	sld [smem:$0x3FFE];
	_ =	sdelay $0x1  }
0x8a: {  	s1 =	srdreg.scid  }
0x8b: {  	s0 =	sand.u32 $0x1, s1  }
0x8c: {  	s17 =	sshll.u32 s0, $0xA;
	s2 =	sadd.s32 s3, s2  }
0x8d: {  	s2 =	sadd.s32 s2, s17  }
0x8e: {  	[smem:$0x3FB3] =	sst s2  }
0x8f: {  	_ = 	snop  }
0x90: {  	(tm) =	ssettm $0x1  }
0x91: {  	s18 =	sld [smem:$0x3FFB];
	_ =	sdelay $0x3  }
0x92: {  	_ =	strace s18  }
0x93: {  	s2 =	sld [smem:$0x3FFC];
	_ =	sdelay $0x3  }
0x94: {  	_ =	strace s2  }
0x95: {  	s2 =	sld [smem:$0x3FFD];
	_ =	sdelay $0x3  }
0x96: {  	_ =	strace s2  }
0x97: {  	_ =	strace $0x8FFFFFFF  }
0x98: {  	s19 =	sld [smem:$0x3FDB];
	_ =	sdelay $0x1  }
0x99: {  	s20 =	simm.s32 $_scs_section_size  }
0x9a: {  	s4 =	simm.s32 $_size__tile_overlayer_lowered;
	s5 =	simm.s32 $_tile_overlayer_lowered  }
0x9b: {  	s6 =	simm.s32 $0x1BFF;
	s21 =	sshll.u32 s5, $0x1;
	s3 =	sadd.s32 s20, s19  }
0x9c: {  	s22 =	simm.s32 $0x0;
	s4 =	sshll.u32 s4, $0x1;
	s5 =	sadd.s32 s21, s3  }
0x9d: {  	[timem:s22], [sflag:s6] =	dma.local [hbm:s5], s4  }
0x9e: {  	_ =	swait.ge [sflag:s6], s4  }
0x9f: {  	s4 =	ssub.s32 $0x0, s4;
	[sflag:s6] =	ssyncset.done $0x0  }
0xa0: {  	[sflag:s6] =	ssyncadd.s32 s4;
	_ =	sdelay $0x1  }
0xa1: {  	s23 =	simm.s32 $0x1B8B  }
0xa2: {  	_ =	swait.ge [sflag:s23], $0x1  }
0xa3: {  	[sflag:s23] =	ssyncset.done $0x0  }
0xa4: {  	[sflag:s23] =	ssyncadd.s32 $0xFFFFFFFF  }
0xa5: {  	s4 =	sld [smem:$0x0]  }
0xa6: {  	s5 =	sand.u32 $0xFFFFFFFE, s1  }
0xa7: {  	p0 =	sne.s32 s1, s5  }
0xa8: {  	s5 =	sshll.u32 @p0 s5, $0xE  }
0xa9: {  	s5 =	sadd.s32 @p0 $0x11B8D, s5;
	s6 =	sshll.u32 @p0 s4, $0x11  }
0xaa: {  	s5 =	sor.u32 @p0 s6, s5  }
0xab: {  	[sflag:s5] =	ssyncadd.remote.s32 @p0 $0x1;
	_ =	sdelay $0x1  }
0xac: {  	s5 =	simm.s32 @p0 $0x1B8D  }
0xad: {  	_ =	swait.eq @p0 [sflag:s5], $0x1  }
0xae: {  	[sflag:s5] =	ssyncadd.s32 @p0 $0xFFFFFFFF  }
0xaf: {  	s6 =	sshll.u32 @!p0 s1, $0xE  }
0xb0: {  	s6 =	sor.u32 @!p0 $0x4000, s6;
	s5 =	simm.s32 @!p0 $0x1B8D  }
0xb1: {  	s4 =	sshll.u32 @!p0 s4, $0x11;
	s6 =	sadd.s32 @!p0 $0x11B8D, s6;
	_ =	swait.eq @!p0 [sflag:s5], $0x1  }
0xb2: {  	s4 =	sor.u32 @!p0 s4, s6;
	[sflag:s5] =	ssyncadd.s32 @!p0 $0xFFFFFFFF  }
0xb3: {  	s25 =	simm.s32 $0x1B8E;
	s24 =	sld [smem:$0x3FFE];
	[sflag:s4] =	ssyncadd.remote.s32 @!p0 $0x1  }
0xb4: {  	s26 =	simm.s32 $execute0_lowered;
	[smem:$0x3FD2] =	sst s25  }
0xb5: {  	s5 =	sshll.u32 s26, $0x1;
	_ =	strace $0x8000004F;
	[dreg:$0x1] =	wrdreg $0xFFFFFFFF  }
0xb6: {  	s28 =	simm.s32 $_size_execute0_lowered;
	s3 =	sadd.s32 s3, s5;
	[dreg:$0x0] =	wrdreg $0x0  }
0xb7: {  	s5 =	sshll.u32 s28, $0x1;
	[dreg:$0x2] =	wrdreg s3  }
0xb8: {  	[dreg:$0x3] =	wrdreg s5  }
0xb9: {  	[dreg:$0x4] =	wrdreg $0xC0  }
0xba: {  	_ =	task [dreg:s22], $0x5FFFF  }
0xbb: {  	[dreg:$0x1] =	wrdreg $0xFFFFFFFF  }
0xbc: {  	[dreg:$0x0] =	wrdreg $0x60  }
0xbd: {  	[dreg:$0x2] =	wrdreg s24  }
0xbe: {  	[dreg:$0x3] =	wrdreg $0x51000  }
0xbf: {  	[dreg:$0x4] =	wrdreg $0x9  }
0xc0: {  	_ =	task.clear_ibuf [dreg:s22], $0x5FFFF;
	_ =	strace $0x9000004F  }
0xc1: {  	s29 =	simm.s32 $0x9;
	_ =	strace $0x80000051  }
0xc2: {  	_ =	swait.ge [sflag:s29], $0x1  }
0xc3: {  	[sflag:s29] =	ssyncadd.s32 $0xFFFFFFFF  }
0xc4: {  	_ =	strace $0x90000051  }
0xc5: {  	_ =	sfence  }
0xc6: {  	s30 =	sld [smem:$0x0];
	_ =	sdelay $0x2  }
0xc7: {  	s31 =	sshll.u32 s1, $0xD;
	s1 =	sshrl.u32 s1, $0x2  }
0xc8: {  	s4 =	sand.u32 $0x4000, s31;
	s1 =	sadd.s32 s1, s30  }
0xc9: {  	s0 =	sor.u32 s4, s0;
	s1 =	sshll.u32 s1, $0x11  }
0xca: {  	s0 =	sor.u32 s1, s0  }
0xcb: {  	s0 =	sadd.s32 $0x8F2B, s0  }
0xcc: {  	[sflag:s0] =	ssyncadd.remote.s32 $0x1  }
0xcd: {  	_ =	sfence.sel $0xFFFF  }
0xce: {  	[dreg:$0x0] =	wrdreg $0xFFFFFFFF;
	(pc) =	sbr.abs _section_cstart, $3  }
0xcf: {  	[dreg:$0x1] =	wrdreg $0xFFFFFFFF  }
0xd0: {  	_ =	task.clear_ibuf [dreg:s22], $0x2FFFF;
	_ =	strace $0x9FFFFFFF  }
0xd1: {  	(tm) =	ssettm $0x7FFFFFFF  }
tec
execute0_lowered:
.L_overlay_start_1:
0x0: {  	(tag) =	ssettag $0x1  }
0x1: {  	s0 =	rddreg [dreg:$0x0]  }
0x2: {  	s2 =	rddreg [dreg:$0x1]  }
0x3: {  	s1 =	stileid.u32;
	s3 =	simm.s32 $0x0;
	s5 =	srdreg.scid  }
0x4: {  	s28 =	simm.s32 $0x4;
	s29 =	simm.s32 $0x0;
	s4 =	smul.u32 $0x14000, s1  }
0x5: {  	[smem:$0x7FF] =	sst s3;
	s13 =	sand.u32 $0x1, s5;
	s7 =	smul.u32 $0x50000, s1  }
0x6: {  	s14 =	sadd.s32 $0x577400, s0;
	s17 =	sadd.s32 $0xD800, s0;
	s15 =	smul.u32 $0x1F400, s1  }
0x7: {  	s24 =	sshll.u32 s1, $0x1;
	s25 =	sshll.u32 s1, $0x6;
	s16 =	smul.u32 $0x1F40, s1  }
0x8: {  	_ =	strace $0x80000050;
	s6 =	smul.u32 $0x140000, s13;
	s8 =	ssub.s32 $0x2, s13  }
0x9: {  	s19 =	smul.u32 $0xFA0, s13;
	s23 =	sshrl.u32 s4, $0x3;
	s9 =	sshrl.u32 s8, $0x1  }
0xa: {  	s7 =	sshrl.u32 s7, $0x2;
	s15 =	sadd.s32 s15, s14;
	s5 =	sadd.s32 s23, s0  }
0xb: {  	s4 =	sadd.s32 s4, s6;
	s6 =	sor.u32 s13, s24;
	s9 =	ssub.s32 s8, s9  }
0xc: {  	s18 =	sadd.s32 s7, s2;
	s16 =	sadd.s32 s19, s16;
	s11 =	smul.u32 $0xFA0, s6  }
0xd: {  	s19 =	simm.s32 $0x5;
	s4 =	sshrl.u32 s4, $0x3;
	s10 =	smul.u32 $0xFA00, s6  }
0xe: {  	s9 =	smax.u32 s9, $0x1;
	s23 =	sadd.s32 $0x190, s16;
	s18 =	sshrl.u32 s18, $0x3  }
0xf: {  	s0 =	sadd.s32 s4, s0;
	s4 =	sadd.s32 $0x4FF400, s5;
	s5 =	sor.u32 $0x1C05, s25  }
0x10: {  	s24 =	sshrl.u32 s23, $0x3;
	s25 =	sadd.s32 $0x140, s16;
	s23 =	simm.s32 $0x80  }
0x11: {  	s26 =	sshrl.u32 s11, $0x3;
	s7 =	sadd.s32 s14, s10;
	s12 =	sadd.s32 $0x50, s11  }
0x12: {  	s8 =	sadd.s32 $0x11800, s0;
	s31 =	sadd.s32 $0xA0, s11;
	s6 =	sadd.s32 s17, s26  }
0x13: {  	s30 =	sshrl.u32 s12, $0x3;
	s20 =	sshll.u32 s12, $0x4;
	s21 =	sshrl.u32 s31, $0x3  }
0x14: {  	s0 =	sshll.u32 s31, $0x4;
	s26 =	sshrl.u32 s25, $0x3;
	s25 =	simm.s32 $0x2  }
0x15: {  	s10 =	sadd.s32 s17, s30;
	s11 =	sadd.s32 s14, s20;
	s12 =	sadd.s32 s17, s21  }
0x16: {  	s20 =	smul.u32 $0xFA00, s13;
	s13 =	sadd.s32 s14, s0;
	s0 =	sadd.s32 s24, s17  }
0x17: {  	s30 =	sadd.s32 $0xF0, s16;
	s16 =	sadd.s32 s26, s17;
	s21 =	simm.s32 $0x1  }
0x18: {  	s24 =	simm.s32 $0x2900;
	s26 =	simm.s32 $0x3;
	s31 =	sshrl.u32 s30, $0x3  }
0x19: {  	s22 =	sadd.s32 s20, s15;
	s15 =	sadd.s32 $0xFFFFFFEC, s0;
	s17 =	sadd.s32 s31, s17  }
0x1a: {  	s20 =	simm.s32 $0x100;
	s14 =	sadd.s32 $0xF00, s22;
	s22 =	simm.s32 $0x50  }
.LBB2_1:
0x1b: {  	[spmem:s18], [sflag:s5] =	dma.local [hbm:s4], $0x2800  }
0x1c: {  	_ =	swait.ge [sflag:s19], $0x2800  }
0x1d: {  	[sflag:s19] =	ssyncset.done $0x0  }
0x1e: {  	[sflag:s19] =	ssyncadd.s32 $0xFFFFD800  }
0x1f: {  	[bflag:$0x0] =	sbarrier.arrive $0xFFFF  }
0x20: {  	[tilespmem:s3], [sflag:$0x5] =	stream.linear.gather [hbm4b:s6+s3], $0x50, $0x38;
	[tilespmem:$0x19100] =	vst v63  }
0x21: {  	_ =	swait.ge [sflag:s19], $0x50  }
0x22: {  	[sflag:s19] =	ssyncset.done $0x0  }
0x23: {  	[sflag:s19] =	ssyncadd.s32 $0xFFFFFFB0  }
0x24: {  	[tilespmem:s20], [sflag:$0x1] =	stream.linear.gather [hbm4b:s7+s3], $0x2800, $0x38;
	[tilespmem:$0x19100] =	vst v63  }
0x25: {  	_ =	swait.ge [sflag:s21], $0x2800  }
0x26: {  	[sflag:s21] =	ssyncset.done $0x0  }
0x27: {  	[sflag:s21] =	ssyncadd.s32 $0xFFFFD800  }
0x28: {  	[spmem:s2] =	stream.indirect.scatter.add.f32 [tilespmem:s20], [sflag:$0x3], $0x80, s3, s22, $0xb8;
	[tilespmem:$0x19100] =	vst v63  }
0x29: {  	_ = 	snop  }
0x2a: {  	[tilespmem:s23], [sflag:$0x5] =	stream.linear.gather [hbm4b:s10+s3], $0x50, $0x38;
	[tilespmem:$0x19100] =	vst v63  }
0x2b: {  	_ =	swait.ge [sflag:s19], $0x50  }
0x2c: {  	[sflag:s19] =	ssyncset.done $0x0  }
0x2d: {  	[sflag:s19] =	ssyncadd.s32 $0xFFFFFFB0  }
0x2e: {  	[tilespmem:s24], [sflag:$0x2] =	stream.linear.gather [hbm4b:s11+s3], $0x2800, $0x38;
	[tilespmem:$0x19100] =	vst v63  }
0x2f: {  	_ =	swait.ge [sflag:s25], $0x2800  }
0x30: {  	[sflag:s25] =	ssyncset.done $0x0  }
0x31: {  	[sflag:s25] =	ssyncadd.s32 $0xFFFFD800  }
0x32: {  	_ =	swait.ge [sflag:s26], $0x2800  }
0x33: {  	[sflag:s26] =	ssyncset.done $0x0  }
0x34: {  	[sflag:s26] =	ssyncadd.s32 $0xFFFFD800  }
0x35: {  	[spmem:s2] =	stream.indirect.scatter.add.f32 [tilespmem:s24], [sflag:$0x4], $0x80, s23, s22, $0xb8;
	[tilespmem:$0x19100] =	vst v63  }
0x36: {  	_ = 	snop  }
0x37: {  	[tilespmem:s3], [sflag:$0x5] =	stream.linear.gather [hbm4b:s12+s3], $0x50, $0x38;
	[tilespmem:$0x19100] =	vst v63  }
0x38: {  	_ =	swait.ge [sflag:s19], $0x50  }
0x39: {  	[sflag:s19] =	ssyncset.done $0x0  }
0x3a: {  	[sflag:s19] =	ssyncadd.s32 $0xFFFFFFB0  }
0x3b: {  	[tilespmem:s20], [sflag:$0x1] =	stream.linear.gather [hbm4b:s13+s3], $0x2800, $0x38;
	[tilespmem:$0x19100] =	vst v63  }
0x3c: {  	_ =	swait.ge [sflag:s21], $0x2800  }
0x3d: {  	[sflag:s21] =	ssyncset.done $0x0  }
0x3e: {  	[sflag:s21] =	ssyncadd.s32 $0xFFFFD800  }
0x3f: {  	_ =	swait.ge [sflag:s28], $0x2800  }
0x40: {  	[sflag:s28] =	ssyncset.done $0x0  }
0x41: {  	[sflag:s28] =	ssyncadd.s32 $0xFFFFD800  }
0x42: {  	[spmem:s2] =	stream.indirect.scatter.add.f32 [tilespmem:s20], [sflag:$0x3], $0x80, s3, s22, $0xb8;
	[tilespmem:$0x19100] =	vst v63  }
0x43: {  	s0 =	sadd.s32 $0x0, s17  }
0x44: {  	[tilespmem:s23], [sflag:$0x5] =	stream.linear.gather [hbm4b:s0+s3], $0x50, $0x38;
	[tilespmem:$0x19100] =	vst v63  }
0x45: {  	_ =	swait.ge [sflag:s19], $0x50  }
0x46: {  	[sflag:s19] =	ssyncset.done $0x0  }
0x47: {  	[sflag:s19] =	ssyncadd.s32 $0xFFFFFFB0  }
0x48: {  	[tilespmem:s24], [sflag:$0x2] =	stream.linear.gather [hbm4b:s14+s3], $0x2800, $0x38;
	[tilespmem:$0x19100] =	vst v63  }
0x49: {  	_ =	swait.ge [sflag:s25], $0x2800  }
0x4a: {  	[sflag:s25] =	ssyncset.done $0x0  }
0x4b: {  	[sflag:s25] =	ssyncadd.s32 $0xFFFFD800  }
0x4c: {  	_ =	swait.ge [sflag:s26], $0x2800  }
0x4d: {  	[sflag:s26] =	ssyncset.done $0x0  }
0x4e: {  	[sflag:s26] =	ssyncadd.s32 $0xFFFFD800  }
0x4f: {  	[spmem:s2] =	stream.indirect.scatter.add.f32 [tilespmem:s24], [sflag:$0x4], $0x80, s23, s22, $0xb8;
	[tilespmem:$0x19100] =	vst v63  }
0x50: {  	s1 =	sadd.s32 $0x0, s16  }
0x51: {  	[tilespmem:s3], [sflag:$0x5] =	stream.linear.gather [hbm4b:s1+s3], $0x50, $0x38;
	[tilespmem:$0x19100] =	vst v63  }
0x52: {  	_ =	swait.ge [sflag:s19], $0x50  }
0x53: {  	s31 =	simm.s32 $0x14;
	[sflag:s19] =	ssyncset.done $0x0  }
0x54: {  	s30 =	sadd.s32 $0xA00, s14;
	s0 =	sadd.s32 $0x500, s14;
	[sflag:s19] =	ssyncadd.s32 $0xFFFFFFB0  }
.LBB2_2:
0x55: {  	[tilespmem:s20], [sflag:$0x1] =	stream.linear.gather [hbm4b:s0+s3], $0x2800, $0x38;
	[tilespmem:$0x19100] =	vst v63  }
0x56: {  	s0 =	smov.u32 s31;
	s31 =	sadd.s32 $0x14, s31;
	_ =	swait.ge [sflag:s21], $0x2800  }
0x57: {  	p0 =	sne.s32 s31, $0x1CC;
	[sflag:s21] =	ssyncset.done $0x0  }
0x58: {  	[sflag:s21] =	ssyncadd.s32 $0xFFFFD800  }
0x59: {  	_ =	swait.ge [sflag:s28], $0x2800  }
0x5a: {  	[sflag:s28] =	ssyncset.done $0x0  }
0x5b: {  	[sflag:s28] =	ssyncadd.s32 $0xFFFFD800  }
0x5c: {  	[spmem:s2] =	stream.indirect.scatter.add.f32 [tilespmem:s20], [sflag:$0x3], $0x80, s3, s22, $0xb8;
	[tilespmem:$0x19100] =	vst v63  }
0x5d: {  	s1 =	sadd.s32 s0, s17  }
0x5e: {  	[tilespmem:s23], [sflag:$0x5] =	stream.linear.gather [hbm4b:s1+s3], $0x50, $0x38;
	[tilespmem:$0x19100] =	vst v63  }
0x5f: {  	_ =	swait.ge [sflag:s19], $0x50  }
0x60: {  	[sflag:s19] =	ssyncset.done $0x0  }
0x61: {  	[sflag:s19] =	ssyncadd.s32 $0xFFFFFFB0  }
0x62: {  	[tilespmem:s24], [sflag:$0x2] =	stream.linear.gather [hbm4b:s30+s3], $0x2800, $0x38;
	[tilespmem:$0x19100] =	vst v63  }
0x63: {  	_ =	swait.ge [sflag:s25], $0x2800  }
0x64: {  	[sflag:s25] =	ssyncset.done $0x0  }
0x65: {  	[sflag:s25] =	ssyncadd.s32 $0xFFFFD800  }
0x66: {  	_ =	swait.ge [sflag:s26], $0x2800  }
0x67: {  	[sflag:s26] =	ssyncset.done $0x0  }
0x68: {  	[sflag:s26] =	ssyncadd.s32 $0xFFFFD800  }
0x69: {  	[spmem:s2] =	stream.indirect.scatter.add.f32 [tilespmem:s24], [sflag:$0x4], $0x80, s23, s22, $0xb8;
	[tilespmem:$0x19100] =	vst v63  }
.Ltmp0:
0x6a: {  	s0 =	sadd.s32 s0, s16;
	(pc) =	sbr.rel @p0 .LBB2_2-.Ltmp0, $4  }
0x6b: {  	[tilespmem:s3], [sflag:$0x5] =	stream.linear.gather [hbm4b:s0+s3], $0x50, $0x38;
	[tilespmem:$0x19100] =	vst v63  }
0x6c: {  	_ =	swait.ge [sflag:s19], $0x50  }
0x6d: {  	[sflag:s19] =	ssyncset.done $0x0  }
0x6e: {  	s0 =	sadd.s32 $0x500, s30;
	s30 =	sadd.s32 $0xA00, s30;
	[sflag:s19] =	ssyncadd.s32 $0xFFFFFFB0  }
0x6f: {  	[tilespmem:s20], [sflag:$0x1] =	stream.linear.gather [hbm4b:s0+s3], $0x2800, $0x38;
	[tilespmem:$0x19100] =	vst v63  }
0x70: {  	_ =	swait.ge [sflag:s21], $0x2800  }
0x71: {  	[sflag:s21] =	ssyncset.done $0x0  }
0x72: {  	[sflag:s21] =	ssyncadd.s32 $0xFFFFD800  }
0x73: {  	_ =	swait.ge [sflag:s28], $0x2800  }
0x74: {  	[sflag:s28] =	ssyncset.done $0x0  }
0x75: {  	[sflag:s28] =	ssyncadd.s32 $0xFFFFD800  }
0x76: {  	[spmem:s2] =	stream.indirect.scatter.add.f32 [tilespmem:s20], [sflag:$0x3], $0x80, s3, s22, $0xb8;
	[tilespmem:$0x19100] =	vst v63  }
0x77: {  	s31 =	sadd.s32 s31, s15  }
0x78: {  	[tilespmem:s23], [sflag:$0x5] =	stream.linear.gather [hbm4b:s31+s3], $0x50, $0x38;
	[tilespmem:$0x19100] =	vst v63  }
0x79: {  	_ =	swait.ge [sflag:s19], $0x50  }
0x7a: {  	[sflag:s19] =	ssyncset.done $0x0  }
0x7b: {  	[sflag:s19] =	ssyncadd.s32 $0xFFFFFFB0  }
0x7c: {  	[tilespmem:s24], [sflag:$0x2] =	stream.linear.gather [hbm4b:s30+s3], $0x2800, $0x38;
	[tilespmem:$0x19100] =	vst v63  }
0x7d: {  	_ =	swait.ge [sflag:s25], $0x2800  }
0x7e: {  	[sflag:s25] =	ssyncset.done $0x0  }
0x7f: {  	[sflag:s25] =	ssyncadd.s32 $0xFFFFD800  }
0x80: {  	_ =	swait.ge [sflag:s26], $0x2800  }
0x81: {  	[sflag:s26] =	ssyncset.done $0x0  }
0x82: {  	[sflag:s26] =	ssyncadd.s32 $0xFFFFD800  }
0x83: {  	[spmem:s2] =	stream.indirect.scatter.add.f32 [tilespmem:s24], [sflag:$0x4], $0x80, s23, s22, $0xb8;
	[tilespmem:$0x19100] =	vst v63  }
0x84: {  	_ =	swait.ge [sflag:s28], $0x2800  }
0x85: {  	s29 =	sadd.s32 $0x1, s29;
	[sflag:s28] =	ssyncset.done $0x0  }
0x86: {  	p0 =	sne.s32 s29, s9;
	[sflag:s28] =	ssyncadd.s32 $0xFFFFD800  }
.Ltmp1:
0x87: {  	[bflag:$0x0] =	sbarrier.arrive $0xFFFF;
	(pc) =	sbr.rel @p0 .LBB2_1-.Ltmp1, $4  }
0x88: {  	[hbm:s8], [sflag:s5] =	dma.local [spmem:s18], $0x2800  }
0x89: {  	_ =	swait.ge [sflag:s19], $0x2800  }
0x8a: {  	[sflag:s19] =	ssyncset.done $0x0  }
0x8b: {  	[sflag:s19] =	ssyncadd.s32 $0xFFFFD800  }
0x8c: {  	_ =	sfence.sel $0x180000  }
0x8d: {  	[bflag:$0x0] =	sbarrier.arrive $0xFFFF  }
0x8e: {  	_ =	strace $0x90000050  }
0x8f: {  	s0 =	stileid.u32;
	[bflag:$0x2] =	sbarrier.arrive $0xFFFF  }
0x90: {  	p0 =	sne.s32 s0, $0x0;
	s0 =	rddreg [dreg:$0x2]  }
0x91: {  	s0 =	sadd.s32 @!p0 $0x100000, s0  }
0x92: {  	[sflag:s0] =	ssyncadd.tile.s32 @!p0 $0x1;
	_ =	shalt  }
.Lfunc_end2:
_tile_overlayer_lowered:
.L_overlay_start_2:
0x93: {  	(tag) =	ssettag $0x2  }
0x94: {  	s0 =	rddreg [dreg:$0x0];
	s2 =	stileid.u32  }
0x95: {  	s1 =	rddreg [dreg:$0x1];
	p0 =	sne.s32 s2, $0x0  }
0x96: {  	s3 =	rddreg [dreg:$0x2];
	[bflag:$0x3] =	sbarrier.arrive $0xFFFF;
	s2 =	simm.s32 @!p0 $0x1C05  }
0x97: {  	[timem:s3], [sflag:s2] =	dma.local @!p0 [hbm:s0], s1  }
0x98: {  	s0 =	simm.s32 @!p0 $0x5  }
0x99: {  	_ =	swait.ge @!p0 [sflag:s0], s1  }
0x9a: {  	s1 =	ssub.s32 @!p0 $0x0, s1;
	[sflag:s0] =	ssyncset.done @!p0 $0x0  }
0x9b: {  	[sflag:s0] =	ssyncadd.s32 @!p0 s1  }
0x9c: {  	[bflag:$0x3] =	sbarrier.arrive $0xFFFF  }
0x9d: {  	_ =	shalt  }

// kernel: kernel.33.cloned.1.call-start
scs
__scs_entry_jumppad:
0x0: {  	(pc) =	sbr.rel $0x88, $3  }
0x1: {  	(tag) =	ssettag $0x0;
	lr =	simm.s32 $0x1  }
0x2: {  	[smem:$0x3F8C] =	sst lr;
	_ =	strace $0xD0000000  }
0x3: {  	_ = 	snop  }
0x4: {  	_ = 	snop  }
0x5: {  	_ = 	snop  }
0x6: {  	_ = 	snop  }
0x7: {  	_ = 	snop  }
__scs_overlays_trampoline_lowered:
0x8: {  	[smem:$0x3F9B] =	sst s0  }
0x9: {  	[smem:$0x3F9C] =	sst s1  }
0xa: {  	[smem:$0x3F9D] =	sst s2  }
0xb: {  	[smem:$0x3F9E] =	sst s3  }
0xc: {  	[smem:$0x3F9F] =	sst s4  }
0xd: {  	[smem:$0x3FA0] =	sst s5  }
0xe: {  	[smem:$0x3FA1] =	sst s6  }
0xf: {  	[smem:$0x3FA2] =	sst s7  }
0x10: {  	[smem:$0x3FA3] =	sst s8  }
0x11: {  	[smem:$0x3FA4] =	sst s9;
	s0 =	simm.s32 @!p0 $0x0  }
0x12: {  	s1 =	sld [smem:$0x3F8A];
	s0 =	simm.s32 @p0 $0x1  }
0x13: {  	[smem:$0x3FA5] =	sst s0;
	s0 =	simm.s32 @!p1 $0x0  }
0x14: {  	s2 =	sld [smem:$0x3F89];
	s0 =	simm.s32 @p1 $0x1  }
0x15: {  	[smem:$0x3FA6] =	sst s0;
	s0 =	simm.s32 @!p2 $0x0  }
0x16: {  	s3 =	sld [smem:$0x3FDB];
	s0 =	simm.s32 @p2 $0x1  }
0x17: {  	s4 =	simm.s32 $0x1BF5;
	[smem:$0x3FA8] =	sst s0  }
0x18: {  	s0 =	sld [smem:$0x3F8B];
	_ =	swait.ge [sflag:s4], $0x0  }
0x19: {  	s7 =	sld [smem:$0x3F8C]  }
0x1a: {  	s8 =	sadd.s32 $0xFFFFE003, lr  }
0x1b: {  	s9 =	sadd.s32 $0xFFFFFEF7, lr;
	s5 =	simm.s32 $0xFFFFFFFF;
	p2 =	slt.u32 s8, $0xFFFFF086  }
0x1c: {  	p1 =	slt.u32 s9, $0xF7A;
	s5 =	simm.s32 @!p2 $0x0  }
0x1d: {  	s5 =	simm.s32 @p1 $0x1;
	p0 =	seq.s32 s7, s2  }
0x1e: {  	s7 =	smul.u32 @!p0 $0xF7A, s2;
	p2 =	seq.s32 @!p0 s5, $0x0  }
0x1f: {  	s9 =	smul.u32 $0xF7A, s1;
	s8 =	simm.s32 @!p0 $0x1BF5;
	p2 =	por !p2, p0  }
0x20: {  	[sflag:s8] =	ssyncset.s32 @!p0 $0xFFFFF086;
	s6 =	sadd.s32 @!p0 s3, s7;
	s7 =	simm.s32 @!p0 $0x108  }
0x21: {  	s3 =	sadd.s32 s3, s9;
	s6 =	sadd.s32 @!p0 $0x88, s6;
	s7 =	simm.s32 @p2 $0x1082  }
0x22: {  	[simem:s7], [sflag:s8] =	dma.local @!p0 [hbm:s6], $0xF7A  }
0x23: {  	s9 =	sor.u32 $0xD0000000, s2;
	s6 =	simm.s32 $0x108;
	_ =	swait.ge @!p0 [sflag:s8], $0x0  }
0x24: {  	s3 =	sadd.s32 $0x88, s3;
	s6 =	simm.s32 @!p1 $0x1082;
	[sflag:s4] =	ssyncset.s32 $0xFFFFF086  }
0x25: {  	[simem:s6], [sflag:s4] =	dma.local [hbm:s3], $0xF7A  }
0x26: {  	[smem:$0x3F8C] =	sst s1;
	(tag) =	ssettag s2;
	_ =	strace s9  }
0x27: {  	s1 =	sld [smem:$0x3F9C]  }
0x28: {  	s2 =	sld [smem:$0x3F9D]  }
0x29: {  	s4 =	sld [smem:$0x3F9F]  }
0x2a: {  	p0 =	seq.s32 s5, $0x0;
	s5 =	sld [smem:$0x3FA0]  }
0x2b: {  	s6 =	sld [smem:$0x3FA1]  }
0x2c: {  	s7 =	sld [smem:$0x3FA2]  }
0x2d: {  	s3 =	simm.s32 $0x108;
	s8 =	sld [smem:$0x3FA3]  }
0x2e: {  	s3 =	simm.s32 @!p0 $0x1082;
	s9 =	sld [smem:$0x3FA4]  }
0x2f: {  	lr =	sadd.s32 s0, s3;
	s0 =	sld [smem:$0x3F9B]  }
0x30: {  	s3 =	sld [smem:$0x3F9E]  }
0x31: {  	[smem:$0x3FA7] =	sst s10  }
0x32: {  	s10 =	sld [smem:$0x3FA5];
	_ =	sdelay $0x3  }
0x33: {  	p0 =	seq.s32 s10, $0x1;
	s10 =	sld [smem:$0x3FA7];
	_ =	sdelay $0x3  }
0x34: {  	[smem:$0x3FA7] =	sst s10  }
0x35: {  	s10 =	sld [smem:$0x3FA6];
	_ =	sdelay $0x3  }
0x36: {  	p1 =	seq.s32 s10, $0x1;
	s10 =	sld [smem:$0x3FA7];
	_ =	sdelay $0x3  }
0x37: {  	[smem:$0x3FA7] =	sst s10  }
0x38: {  	s10 =	sld [smem:$0x3FA8]  }
0x39: {  	_ = 	snop;
	(pc) =	sbr.ind lr, $3  }
0x3a: {  	_ = 	snop  }
0x3b: {  	_ = 	snop  }
0x3c: {  	p2 =	seq.s32 s10, $0x1;
	s10 =	sld [smem:$0x3FA7]  }
0x3d: {  	_ =	shalt  }
0x3e: {  	_ =	shalt  }
0x3f: {  	_ =	shalt  }
0x40: {  	_ =	shalt  }
0x41: {  	_ =	shalt  }
0x42: {  	_ =	shalt  }
0x43: {  	_ =	shalt  }
0x44: {  	_ =	shalt  }
0x45: {  	_ =	shalt  }
0x46: {  	_ =	shalt  }
0x47: {  	_ =	shalt  }
0x48: {  	_ =	shalt  }
0x49: {  	_ =	shalt  }
0x4a: {  	_ =	shalt  }
0x4b: {  	_ =	shalt  }
0x4c: {  	_ =	shalt  }
0x4d: {  	_ =	shalt  }
0x4e: {  	_ =	shalt  }
0x4f: {  	_ =	shalt  }
0x50: {  	_ =	shalt  }
0x51: {  	_ =	shalt  }
0x52: {  	_ =	shalt  }
0x53: {  	_ =	shalt  }
0x54: {  	_ =	shalt  }
0x55: {  	_ =	shalt  }
0x56: {  	_ =	shalt  }
0x57: {  	_ =	shalt  }
0x58: {  	_ =	shalt  }
0x59: {  	_ =	shalt  }
0x5a: {  	_ =	shalt  }
0x5b: {  	_ =	shalt  }
0x5c: {  	_ =	shalt  }
0x5d: {  	_ =	shalt  }
0x5e: {  	_ =	shalt  }
0x5f: {  	_ =	shalt  }
0x60: {  	_ =	shalt  }
0x61: {  	_ =	shalt  }
0x62: {  	_ =	shalt  }
0x63: {  	_ =	shalt  }
0x64: {  	_ =	shalt  }
0x65: {  	_ =	shalt  }
0x66: {  	_ =	shalt  }
0x67: {  	_ =	shalt  }
0x68: {  	_ =	shalt  }
0x69: {  	_ =	shalt  }
0x6a: {  	_ =	shalt  }
0x6b: {  	_ =	shalt  }
0x6c: {  	_ =	shalt  }
0x6d: {  	_ =	shalt  }
0x6e: {  	_ =	shalt  }
0x6f: {  	_ =	shalt  }
0x70: {  	_ =	shalt  }
0x71: {  	_ =	shalt  }
0x72: {  	_ =	shalt  }
0x73: {  	_ =	shalt  }
0x74: {  	_ =	shalt  }
0x75: {  	_ =	shalt  }
0x76: {  	_ =	shalt  }
0x77: {  	_ =	shalt  }
0x78: {  	_ =	shalt  }
0x79: {  	_ =	shalt  }
0x7a: {  	_ =	shalt  }
0x7b: {  	_ =	shalt  }
0x7c: {  	_ =	shalt  }
0x7d: {  	_ =	shalt  }
0x7e: {  	_ =	shalt  }
0x7f: {  	_ =	shalt  }
0x80: {  	_ =	shalt  }
0x81: {  	_ =	shalt  }
0x82: {  	_ =	shalt  }
0x83: {  	_ =	shalt  }
0x84: {  	_ =	shalt  }
0x85: {  	_ =	shalt  }
0x86: {  	_ =	shalt  }
0x87: {  	_ =	shalt  }
.Lfunc_end0:
.L_simem_size_0:
called_computation.4_lowered:
.L_overlay_start_0:
0x88: {  	s2 =	sld [smem:$0x3FD9]  }
0x89: {  	s3 =	sld [smem:$0x3FFE];
	_ =	sdelay $0x1  }
0x8a: {  	s1 =	srdreg.scid  }
0x8b: {  	s0 =	sand.u32 $0x1, s1  }
0x8c: {  	s17 =	sshll.u32 s0, $0xA;
	s2 =	sadd.s32 s3, s2  }
0x8d: {  	s2 =	sadd.s32 s2, s17  }
0x8e: {  	[smem:$0x3FB3] =	sst s2  }
0x8f: {  	_ = 	snop  }
0x90: {  	(tm) =	ssettm $0x1  }
0x91: {  	s18 =	sld [smem:$0x3FFB];
	_ =	sdelay $0x3  }
0x92: {  	_ =	strace s18  }
0x93: {  	s2 =	sld [smem:$0x3FFC];
	_ =	sdelay $0x3  }
0x94: {  	_ =	strace s2  }
0x95: {  	s2 =	sld [smem:$0x3FFD];
	_ =	sdelay $0x3  }
0x96: {  	_ =	strace s2  }
0x97: {  	_ =	strace $0x8FFFFFFF  }
0x98: {  	s19 =	sld [smem:$0x3FDB];
	_ =	sdelay $0x1  }
0x99: {  	s20 =	simm.s32 $_scs_section_size  }
0x9a: {  	s4 =	simm.s32 $_size__tile_overlayer_lowered;
	s5 =	simm.s32 $_tile_overlayer_lowered  }
0x9b: {  	s6 =	simm.s32 $0x1BFF;
	s21 =	sshll.u32 s5, $0x1;
	s3 =	sadd.s32 s20, s19  }
0x9c: {  	s22 =	simm.s32 $0x0;
	s4 =	sshll.u32 s4, $0x1;
	s5 =	sadd.s32 s21, s3  }
0x9d: {  	[timem:s22], [sflag:s6] =	dma.local [hbm:s5], s4  }
0x9e: {  	_ =	swait.ge [sflag:s6], s4  }
0x9f: {  	s4 =	ssub.s32 $0x0, s4;
	[sflag:s6] =	ssyncset.done $0x0  }
0xa0: {  	[sflag:s6] =	ssyncadd.s32 s4;
	_ =	sdelay $0x1  }
0xa1: {  	s23 =	simm.s32 $0x1B8B  }
0xa2: {  	_ =	swait.ge [sflag:s23], $0x1  }
0xa3: {  	[sflag:s23] =	ssyncset.done $0x0  }
0xa4: {  	[sflag:s23] =	ssyncadd.s32 $0xFFFFFFFF  }
0xa5: {  	s4 =	sld [smem:$0x0]  }
0xa6: {  	s5 =	sand.u32 $0xFFFFFFFE, s1  }
0xa7: {  	p0 =	sne.s32 s1, s5  }
0xa8: {  	s5 =	sshll.u32 @p0 s5, $0xE  }
0xa9: {  	s5 =	sadd.s32 @p0 $0x11B8D, s5;
	s6 =	sshll.u32 @p0 s4, $0x11  }
0xaa: {  	s5 =	sor.u32 @p0 s6, s5  }
0xab: {  	[sflag:s5] =	ssyncadd.remote.s32 @p0 $0x1;
	_ =	sdelay $0x1  }
0xac: {  	s5 =	simm.s32 @p0 $0x1B8D  }
0xad: {  	_ =	swait.eq @p0 [sflag:s5], $0x1  }
0xae: {  	[sflag:s5] =	ssyncadd.s32 @p0 $0xFFFFFFFF  }
0xaf: {  	s6 =	sshll.u32 @!p0 s1, $0xE  }
0xb0: {  	s6 =	sor.u32 @!p0 $0x4000, s6;
	s5 =	simm.s32 @!p0 $0x1B8D  }
0xb1: {  	s4 =	sshll.u32 @!p0 s4, $0x11;
	s6 =	sadd.s32 @!p0 $0x11B8D, s6;
	_ =	swait.eq @!p0 [sflag:s5], $0x1  }
0xb2: {  	s4 =	sor.u32 @!p0 s4, s6;
	[sflag:s5] =	ssyncadd.s32 @!p0 $0xFFFFFFFF  }
0xb3: {  	s25 =	simm.s32 $0x1B8E;
	s24 =	sld [smem:$0x3FFE];
	[sflag:s4] =	ssyncadd.remote.s32 @!p0 $0x1  }
0xb4: {  	s26 =	simm.s32 $execute0_lowered;
	[smem:$0x3FD2] =	sst s25  }
0xb5: {  	s5 =	sshll.u32 s26, $0x1;
	_ =	strace $0x80000055;
	[dreg:$0x1] =	wrdreg $0xFFFFFFFF  }
0xb6: {  	s28 =	simm.s32 $_size_execute0_lowered;
	s3 =	sadd.s32 s3, s5;
	[dreg:$0x0] =	wrdreg $0x0  }
0xb7: {  	s5 =	sshll.u32 s28, $0x1;
	[dreg:$0x2] =	wrdreg s3  }
0xb8: {  	[dreg:$0x3] =	wrdreg s5  }
0xb9: {  	[dreg:$0x4] =	wrdreg $0xC0  }
0xba: {  	_ =	task [dreg:s22], $0x5FFFF  }
0xbb: {  	[dreg:$0x1] =	wrdreg $0xFFFFFFFF  }
0xbc: {  	[dreg:$0x0] =	wrdreg $0x60  }
0xbd: {  	[dreg:$0x2] =	wrdreg s24  }
0xbe: {  	[dreg:$0x3] =	wrdreg $0x9  }
0xbf: {  	_ =	task.clear_ibuf [dreg:s22], $0x4FFFF;
	_ =	strace $0x90000055  }
0xc0: {  	s29 =	simm.s32 $0x9;
	_ =	strace $0x80000057  }
0xc1: {  	_ =	swait.ge [sflag:s29], $0x1  }
0xc2: {  	[sflag:s29] =	ssyncadd.s32 $0xFFFFFFFF  }
0xc3: {  	_ =	strace $0x90000057  }
0xc4: {  	_ =	sfence  }
0xc5: {  	s30 =	sld [smem:$0x0];
	_ =	sdelay $0x2  }
0xc6: {  	s31 =	sshll.u32 s1, $0xD;
	s1 =	sshrl.u32 s1, $0x2  }
0xc7: {  	s4 =	sand.u32 $0x4000, s31;
	s1 =	sadd.s32 s1, s30  }
0xc8: {  	s0 =	sor.u32 s4, s0;
	s1 =	sshll.u32 s1, $0x11  }
0xc9: {  	s0 =	sor.u32 s1, s0  }
0xca: {  	s0 =	sadd.s32 $0x8F2B, s0  }
0xcb: {  	[sflag:s0] =	ssyncadd.remote.s32 $0x1  }
0xcc: {  	_ =	sfence.sel $0xFFFF  }
0xcd: {  	[dreg:$0x0] =	wrdreg $0xFFFFFFFF;
	(pc) =	sbr.abs _section_cstart, $3  }
0xce: {  	[dreg:$0x1] =	wrdreg $0xFFFFFFFF  }
0xcf: {  	_ =	task.clear_ibuf [dreg:s22], $0x2FFFF;
	_ =	strace $0x9FFFFFFF  }
0xd0: {  	(tm) =	ssettm $0x7FFFFFFF  }
0xd1: {  	_ =	shalt  }
tec
execute0_lowered:
.L_overlay_start_1:
0x0: {  	(tag) =	ssettag $0x1  }
0x1: {  	s4 =	rddreg [dreg:$0x0]  }
0x2: {  	s2 =	simm.s32 $0x0;
	s3 =	srdreg.scid;
	s1 =	stileid.u32  }
0x3: {  	s17 =	simm.s32 $0x100;
	s18 =	simm.s32 $0x1;
	s19 =	simm.s32 $0x3D00  }
0x4: {  	s20 =	simm.s32 $0x6;
	s21 =	simm.s32 $0x2;
	s22 =	simm.s32 $0x4  }
0x5: {  	s23 =	simm.s32 $0x3;
	s24 =	simm.s32 $0x0;
	s14 =	smul.u32 $0x2EE0, s1  }
0x6: {  	[smem:$0x7FF] =	sst s2;
	s11 =	sand.u32 $0x1, s3;
	s16 =	smul.u32 $0x2EE00, s1  }
0x7: {  	s28 =	sshll.u32 s1, $0x1;
	s3 =	sadd.s32 $0x527400, s4;
	s15 =	smul.u32 $0x1770, s11  }
0x8: {  	s5 =	sor.u32 s11, s28;
	s6 =	ssub.s32 $0x2, s11;
	s11 =	smul.u32 $0x17700, s11  }
0x9: {  	s13 =	sadd.s32 $0x5A00, s4;
	s12 =	sadd.s32 $0x205800, s4;
	s10 =	smul.u32 $0x1770, s5  }
0xa: {  	_ =	strace $0x80000056;
	s29 =	sshrl.u32 s6, $0x1;
	s9 =	smul.u32 $0x17700, s5  }
0xb: {  	s6 =	ssub.s32 s6, s29;
	s14 =	sadd.s32 s15, s14;
	s30 =	sshrl.u32 s10, $0x3  }
0xc: {  	s8 =	sadd.s32 $0x78, s10;
	s6 =	smax.u32 s6, $0x1;
	s10 =	sadd.s32 $0x168, s10  }
0xd: {  	s15 =	sadd.s32 $0x1E0, s14;
	s14 =	sadd.s32 $0x258, s14;
	s4 =	sadd.s32 s13, s30  }
0xe: {  	s7 =	sshrl.u32 s8, $0x3;
	s31 =	sshll.u32 s8, $0x4;
	s10 =	sshrl.u32 s10, $0x3  }
.Ltmp0:
0xf: {  	s15 =	sshrl.u32 s15, $0x3;
	s14 =	sshrl.u32 s14, $0x3;
	(pc) =	sbr.rel .LBB2_1-.Ltmp0, $4  }
0x10: {  	s5 =	sadd.s32 s13, s7;
	s7 =	sadd.s32 s12, s9;
	s8 =	sadd.s32 $0x1E, s4  }
0x11: {  	s9 =	sadd.s32 s12, s31;
	s10 =	sadd.s32 s13, s10;
	s12 =	sadd.s32 s16, s12  }
0x12: {  	s16 =	simm.s32 $0x78;
	s11 =	sadd.s32 s11, s12;
	s12 =	sadd.s32 s15, s13  }
0x13: {  	s13 =	sadd.s32 s14, s13;
	s14 =	simm.s32 $0x5;
	s15 =	simm.s32 $0x80  }
.LBB2_4:
0x14: {  	s24 =	sadd.s32 $0x1, s24  }
0x15: {  	_ =	swait.ge [sflag:s23], $0x3C00;
	p0 =	sne.s32 s24, s6  }
.Ltmp1:
0x16: {  	[sflag:s23] =	ssyncset.done $0x0;
	(pc) =	sbr.rel @!p0 .LBB2_5-.Ltmp1, $4  }
0x17: {  	[sflag:s23] =	ssyncadd.s32 $0xFFFFC400  }
0x18: {  	_ =	swait.ge [sflag:s22], $0x3C00  }
0x19: {  	[sflag:s22] =	ssyncset.done $0x0  }
0x1a: {  	[sflag:s22] =	ssyncadd.s32 $0xFFFFC400  }
.LBB2_1:
0x1b: {  	[tilespmem:s2], [sflag:$0x5] =	stream.linear.gather [hbm4b:s4+s2], $0x78, $0x38;
	[tilespmem:$0x7900] =	vst v63  }
0x1c: {  	_ =	swait.ge [sflag:s14], $0x78  }
0x1d: {  	[sflag:s14] =	ssyncset.done $0x0  }
0x1e: {  	[sflag:s14] =	ssyncadd.s32 $0xFFFFFF88  }
0x1f: {  	[tilespmem:s15], [sflag:$0x5] =	stream.linear.gather [hbm4b:s5+s2], $0x78, $0x38;
	[tilespmem:$0x7900] =	vst v63  }
0x20: {  	_ =	swait.ge [sflag:s14], $0x78  }
0x21: {  	[sflag:s14] =	ssyncset.done $0x0  }
0x22: {  	[sflag:s14] =	ssyncadd.s32 $0xFFFFFF88  }
0x23: {  	[tilespmem:s17], [sflag:$0x1] =	stream.indirect.gather [hbm4b:s3+s16], $0x80, s2, s16, $0xb8;
	[tilespmem:$0x7900] =	vst v63  }
0x24: {  	_ =	swait.ge [sflag:s18], $0x3C00  }
0x25: {  	[sflag:s18] =	ssyncset.done $0x0  }
0x26: {  	[sflag:s18] =	ssyncadd.s32 $0xFFFFC400  }
0x27: {  	[hbm4b:s7+s2] =	stream.linear.scatter [tilespmem:s17], [sflag:$0x3], $0x3C00, $0x38;
	[tilespmem:$0x7900] =	vst v63  }
0x28: {  	_ = 	snop  }
0x29: {  	[tilespmem:s19], [sflag:$0x2] =	stream.indirect.gather [hbm4b:s3+s16], $0x80, s15, s16, $0xb8;
	[tilespmem:$0x7900] =	vst v63  }
0x2a: {  	_ = 	snop  }
0x2b: {  	[tilespmem:s2], [sflag:$0x6] =	stream.linear.gather [hbm4b:s8+s2], $0x78, $0x38;
	[tilespmem:$0x7900] =	vst v63  }
0x2c: {  	_ =	swait.ge [sflag:s20], $0x78  }
0x2d: {  	[sflag:s20] =	ssyncset.done $0x0  }
0x2e: {  	[sflag:s20] =	ssyncadd.s32 $0xFFFFFF88  }
0x2f: {  	_ =	swait.ge [sflag:s21], $0x3C00  }
0x30: {  	[sflag:s21] =	ssyncset.done $0x0  }
0x31: {  	[sflag:s21] =	ssyncadd.s32 $0xFFFFC400  }
0x32: {  	[hbm4b:s9+s2] =	stream.linear.scatter [tilespmem:s19], [sflag:$0x4], $0x3C00, $0x38;
	[tilespmem:$0x7900] =	vst v63  }
0x33: {  	_ =	swait.ge [sflag:s23], $0x3C00  }
0x34: {  	[sflag:s23] =	ssyncset.done $0x0  }
0x35: {  	[sflag:s23] =	ssyncadd.s32 $0xFFFFC400  }
0x36: {  	[tilespmem:s17], [sflag:$0x1] =	stream.indirect.gather [hbm4b:s3+s16], $0x80, s2, s16, $0xb8;
	[tilespmem:$0x7900] =	vst v63  }
0x37: {  	_ = 	snop  }
0x38: {  	[tilespmem:s15], [sflag:$0x5] =	stream.linear.gather [hbm4b:s10+s2], $0x78, $0x38;
	[tilespmem:$0x7900] =	vst v63  }
0x39: {  	_ =	swait.ge [sflag:s14], $0x78  }
0x3a: {  	s25 =	simm.s32 $0x3;
	s26 =	smov.u32 s13;
	[sflag:s14] =	ssyncset.done $0x0  }
0x3b: {  	s28 =	smov.u32 s12;
	s29 =	simm.s32 $0x0;
	[sflag:s14] =	ssyncadd.s32 $0xFFFFFF88  }
.LBB2_2:
0x3c: {  	_ =	swait.ge [sflag:s18], $0x3C00  }
0x3d: {  	s30 =	sadd.s32 s29, s11;
	[sflag:s18] =	ssyncset.done $0x0  }
0x3e: {  	s31 =	sadd.s32 $0xF00, s30;
	[sflag:s18] =	ssyncadd.s32 $0xFFFFC400  }
0x3f: {  	[hbm4b:s31+s2] =	stream.linear.scatter [tilespmem:s17], [sflag:$0x3], $0x3C00, $0x38;
	[tilespmem:$0x7900] =	vst v63  }
0x40: {  	_ =	swait.ge [sflag:s22], $0x3C00  }
0x41: {  	[sflag:s22] =	ssyncset.done $0x0  }
0x42: {  	p0 =	seq.s32 s29, $0x15900;
	[sflag:s22] =	ssyncadd.s32 $0xFFFFC400  }
0x43: {  	[tilespmem:s19], [sflag:$0x2] =	stream.indirect.gather [hbm4b:s3+s16], $0x80, s15, s16, $0xb8;
	[tilespmem:$0x7900] =	vst v63  }
0x44: {  	s31 =	simm.s32 @!p0 $0x0  }
0x45: {  	[tilespmem:s31], [sflag:$0x6] =	stream.linear.gather @!p0 [hbm4b:s28+s31], $0x78, $0x38;
	[tilespmem:$0x7900] =	vst v63  }
0x46: {  	s31 =	simm.s32 @!p0 $0x6  }
0x47: {  	_ =	swait.ge @!p0 [sflag:s31], $0x78  }
0x48: {  	[sflag:s31] =	ssyncset.done @!p0 $0x0  }
0x49: {  	[sflag:s31] =	ssyncadd.s32 @!p0 $0xFFFFFF88  }
0x4a: {  	_ =	swait.ge [sflag:s21], $0x3C00  }
0x4b: {  	[sflag:s21] =	ssyncset.done $0x0  }
0x4c: {  	p1 =	sgt.u32 s25, $0x30;
	s30 =	sadd.s32 $0x1680, s30;
	[sflag:s21] =	ssyncadd.s32 $0xFFFFC400  }
0x4d: {  	[hbm4b:s30+s2] =	stream.linear.scatter [tilespmem:s19], [sflag:$0x4], $0x3C00, $0x38;
	[tilespmem:$0x7900] =	vst v63  }
.Ltmp2:
0x4e: {  	s30 =	simm.s32 @!p1 $0x3;
	(pc) =	sbr.rel @p0 .LBB2_4-.Ltmp2, $4  }
0x4f: {  	_ =	swait.ge @!p1 [sflag:s30], $0x3C00  }
0x50: {  	s0 =	simm.s32 @!p1 $0x100;
	[sflag:s30] =	ssyncset.done @!p1 $0x0  }
0x51: {  	s31 =	simm.s32 @!p1 $0x0;
	[sflag:s30] =	ssyncadd.s32 @!p1 $0xFFFFC400;
	s30 =	simm.s32 @!p1 $0x78  }
0x52: {  	[tilespmem:s0], [sflag:$0x1] =	stream.indirect.gather @!p1 [hbm4b:s3+s30], $0x80, s31, s30, $0xb8;
	[tilespmem:$0x7900] =	vst v63  }
.Ltmp3:
0x53: {  	(pc) =	sbr.rel .LBB2_2-.Ltmp3, $4  }
0x54: {  	[tilespmem:s15], [sflag:$0x5] =	stream.linear.gather [hbm4b:s26+s2], $0x78, $0x38;
	[tilespmem:$0x7900] =	vst v63  }
0x55: {  	_ =	swait.ge [sflag:s14], $0x78  }
0x56: {  	s29 =	sadd.s32 $0xF00, s29;
	s28 =	sadd.s32 $0x1E, s28;
	[sflag:s14] =	ssyncset.done $0x0  }
0x57: {  	s26 =	sadd.s32 $0x1E, s26;
	s25 =	sadd.s32 $0x2, s25;
	[sflag:s14] =	ssyncadd.s32 $0xFFFFFF88  }
.LBB2_5:
0x58: {  	_ =	sfence.sel $0x180000  }
0x59: {  	[bflag:$0x0] =	sbarrier.arrive $0xFFFF  }
0x5a: {  	_ =	strace $0x90000056  }
0x5b: {  	[bflag:$0x2] =	sbarrier.arrive $0xFFFF  }
0x5c: {  	p0 =	sne.s32 s1, $0x0;
	s0 =	rddreg [dreg:$0x1]  }
0x5d: {  	s0 =	sadd.s32 @!p0 $0x100000, s0  }
0x5e: {  	[sflag:s0] =	ssyncadd.tile.s32 @!p0 $0x1;
	_ =	shalt  }
.Lfunc_end2:
_tile_overlayer_lowered:
.L_overlay_start_2:
0x5f: {  	(tag) =	ssettag $0x2  }
0x60: {  	s0 =	rddreg [dreg:$0x0];
	s2 =	stileid.u32  }
0x61: {  	s1 =	rddreg [dreg:$0x1];
	p0 =	sne.s32 s2, $0x0  }
0x62: {  	s3 =	rddreg [dreg:$0x2];
	[bflag:$0x3] =	sbarrier.arrive $0xFFFF;
	s2 =	simm.s32 @!p0 $0x1C05  }
0x63: {  	[timem:s3], [sflag:s2] =	dma.local @!p0 [hbm:s0], s1  }
0x64: {  	s0 =	simm.s32 @!p0 $0x5  }
0x65: {  	_ =	swait.ge @!p0 [sflag:s0], s1  }
0x66: {  	s1 =	ssub.s32 @!p0 $0x0, s1;
	[sflag:s0] =	ssyncset.done @!p0 $0x0  }
0x67: {  	[sflag:s0] =	ssyncadd.s32 @!p0 s1  }
0x68: {  	[bflag:$0x3] =	sbarrier.arrive $0xFFFF  }
0x69: {  	_ =	shalt  }

// kernel: kernel.36.cloned.1.call-start
scs
__scs_entry_jumppad:
0x0: {  	(pc) =	sbr.rel $0x88, $3  }
0x1: {  	(tag) =	ssettag $0x0;
	lr =	simm.s32 $0x1  }
0x2: {  	[smem:$0x3F8C] =	sst lr;
	_ =	strace $0xD0000000  }
0x3: {  	_ = 	snop  }
0x4: {  	_ = 	snop  }
0x5: {  	_ = 	snop  }
0x6: {  	_ = 	snop  }
0x7: {  	_ = 	snop  }
__scs_overlays_trampoline_lowered:
0x8: {  	[smem:$0x3F9B] =	sst s0  }
0x9: {  	[smem:$0x3F9C] =	sst s1  }
0xa: {  	[smem:$0x3F9D] =	sst s2  }
0xb: {  	[smem:$0x3F9E] =	sst s3  }
0xc: {  	[smem:$0x3F9F] =	sst s4  }
0xd: {  	[smem:$0x3FA0] =	sst s5  }
0xe: {  	[smem:$0x3FA1] =	sst s6  }
0xf: {  	[smem:$0x3FA2] =	sst s7  }
0x10: {  	[smem:$0x3FA3] =	sst s8  }
0x11: {  	[smem:$0x3FA4] =	sst s9;
	s0 =	simm.s32 @!p0 $0x0  }
0x12: {  	s1 =	sld [smem:$0x3F8A];
	s0 =	simm.s32 @p0 $0x1  }
0x13: {  	[smem:$0x3FA5] =	sst s0;
	s0 =	simm.s32 @!p1 $0x0  }
0x14: {  	s2 =	sld [smem:$0x3F89];
	s0 =	simm.s32 @p1 $0x1  }
0x15: {  	[smem:$0x3FA6] =	sst s0;
	s0 =	simm.s32 @!p2 $0x0  }
0x16: {  	s3 =	sld [smem:$0x3FDB];
	s0 =	simm.s32 @p2 $0x1  }
0x17: {  	s4 =	simm.s32 $0x1BF5;
	[smem:$0x3FA8] =	sst s0  }
0x18: {  	s0 =	sld [smem:$0x3F8B];
	_ =	swait.ge [sflag:s4], $0x0  }
0x19: {  	s7 =	sld [smem:$0x3F8C]  }
0x1a: {  	s8 =	sadd.s32 $0xFFFFE003, lr  }
0x1b: {  	s9 =	sadd.s32 $0xFFFFFEF7, lr;
	s5 =	simm.s32 $0xFFFFFFFF;
	p2 =	slt.u32 s8, $0xFFFFF086  }
0x1c: {  	p1 =	slt.u32 s9, $0xF7A;
	s5 =	simm.s32 @!p2 $0x0  }
0x1d: {  	s5 =	simm.s32 @p1 $0x1;
	p0 =	seq.s32 s7, s2  }
0x1e: {  	s7 =	smul.u32 @!p0 $0xF7A, s2;
	p2 =	seq.s32 @!p0 s5, $0x0  }
0x1f: {  	s9 =	smul.u32 $0xF7A, s1;
	s8 =	simm.s32 @!p0 $0x1BF5;
	p2 =	por !p2, p0  }
0x20: {  	[sflag:s8] =	ssyncset.s32 @!p0 $0xFFFFF086;
	s6 =	sadd.s32 @!p0 s3, s7;
	s7 =	simm.s32 @!p0 $0x108  }
0x21: {  	s3 =	sadd.s32 s3, s9;
	s6 =	sadd.s32 @!p0 $0x88, s6;
	s7 =	simm.s32 @p2 $0x1082  }
0x22: {  	[simem:s7], [sflag:s8] =	dma.local @!p0 [hbm:s6], $0xF7A  }
0x23: {  	s9 =	sor.u32 $0xD0000000, s2;
	s6 =	simm.s32 $0x108;
	_ =	swait.ge @!p0 [sflag:s8], $0x0  }
0x24: {  	s3 =	sadd.s32 $0x88, s3;
	s6 =	simm.s32 @!p1 $0x1082;
	[sflag:s4] =	ssyncset.s32 $0xFFFFF086  }
0x25: {  	[simem:s6], [sflag:s4] =	dma.local [hbm:s3], $0xF7A  }
0x26: {  	[smem:$0x3F8C] =	sst s1;
	(tag) =	ssettag s2;
	_ =	strace s9  }
0x27: {  	s1 =	sld [smem:$0x3F9C]  }
0x28: {  	s2 =	sld [smem:$0x3F9D]  }
0x29: {  	s4 =	sld [smem:$0x3F9F]  }
0x2a: {  	p0 =	seq.s32 s5, $0x0;
	s5 =	sld [smem:$0x3FA0]  }
0x2b: {  	s6 =	sld [smem:$0x3FA1]  }
0x2c: {  	s7 =	sld [smem:$0x3FA2]  }
0x2d: {  	s3 =	simm.s32 $0x108;
	s8 =	sld [smem:$0x3FA3]  }
0x2e: {  	s3 =	simm.s32 @!p0 $0x1082;
	s9 =	sld [smem:$0x3FA4]  }
0x2f: {  	lr =	sadd.s32 s0, s3;
	s0 =	sld [smem:$0x3F9B]  }
0x30: {  	s3 =	sld [smem:$0x3F9E]  }
0x31: {  	[smem:$0x3FA7] =	sst s10  }
0x32: {  	s10 =	sld [smem:$0x3FA5];
	_ =	sdelay $0x3  }
0x33: {  	p0 =	seq.s32 s10, $0x1;
	s10 =	sld [smem:$0x3FA7];
	_ =	sdelay $0x3  }
0x34: {  	[smem:$0x3FA7] =	sst s10  }
0x35: {  	s10 =	sld [smem:$0x3FA6];
	_ =	sdelay $0x3  }
0x36: {  	p1 =	seq.s32 s10, $0x1;
	s10 =	sld [smem:$0x3FA7];
	_ =	sdelay $0x3  }
0x37: {  	[smem:$0x3FA7] =	sst s10  }
0x38: {  	s10 =	sld [smem:$0x3FA8]  }
0x39: {  	_ = 	snop;
	(pc) =	sbr.ind lr, $3  }
0x3a: {  	_ = 	snop  }
0x3b: {  	_ = 	snop  }
0x3c: {  	p2 =	seq.s32 s10, $0x1;
	s10 =	sld [smem:$0x3FA7]  }
0x3d: {  	_ =	shalt  }
0x3e: {  	_ =	shalt  }
0x3f: {  	_ =	shalt  }
0x40: {  	_ =	shalt  }
0x41: {  	_ =	shalt  }
0x42: {  	_ =	shalt  }
0x43: {  	_ =	shalt  }
0x44: {  	_ =	shalt  }
0x45: {  	_ =	shalt  }
0x46: {  	_ =	shalt  }
0x47: {  	_ =	shalt  }
0x48: {  	_ =	shalt  }
0x49: {  	_ =	shalt  }
0x4a: {  	_ =	shalt  }
0x4b: {  	_ =	shalt  }
0x4c: {  	_ =	shalt  }
0x4d: {  	_ =	shalt  }
0x4e: {  	_ =	shalt  }
0x4f: {  	_ =	shalt  }
0x50: {  	_ =	shalt  }
0x51: {  	_ =	shalt  }
0x52: {  	_ =	shalt  }
0x53: {  	_ =	shalt  }
0x54: {  	_ =	shalt  }
0x55: {  	_ =	shalt  }
0x56: {  	_ =	shalt  }
0x57: {  	_ =	shalt  }
0x58: {  	_ =	shalt  }
0x59: {  	_ =	shalt  }
0x5a: {  	_ =	shalt  }
0x5b: {  	_ =	shalt  }
0x5c: {  	_ =	shalt  }
0x5d: {  	_ =	shalt  }
0x5e: {  	_ =	shalt  }
0x5f: {  	_ =	shalt  }
0x60: {  	_ =	shalt  }
0x61: {  	_ =	shalt  }
0x62: {  	_ =	shalt  }
0x63: {  	_ =	shalt  }
0x64: {  	_ =	shalt  }
0x65: {  	_ =	shalt  }
0x66: {  	_ =	shalt  }
0x67: {  	_ =	shalt  }
0x68: {  	_ =	shalt  }
0x69: {  	_ =	shalt  }
0x6a: {  	_ =	shalt  }
0x6b: {  	_ =	shalt  }
0x6c: {  	_ =	shalt  }
0x6d: {  	_ =	shalt  }
0x6e: {  	_ =	shalt  }
0x6f: {  	_ =	shalt  }
0x70: {  	_ =	shalt  }
0x71: {  	_ =	shalt  }
0x72: {  	_ =	shalt  }
0x73: {  	_ =	shalt  }
0x74: {  	_ =	shalt  }
0x75: {  	_ =	shalt  }
0x76: {  	_ =	shalt  }
0x77: {  	_ =	shalt  }
0x78: {  	_ =	shalt  }
0x79: {  	_ =	shalt  }
0x7a: {  	_ =	shalt  }
0x7b: {  	_ =	shalt  }
0x7c: {  	_ =	shalt  }
0x7d: {  	_ =	shalt  }
0x7e: {  	_ =	shalt  }
0x7f: {  	_ =	shalt  }
0x80: {  	_ =	shalt  }
0x81: {  	_ =	shalt  }
0x82: {  	_ =	shalt  }
0x83: {  	_ =	shalt  }
0x84: {  	_ =	shalt  }
0x85: {  	_ =	shalt  }
0x86: {  	_ =	shalt  }
0x87: {  	_ =	shalt  }
.Lfunc_end0:
.L_simem_size_0:
called_computation.5_lowered:
.L_overlay_start_0:
0x88: {  	s2 =	sld [smem:$0x3FD9]  }
0x89: {  	s3 =	sld [smem:$0x3FFE];
	_ =	sdelay $0x1  }
0x8a: {  	s1 =	srdreg.scid  }
0x8b: {  	s0 =	sand.u32 $0x1, s1  }
0x8c: {  	s17 =	sshll.u32 s0, $0xA;
	s2 =	sadd.s32 s3, s2  }
0x8d: {  	s2 =	sadd.s32 s2, s17  }
0x8e: {  	[smem:$0x3FB3] =	sst s2  }
0x8f: {  	_ = 	snop  }
0x90: {  	(tm) =	ssettm $0x1  }
0x91: {  	s18 =	sld [smem:$0x3FFB];
	_ =	sdelay $0x3  }
0x92: {  	_ =	strace s18  }
0x93: {  	s2 =	sld [smem:$0x3FFC];
	_ =	sdelay $0x3  }
0x94: {  	_ =	strace s2  }
0x95: {  	s2 =	sld [smem:$0x3FFD];
	_ =	sdelay $0x3  }
0x96: {  	_ =	strace s2  }
0x97: {  	_ =	strace $0x8FFFFFFF  }
0x98: {  	s19 =	sld [smem:$0x3FDB];
	_ =	sdelay $0x1  }
0x99: {  	s20 =	simm.s32 $_scs_section_size  }
0x9a: {  	s4 =	simm.s32 $_size__tile_overlayer_lowered;
	s5 =	simm.s32 $_tile_overlayer_lowered  }
0x9b: {  	s6 =	simm.s32 $0x1BFF;
	s21 =	sshll.u32 s5, $0x1;
	s3 =	sadd.s32 s20, s19  }
0x9c: {  	s22 =	simm.s32 $0x0;
	s4 =	sshll.u32 s4, $0x1;
	s5 =	sadd.s32 s21, s3  }
0x9d: {  	[timem:s22], [sflag:s6] =	dma.local [hbm:s5], s4  }
0x9e: {  	_ =	swait.ge [sflag:s6], s4  }
0x9f: {  	s4 =	ssub.s32 $0x0, s4;
	[sflag:s6] =	ssyncset.done $0x0  }
0xa0: {  	[sflag:s6] =	ssyncadd.s32 s4;
	_ =	sdelay $0x1  }
0xa1: {  	s23 =	simm.s32 $0x1B8B  }
0xa2: {  	_ =	swait.ge [sflag:s23], $0x1  }
0xa3: {  	[sflag:s23] =	ssyncset.done $0x0  }
0xa4: {  	[sflag:s23] =	ssyncadd.s32 $0xFFFFFFFF  }
0xa5: {  	s4 =	sld [smem:$0x0]  }
0xa6: {  	s5 =	sand.u32 $0xFFFFFFFE, s1  }
0xa7: {  	p0 =	sne.s32 s1, s5  }
0xa8: {  	s5 =	sshll.u32 @p0 s5, $0xE  }
0xa9: {  	s5 =	sadd.s32 @p0 $0x11B8D, s5;
	s6 =	sshll.u32 @p0 s4, $0x11  }
0xaa: {  	s5 =	sor.u32 @p0 s6, s5  }
0xab: {  	[sflag:s5] =	ssyncadd.remote.s32 @p0 $0x1;
	_ =	sdelay $0x1  }
0xac: {  	s5 =	simm.s32 @p0 $0x1B8D  }
0xad: {  	_ =	swait.eq @p0 [sflag:s5], $0x1  }
0xae: {  	[sflag:s5] =	ssyncadd.s32 @p0 $0xFFFFFFFF  }
0xaf: {  	s6 =	sshll.u32 @!p0 s1, $0xE  }
0xb0: {  	s6 =	sor.u32 @!p0 $0x4000, s6;
	s5 =	simm.s32 @!p0 $0x1B8D  }
0xb1: {  	s4 =	sshll.u32 @!p0 s4, $0x11;
	s6 =	sadd.s32 @!p0 $0x11B8D, s6;
	_ =	swait.eq @!p0 [sflag:s5], $0x1  }
0xb2: {  	s4 =	sor.u32 @!p0 s4, s6;
	[sflag:s5] =	ssyncadd.s32 @!p0 $0xFFFFFFFF  }
0xb3: {  	s25 =	simm.s32 $0x1B8E;
	s24 =	sld [smem:$0x3FFE];
	[sflag:s4] =	ssyncadd.remote.s32 @!p0 $0x1  }
0xb4: {  	s26 =	simm.s32 $execute0_lowered;
	[smem:$0x3FD2] =	sst s25  }
0xb5: {  	s5 =	sshll.u32 s26, $0x1;
	_ =	strace $0x8000005B;
	[dreg:$0x1] =	wrdreg $0xFFFFFFFF  }
0xb6: {  	s28 =	simm.s32 $_size_execute0_lowered;
	s3 =	sadd.s32 s3, s5;
	[dreg:$0x0] =	wrdreg $0x0  }
0xb7: {  	s5 =	sshll.u32 s28, $0x1;
	[dreg:$0x2] =	wrdreg s3  }
0xb8: {  	[dreg:$0x3] =	wrdreg s5  }
0xb9: {  	[dreg:$0x4] =	wrdreg $0xC0  }
0xba: {  	_ =	task [dreg:s22], $0x5FFFF  }
0xbb: {  	[dreg:$0x1] =	wrdreg $0xFFFFFFFF  }
0xbc: {  	[dreg:$0x0] =	wrdreg $0x60  }
0xbd: {  	[dreg:$0x2] =	wrdreg s24  }
0xbe: {  	[dreg:$0x3] =	wrdreg $0x79000  }
0xbf: {  	[dreg:$0x4] =	wrdreg $0x9  }
0xc0: {  	_ =	task.clear_ibuf [dreg:s22], $0x5FFFF;
	_ =	strace $0x9000005B  }
0xc1: {  	s29 =	simm.s32 $0x9;
	_ =	strace $0x8000005D  }
0xc2: {  	_ =	swait.ge [sflag:s29], $0x1  }
0xc3: {  	[sflag:s29] =	ssyncadd.s32 $0xFFFFFFFF  }
0xc4: {  	_ =	strace $0x9000005D  }
0xc5: {  	_ =	sfence  }
0xc6: {  	s30 =	sld [smem:$0x0];
	_ =	sdelay $0x2  }
0xc7: {  	s31 =	sshll.u32 s1, $0xD;
	s1 =	sshrl.u32 s1, $0x2  }
0xc8: {  	s4 =	sand.u32 $0x4000, s31;
	s1 =	sadd.s32 s1, s30  }
0xc9: {  	s0 =	sor.u32 s4, s0;
	s1 =	sshll.u32 s1, $0x11  }
0xca: {  	s0 =	sor.u32 s1, s0  }
0xcb: {  	s0 =	sadd.s32 $0x8F2B, s0  }
0xcc: {  	[sflag:s0] =	ssyncadd.remote.s32 $0x1  }
0xcd: {  	_ =	sfence.sel $0xFFFF  }
0xce: {  	[dreg:$0x0] =	wrdreg $0xFFFFFFFF;
	(pc) =	sbr.abs _section_cstart, $3  }
0xcf: {  	[dreg:$0x1] =	wrdreg $0xFFFFFFFF  }
0xd0: {  	_ =	task.clear_ibuf [dreg:s22], $0x2FFFF;
	_ =	strace $0x9FFFFFFF  }
0xd1: {  	(tm) =	ssettm $0x7FFFFFFF  }
tec
execute0_lowered:
.L_overlay_start_1:
0x0: {  	(tag) =	ssettag $0x1  }
0x1: {  	s0 =	rddreg [dreg:$0x0]  }
0x2: {  	s2 =	rddreg [dreg:$0x1]  }
0x3: {  	s1 =	stileid.u32;
	s3 =	simm.s32 $0x0;
	s5 =	srdreg.scid  }
0x4: {  	s28 =	simm.s32 $0x4;
	s29 =	simm.s32 $0x0;
	s4 =	smul.u32 $0x14000, s1  }
0x5: {  	[smem:$0x7FF] =	sst s3;
	s13 =	sand.u32 $0x1, s5;
	s7 =	smul.u32 $0x50000, s1  }
0x6: {  	s14 =	sadd.s32 $0x527400, s0;
	s17 =	sadd.s32 $0x5A00, s0;
	s15 =	smul.u32 $0x2EE00, s1  }
0x7: {  	s24 =	sshll.u32 s1, $0x1;
	s25 =	sshll.u32 s1, $0x6;
	s16 =	smul.u32 $0x2EE0, s1  }
0x8: {  	_ =	strace $0x8000005C;
	s6 =	smul.u32 $0x140000, s13;
	s8 =	ssub.s32 $0x2, s13  }
0x9: {  	s19 =	smul.u32 $0x1770, s13;
	s23 =	sshrl.u32 s4, $0x3;
	s9 =	sshrl.u32 s8, $0x1  }
0xa: {  	s7 =	sshrl.u32 s7, $0x2;
	s15 =	sadd.s32 s15, s14;
	s5 =	sadd.s32 s23, s0  }
0xb: {  	s4 =	sadd.s32 s4, s6;
	s6 =	sor.u32 s13, s24;
	s9 =	ssub.s32 s8, s9  }
0xc: {  	s18 =	sadd.s32 s7, s2;
	s16 =	sadd.s32 s19, s16;
	s11 =	smul.u32 $0x1770, s6  }
0xd: {  	s19 =	simm.s32 $0x5;
	s4 =	sshrl.u32 s4, $0x3;
	s10 =	smul.u32 $0x17700, s6  }
0xe: {  	s9 =	smax.u32 s9, $0x1;
	s23 =	sadd.s32 $0x258, s16;
	s18 =	sshrl.u32 s18, $0x3  }
0xf: {  	s0 =	sadd.s32 s4, s0;
	s4 =	sadd.s32 $0x4FF400, s5;
	s5 =	sor.u32 $0x1C05, s25  }
0x10: {  	s24 =	sshrl.u32 s23, $0x3;
	s25 =	sadd.s32 $0x1E0, s16;
	s23 =	simm.s32 $0x80  }
0x11: {  	s26 =	sshrl.u32 s11, $0x3;
	s7 =	sadd.s32 s14, s10;
	s12 =	sadd.s32 $0x78, s11  }
0x12: {  	s8 =	sadd.s32 $0x61800, s0;
	s31 =	sadd.s32 $0xF0, s11;
	s6 =	sadd.s32 s17, s26  }
0x13: {  	s30 =	sshrl.u32 s12, $0x3;
	s20 =	sshll.u32 s12, $0x4;
	s21 =	sshrl.u32 s31, $0x3  }
0x14: {  	s0 =	sshll.u32 s31, $0x4;
	s26 =	sshrl.u32 s25, $0x3;
	s25 =	simm.s32 $0x2  }
0x15: {  	s10 =	sadd.s32 s17, s30;
	s11 =	sadd.s32 s14, s20;
	s12 =	sadd.s32 s17, s21  }
0x16: {  	s20 =	smul.u32 $0x17700, s13;
	s13 =	sadd.s32 s14, s0;
	s0 =	sadd.s32 s24, s17  }
0x17: {  	s30 =	sadd.s32 $0x168, s16;
	s16 =	sadd.s32 s26, s17;
	s21 =	simm.s32 $0x1  }
0x18: {  	s24 =	simm.s32 $0x3D00;
	s26 =	simm.s32 $0x3;
	s31 =	sshrl.u32 s30, $0x3  }
0x19: {  	s22 =	sadd.s32 s20, s15;
	s15 =	sadd.s32 $0xFFFFFFE2, s0;
	s17 =	sadd.s32 s31, s17  }
0x1a: {  	s20 =	simm.s32 $0x100;
	s14 =	sadd.s32 $0x1680, s22;
	s22 =	simm.s32 $0x78  }
.LBB2_1:
0x1b: {  	[spmem:s18], [sflag:s5] =	dma.local [hbm:s4], $0x2800  }
0x1c: {  	_ =	swait.ge [sflag:s19], $0x2800  }
0x1d: {  	[sflag:s19] =	ssyncset.done $0x0  }
0x1e: {  	[sflag:s19] =	ssyncadd.s32 $0xFFFFD800  }
0x1f: {  	[bflag:$0x0] =	sbarrier.arrive $0xFFFF  }
0x20: {  	[tilespmem:s3], [sflag:$0x5] =	stream.linear.gather [hbm4b:s6+s3], $0x78, $0x38;
	[tilespmem:$0x1B900] =	vst v63  }
0x21: {  	_ =	swait.ge [sflag:s19], $0x78  }
0x22: {  	[sflag:s19] =	ssyncset.done $0x0  }
0x23: {  	[sflag:s19] =	ssyncadd.s32 $0xFFFFFF88  }
0x24: {  	[tilespmem:s20], [sflag:$0x1] =	stream.linear.gather [hbm4b:s7+s3], $0x3C00, $0x38;
	[tilespmem:$0x1B900] =	vst v63  }
0x25: {  	_ =	swait.ge [sflag:s21], $0x3C00  }
0x26: {  	[sflag:s21] =	ssyncset.done $0x0  }
0x27: {  	[sflag:s21] =	ssyncadd.s32 $0xFFFFC400  }
0x28: {  	[spmem:s2] =	stream.indirect.scatter.add.f32 [tilespmem:s20], [sflag:$0x3], $0x80, s3, s22, $0xb8;
	[tilespmem:$0x1B900] =	vst v63  }
0x29: {  	_ = 	snop  }
0x2a: {  	[tilespmem:s23], [sflag:$0x5] =	stream.linear.gather [hbm4b:s10+s3], $0x78, $0x38;
	[tilespmem:$0x1B900] =	vst v63  }
0x2b: {  	_ =	swait.ge [sflag:s19], $0x78  }
0x2c: {  	[sflag:s19] =	ssyncset.done $0x0  }
0x2d: {  	[sflag:s19] =	ssyncadd.s32 $0xFFFFFF88  }
0x2e: {  	[tilespmem:s24], [sflag:$0x2] =	stream.linear.gather [hbm4b:s11+s3], $0x3C00, $0x38;
	[tilespmem:$0x1B900] =	vst v63  }
0x2f: {  	_ =	swait.ge [sflag:s25], $0x3C00  }
0x30: {  	[sflag:s25] =	ssyncset.done $0x0  }
0x31: {  	[sflag:s25] =	ssyncadd.s32 $0xFFFFC400  }
0x32: {  	_ =	swait.ge [sflag:s26], $0x3C00  }
0x33: {  	[sflag:s26] =	ssyncset.done $0x0  }
0x34: {  	[sflag:s26] =	ssyncadd.s32 $0xFFFFC400  }
0x35: {  	[spmem:s2] =	stream.indirect.scatter.add.f32 [tilespmem:s24], [sflag:$0x4], $0x80, s23, s22, $0xb8;
	[tilespmem:$0x1B900] =	vst v63  }
0x36: {  	_ = 	snop  }
0x37: {  	[tilespmem:s3], [sflag:$0x5] =	stream.linear.gather [hbm4b:s12+s3], $0x78, $0x38;
	[tilespmem:$0x1B900] =	vst v63  }
0x38: {  	_ =	swait.ge [sflag:s19], $0x78  }
0x39: {  	[sflag:s19] =	ssyncset.done $0x0  }
0x3a: {  	[sflag:s19] =	ssyncadd.s32 $0xFFFFFF88  }
0x3b: {  	[tilespmem:s20], [sflag:$0x1] =	stream.linear.gather [hbm4b:s13+s3], $0x3C00, $0x38;
	[tilespmem:$0x1B900] =	vst v63  }
0x3c: {  	_ =	swait.ge [sflag:s21], $0x3C00  }
0x3d: {  	[sflag:s21] =	ssyncset.done $0x0  }
0x3e: {  	[sflag:s21] =	ssyncadd.s32 $0xFFFFC400  }
0x3f: {  	_ =	swait.ge [sflag:s28], $0x3C00  }
0x40: {  	[sflag:s28] =	ssyncset.done $0x0  }
0x41: {  	[sflag:s28] =	ssyncadd.s32 $0xFFFFC400  }
0x42: {  	[spmem:s2] =	stream.indirect.scatter.add.f32 [tilespmem:s20], [sflag:$0x3], $0x80, s3, s22, $0xb8;
	[tilespmem:$0x1B900] =	vst v63  }
0x43: {  	s0 =	sadd.s32 $0x0, s17  }
0x44: {  	[tilespmem:s23], [sflag:$0x5] =	stream.linear.gather [hbm4b:s0+s3], $0x78, $0x38;
	[tilespmem:$0x1B900] =	vst v63  }
0x45: {  	_ =	swait.ge [sflag:s19], $0x78  }
0x46: {  	[sflag:s19] =	ssyncset.done $0x0  }
0x47: {  	[sflag:s19] =	ssyncadd.s32 $0xFFFFFF88  }
0x48: {  	[tilespmem:s24], [sflag:$0x2] =	stream.linear.gather [hbm4b:s14+s3], $0x3C00, $0x38;
	[tilespmem:$0x1B900] =	vst v63  }
0x49: {  	_ =	swait.ge [sflag:s25], $0x3C00  }
0x4a: {  	[sflag:s25] =	ssyncset.done $0x0  }
0x4b: {  	[sflag:s25] =	ssyncadd.s32 $0xFFFFC400  }
0x4c: {  	_ =	swait.ge [sflag:s26], $0x3C00  }
0x4d: {  	[sflag:s26] =	ssyncset.done $0x0  }
0x4e: {  	[sflag:s26] =	ssyncadd.s32 $0xFFFFC400  }
0x4f: {  	[spmem:s2] =	stream.indirect.scatter.add.f32 [tilespmem:s24], [sflag:$0x4], $0x80, s23, s22, $0xb8;
	[tilespmem:$0x1B900] =	vst v63  }
0x50: {  	s1 =	sadd.s32 $0x0, s16  }
0x51: {  	[tilespmem:s3], [sflag:$0x5] =	stream.linear.gather [hbm4b:s1+s3], $0x78, $0x38;
	[tilespmem:$0x1B900] =	vst v63  }
0x52: {  	_ =	swait.ge [sflag:s19], $0x78  }
0x53: {  	s31 =	simm.s32 $0x1E;
	[sflag:s19] =	ssyncset.done $0x0  }
0x54: {  	s30 =	sadd.s32 $0xF00, s14;
	s0 =	sadd.s32 $0x780, s14;
	[sflag:s19] =	ssyncadd.s32 $0xFFFFFF88  }
.LBB2_2:
0x55: {  	[tilespmem:s20], [sflag:$0x1] =	stream.linear.gather [hbm4b:s0+s3], $0x3C00, $0x38;
	[tilespmem:$0x1B900] =	vst v63  }
0x56: {  	s0 =	smov.u32 s31;
	s31 =	sadd.s32 $0x1E, s31;
	_ =	swait.ge [sflag:s21], $0x3C00  }
0x57: {  	p0 =	sne.s32 s31, $0x2B2;
	[sflag:s21] =	ssyncset.done $0x0  }
0x58: {  	[sflag:s21] =	ssyncadd.s32 $0xFFFFC400  }
0x59: {  	_ =	swait.ge [sflag:s28], $0x3C00  }
0x5a: {  	[sflag:s28] =	ssyncset.done $0x0  }
0x5b: {  	[sflag:s28] =	ssyncadd.s32 $0xFFFFC400  }
0x5c: {  	[spmem:s2] =	stream.indirect.scatter.add.f32 [tilespmem:s20], [sflag:$0x3], $0x80, s3, s22, $0xb8;
	[tilespmem:$0x1B900] =	vst v63  }
0x5d: {  	s1 =	sadd.s32 s0, s17  }
0x5e: {  	[tilespmem:s23], [sflag:$0x5] =	stream.linear.gather [hbm4b:s1+s3], $0x78, $0x38;
	[tilespmem:$0x1B900] =	vst v63  }
0x5f: {  	_ =	swait.ge [sflag:s19], $0x78  }
0x60: {  	[sflag:s19] =	ssyncset.done $0x0  }
0x61: {  	[sflag:s19] =	ssyncadd.s32 $0xFFFFFF88  }
0x62: {  	[tilespmem:s24], [sflag:$0x2] =	stream.linear.gather [hbm4b:s30+s3], $0x3C00, $0x38;
	[tilespmem:$0x1B900] =	vst v63  }
0x63: {  	_ =	swait.ge [sflag:s25], $0x3C00  }
0x64: {  	[sflag:s25] =	ssyncset.done $0x0  }
0x65: {  	[sflag:s25] =	ssyncadd.s32 $0xFFFFC400  }
0x66: {  	_ =	swait.ge [sflag:s26], $0x3C00  }
0x67: {  	[sflag:s26] =	ssyncset.done $0x0  }
0x68: {  	[sflag:s26] =	ssyncadd.s32 $0xFFFFC400  }
0x69: {  	[spmem:s2] =	stream.indirect.scatter.add.f32 [tilespmem:s24], [sflag:$0x4], $0x80, s23, s22, $0xb8;
	[tilespmem:$0x1B900] =	vst v63  }
.Ltmp0:
0x6a: {  	s0 =	sadd.s32 s0, s16;
	(pc) =	sbr.rel @p0 .LBB2_2-.Ltmp0, $4  }
0x6b: {  	[tilespmem:s3], [sflag:$0x5] =	stream.linear.gather [hbm4b:s0+s3], $0x78, $0x38;
	[tilespmem:$0x1B900] =	vst v63  }
0x6c: {  	_ =	swait.ge [sflag:s19], $0x78  }
0x6d: {  	[sflag:s19] =	ssyncset.done $0x0  }
0x6e: {  	s0 =	sadd.s32 $0x780, s30;
	s30 =	sadd.s32 $0xF00, s30;
	[sflag:s19] =	ssyncadd.s32 $0xFFFFFF88  }
0x6f: {  	[tilespmem:s20], [sflag:$0x1] =	stream.linear.gather [hbm4b:s0+s3], $0x3C00, $0x38;
	[tilespmem:$0x1B900] =	vst v63  }
0x70: {  	_ =	swait.ge [sflag:s21], $0x3C00  }
0x71: {  	[sflag:s21] =	ssyncset.done $0x0  }
0x72: {  	[sflag:s21] =	ssyncadd.s32 $0xFFFFC400  }
0x73: {  	_ =	swait.ge [sflag:s28], $0x3C00  }
0x74: {  	[sflag:s28] =	ssyncset.done $0x0  }
0x75: {  	[sflag:s28] =	ssyncadd.s32 $0xFFFFC400  }
0x76: {  	[spmem:s2] =	stream.indirect.scatter.add.f32 [tilespmem:s20], [sflag:$0x3], $0x80, s3, s22, $0xb8;
	[tilespmem:$0x1B900] =	vst v63  }
0x77: {  	s31 =	sadd.s32 s31, s15  }
0x78: {  	[tilespmem:s23], [sflag:$0x5] =	stream.linear.gather [hbm4b:s31+s3], $0x78, $0x38;
	[tilespmem:$0x1B900] =	vst v63  }
0x79: {  	_ =	swait.ge [sflag:s19], $0x78  }
0x7a: {  	[sflag:s19] =	ssyncset.done $0x0  }
0x7b: {  	[sflag:s19] =	ssyncadd.s32 $0xFFFFFF88  }
0x7c: {  	[tilespmem:s24], [sflag:$0x2] =	stream.linear.gather [hbm4b:s30+s3], $0x3C00, $0x38;
	[tilespmem:$0x1B900] =	vst v63  }
0x7d: {  	_ =	swait.ge [sflag:s25], $0x3C00  }
0x7e: {  	[sflag:s25] =	ssyncset.done $0x0  }
0x7f: {  	[sflag:s25] =	ssyncadd.s32 $0xFFFFC400  }
0x80: {  	_ =	swait.ge [sflag:s26], $0x3C00  }
0x81: {  	[sflag:s26] =	ssyncset.done $0x0  }
0x82: {  	[sflag:s26] =	ssyncadd.s32 $0xFFFFC400  }
0x83: {  	[spmem:s2] =	stream.indirect.scatter.add.f32 [tilespmem:s24], [sflag:$0x4], $0x80, s23, s22, $0xb8;
	[tilespmem:$0x1B900] =	vst v63  }
0x84: {  	_ =	swait.ge [sflag:s28], $0x3C00  }
0x85: {  	s29 =	sadd.s32 $0x1, s29;
	[sflag:s28] =	ssyncset.done $0x0  }
0x86: {  	p0 =	sne.s32 s29, s9;
	[sflag:s28] =	ssyncadd.s32 $0xFFFFC400  }
.Ltmp1:
0x87: {  	[bflag:$0x0] =	sbarrier.arrive $0xFFFF;
	(pc) =	sbr.rel @p0 .LBB2_1-.Ltmp1, $4  }
0x88: {  	[hbm:s8], [sflag:s5] =	dma.local [spmem:s18], $0x2800  }
0x89: {  	_ =	swait.ge [sflag:s19], $0x2800  }
0x8a: {  	[sflag:s19] =	ssyncset.done $0x0  }
0x8b: {  	[sflag:s19] =	ssyncadd.s32 $0xFFFFD800  }
0x8c: {  	_ =	sfence.sel $0x180000  }
0x8d: {  	[bflag:$0x0] =	sbarrier.arrive $0xFFFF  }
0x8e: {  	_ =	strace $0x9000005C  }
0x8f: {  	s0 =	stileid.u32;
	[bflag:$0x2] =	sbarrier.arrive $0xFFFF  }
0x90: {  	p0 =	sne.s32 s0, $0x0;
	s0 =	rddreg [dreg:$0x2]  }
0x91: {  	s0 =	sadd.s32 @!p0 $0x100000, s0  }
0x92: {  	[sflag:s0] =	ssyncadd.tile.s32 @!p0 $0x1;
	_ =	shalt  }
.Lfunc_end2:
_tile_overlayer_lowered:
.L_overlay_start_2:
0x93: {  	(tag) =	ssettag $0x2  }
0x94: {  	s0 =	rddreg [dreg:$0x0];
	s2 =	stileid.u32  }
0x95: {  	s1 =	rddreg [dreg:$0x1];
	p0 =	sne.s32 s2, $0x0  }
0x96: {  	s3 =	rddreg [dreg:$0x2];
	[bflag:$0x3] =	sbarrier.arrive $0xFFFF;
	s2 =	simm.s32 @!p0 $0x1C05  }
0x97: {  	[timem:s3], [sflag:s2] =	dma.local @!p0 [hbm:s0], s1  }
0x98: {  	s0 =	simm.s32 @!p0 $0x5  }
0x99: {  	_ =	swait.ge @!p0 [sflag:s0], s1  }
0x9a: {  	s1 =	ssub.s32 @!p0 $0x0, s1;
	[sflag:s0] =	ssyncset.done @!p0 $0x0  }
0x9b: {  	[sflag:s0] =	ssyncadd.s32 @!p0 s1  }
0x9c: {  	[bflag:$0x3] =	sbarrier.arrive $0xFFFF  }
0x9d: {  	_ =	shalt  }

// kernel: kernel.39.cloned.1.call-start
scs
__scs_entry_jumppad:
0x0: {  	(pc) =	sbr.rel $0x88, $3  }
0x1: {  	(tag) =	ssettag $0x0;
	lr =	simm.s32 $0x1  }
0x2: {  	[smem:$0x3F8C] =	sst lr;
	_ =	strace $0xD0000000  }
0x3: {  	_ = 	snop  }
0x4: {  	_ = 	snop  }
0x5: {  	_ = 	snop  }
0x6: {  	_ = 	snop  }
0x7: {  	_ = 	snop  }
__scs_overlays_trampoline_lowered:
0x8: {  	[smem:$0x3F9B] =	sst s0  }
0x9: {  	[smem:$0x3F9C] =	sst s1  }
0xa: {  	[smem:$0x3F9D] =	sst s2  }
0xb: {  	[smem:$0x3F9E] =	sst s3  }
0xc: {  	[smem:$0x3F9F] =	sst s4  }
0xd: {  	[smem:$0x3FA0] =	sst s5  }
0xe: {  	[smem:$0x3FA1] =	sst s6  }
0xf: {  	[smem:$0x3FA2] =	sst s7  }
0x10: {  	[smem:$0x3FA3] =	sst s8  }
0x11: {  	[smem:$0x3FA4] =	sst s9;
	s0 =	simm.s32 @!p0 $0x0  }
0x12: {  	s1 =	sld [smem:$0x3F8A];
	s0 =	simm.s32 @p0 $0x1  }
0x13: {  	[smem:$0x3FA5] =	sst s0;
	s0 =	simm.s32 @!p1 $0x0  }
0x14: {  	s2 =	sld [smem:$0x3F89];
	s0 =	simm.s32 @p1 $0x1  }
0x15: {  	[smem:$0x3FA6] =	sst s0;
	s0 =	simm.s32 @!p2 $0x0  }
0x16: {  	s3 =	sld [smem:$0x3FDB];
	s0 =	simm.s32 @p2 $0x1  }
0x17: {  	s4 =	simm.s32 $0x1BF5;
	[smem:$0x3FA8] =	sst s0  }
0x18: {  	s0 =	sld [smem:$0x3F8B];
	_ =	swait.ge [sflag:s4], $0x0  }
0x19: {  	s7 =	sld [smem:$0x3F8C]  }
0x1a: {  	s8 =	sadd.s32 $0xFFFFE003, lr  }
0x1b: {  	s9 =	sadd.s32 $0xFFFFFEF7, lr;
	s5 =	simm.s32 $0xFFFFFFFF;
	p2 =	slt.u32 s8, $0xFFFFF086  }
0x1c: {  	p1 =	slt.u32 s9, $0xF7A;
	s5 =	simm.s32 @!p2 $0x0  }
0x1d: {  	s5 =	simm.s32 @p1 $0x1;
	p0 =	seq.s32 s7, s2  }
0x1e: {  	s7 =	smul.u32 @!p0 $0xF7A, s2;
	p2 =	seq.s32 @!p0 s5, $0x0  }
0x1f: {  	s9 =	smul.u32 $0xF7A, s1;
	s8 =	simm.s32 @!p0 $0x1BF5;
	p2 =	por !p2, p0  }
0x20: {  	[sflag:s8] =	ssyncset.s32 @!p0 $0xFFFFF086;
	s6 =	sadd.s32 @!p0 s3, s7;
	s7 =	simm.s32 @!p0 $0x108  }
0x21: {  	s3 =	sadd.s32 s3, s9;
	s6 =	sadd.s32 @!p0 $0x88, s6;
	s7 =	simm.s32 @p2 $0x1082  }
0x22: {  	[simem:s7], [sflag:s8] =	dma.local @!p0 [hbm:s6], $0xF7A  }
0x23: {  	s9 =	sor.u32 $0xD0000000, s2;
	s6 =	simm.s32 $0x108;
	_ =	swait.ge @!p0 [sflag:s8], $0x0  }
0x24: {  	s3 =	sadd.s32 $0x88, s3;
	s6 =	simm.s32 @!p1 $0x1082;
	[sflag:s4] =	ssyncset.s32 $0xFFFFF086  }
0x25: {  	[simem:s6], [sflag:s4] =	dma.local [hbm:s3], $0xF7A  }
0x26: {  	[smem:$0x3F8C] =	sst s1;
	(tag) =	ssettag s2;
	_ =	strace s9  }
0x27: {  	s1 =	sld [smem:$0x3F9C]  }
0x28: {  	s2 =	sld [smem:$0x3F9D]  }
0x29: {  	s4 =	sld [smem:$0x3F9F]  }
0x2a: {  	p0 =	seq.s32 s5, $0x0;
	s5 =	sld [smem:$0x3FA0]  }
0x2b: {  	s6 =	sld [smem:$0x3FA1]  }
0x2c: {  	s7 =	sld [smem:$0x3FA2]  }
0x2d: {  	s3 =	simm.s32 $0x108;
	s8 =	sld [smem:$0x3FA3]  }
0x2e: {  	s3 =	simm.s32 @!p0 $0x1082;
	s9 =	sld [smem:$0x3FA4]  }
0x2f: {  	lr =	sadd.s32 s0, s3;
	s0 =	sld [smem:$0x3F9B]  }
0x30: {  	s3 =	sld [smem:$0x3F9E]  }
0x31: {  	[smem:$0x3FA7] =	sst s10  }
0x32: {  	s10 =	sld [smem:$0x3FA5];
	_ =	sdelay $0x3  }
0x33: {  	p0 =	seq.s32 s10, $0x1;
	s10 =	sld [smem:$0x3FA7];
	_ =	sdelay $0x3  }
0x34: {  	[smem:$0x3FA7] =	sst s10  }
0x35: {  	s10 =	sld [smem:$0x3FA6];
	_ =	sdelay $0x3  }
0x36: {  	p1 =	seq.s32 s10, $0x1;
	s10 =	sld [smem:$0x3FA7];
	_ =	sdelay $0x3  }
0x37: {  	[smem:$0x3FA7] =	sst s10  }
0x38: {  	s10 =	sld [smem:$0x3FA8]  }
0x39: {  	_ = 	snop;
	(pc) =	sbr.ind lr, $3  }
0x3a: {  	_ = 	snop  }
0x3b: {  	_ = 	snop  }
0x3c: {  	p2 =	seq.s32 s10, $0x1;
	s10 =	sld [smem:$0x3FA7]  }
0x3d: {  	_ =	shalt  }
0x3e: {  	_ =	shalt  }
0x3f: {  	_ =	shalt  }
0x40: {  	_ =	shalt  }
0x41: {  	_ =	shalt  }
0x42: {  	_ =	shalt  }
0x43: {  	_ =	shalt  }
0x44: {  	_ =	shalt  }
0x45: {  	_ =	shalt  }
0x46: {  	_ =	shalt  }
0x47: {  	_ =	shalt  }
0x48: {  	_ =	shalt  }
0x49: {  	_ =	shalt  }
0x4a: {  	_ =	shalt  }
0x4b: {  	_ =	shalt  }
0x4c: {  	_ =	shalt  }
0x4d: {  	_ =	shalt  }
0x4e: {  	_ =	shalt  }
0x4f: {  	_ =	shalt  }
0x50: {  	_ =	shalt  }
0x51: {  	_ =	shalt  }
0x52: {  	_ =	shalt  }
0x53: {  	_ =	shalt  }
0x54: {  	_ =	shalt  }
0x55: {  	_ =	shalt  }
0x56: {  	_ =	shalt  }
0x57: {  	_ =	shalt  }
0x58: {  	_ =	shalt  }
0x59: {  	_ =	shalt  }
0x5a: {  	_ =	shalt  }
0x5b: {  	_ =	shalt  }
0x5c: {  	_ =	shalt  }
0x5d: {  	_ =	shalt  }
0x5e: {  	_ =	shalt  }
0x5f: {  	_ =	shalt  }
0x60: {  	_ =	shalt  }
0x61: {  	_ =	shalt  }
0x62: {  	_ =	shalt  }
0x63: {  	_ =	shalt  }
0x64: {  	_ =	shalt  }
0x65: {  	_ =	shalt  }
0x66: {  	_ =	shalt  }
0x67: {  	_ =	shalt  }
0x68: {  	_ =	shalt  }
0x69: {  	_ =	shalt  }
0x6a: {  	_ =	shalt  }
0x6b: {  	_ =	shalt  }
0x6c: {  	_ =	shalt  }
0x6d: {  	_ =	shalt  }
0x6e: {  	_ =	shalt  }
0x6f: {  	_ =	shalt  }
0x70: {  	_ =	shalt  }
0x71: {  	_ =	shalt  }
0x72: {  	_ =	shalt  }
0x73: {  	_ =	shalt  }
0x74: {  	_ =	shalt  }
0x75: {  	_ =	shalt  }
0x76: {  	_ =	shalt  }
0x77: {  	_ =	shalt  }
0x78: {  	_ =	shalt  }
0x79: {  	_ =	shalt  }
0x7a: {  	_ =	shalt  }
0x7b: {  	_ =	shalt  }
0x7c: {  	_ =	shalt  }
0x7d: {  	_ =	shalt  }
0x7e: {  	_ =	shalt  }
0x7f: {  	_ =	shalt  }
0x80: {  	_ =	shalt  }
0x81: {  	_ =	shalt  }
0x82: {  	_ =	shalt  }
0x83: {  	_ =	shalt  }
0x84: {  	_ =	shalt  }
0x85: {  	_ =	shalt  }
0x86: {  	_ =	shalt  }
0x87: {  	_ =	shalt  }
.Lfunc_end0:
.L_simem_size_0:
called_computation.6_lowered:
.L_overlay_start_0:
0x88: {  	s2 =	sld [smem:$0x3FD9]  }
0x89: {  	s3 =	sld [smem:$0x3FFE];
	_ =	sdelay $0x1  }
0x8a: {  	s1 =	srdreg.scid  }
0x8b: {  	s0 =	sand.u32 $0x1, s1  }
0x8c: {  	s16 =	sshll.u32 s0, $0xA;
	s2 =	sadd.s32 s3, s2  }
0x8d: {  	s2 =	sadd.s32 s2, s16  }
0x8e: {  	[smem:$0x3FB3] =	sst s2  }
0x8f: {  	_ = 	snop  }
0x90: {  	(tm) =	ssettm $0x1  }
0x91: {  	s17 =	sld [smem:$0x3FFB];
	_ =	sdelay $0x3  }
0x92: {  	_ =	strace s17  }
0x93: {  	s2 =	sld [smem:$0x3FFC];
	_ =	sdelay $0x3  }
0x94: {  	_ =	strace s2  }
0x95: {  	s2 =	sld [smem:$0x3FFD];
	_ =	sdelay $0x3  }
0x96: {  	_ =	strace s2  }
0x97: {  	_ =	strace $0x8FFFFFFF  }
0x98: {  	s18 =	sld [smem:$0x3FDB];
	_ =	sdelay $0x1  }
0x99: {  	s19 =	simm.s32 $_scs_section_size  }
0x9a: {  	s4 =	simm.s32 $_size__tile_overlayer_lowered;
	s5 =	simm.s32 $_tile_overlayer_lowered  }
0x9b: {  	s22 =	simm.s32 $0x1BFF;
	s21 =	sshll.u32 s5, $0x1;
	s2 =	sadd.s32 s19, s18  }
0x9c: {  	s6 =	simm.s32 $0x0;
	s20 =	sshll.u32 s4, $0x1;
	s4 =	sadd.s32 s21, s2  }
0x9d: {  	[timem:s6], [sflag:s22] =	dma.local [hbm:s4], s20  }
0x9e: {  	_ =	swait.ge [sflag:s22], s20  }
0x9f: {  	s3 =	ssub.s32 $0x0, s20;
	[sflag:s22] =	ssyncset.done $0x0  }
0xa0: {  	[sflag:s22] =	ssyncadd.s32 s3;
	_ =	sdelay $0x1  }
0xa1: {  	s23 =	simm.s32 $0x1B8B  }
0xa2: {  	_ =	swait.ge [sflag:s23], $0x1  }
0xa3: {  	[sflag:s23] =	ssyncset.done $0x0  }
0xa4: {  	s25 =	simm.s32 $0x1B8E;
	s24 =	sld [smem:$0x3FFE];
	[sflag:s23] =	ssyncadd.s32 $0xFFFFFFFF  }
0xa5: {  	s26 =	simm.s32 $execute0_lowered;
	[smem:$0x3FD2] =	sst s25  }
0xa6: {  	s4 =	sshll.u32 s26, $0x1;
	_ =	strace $0x80000052;
	[dreg:$0x1] =	wrdreg $0xFFFFFFFF  }
0xa7: {  	s28 =	simm.s32 $_size_execute0_lowered;
	s2 =	sadd.s32 s2, s4;
	[dreg:$0x0] =	wrdreg $0x0  }
0xa8: {  	s4 =	sshll.u32 s28, $0x1;
	[dreg:$0x2] =	wrdreg s2  }
0xa9: {  	[dreg:$0x3] =	wrdreg s4  }
0xaa: {  	[dreg:$0x4] =	wrdreg $0xC0  }
0xab: {  	_ =	task [dreg:s6], $0x5FFFF  }
0xac: {  	[dreg:$0x1] =	wrdreg $0xFFFFFFFF  }
0xad: {  	[dreg:$0x0] =	wrdreg $0x60  }
0xae: {  	[dreg:$0x2] =	wrdreg s24  }
0xaf: {  	[dreg:$0x3] =	wrdreg $0xA  }
0xb0: {  	_ =	task.clear_ibuf [dreg:s6], $0x4FFFF;
	_ =	strace $0x90000052  }
0xb1: {  	s29 =	simm.s32 $0xA;
	_ =	strace $0x80000054  }
0xb2: {  	_ =	swait.ge [sflag:s29], $0x1  }
0xb3: {  	[sflag:s29] =	ssyncadd.s32 $0xFFFFFFFF  }
0xb4: {  	_ =	strace $0x90000054  }
0xb5: {  	_ =	sfence  }
0xb6: {  	s30 =	sld [smem:$0x0];
	_ =	sdelay $0x2  }
0xb7: {  	s31 =	sshll.u32 s1, $0xD;
	s1 =	sshrl.u32 s1, $0x2  }
0xb8: {  	s3 =	sand.u32 $0x4000, s31;
	s1 =	sadd.s32 s1, s30  }
0xb9: {  	s0 =	sor.u32 s3, s0;
	s1 =	sshll.u32 s1, $0x11  }
0xba: {  	s0 =	sor.u32 s1, s0  }
0xbb: {  	s0 =	sadd.s32 $0x8F2B, s0  }
0xbc: {  	[sflag:s0] =	ssyncadd.remote.s32 $0x1  }
0xbd: {  	_ =	sfence.sel $0xFFFF  }
0xbe: {  	[dreg:$0x0] =	wrdreg $0xFFFFFFFF;
	(pc) =	sbr.abs _section_cstart, $3  }
0xbf: {  	[dreg:$0x1] =	wrdreg $0xFFFFFFFF  }
0xc0: {  	_ =	task.clear_ibuf [dreg:s6], $0x2FFFF;
	_ =	strace $0x9FFFFFFF  }
0xc1: {  	(tm) =	ssettm $0x7FFFFFFF  }
tec
execute0_lowered:
.L_overlay_start_1:
0x0: {  	(tag) =	ssettag $0x1  }
0x1: {  	s4 =	rddreg [dreg:$0x0];
	s2 =	simm.s32 $0x0  }
0x2: {  	s3 =	srdreg.scid;
	s1 =	stileid.u32;
	s17 =	simm.s32 $0x100  }
0x3: {  	s18 =	simm.s32 $0x1;
	s19 =	simm.s32 $0x2900;
	s20 =	simm.s32 $0x6  }
0x4: {  	s21 =	simm.s32 $0x2;
	s22 =	simm.s32 $0x4;
	s23 =	simm.s32 $0x3  }
0x5: {  	s24 =	simm.s32 $0x0;
	[smem:$0x7FF] =	sst s2;
	s10 =	smul.u32 $0x1F40, s1  }
0x6: {  	s11 =	sand.u32 $0x1, s3;
	s26 =	sshll.u32 s1, $0x1;
	s15 =	smul.u32 $0x1F400, s1  }
0x7: {  	s3 =	sadd.s32 $0x527400, s4;
	s13 =	sadd.s32 $0xD800, s4;
	s14 =	smul.u32 $0xFA0, s11  }
0x8: {  	s5 =	ssub.s32 $0x2, s11;
	s6 =	sor.u32 s11, s26;
	s11 =	smul.u32 $0xFA00, s11  }
0x9: {  	s12 =	sadd.s32 $0x11800, s4;
	s7 =	sshrl.u32 s5, $0x1;
	s8 =	smul.u32 $0xFA0, s6  }
0xa: {  	_ =	strace $0x80000053;
	s29 =	smul.u32 $0xFA00, s6;
	s7 =	ssub.s32 s5, s7  }
0xb: {  	s14 =	sadd.s32 s14, s10;
	s28 =	sshrl.u32 s8, $0x3;
	s9 =	sadd.s32 $0x50, s8  }
0xc: {  	s6 =	smax.u32 s7, $0x1;
	s7 =	sadd.s32 s12, s29;
	s16 =	sadd.s32 $0x140, s14  }
0xd: {  	s14 =	sadd.s32 $0x190, s14;
	s4 =	sadd.s32 s13, s28;
	s30 =	sshrl.u32 s9, $0x3  }
.Ltmp0:
0xe: {  	s9 =	sshll.u32 s9, $0x4;
	s31 =	sshrl.u32 s16, $0x3;
	(pc) =	sbr.rel .LBB2_1-.Ltmp0, $4  }
0xf: {  	s14 =	sshrl.u32 s14, $0x3;
	s16 =	simm.s32 $0x50;
	s5 =	sadd.s32 s13, s30  }
0x10: {  	s8 =	sadd.s32 $0x14, s4;
	s9 =	sadd.s32 s12, s9;
	s12 =	sadd.s32 s15, s12  }
0x11: {  	s10 =	sadd.s32 $0x1E, s4;
	s15 =	simm.s32 $0x80;
	s11 =	sadd.s32 s11, s12  }
0x12: {  	s12 =	sadd.s32 s31, s13;
	s13 =	sadd.s32 s14, s13;
	s14 =	simm.s32 $0x5  }
.LBB2_4:
0x13: {  	s24 =	sadd.s32 $0x1, s24  }
0x14: {  	_ =	swait.ge [sflag:s23], $0x2800;
	p0 =	sne.s32 s24, s6  }
.Ltmp1:
0x15: {  	[sflag:s23] =	ssyncset.done $0x0;
	(pc) =	sbr.rel @!p0 .LBB2_5-.Ltmp1, $4  }
0x16: {  	[sflag:s23] =	ssyncadd.s32 $0xFFFFD800  }
0x17: {  	_ =	swait.ge [sflag:s22], $0x2800  }
0x18: {  	[sflag:s22] =	ssyncset.done $0x0  }
0x19: {  	[sflag:s22] =	ssyncadd.s32 $0xFFFFD800  }
.LBB2_1:
0x1a: {  	[tilespmem:s2], [sflag:$0x5] =	stream.linear.gather [hbm4b:s4+s2], $0x50, $0x38;
	[tilespmem:$0x5100] =	vst v63  }
0x1b: {  	_ =	swait.ge [sflag:s14], $0x50  }
0x1c: {  	[sflag:s14] =	ssyncset.done $0x0  }
0x1d: {  	[sflag:s14] =	ssyncadd.s32 $0xFFFFFFB0  }
0x1e: {  	[tilespmem:s15], [sflag:$0x5] =	stream.linear.gather [hbm4b:s5+s2], $0x50, $0x38;
	[tilespmem:$0x5100] =	vst v63  }
0x1f: {  	_ =	swait.ge [sflag:s14], $0x50  }
0x20: {  	[sflag:s14] =	ssyncset.done $0x0  }
0x21: {  	[sflag:s14] =	ssyncadd.s32 $0xFFFFFFB0  }
0x22: {  	[tilespmem:s17], [sflag:$0x1] =	stream.indirect.gather [hbm4b:s3+s16], $0x80, s2, s16, $0xb8;
	[tilespmem:$0x5100] =	vst v63  }
0x23: {  	_ =	swait.ge [sflag:s18], $0x2800  }
0x24: {  	[sflag:s18] =	ssyncset.done $0x0  }
0x25: {  	[sflag:s18] =	ssyncadd.s32 $0xFFFFD800  }
0x26: {  	[hbm4b:s7+s2] =	stream.linear.scatter [tilespmem:s17], [sflag:$0x3], $0x2800, $0x38;
	[tilespmem:$0x5100] =	vst v63  }
0x27: {  	_ = 	snop  }
0x28: {  	[tilespmem:s19], [sflag:$0x2] =	stream.indirect.gather [hbm4b:s3+s16], $0x80, s15, s16, $0xb8;
	[tilespmem:$0x5100] =	vst v63  }
0x29: {  	_ = 	snop  }
0x2a: {  	[tilespmem:s2], [sflag:$0x6] =	stream.linear.gather [hbm4b:s8+s2], $0x50, $0x38;
	[tilespmem:$0x5100] =	vst v63  }
0x2b: {  	_ =	swait.ge [sflag:s20], $0x50  }
0x2c: {  	[sflag:s20] =	ssyncset.done $0x0  }
0x2d: {  	[sflag:s20] =	ssyncadd.s32 $0xFFFFFFB0  }
0x2e: {  	_ =	swait.ge [sflag:s21], $0x2800  }
0x2f: {  	[sflag:s21] =	ssyncset.done $0x0  }
0x30: {  	[sflag:s21] =	ssyncadd.s32 $0xFFFFD800  }
0x31: {  	[hbm4b:s9+s2] =	stream.linear.scatter [tilespmem:s19], [sflag:$0x4], $0x2800, $0x38;
	[tilespmem:$0x5100] =	vst v63  }
0x32: {  	_ =	swait.ge [sflag:s23], $0x2800  }
0x33: {  	[sflag:s23] =	ssyncset.done $0x0  }
0x34: {  	[sflag:s23] =	ssyncadd.s32 $0xFFFFD800  }
0x35: {  	[tilespmem:s17], [sflag:$0x1] =	stream.indirect.gather [hbm4b:s3+s16], $0x80, s2, s16, $0xb8;
	[tilespmem:$0x5100] =	vst v63  }
0x36: {  	_ = 	snop  }
0x37: {  	[tilespmem:s15], [sflag:$0x5] =	stream.linear.gather [hbm4b:s10+s2], $0x50, $0x38;
	[tilespmem:$0x5100] =	vst v63  }
0x38: {  	_ =	swait.ge [sflag:s14], $0x50  }
0x39: {  	s25 =	simm.s32 $0x3;
	s26 =	smov.u32 s13;
	[sflag:s14] =	ssyncset.done $0x0  }
0x3a: {  	s28 =	smov.u32 s12;
	s29 =	simm.s32 $0x0;
	[sflag:s14] =	ssyncadd.s32 $0xFFFFFFB0  }
.LBB2_2:
0x3b: {  	_ =	swait.ge [sflag:s18], $0x2800  }
0x3c: {  	s30 =	sadd.s32 s29, s11;
	[sflag:s18] =	ssyncset.done $0x0  }
0x3d: {  	s31 =	sadd.s32 $0xA00, s30;
	[sflag:s18] =	ssyncadd.s32 $0xFFFFD800  }
0x3e: {  	[hbm4b:s31+s2] =	stream.linear.scatter [tilespmem:s17], [sflag:$0x3], $0x2800, $0x38;
	[tilespmem:$0x5100] =	vst v63  }
0x3f: {  	_ =	swait.ge [sflag:s22], $0x2800  }
0x40: {  	[sflag:s22] =	ssyncset.done $0x0  }
0x41: {  	p0 =	seq.s32 s29, $0xE600;
	[sflag:s22] =	ssyncadd.s32 $0xFFFFD800  }
0x42: {  	[tilespmem:s19], [sflag:$0x2] =	stream.indirect.gather [hbm4b:s3+s16], $0x80, s15, s16, $0xb8;
	[tilespmem:$0x5100] =	vst v63  }
0x43: {  	s31 =	simm.s32 @!p0 $0x0  }
0x44: {  	[tilespmem:s31], [sflag:$0x6] =	stream.linear.gather @!p0 [hbm4b:s28+s31], $0x50, $0x38;
	[tilespmem:$0x5100] =	vst v63  }
0x45: {  	s31 =	simm.s32 @!p0 $0x6  }
0x46: {  	_ =	swait.ge @!p0 [sflag:s31], $0x50  }
0x47: {  	[sflag:s31] =	ssyncset.done @!p0 $0x0  }
0x48: {  	[sflag:s31] =	ssyncadd.s32 @!p0 $0xFFFFFFB0  }
0x49: {  	_ =	swait.ge [sflag:s21], $0x2800  }
0x4a: {  	[sflag:s21] =	ssyncset.done $0x0  }
0x4b: {  	p1 =	sgt.u32 s25, $0x30;
	s30 =	sadd.s32 $0xF00, s30;
	[sflag:s21] =	ssyncadd.s32 $0xFFFFD800  }
0x4c: {  	[hbm4b:s30+s2] =	stream.linear.scatter [tilespmem:s19], [sflag:$0x4], $0x2800, $0x38;
	[tilespmem:$0x5100] =	vst v63  }
.Ltmp2:
0x4d: {  	s30 =	simm.s32 @!p1 $0x3;
	(pc) =	sbr.rel @p0 .LBB2_4-.Ltmp2, $4  }
0x4e: {  	_ =	swait.ge @!p1 [sflag:s30], $0x2800  }
0x4f: {  	s0 =	simm.s32 @!p1 $0x100;
	[sflag:s30] =	ssyncset.done @!p1 $0x0  }
0x50: {  	s31 =	simm.s32 @!p1 $0x0;
	[sflag:s30] =	ssyncadd.s32 @!p1 $0xFFFFD800;
	s30 =	simm.s32 @!p1 $0x50  }
0x51: {  	[tilespmem:s0], [sflag:$0x1] =	stream.indirect.gather @!p1 [hbm4b:s3+s30], $0x80, s31, s30, $0xb8;
	[tilespmem:$0x5100] =	vst v63  }
.Ltmp3:
0x52: {  	(pc) =	sbr.rel .LBB2_2-.Ltmp3, $4  }
0x53: {  	[tilespmem:s15], [sflag:$0x5] =	stream.linear.gather [hbm4b:s26+s2], $0x50, $0x38;
	[tilespmem:$0x5100] =	vst v63  }
0x54: {  	_ =	swait.ge [sflag:s14], $0x50  }
0x55: {  	s29 =	sadd.s32 $0xA00, s29;
	s28 =	sadd.s32 $0x14, s28;
	[sflag:s14] =	ssyncset.done $0x0  }
0x56: {  	s26 =	sadd.s32 $0x14, s26;
	s25 =	sadd.s32 $0x2, s25;
	[sflag:s14] =	ssyncadd.s32 $0xFFFFFFB0  }
.LBB2_5:
0x57: {  	_ =	sfence.sel $0x180000  }
0x58: {  	[bflag:$0x0] =	sbarrier.arrive $0xFFFF  }
0x59: {  	_ =	strace $0x90000053  }
0x5a: {  	[bflag:$0x2] =	sbarrier.arrive $0xFFFF  }
0x5b: {  	p0 =	sne.s32 s1, $0x0;
	s0 =	rddreg [dreg:$0x1]  }
0x5c: {  	s0 =	sadd.s32 @!p0 $0x100000, s0  }
0x5d: {  	[sflag:s0] =	ssyncadd.tile.s32 @!p0 $0x1;
	_ =	shalt  }
.Lfunc_end2:
_tile_overlayer_lowered:
.L_overlay_start_2:
0x5e: {  	(tag) =	ssettag $0x2  }
0x5f: {  	s0 =	rddreg [dreg:$0x0];
	s2 =	stileid.u32  }
0x60: {  	s1 =	rddreg [dreg:$0x1];
	p0 =	sne.s32 s2, $0x0  }
0x61: {  	s3 =	rddreg [dreg:$0x2];
	[bflag:$0x3] =	sbarrier.arrive $0xFFFF;
	s2 =	simm.s32 @!p0 $0x1C05  }
0x62: {  	[timem:s3], [sflag:s2] =	dma.local @!p0 [hbm:s0], s1  }
0x63: {  	s0 =	simm.s32 @!p0 $0x5  }
0x64: {  	_ =	swait.ge @!p0 [sflag:s0], s1  }
0x65: {  	s1 =	ssub.s32 @!p0 $0x0, s1;
	[sflag:s0] =	ssyncset.done @!p0 $0x0  }
0x66: {  	[sflag:s0] =	ssyncadd.s32 @!p0 s1  }
0x67: {  	[bflag:$0x3] =	sbarrier.arrive $0xFFFF  }
0x68: {  	_ =	shalt  }

// kernel: kernel.42.cloned.1.call-start
scs
__scs_entry_jumppad:
0x0: {  	(pc) =	sbr.rel $0x88, $3  }
0x1: {  	(tag) =	ssettag $0x0;
	lr =	simm.s32 $0x1  }
0x2: {  	[smem:$0x3F8C] =	sst lr;
	_ =	strace $0xD0000000  }
0x3: {  	_ = 	snop  }
0x4: {  	_ = 	snop  }
0x5: {  	_ = 	snop  }
0x6: {  	_ = 	snop  }
0x7: {  	_ = 	snop  }
__scs_overlays_trampoline_lowered:
0x8: {  	[smem:$0x3F9B] =	sst s0  }
0x9: {  	[smem:$0x3F9C] =	sst s1  }
0xa: {  	[smem:$0x3F9D] =	sst s2  }
0xb: {  	[smem:$0x3F9E] =	sst s3  }
0xc: {  	[smem:$0x3F9F] =	sst s4  }
0xd: {  	[smem:$0x3FA0] =	sst s5  }
0xe: {  	[smem:$0x3FA1] =	sst s6  }
0xf: {  	[smem:$0x3FA2] =	sst s7  }
0x10: {  	[smem:$0x3FA3] =	sst s8  }
0x11: {  	[smem:$0x3FA4] =	sst s9;
	s0 =	simm.s32 @!p0 $0x0  }
0x12: {  	s1 =	sld [smem:$0x3F8A];
	s0 =	simm.s32 @p0 $0x1  }
0x13: {  	[smem:$0x3FA5] =	sst s0;
	s0 =	simm.s32 @!p1 $0x0  }
0x14: {  	s2 =	sld [smem:$0x3F89];
	s0 =	simm.s32 @p1 $0x1  }
0x15: {  	[smem:$0x3FA6] =	sst s0;
	s0 =	simm.s32 @!p2 $0x0  }
0x16: {  	s3 =	sld [smem:$0x3FDB];
	s0 =	simm.s32 @p2 $0x1  }
0x17: {  	s4 =	simm.s32 $0x1BF5;
	[smem:$0x3FA8] =	sst s0  }
0x18: {  	s0 =	sld [smem:$0x3F8B];
	_ =	swait.ge [sflag:s4], $0x0  }
0x19: {  	s7 =	sld [smem:$0x3F8C]  }
0x1a: {  	s8 =	sadd.s32 $0xFFFFE003, lr  }
0x1b: {  	s9 =	sadd.s32 $0xFFFFFEF7, lr;
	s5 =	simm.s32 $0xFFFFFFFF;
	p2 =	slt.u32 s8, $0xFFFFF086  }
0x1c: {  	p1 =	slt.u32 s9, $0xF7A;
	s5 =	simm.s32 @!p2 $0x0  }
0x1d: {  	s5 =	simm.s32 @p1 $0x1;
	p0 =	seq.s32 s7, s2  }
0x1e: {  	s7 =	smul.u32 @!p0 $0xF7A, s2;
	p2 =	seq.s32 @!p0 s5, $0x0  }
0x1f: {  	s9 =	smul.u32 $0xF7A, s1;
	s8 =	simm.s32 @!p0 $0x1BF5;
	p2 =	por !p2, p0  }
0x20: {  	[sflag:s8] =	ssyncset.s32 @!p0 $0xFFFFF086;
	s6 =	sadd.s32 @!p0 s3, s7;
	s7 =	simm.s32 @!p0 $0x108  }
0x21: {  	s3 =	sadd.s32 s3, s9;
	s6 =	sadd.s32 @!p0 $0x88, s6;
	s7 =	simm.s32 @p2 $0x1082  }
0x22: {  	[simem:s7], [sflag:s8] =	dma.local @!p0 [hbm:s6], $0xF7A  }
0x23: {  	s9 =	sor.u32 $0xD0000000, s2;
	s6 =	simm.s32 $0x108;
	_ =	swait.ge @!p0 [sflag:s8], $0x0  }
0x24: {  	s3 =	sadd.s32 $0x88, s3;
	s6 =	simm.s32 @!p1 $0x1082;
	[sflag:s4] =	ssyncset.s32 $0xFFFFF086  }
0x25: {  	[simem:s6], [sflag:s4] =	dma.local [hbm:s3], $0xF7A  }
0x26: {  	[smem:$0x3F8C] =	sst s1;
	(tag) =	ssettag s2;
	_ =	strace s9  }
0x27: {  	s1 =	sld [smem:$0x3F9C]  }
0x28: {  	s2 =	sld [smem:$0x3F9D]  }
0x29: {  	s4 =	sld [smem:$0x3F9F]  }
0x2a: {  	p0 =	seq.s32 s5, $0x0;
	s5 =	sld [smem:$0x3FA0]  }
0x2b: {  	s6 =	sld [smem:$0x3FA1]  }
0x2c: {  	s7 =	sld [smem:$0x3FA2]  }
0x2d: {  	s3 =	simm.s32 $0x108;
	s8 =	sld [smem:$0x3FA3]  }
0x2e: {  	s3 =	simm.s32 @!p0 $0x1082;
	s9 =	sld [smem:$0x3FA4]  }
0x2f: {  	lr =	sadd.s32 s0, s3;
	s0 =	sld [smem:$0x3F9B]  }
0x30: {  	s3 =	sld [smem:$0x3F9E]  }
0x31: {  	[smem:$0x3FA7] =	sst s10  }
0x32: {  	s10 =	sld [smem:$0x3FA5];
	_ =	sdelay $0x3  }
0x33: {  	p0 =	seq.s32 s10, $0x1;
	s10 =	sld [smem:$0x3FA7];
	_ =	sdelay $0x3  }
0x34: {  	[smem:$0x3FA7] =	sst s10  }
0x35: {  	s10 =	sld [smem:$0x3FA6];
	_ =	sdelay $0x3  }
0x36: {  	p1 =	seq.s32 s10, $0x1;
	s10 =	sld [smem:$0x3FA7];
	_ =	sdelay $0x3  }
0x37: {  	[smem:$0x3FA7] =	sst s10  }
0x38: {  	s10 =	sld [smem:$0x3FA8]  }
0x39: {  	_ = 	snop;
	(pc) =	sbr.ind lr, $3  }
0x3a: {  	_ = 	snop  }
0x3b: {  	_ = 	snop  }
0x3c: {  	p2 =	seq.s32 s10, $0x1;
	s10 =	sld [smem:$0x3FA7]  }
0x3d: {  	_ =	shalt  }
0x3e: {  	_ =	shalt  }
0x3f: {  	_ =	shalt  }
0x40: {  	_ =	shalt  }
0x41: {  	_ =	shalt  }
0x42: {  	_ =	shalt  }
0x43: {  	_ =	shalt  }
0x44: {  	_ =	shalt  }
0x45: {  	_ =	shalt  }
0x46: {  	_ =	shalt  }
0x47: {  	_ =	shalt  }
0x48: {  	_ =	shalt  }
0x49: {  	_ =	shalt  }
0x4a: {  	_ =	shalt  }
0x4b: {  	_ =	shalt  }
0x4c: {  	_ =	shalt  }
0x4d: {  	_ =	shalt  }
0x4e: {  	_ =	shalt  }
0x4f: {  	_ =	shalt  }
0x50: {  	_ =	shalt  }
0x51: {  	_ =	shalt  }
0x52: {  	_ =	shalt  }
0x53: {  	_ =	shalt  }
0x54: {  	_ =	shalt  }
0x55: {  	_ =	shalt  }
0x56: {  	_ =	shalt  }
0x57: {  	_ =	shalt  }
0x58: {  	_ =	shalt  }
0x59: {  	_ =	shalt  }
0x5a: {  	_ =	shalt  }
0x5b: {  	_ =	shalt  }
0x5c: {  	_ =	shalt  }
0x5d: {  	_ =	shalt  }
0x5e: {  	_ =	shalt  }
0x5f: {  	_ =	shalt  }
0x60: {  	_ =	shalt  }
0x61: {  	_ =	shalt  }
0x62: {  	_ =	shalt  }
0x63: {  	_ =	shalt  }
0x64: {  	_ =	shalt  }
0x65: {  	_ =	shalt  }
0x66: {  	_ =	shalt  }
0x67: {  	_ =	shalt  }
0x68: {  	_ =	shalt  }
0x69: {  	_ =	shalt  }
0x6a: {  	_ =	shalt  }
0x6b: {  	_ =	shalt  }
0x6c: {  	_ =	shalt  }
0x6d: {  	_ =	shalt  }
0x6e: {  	_ =	shalt  }
0x6f: {  	_ =	shalt  }
0x70: {  	_ =	shalt  }
0x71: {  	_ =	shalt  }
0x72: {  	_ =	shalt  }
0x73: {  	_ =	shalt  }
0x74: {  	_ =	shalt  }
0x75: {  	_ =	shalt  }
0x76: {  	_ =	shalt  }
0x77: {  	_ =	shalt  }
0x78: {  	_ =	shalt  }
0x79: {  	_ =	shalt  }
0x7a: {  	_ =	shalt  }
0x7b: {  	_ =	shalt  }
0x7c: {  	_ =	shalt  }
0x7d: {  	_ =	shalt  }
0x7e: {  	_ =	shalt  }
0x7f: {  	_ =	shalt  }
0x80: {  	_ =	shalt  }
0x81: {  	_ =	shalt  }
0x82: {  	_ =	shalt  }
0x83: {  	_ =	shalt  }
0x84: {  	_ =	shalt  }
0x85: {  	_ =	shalt  }
0x86: {  	_ =	shalt  }
0x87: {  	_ =	shalt  }
.Lfunc_end0:
.L_simem_size_0:
called_computation.7_lowered:
.L_overlay_start_0:
0x88: {  	s2 =	sld [smem:$0x3FD9]  }
0x89: {  	s3 =	sld [smem:$0x3FFE];
	_ =	sdelay $0x1  }
0x8a: {  	s1 =	srdreg.scid  }
0x8b: {  	s0 =	sand.u32 $0x1, s1  }
0x8c: {  	s17 =	sshll.u32 s0, $0xA;
	s2 =	sadd.s32 s3, s2  }
0x8d: {  	s2 =	sadd.s32 s2, s17  }
0x8e: {  	[smem:$0x3FB3] =	sst s2  }
0x8f: {  	_ = 	snop  }
0x90: {  	(tm) =	ssettm $0x1  }
0x91: {  	s18 =	sld [smem:$0x3FFB];
	_ =	sdelay $0x3  }
0x92: {  	_ =	strace s18  }
0x93: {  	s2 =	sld [smem:$0x3FFC];
	_ =	sdelay $0x3  }
0x94: {  	_ =	strace s2  }
0x95: {  	s2 =	sld [smem:$0x3FFD];
	_ =	sdelay $0x3  }
0x96: {  	_ =	strace s2  }
0x97: {  	_ =	strace $0x8FFFFFFF  }
0x98: {  	s19 =	sld [smem:$0x3FDB];
	_ =	sdelay $0x1  }
0x99: {  	s20 =	simm.s32 $_scs_section_size  }
0x9a: {  	s4 =	simm.s32 $_size__tile_overlayer_lowered;
	s5 =	simm.s32 $_tile_overlayer_lowered  }
0x9b: {  	s6 =	simm.s32 $0x1BFF;
	s21 =	sshll.u32 s5, $0x1;
	s3 =	sadd.s32 s20, s19  }
0x9c: {  	s22 =	simm.s32 $0x0;
	s4 =	sshll.u32 s4, $0x1;
	s5 =	sadd.s32 s21, s3  }
0x9d: {  	[timem:s22], [sflag:s6] =	dma.local [hbm:s5], s4  }
0x9e: {  	_ =	swait.ge [sflag:s6], s4  }
0x9f: {  	s4 =	ssub.s32 $0x0, s4;
	[sflag:s6] =	ssyncset.done $0x0  }
0xa0: {  	[sflag:s6] =	ssyncadd.s32 s4;
	_ =	sdelay $0x1  }
0xa1: {  	s23 =	simm.s32 $0x1B8B  }
0xa2: {  	_ =	swait.ge [sflag:s23], $0x1  }
0xa3: {  	[sflag:s23] =	ssyncset.done $0x0  }
0xa4: {  	[sflag:s23] =	ssyncadd.s32 $0xFFFFFFFF  }
0xa5: {  	s4 =	sld [smem:$0x0]  }
0xa6: {  	s5 =	sand.u32 $0xFFFFFFFE, s1  }
0xa7: {  	p0 =	sne.s32 s1, s5  }
0xa8: {  	s5 =	sshll.u32 @p0 s5, $0xE  }
0xa9: {  	s5 =	sadd.s32 @p0 $0x11B8D, s5;
	s6 =	sshll.u32 @p0 s4, $0x11  }
0xaa: {  	s5 =	sor.u32 @p0 s6, s5  }
0xab: {  	[sflag:s5] =	ssyncadd.remote.s32 @p0 $0x1;
	_ =	sdelay $0x1  }
0xac: {  	s5 =	simm.s32 @p0 $0x1B8D  }
0xad: {  	_ =	swait.eq @p0 [sflag:s5], $0x1  }
0xae: {  	[sflag:s5] =	ssyncadd.s32 @p0 $0xFFFFFFFF  }
0xaf: {  	s6 =	sshll.u32 @!p0 s1, $0xE  }
0xb0: {  	s6 =	sor.u32 @!p0 $0x4000, s6;
	s5 =	simm.s32 @!p0 $0x1B8D  }
0xb1: {  	s4 =	sshll.u32 @!p0 s4, $0x11;
	s6 =	sadd.s32 @!p0 $0x11B8D, s6;
	_ =	swait.eq @!p0 [sflag:s5], $0x1  }
0xb2: {  	s4 =	sor.u32 @!p0 s4, s6;
	[sflag:s5] =	ssyncadd.s32 @!p0 $0xFFFFFFFF  }
0xb3: {  	s25 =	simm.s32 $0x1B8E;
	s24 =	sld [smem:$0x3FFE];
	[sflag:s4] =	ssyncadd.remote.s32 @!p0 $0x1  }
0xb4: {  	s26 =	simm.s32 $execute0_lowered;
	[smem:$0x3FD2] =	sst s25  }
0xb5: {  	s5 =	sshll.u32 s26, $0x1;
	_ =	strace $0x80000058;
	[dreg:$0x1] =	wrdreg $0xFFFFFFFF  }
0xb6: {  	s28 =	simm.s32 $_size_execute0_lowered;
	s3 =	sadd.s32 s3, s5;
	[dreg:$0x0] =	wrdreg $0x0  }
0xb7: {  	s5 =	sshll.u32 s28, $0x1;
	[dreg:$0x2] =	wrdreg s3  }
0xb8: {  	[dreg:$0x3] =	wrdreg s5  }
0xb9: {  	[dreg:$0x4] =	wrdreg $0xC0  }
0xba: {  	_ =	task [dreg:s22], $0x5FFFF  }
0xbb: {  	[dreg:$0x1] =	wrdreg $0xFFFFFFFF  }
0xbc: {  	[dreg:$0x0] =	wrdreg $0x60  }
0xbd: {  	[dreg:$0x2] =	wrdreg s24  }
0xbe: {  	[dreg:$0x3] =	wrdreg $0x51000  }
0xbf: {  	[dreg:$0x4] =	wrdreg $0xA  }
0xc0: {  	_ =	task.clear_ibuf [dreg:s22], $0x5FFFF;
	_ =	strace $0x90000058  }
0xc1: {  	s29 =	simm.s32 $0xA;
	_ =	strace $0x8000005A  }
0xc2: {  	_ =	swait.ge [sflag:s29], $0x1  }
0xc3: {  	[sflag:s29] =	ssyncadd.s32 $0xFFFFFFFF  }
0xc4: {  	_ =	strace $0x9000005A  }
0xc5: {  	_ =	sfence  }
0xc6: {  	s30 =	sld [smem:$0x0];
	_ =	sdelay $0x2  }
0xc7: {  	s31 =	sshll.u32 s1, $0xD;
	s1 =	sshrl.u32 s1, $0x2  }
0xc8: {  	s4 =	sand.u32 $0x4000, s31;
	s1 =	sadd.s32 s1, s30  }
0xc9: {  	s0 =	sor.u32 s4, s0;
	s1 =	sshll.u32 s1, $0x11  }
0xca: {  	s0 =	sor.u32 s1, s0  }
0xcb: {  	s0 =	sadd.s32 $0x8F2B, s0  }
0xcc: {  	[sflag:s0] =	ssyncadd.remote.s32 $0x1  }
0xcd: {  	_ =	sfence.sel $0xFFFF  }
0xce: {  	[dreg:$0x0] =	wrdreg $0xFFFFFFFF;
	(pc) =	sbr.abs _section_cstart, $3  }
0xcf: {  	[dreg:$0x1] =	wrdreg $0xFFFFFFFF  }
0xd0: {  	_ =	task.clear_ibuf [dreg:s22], $0x2FFFF;
	_ =	strace $0x9FFFFFFF  }
0xd1: {  	(tm) =	ssettm $0x7FFFFFFF  }
tec
execute0_lowered:
.L_overlay_start_1:
0x0: {  	(tag) =	ssettag $0x1  }
0x1: {  	s0 =	rddreg [dreg:$0x0]  }
0x2: {  	s2 =	rddreg [dreg:$0x1]  }
0x3: {  	s1 =	stileid.u32;
	s3 =	simm.s32 $0x0;
	s5 =	srdreg.scid  }
0x4: {  	s28 =	simm.s32 $0x4;
	s29 =	simm.s32 $0x0;
	s4 =	smul.u32 $0x14000, s1  }
0x5: {  	[smem:$0x7FF] =	sst s3;
	s13 =	sand.u32 $0x1, s5;
	s7 =	smul.u32 $0x50000, s1  }
0x6: {  	s14 =	sadd.s32 $0x1C6F400, s0;
	s17 =	sadd.s32 $0xD800, s0;
	s15 =	smul.u32 $0x1F400, s1  }
0x7: {  	s24 =	sshll.u32 s1, $0x1;
	s25 =	sshll.u32 s1, $0x6;
	s16 =	smul.u32 $0x1F40, s1  }
0x8: {  	_ =	strace $0x80000059;
	s6 =	smul.u32 $0x140000, s13;
	s8 =	ssub.s32 $0x2, s13  }
0x9: {  	s19 =	smul.u32 $0xFA0, s13;
	s23 =	sshrl.u32 s4, $0x3;
	s9 =	sshrl.u32 s8, $0x1  }
0xa: {  	s7 =	sshrl.u32 s7, $0x2;
	s15 =	sadd.s32 s15, s14;
	s5 =	sadd.s32 s23, s0  }
0xb: {  	s4 =	sadd.s32 s4, s6;
	s6 =	sor.u32 s13, s24;
	s9 =	ssub.s32 s8, s9  }
0xc: {  	s18 =	sadd.s32 s7, s2;
	s16 =	sadd.s32 s19, s16;
	s11 =	smul.u32 $0xFA0, s6  }
0xd: {  	s19 =	simm.s32 $0x5;
	s4 =	sshrl.u32 s4, $0x3;
	s10 =	smul.u32 $0xFA00, s6  }
0xe: {  	s9 =	smax.u32 s9, $0x1;
	s23 =	sadd.s32 $0x190, s16;
	s18 =	sshrl.u32 s18, $0x3  }
0xf: {  	s0 =	sadd.s32 s4, s0;
	s4 =	sadd.s32 $0x4FF400, s5;
	s5 =	sor.u32 $0x1C05, s25  }
0x10: {  	s24 =	sshrl.u32 s23, $0x3;
	s25 =	sadd.s32 $0x140, s16;
	s23 =	simm.s32 $0x80  }
0x11: {  	s26 =	sshrl.u32 s11, $0x3;
	s7 =	sadd.s32 s14, s10;
	s12 =	sadd.s32 $0x50, s11  }
0x12: {  	s8 =	sadd.s32 $0x11800, s0;
	s31 =	sadd.s32 $0xA0, s11;
	s6 =	sadd.s32 s17, s26  }
0x13: {  	s30 =	sshrl.u32 s12, $0x3;
	s20 =	sshll.u32 s12, $0x4;
	s21 =	sshrl.u32 s31, $0x3  }
0x14: {  	s0 =	sshll.u32 s31, $0x4;
	s26 =	sshrl.u32 s25, $0x3;
	s25 =	simm.s32 $0x2  }
0x15: {  	s10 =	sadd.s32 s17, s30;
	s11 =	sadd.s32 s14, s20;
	s12 =	sadd.s32 s17, s21  }
0x16: {  	s20 =	smul.u32 $0xFA00, s13;
	s13 =	sadd.s32 s14, s0;
	s0 =	sadd.s32 s24, s17  }
0x17: {  	s30 =	sadd.s32 $0xF0, s16;
	s16 =	sadd.s32 s26, s17;
	s21 =	simm.s32 $0x1  }
0x18: {  	s24 =	simm.s32 $0x2900;
	s26 =	simm.s32 $0x3;
	s31 =	sshrl.u32 s30, $0x3  }
0x19: {  	s22 =	sadd.s32 s20, s15;
	s15 =	sadd.s32 $0xFFFFFFEC, s0;
	s17 =	sadd.s32 s31, s17  }
0x1a: {  	s20 =	simm.s32 $0x100;
	s14 =	sadd.s32 $0xF00, s22;
	s22 =	simm.s32 $0x50  }
.LBB2_1:
0x1b: {  	[spmem:s18], [sflag:s5] =	dma.local [hbm:s4], $0x2800  }
0x1c: {  	_ =	swait.ge [sflag:s19], $0x2800  }
0x1d: {  	[sflag:s19] =	ssyncset.done $0x0  }
0x1e: {  	[sflag:s19] =	ssyncadd.s32 $0xFFFFD800  }
0x1f: {  	[bflag:$0x0] =	sbarrier.arrive $0xFFFF  }
0x20: {  	[tilespmem:s3], [sflag:$0x5] =	stream.linear.gather [hbm4b:s6+s3], $0x50, $0x38;
	[tilespmem:$0x19100] =	vst v63  }
0x21: {  	_ =	swait.ge [sflag:s19], $0x50  }
0x22: {  	[sflag:s19] =	ssyncset.done $0x0  }
0x23: {  	[sflag:s19] =	ssyncadd.s32 $0xFFFFFFB0  }
0x24: {  	[tilespmem:s20], [sflag:$0x1] =	stream.linear.gather [hbm4b:s7+s3], $0x2800, $0x38;
	[tilespmem:$0x19100] =	vst v63  }
0x25: {  	_ =	swait.ge [sflag:s21], $0x2800  }
0x26: {  	[sflag:s21] =	ssyncset.done $0x0  }
0x27: {  	[sflag:s21] =	ssyncadd.s32 $0xFFFFD800  }
0x28: {  	[spmem:s2] =	stream.indirect.scatter.add.f32 [tilespmem:s20], [sflag:$0x3], $0x80, s3, s22, $0xb8;
	[tilespmem:$0x19100] =	vst v63  }
0x29: {  	_ = 	snop  }
0x2a: {  	[tilespmem:s23], [sflag:$0x5] =	stream.linear.gather [hbm4b:s10+s3], $0x50, $0x38;
	[tilespmem:$0x19100] =	vst v63  }
0x2b: {  	_ =	swait.ge [sflag:s19], $0x50  }
0x2c: {  	[sflag:s19] =	ssyncset.done $0x0  }
0x2d: {  	[sflag:s19] =	ssyncadd.s32 $0xFFFFFFB0  }
0x2e: {  	[tilespmem:s24], [sflag:$0x2] =	stream.linear.gather [hbm4b:s11+s3], $0x2800, $0x38;
	[tilespmem:$0x19100] =	vst v63  }
0x2f: {  	_ =	swait.ge [sflag:s25], $0x2800  }
0x30: {  	[sflag:s25] =	ssyncset.done $0x0  }
0x31: {  	[sflag:s25] =	ssyncadd.s32 $0xFFFFD800  }
0x32: {  	_ =	swait.ge [sflag:s26], $0x2800  }
0x33: {  	[sflag:s26] =	ssyncset.done $0x0  }
0x34: {  	[sflag:s26] =	ssyncadd.s32 $0xFFFFD800  }
0x35: {  	[spmem:s2] =	stream.indirect.scatter.add.f32 [tilespmem:s24], [sflag:$0x4], $0x80, s23, s22, $0xb8;
	[tilespmem:$0x19100] =	vst v63  }
0x36: {  	_ = 	snop  }
0x37: {  	[tilespmem:s3], [sflag:$0x5] =	stream.linear.gather [hbm4b:s12+s3], $0x50, $0x38;
	[tilespmem:$0x19100] =	vst v63  }
0x38: {  	_ =	swait.ge [sflag:s19], $0x50  }
0x39: {  	[sflag:s19] =	ssyncset.done $0x0  }
0x3a: {  	[sflag:s19] =	ssyncadd.s32 $0xFFFFFFB0  }
0x3b: {  	[tilespmem:s20], [sflag:$0x1] =	stream.linear.gather [hbm4b:s13+s3], $0x2800, $0x38;
	[tilespmem:$0x19100] =	vst v63  }
0x3c: {  	_ =	swait.ge [sflag:s21], $0x2800  }
0x3d: {  	[sflag:s21] =	ssyncset.done $0x0  }
0x3e: {  	[sflag:s21] =	ssyncadd.s32 $0xFFFFD800  }
0x3f: {  	_ =	swait.ge [sflag:s28], $0x2800  }
0x40: {  	[sflag:s28] =	ssyncset.done $0x0  }
0x41: {  	[sflag:s28] =	ssyncadd.s32 $0xFFFFD800  }
0x42: {  	[spmem:s2] =	stream.indirect.scatter.add.f32 [tilespmem:s20], [sflag:$0x3], $0x80, s3, s22, $0xb8;
	[tilespmem:$0x19100] =	vst v63  }
0x43: {  	s0 =	sadd.s32 $0x0, s17  }
0x44: {  	[tilespmem:s23], [sflag:$0x5] =	stream.linear.gather [hbm4b:s0+s3], $0x50, $0x38;
	[tilespmem:$0x19100] =	vst v63  }
0x45: {  	_ =	swait.ge [sflag:s19], $0x50  }
0x46: {  	[sflag:s19] =	ssyncset.done $0x0  }
0x47: {  	[sflag:s19] =	ssyncadd.s32 $0xFFFFFFB0  }
0x48: {  	[tilespmem:s24], [sflag:$0x2] =	stream.linear.gather [hbm4b:s14+s3], $0x2800, $0x38;
	[tilespmem:$0x19100] =	vst v63  }
0x49: {  	_ =	swait.ge [sflag:s25], $0x2800  }
0x4a: {  	[sflag:s25] =	ssyncset.done $0x0  }
0x4b: {  	[sflag:s25] =	ssyncadd.s32 $0xFFFFD800  }
0x4c: {  	_ =	swait.ge [sflag:s26], $0x2800  }
0x4d: {  	[sflag:s26] =	ssyncset.done $0x0  }
0x4e: {  	[sflag:s26] =	ssyncadd.s32 $0xFFFFD800  }
0x4f: {  	[spmem:s2] =	stream.indirect.scatter.add.f32 [tilespmem:s24], [sflag:$0x4], $0x80, s23, s22, $0xb8;
	[tilespmem:$0x19100] =	vst v63  }
0x50: {  	s1 =	sadd.s32 $0x0, s16  }
0x51: {  	[tilespmem:s3], [sflag:$0x5] =	stream.linear.gather [hbm4b:s1+s3], $0x50, $0x38;
	[tilespmem:$0x19100] =	vst v63  }
0x52: {  	_ =	swait.ge [sflag:s19], $0x50  }
0x53: {  	s31 =	simm.s32 $0x14;
	[sflag:s19] =	ssyncset.done $0x0  }
0x54: {  	s30 =	sadd.s32 $0xA00, s14;
	s0 =	sadd.s32 $0x500, s14;
	[sflag:s19] =	ssyncadd.s32 $0xFFFFFFB0  }
.LBB2_2:
0x55: {  	[tilespmem:s20], [sflag:$0x1] =	stream.linear.gather [hbm4b:s0+s3], $0x2800, $0x38;
	[tilespmem:$0x19100] =	vst v63  }
0x56: {  	s0 =	smov.u32 s31;
	s31 =	sadd.s32 $0x14, s31;
	_ =	swait.ge [sflag:s21], $0x2800  }
0x57: {  	p0 =	sne.s32 s31, $0x1CC;
	[sflag:s21] =	ssyncset.done $0x0  }
0x58: {  	[sflag:s21] =	ssyncadd.s32 $0xFFFFD800  }
0x59: {  	_ =	swait.ge [sflag:s28], $0x2800  }
0x5a: {  	[sflag:s28] =	ssyncset.done $0x0  }
0x5b: {  	[sflag:s28] =	ssyncadd.s32 $0xFFFFD800  }
0x5c: {  	[spmem:s2] =	stream.indirect.scatter.add.f32 [tilespmem:s20], [sflag:$0x3], $0x80, s3, s22, $0xb8;
	[tilespmem:$0x19100] =	vst v63  }
0x5d: {  	s1 =	sadd.s32 s0, s17  }
0x5e: {  	[tilespmem:s23], [sflag:$0x5] =	stream.linear.gather [hbm4b:s1+s3], $0x50, $0x38;
	[tilespmem:$0x19100] =	vst v63  }
0x5f: {  	_ =	swait.ge [sflag:s19], $0x50  }
0x60: {  	[sflag:s19] =	ssyncset.done $0x0  }
0x61: {  	[sflag:s19] =	ssyncadd.s32 $0xFFFFFFB0  }
0x62: {  	[tilespmem:s24], [sflag:$0x2] =	stream.linear.gather [hbm4b:s30+s3], $0x2800, $0x38;
	[tilespmem:$0x19100] =	vst v63  }
0x63: {  	_ =	swait.ge [sflag:s25], $0x2800  }
0x64: {  	[sflag:s25] =	ssyncset.done $0x0  }
0x65: {  	[sflag:s25] =	ssyncadd.s32 $0xFFFFD800  }
0x66: {  	_ =	swait.ge [sflag:s26], $0x2800  }
0x67: {  	[sflag:s26] =	ssyncset.done $0x0  }
0x68: {  	[sflag:s26] =	ssyncadd.s32 $0xFFFFD800  }
0x69: {  	[spmem:s2] =	stream.indirect.scatter.add.f32 [tilespmem:s24], [sflag:$0x4], $0x80, s23, s22, $0xb8;
	[tilespmem:$0x19100] =	vst v63  }
.Ltmp0:
0x6a: {  	s0 =	sadd.s32 s0, s16;
	(pc) =	sbr.rel @p0 .LBB2_2-.Ltmp0, $4  }
0x6b: {  	[tilespmem:s3], [sflag:$0x5] =	stream.linear.gather [hbm4b:s0+s3], $0x50, $0x38;
	[tilespmem:$0x19100] =	vst v63  }
0x6c: {  	_ =	swait.ge [sflag:s19], $0x50  }
0x6d: {  	[sflag:s19] =	ssyncset.done $0x0  }
0x6e: {  	s0 =	sadd.s32 $0x500, s30;
	s30 =	sadd.s32 $0xA00, s30;
	[sflag:s19] =	ssyncadd.s32 $0xFFFFFFB0  }
0x6f: {  	[tilespmem:s20], [sflag:$0x1] =	stream.linear.gather [hbm4b:s0+s3], $0x2800, $0x38;
	[tilespmem:$0x19100] =	vst v63  }
0x70: {  	_ =	swait.ge [sflag:s21], $0x2800  }
0x71: {  	[sflag:s21] =	ssyncset.done $0x0  }
0x72: {  	[sflag:s21] =	ssyncadd.s32 $0xFFFFD800  }
0x73: {  	_ =	swait.ge [sflag:s28], $0x2800  }
0x74: {  	[sflag:s28] =	ssyncset.done $0x0  }
0x75: {  	[sflag:s28] =	ssyncadd.s32 $0xFFFFD800  }
0x76: {  	[spmem:s2] =	stream.indirect.scatter.add.f32 [tilespmem:s20], [sflag:$0x3], $0x80, s3, s22, $0xb8;
	[tilespmem:$0x19100] =	vst v63  }
0x77: {  	s31 =	sadd.s32 s31, s15  }
0x78: {  	[tilespmem:s23], [sflag:$0x5] =	stream.linear.gather [hbm4b:s31+s3], $0x50, $0x38;
	[tilespmem:$0x19100] =	vst v63  }
0x79: {  	_ =	swait.ge [sflag:s19], $0x50  }
0x7a: {  	[sflag:s19] =	ssyncset.done $0x0  }
0x7b: {  	[sflag:s19] =	ssyncadd.s32 $0xFFFFFFB0  }
0x7c: {  	[tilespmem:s24], [sflag:$0x2] =	stream.linear.gather [hbm4b:s30+s3], $0x2800, $0x38;
	[tilespmem:$0x19100] =	vst v63  }
0x7d: {  	_ =	swait.ge [sflag:s25], $0x2800  }
0x7e: {  	[sflag:s25] =	ssyncset.done $0x0  }
0x7f: {  	[sflag:s25] =	ssyncadd.s32 $0xFFFFD800  }
0x80: {  	_ =	swait.ge [sflag:s26], $0x2800  }
0x81: {  	[sflag:s26] =	ssyncset.done $0x0  }
0x82: {  	[sflag:s26] =	ssyncadd.s32 $0xFFFFD800  }
0x83: {  	[spmem:s2] =	stream.indirect.scatter.add.f32 [tilespmem:s24], [sflag:$0x4], $0x80, s23, s22, $0xb8;
	[tilespmem:$0x19100] =	vst v63  }
0x84: {  	_ =	swait.ge [sflag:s28], $0x2800  }
0x85: {  	s29 =	sadd.s32 $0x1, s29;
	[sflag:s28] =	ssyncset.done $0x0  }
0x86: {  	p0 =	sne.s32 s29, s9;
	[sflag:s28] =	ssyncadd.s32 $0xFFFFD800  }
.Ltmp1:
0x87: {  	[bflag:$0x0] =	sbarrier.arrive $0xFFFF;
	(pc) =	sbr.rel @p0 .LBB2_1-.Ltmp1, $4  }
0x88: {  	[hbm:s8], [sflag:s5] =	dma.local [spmem:s18], $0x2800  }
0x89: {  	_ =	swait.ge [sflag:s19], $0x2800  }
0x8a: {  	[sflag:s19] =	ssyncset.done $0x0  }
0x8b: {  	[sflag:s19] =	ssyncadd.s32 $0xFFFFD800  }
0x8c: {  	_ =	sfence.sel $0x180000  }
0x8d: {  	[bflag:$0x0] =	sbarrier.arrive $0xFFFF  }
0x8e: {  	_ =	strace $0x90000059  }
0x8f: {  	s0 =	stileid.u32;
	[bflag:$0x2] =	sbarrier.arrive $0xFFFF  }
0x90: {  	p0 =	sne.s32 s0, $0x0;
	s0 =	rddreg [dreg:$0x2]  }
0x91: {  	s0 =	sadd.s32 @!p0 $0x100000, s0  }
0x92: {  	[sflag:s0] =	ssyncadd.tile.s32 @!p0 $0x1;
	_ =	shalt  }
.Lfunc_end2:
_tile_overlayer_lowered:
.L_overlay_start_2:
0x93: {  	(tag) =	ssettag $0x2  }
0x94: {  	s0 =	rddreg [dreg:$0x0];
	s2 =	stileid.u32  }
0x95: {  	s1 =	rddreg [dreg:$0x1];
	p0 =	sne.s32 s2, $0x0  }
0x96: {  	s3 =	rddreg [dreg:$0x2];
	[bflag:$0x3] =	sbarrier.arrive $0xFFFF;
	s2 =	simm.s32 @!p0 $0x1C05  }
0x97: {  	[timem:s3], [sflag:s2] =	dma.local @!p0 [hbm:s0], s1  }
0x98: {  	s0 =	simm.s32 @!p0 $0x5  }
0x99: {  	_ =	swait.ge @!p0 [sflag:s0], s1  }
0x9a: {  	s1 =	ssub.s32 @!p0 $0x0, s1;
	[sflag:s0] =	ssyncset.done @!p0 $0x0  }
0x9b: {  	[sflag:s0] =	ssyncadd.s32 @!p0 s1  }
0x9c: {  	[bflag:$0x3] =	sbarrier.arrive $0xFFFF  }
0x9d: {  	_ =	shalt  }

</sc_bundles>
